<compile_context>
chip_gen: v7x
topology: tpu7x:2x2x1
jax: 0.10.2.dev20260603
libtpu: 0.0.44.dev20260713+nightly
codegen_flags: <defaults>
</compile_context>

<pallas_src>
import functools
import math

import numpy as np
import jax
import jax.numpy as jnp
from jax import lax
from jax.experimental import pallas as pl
from jax.experimental.pallas import tpu as pltpu
from jax.experimental.pallas import tpu_sc as plsc

_D, _K, _V, _A, _B = 50000, 50, 5000, 500, 64
_KP = 128
_RB = 2000
_G = 32


def _build_consts():
    cpu = jax.devices("cpu")[0]
    with jax.default_device(cpu):
        c = np.float32(np.log1p(np.exp(np.float32(1.0))))
        ek = jax.random.split(jax.random.key(42), 4)
        eps_d = np.asarray(jax.random.normal(ek[0], (1, _D, _K), jnp.float32))[0]
        eps_o = np.asarray(jax.random.normal(ek[1], (1, _K, _V), jnp.float32))[0]
        eps_i = np.asarray(jax.random.normal(ek[2], (1, _K, _V), jnp.float32))[0]
        eps_p = np.asarray(jax.random.normal(ek[3], (1, _A, _K), jnp.float32))[0]
    zd = (c * eps_d).astype(np.float32)
    zo = (c * eps_o).astype(np.float32)
    zi = (c * eps_i).astype(np.float32)
    zp = (c * eps_p).astype(np.float32)

    zdT = np.ascontiguousarray(zd.T)
    zpp = np.zeros((_A, _KP), np.float32)
    zpp[:, :_K] = zp

    n_d, n_kv, n_ak = _D * _K, _K * _V, _A * _K
    lg2pi = math.log(2.0 * math.pi)
    logc = float(np.log(np.float64(c)))
    conc = 0.3
    a_coef = conc * math.log(conc) - math.lgamma(conc)

    czd = float(np.sum(zd, dtype=np.float64))
    czo = float(np.sum(zo, dtype=np.float64))
    czi2 = float(np.sum(zi.astype(np.float64) ** 2))
    czp2 = float(np.sum(zp.astype(np.float64) ** 2))

    def half_eps2(e, n):
        return 0.5 * float(np.sum(e.astype(np.float64) ** 2)) + n * (logc + 0.5 * lg2pi)

    c_ent = (czd + czo + half_eps2(eps_d, n_d) + half_eps2(eps_o, n_kv)
             + half_eps2(eps_i, n_kv) + half_eps2(eps_p, n_ak))
    c_lp = ((n_d + n_kv) * a_coef - 0.7 * (czd + czo) - 0.5 * czi2 - 0.5 * czp2
            - (n_kv + n_ak) * 0.5 * lg2pi)
    return zdT, zo, zi, zpp, float(c_lp), float(c_ent)


_ZDT, _ZO, _ZI, _ZPP, _C_LP, _C_ENT = _build_consts()



def _doc_reduce_body(di_ref, x_ref, z_ref, s1_ref, e1_ref, ld3_ref):
    s1 = jnp.float32(0.0)
    e1 = jnp.float32(0.0)
    for o in range(0, _D, 6400):
        w = min(6400, _D - o)
        x = x_ref[:, o:o + w]
        z = z_ref[:, o:o + w]
        s1 += jnp.sum(x)
        e1 += jnp.sum(jnp.exp(x + z))
    s1_ref[0, 0] = s1
    e1_ref[0, 0] = e1
    lane = jax.lax.broadcasted_iota(jnp.int32, (_K, 128), 1)
    for b in range(_B):
        idx = di_ref[b]
        base = (idx // 128) * 128
        xt = x_ref[:, pl.ds(base, 128)]
        zt = z_ref[:, pl.ds(base, 128)]
        sel = jnp.where(lane == idx - base, jnp.float32(1.4426950408889634), 0.0)
        col = jnp.sum((xt + zt) * sel, axis=1, keepdims=True)
        ld3_ref[b // _G, :, b % _G:b % _G + 1] = col


_doc_reduce = pl.pallas_call(
    _doc_reduce_body,
    grid=(1,),
    in_specs=[
        pl.BlockSpec(memory_space=pltpu.SMEM),
        pl.BlockSpec((_K, _D), lambda i: (0, 0)),
        pl.BlockSpec((_K, _D), lambda i: (0, 0)),
    ],
    out_specs=[
        pl.BlockSpec((1, 1), lambda i: (0, 0), memory_space=pltpu.SMEM),
        pl.BlockSpec((1, 1), lambda i: (0, 0), memory_space=pltpu.SMEM),
        pl.BlockSpec((_B // _G, _K, _G), lambda i: (0, 0, 0)),
    ],
    out_shape=[
        jax.ShapeDtypeStruct((1, 1), jnp.float32),
        jax.ShapeDtypeStruct((1, 1), jnp.float32),
        jax.ShapeDtypeStruct((_B // _G, _K, _G), jnp.float32),
    ],
)



def _sc_gather_body(ip_hbm, zp_hbm, ai_hbm, oip, ozp, idx_v, ra, rb, sem):
    wid = lax.axis_index("s") * 2 + lax.axis_index("c")

    @pl.when(wid == 0)
    def _auth_pair():
        pltpu.sync_copy(ai_hbm, idx_v)
        pltpu.async_copy(ip_hbm.at[idx_v], ra, sem).wait()
        pltpu.sync_copy(ra, oip)
        pltpu.async_copy(zp_hbm.at[idx_v], rb, sem).wait()
        pltpu.sync_copy(rb, ozp)


@functools.cache
def _get_sc_gather():
    mesh = plsc.VectorSubcoreMesh(core_axis_name="c", subcore_axis_name="s")
    return pl.kernel(
        _sc_gather_body,
        mesh=mesh,
        out_type=[jax.ShapeDtypeStruct((_B, _KP), jnp.float32)] * 2,
        scratch_types=[
            pltpu.VMEM((_B,), jnp.int32),
            pltpu.VMEM((_B, _KP), jnp.float32),
            pltpu.VMEM((_B, _KP), jnp.float32),
            pltpu.SemaphoreType.DMA,
        ],
    )



def _rate_body(ld_ref, p_ref, ot_ref, zo_ref, it_ref, zi_ref, ip_ref, zp_ref,
               out_ref,
               s2_ref, e2_ref, s3_ref, s4_ref, s5_ref, s6_ref,
               lo_s, ti_s):
    i = pl.program_id(0)

    @pl.when(i == 0)
    def _first():
        ot = ot_ref[...]
        zo = zo_ref[...]
        it = it_ref[...]
        zi = zi_ref[...]
        log2e = jnp.float32(1.4426950408889634)
        lo_s[...] = (ot + zo) * log2e
        ti_s[...] = (it + zi) * log2e
        s2_ref[0, 0] = jnp.sum(ot)
        e2_ref[0, 0] = jnp.sum(jnp.exp2(lo_s[...]))
        s3_ref[0, 0] = jnp.sum(it * it)
        s4_ref[0, 0] = jnp.sum(it * zi)
        ip = ip_ref[...]
        zp = zp_ref[...]
        s5_ref[0, 0] = jnp.sum(ip * ip)
        s6_ref[0, 0] = jnp.sum(ip * zp)

    lo = lo_s[...]
    ti = ti_s[...]
    ldb = ld_ref[0]
    pb = p_ref[0]
    for g in range(_G):
        ld = ldb[:, g:g + 1]
        p = pb[:, g:g + 1]
        arg = ld + lo + p * ti
        out_ref[g:g + 1, :] = jnp.sum(jnp.exp2(arg), axis=0, keepdims=True)


_rate_call = pl.pallas_call(
    _rate_body,
    grid=(_B // _G,),
    in_specs=[
        pl.BlockSpec((1, _K, _G), lambda i: (i, 0, 0)),
        pl.BlockSpec((1, _K, _G), lambda i: (i, 0, 0)),
        pl.BlockSpec((_K, _V), lambda i: (0, 0)),
        pl.BlockSpec((_K, _V), lambda i: (0, 0)),
        pl.BlockSpec((_K, _V), lambda i: (0, 0)),
        pl.BlockSpec((_K, _V), lambda i: (0, 0)),
        pl.BlockSpec((_A, _KP), lambda i: (0, 0)),
        pl.BlockSpec((_A, _KP), lambda i: (0, 0)),
    ],
    out_specs=[
        pl.BlockSpec((_G, _V), lambda i: (i, 0)),
    ] + [pl.BlockSpec((1, 1), lambda i: (0, 0), memory_space=pltpu.SMEM)] * 6,
    out_shape=[jax.ShapeDtypeStruct((_B, _V), jnp.float32)]
    + [jax.ShapeDtypeStruct((1, 1), jnp.float32)] * 6,
    scratch_shapes=[
        pltpu.VMEM((_K, _V), jnp.float32),
        pltpu.VMEM((_K, _V), jnp.float32),
    ],
)


def kernel(document_indices, author_indices, doc_loc, doc_scale_raw,
           ot_loc, ot_scale_raw, it_loc, it_scale_raw,
           ip_loc, ip_scale_raw, author_weights):
    f32 = jnp.float32
    di = document_indices.astype(jnp.int32)
    ai = author_indices.astype(jnp.int32)
    zdT = jnp.asarray(_ZDT)
    zo = jnp.asarray(_ZO)
    zi = jnp.asarray(_ZI)
    zpp = jnp.asarray(_ZPP)

    ip_pad = jnp.pad(ip_loc, ((0, 0), (0, _KP - _K)))
    docT = doc_loc.T

    oip, ozp = _get_sc_gather()(ip_pad, zpp, ai)
    s1, e1, ld3 = _doc_reduce(di, docT, zdT)
    p3 = ((oip + ozp)[:, :_K]).reshape(_B // _G, _G, _K).transpose(0, 2, 1)
    law = jnp.float32(1.4426950408889634) * jnp.log(
        jnp.take(author_weights, ai))
    ld3 = ld3 + law.reshape(_B // _G, 1, _G)

    rate, s2, e2, s3, s4, s5, s6 = _rate_call(
        ld3, p3, ot_loc, zo, it_loc, zi, ip_pad, zpp)

    s1 = s1[0, 0]
    e1 = e1[0, 0]
    s2 = s2[0, 0]
    e2 = e2[0, 0]
    s3 = s3[0, 0]
    s4 = s4[0, 0]
    s5 = s5[0, 0]
    s6 = s6[0, 0]

    log_prior = (f32(_C_LP) - f32(0.7) * (s1 + s2) - f32(0.3) * (e1 + e2)
                 - f32(0.5) * (s3 + 2.0 * s4) - f32(0.5) * (s5 + 2.0 * s6))
    entropy = s1 + s2 + f32(_C_ENT)
    return (rate.reshape(1, _B, _V), -log_prior, -entropy)

# --- scband reference (transcript-rebuilt; emitter-appended) ---
"""Pipeline reference for scband-tbip-76175539962698 (READ-ONLY COPY).

The authoritative reference and input builder live on the scoring server;
editing this copy changes nothing except your own understanding.
"""

import jax, jax.numpy as jnp
import numpy as np
import math

D, K, V, A, B, S = 50000, 50, 5000, 500, 64, 1


def _normal_lp(x, loc, scale):
    return -0.5 * ((x - loc) / scale) ** 2 - jnp.log(scale) - 0.5 * math.log(2.0 * math.pi)


def _lognormal_lp(x, loc, scale):
    lx = jnp.log(x)
    return _normal_lp(lx, loc, scale) - lx


def _gamma_lp(x, conc=0.3, rate=0.3):
    return (conc * math.log(rate) - jax.lax.lgamma(jnp.float32(conc))
            + (conc - 1.0) * jnp.log(x) - rate * x)


def setup_inputs(seed: int = 0) -> dict:
    key = jax.random.key(seed)
    ks = jax.random.split(key, 8)
    return {
        'document_indices': jax.random.randint(ks[0], (B,), 0, D).astype(jnp.int64) if jax.config.read('jax_enable_x64') else jax.random.randint(ks[0], (B,), 0, D),
        'author_indices': jax.random.randint(ks[1], (B,), 0, A),
        'doc_loc': jax.random.normal(ks[2], (D, K), dtype=jnp.float32) * 0.1,
        'doc_scale_raw': jnp.ones((D, K), dtype=jnp.float32),
        'ot_loc': jax.random.normal(ks[3], (K, V), dtype=jnp.float32) * 0.1,
        'ot_scale_raw': jnp.ones((K, V), dtype=jnp.float32),
        'it_loc': jax.random.normal(ks[4], (K, V), dtype=jnp.float32) * 0.1,
        'it_scale_raw': jnp.ones((K, V), dtype=jnp.float32),
        'ip_loc': jax.random.normal(ks[5], (A, K), dtype=jnp.float32) * 0.1,
        'ip_scale_raw': jnp.ones((A, K), dtype=jnp.float32),
        'author_weights': jax.random.uniform(ks[6], (A,), dtype=jnp.float32) + 0.5,
    }


def reference(document_indices, author_indices, doc_loc, doc_scale_raw,
              ot_loc, ot_scale_raw, it_loc, it_scale_raw,
              ip_loc, ip_scale_raw, author_weights):
    # softplus-transformed scales (TransformedVariable with Softplus bijector)
    doc_scale = jax.nn.softplus(doc_scale_raw)
    ot_scale = jax.nn.softplus(ot_scale_raw)
    it_scale = jax.nn.softplus(it_scale_raw)
    ip_scale = jax.nn.softplus(ip_scale_raw)

    # reparameterized samples (fixed sampling seed, mimics tfp .sample)
    ek = jax.random.split(jax.random.key(42), 4)
    doc_samples = jnp.exp(doc_loc[None] + doc_scale[None] * jax.random.normal(ek[0], (S, D, K), dtype=jnp.float32))
    ot_samples = jnp.exp(ot_loc[None] + ot_scale[None] * jax.random.normal(ek[1], (S, K, V), dtype=jnp.float32))
    it_samples = it_loc[None] + it_scale[None] * jax.random.normal(ek[2], (S, K, V), dtype=jnp.float32)
    ip_samples = ip_loc[None] + ip_scale[None] * jax.random.normal(ek[3], (S, A, K), dtype=jnp.float32)

    # log prior
    log_prior = (jnp.sum(_gamma_lp(doc_samples), axis=(1, 2))
                 + jnp.sum(_gamma_lp(ot_samples), axis=(1, 2))
                 + jnp.sum(_normal_lp(it_samples, 0.0, 1.0), axis=(1, 2))
                 + jnp.sum(_normal_lp(ip_samples, 0.0, 1.0), axis=(1, 2)))

    # entropy
    entropy = (-jnp.sum(_lognormal_lp(doc_samples, doc_loc[None], doc_scale[None]), axis=(1, 2))
               - jnp.sum(_lognormal_lp(ot_samples, ot_loc[None], ot_scale[None]), axis=(1, 2))
               - jnp.sum(_normal_lp(it_samples, it_loc[None], it_scale[None]), axis=(1, 2))
               - jnp.sum(_normal_lp(ip_samples, ip_loc[None], ip_scale[None]), axis=(1, 2)))

    # rate computation (gathers + broadcast products + topic reduction)
    sel_doc = jnp.take(doc_samples, document_indices, axis=1)      # [S, B, K]
    sel_ip = jnp.take(ip_samples, author_indices, axis=1)          # [S, B, K]
    sel_it = jnp.exp(sel_ip[:, :, :, None] * it_samples[:, None, :, :])   # [S, B, K, V]
    sel_aw = jnp.take(author_weights, author_indices)              # [B]
    sel_it = sel_aw[None, :, None, None] * sel_it
    rate = jnp.sum(sel_doc[:, :, :, None] * ot_samples[:, None, :, :] * sel_it, axis=2)  # [S, B, V]

    return (rate, -jnp.mean(log_prior), -jnp.mean(entropy))

if __name__ == "__main__":
    import jax
    _d = setup_inputs()
    print(jax.jit(kernel)(*tuple(_d.values())))

</pallas_src>

<mosaic_0001>
#map = affine_map<(d0, d1) -> (0, 0)>
#map1 = affine_map<(d0, d1) -> (0)>
module attributes {stable_mosaic.version = 14 : i64} {
  func.func @_sc_gather_body(%arg0: i32, %arg1: i32, %arg2: memref<500x128xf32, #tpu.memory_space<hbm>>, %arg3: memref<500x128xf32, #tpu.memory_space<hbm>>, %arg4: memref<64xi32, #tpu.memory_space<hbm>>, %arg5: memref<64x128xf32, #tpu.memory_space<hbm>>, %arg6: memref<64x128xf32, #tpu.memory_space<hbm>>, %arg7: memref<64xi32, #tpu.memory_space<vmem>>, %arg8: memref<64x128xf32, #tpu.memory_space<vmem>>, %arg9: memref<64x128xf32, #tpu.memory_space<vmem>>, %arg10: memref<!tpu.dma_semaphore, #tpu.memory_space<semaphore_mem>>) attributes {dimension_semantics = [#tpu.dimension_semantics<core_parallel>, #tpu.dimension_semantics<subcore_parallel>], iteration_bounds = array<i64: 2, 16>, scalar_prefetch = 0 : i64, scratch_operands = 4 : i64, tpu.core_type = #tpu.core_type<sc_vector_subcore>, window_params = [{transform_indices = #map}, {transform_indices = #map}, {transform_indices = #map1}, {transform_indices = #map}, {transform_indices = #map}]} {
    %mul3A = arith.constant 2 : i32
    %mul3A_0 = arith.muli %arg1, %mul3A : i32
    %add3A = arith.addi %mul3A_0, %arg0 : i32
    %eq3A = arith.constant 0 : i32
    %eq3A_1 = arith.cmpi eq, %add3A, %eq3A : i32
    %convert_element_type3A = arith.extui %eq3A_1 : i1 to i32
    %cond3A = arith.constant 0 : i32
    %cond3A_2 = arith.cmpi ne, %convert_element_type3A, %cond3A : i32
    scf.if %cond3A_2 {
      "tpu.region"() ({
        %run_scoped3A = tpu.sem_alloc : memref<!tpu.dma_semaphore, #tpu.memory_space<semaphore_mem>>
        tpu.enqueue_dma source(%arg4 : memref<64xi32, #tpu.memory_space<hbm>>) target(%arg7 : memref<64xi32, #tpu.memory_space<vmem>>) target_semaphore(%run_scoped3A : memref<!tpu.dma_semaphore, #tpu.memory_space<semaphore_mem>>)
        tpu.wait_dma2 semaphore(%run_scoped3A : memref<!tpu.dma_semaphore, #tpu.memory_space<semaphore_mem>>) src(%arg4 : memref<64xi32, #tpu.memory_space<hbm>>) dst(%arg7 : memref<64xi32, #tpu.memory_space<vmem>>)
        tpu.yield
      }) : () -> ()
      %dma_start3A = arith.constant 0 : i32
      %dma_start3A_3 = arith.constant 0 : i32
      %dma_start3A_4 = tpu.memref_slice %arg2[%dma_start3A, %dma_start3A_3] : memref<500x128xf32, #tpu.memory_space<hbm>> -> memref<500x128xf32, #tpu.memory_space<hbm>>
      tpu.enqueue_indirect_dma source(%dma_start3A_4 : memref<500x128xf32, #tpu.memory_space<hbm>>) target(%arg8 : memref<64x128xf32, #tpu.memory_space<vmem>>) offsets(%arg7 : memref<64xi32, #tpu.memory_space<vmem>>) semaphore(%arg10 : memref<!tpu.dma_semaphore, #tpu.memory_space<semaphore_mem>>)
      %dma_wait3A = arith.constant 0 : i32
      %dma_wait3A_5 = arith.constant 0 : i32
      %dma_wait3A_6 = tpu.memref_slice %arg2[%dma_wait3A, %dma_wait3A_5] : memref<500x128xf32, #tpu.memory_space<hbm>> -> memref<500x128xf32, #tpu.memory_space<hbm>>
      tpu.wait_indirect_dma semaphore(%arg10 : memref<!tpu.dma_semaphore, #tpu.memory_space<semaphore_mem>>) src(%dma_wait3A_6 : memref<500x128xf32, #tpu.memory_space<hbm>>) dst(%arg8 : memref<64x128xf32, #tpu.memory_space<vmem>>)
      "tpu.region"() ({
        %run_scoped3A = tpu.sem_alloc : memref<!tpu.dma_semaphore, #tpu.memory_space<semaphore_mem>>
        tpu.enqueue_dma source(%arg8 : memref<64x128xf32, #tpu.memory_space<vmem>>) target(%arg5 : memref<64x128xf32, #tpu.memory_space<hbm>>) target_semaphore(%run_scoped3A : memref<!tpu.dma_semaphore, #tpu.memory_space<semaphore_mem>>)
        tpu.wait_dma2 semaphore(%run_scoped3A : memref<!tpu.dma_semaphore, #tpu.memory_space<semaphore_mem>>) src(%arg8 : memref<64x128xf32, #tpu.memory_space<vmem>>) dst(%arg5 : memref<64x128xf32, #tpu.memory_space<hbm>>)
        tpu.yield
      }) : () -> ()
      %dma_start3A_7 = arith.constant 0 : i32
      %dma_start3A_8 = arith.constant 0 : i32
      %dma_start3A_9 = tpu.memref_slice %arg3[%dma_start3A_7, %dma_start3A_8] : memref<500x128xf32, #tpu.memory_space<hbm>> -> memref<500x128xf32, #tpu.memory_space<hbm>>
      tpu.enqueue_indirect_dma source(%dma_start3A_9 : memref<500x128xf32, #tpu.memory_space<hbm>>) target(%arg9 : memref<64x128xf32, #tpu.memory_space<vmem>>) offsets(%arg7 : memref<64xi32, #tpu.memory_space<vmem>>) semaphore(%arg10 : memref<!tpu.dma_semaphore, #tpu.memory_space<semaphore_mem>>)
      %dma_wait3A_10 = arith.constant 0 : i32
      %dma_wait3A_11 = arith.constant 0 : i32
      %dma_wait3A_12 = tpu.memref_slice %arg3[%dma_wait3A_10, %dma_wait3A_11] : memref<500x128xf32, #tpu.memory_space<hbm>> -> memref<500x128xf32, #tpu.memory_space<hbm>>
      tpu.wait_indirect_dma semaphore(%arg10 : memref<!tpu.dma_semaphore, #tpu.memory_space<semaphore_mem>>) src(%dma_wait3A_12 : memref<500x128xf32, #tpu.memory_space<hbm>>) dst(%arg9 : memref<64x128xf32, #tpu.memory_space<vmem>>)
      "tpu.region"() ({
        %run_scoped3A = tpu.sem_alloc : memref<!tpu.dma_semaphore, #tpu.memory_space<semaphore_mem>>
        tpu.enqueue_dma source(%arg9 : memref<64x128xf32, #tpu.memory_space<vmem>>) target(%arg6 : memref<64x128xf32, #tpu.memory_space<hbm>>) target_semaphore(%run_scoped3A : memref<!tpu.dma_semaphore, #tpu.memory_space<semaphore_mem>>)
        tpu.wait_dma2 semaphore(%run_scoped3A : memref<!tpu.dma_semaphore, #tpu.memory_space<semaphore_mem>>) src(%arg9 : memref<64x128xf32, #tpu.memory_space<vmem>>) dst(%arg6 : memref<64x128xf32, #tpu.memory_space<hbm>>)
        tpu.yield
      }) : () -> ()
    } else {
    }
    return
  }
}

module attributes {stable_mosaic.version = 14 : i64} {
  func.func @_doc_reduce_body(%arg0: i32, %arg1: memref<64xi32, #tpu.memory_space<smem>>, %arg2: memref<50x50000xf32, #tpu.memory_space<vmem>>, %arg3: memref<50x50000xf32, #tpu.memory_space<vmem>>, %arg4: memref<1x1xf32, #tpu.memory_space<smem>>, %arg5: memref<1x1xf32, #tpu.memory_space<smem>>, %arg6: memref<2x50x32xf32, #tpu.memory_space<vmem>>) attributes {dimension_semantics = [#tpu.dimension_semantics<arbitrary>], iteration_bounds = array<i64: 1>, scalar_prefetch = 0 : i64, scratch_operands = 0 : i64, tpu.core_type = #tpu.core_type<tc>, window_params = [{transform_indices = @transform_0, window_bounds = array<i64: 64>}, {pipeline_mode = #tpu.pipeline_mode<synchronous>, transform_indices = @transform_1, window_bounds = array<i64: 50, 50000>}, {pipeline_mode = #tpu.pipeline_mode<synchronous>, transform_indices = @transform_2, window_bounds = array<i64: 50, 50000>}, {transform_indices = @transform_3, window_bounds = array<i64: 1, 1>}, {transform_indices = @transform_4, window_bounds = array<i64: 1, 1>}, {pipeline_mode = #tpu.pipeline_mode<synchronous>, transform_indices = @transform_5, window_bounds = array<i64: 2, 50, 32>}]} {
    %get3A = arith.constant 0 : index
    %get3A_0 = arith.constant 0 : index
    %get3A_1 = vector.load %arg2[%get3A, %get3A_0] : memref<50x50000xf32, #tpu.memory_space<vmem>>, vector<50x6400xf32>
    %get3A_2 = arith.constant 0 : index
    %get3A_3 = arith.constant 0 : index
    %get3A_4 = vector.load %arg3[%get3A_2, %get3A_3] : memref<50x50000xf32, #tpu.memory_space<vmem>>, vector<50x6400xf32>
    %reduce_sum3A = vector.shape_cast %get3A_1 : vector<50x6400xf32> to vector<1x50x6400xf32>
    %reduce_sum3A_5 = arith.constant dense<0.000000e+00> : vector<1xf32>
    %reduce_sum3A_6 = vector.multi_reduction <add>, %reduce_sum3A, %reduce_sum3A_5 [1, 2] : vector<1x50x6400xf32> to vector<1xf32>
    %reduce_sum3A_7 = vector.shape_cast %reduce_sum3A_6 : vector<1xf32> to vector<1x1x1xf32>
    %reduce_sum3A_8 = vector.extract %reduce_sum3A_7[0, 0, 0] : f32 from vector<1x1x1xf32>
    %add3A = arith.constant 0.000000e+00 : f32
    %add3A_9 = arith.addf %add3A, %reduce_sum3A_8 : f32
    %add3A_10 = arith.addf %get3A_1, %get3A_4 : vector<50x6400xf32>
    %exp3A = math.exp %add3A_10 : vector<50x6400xf32>
    %reduce_sum3A_11 = vector.shape_cast %exp3A : vector<50x6400xf32> to vector<1x50x6400xf32>
    %reduce_sum3A_12 = arith.constant dense<0.000000e+00> : vector<1xf32>
    %reduce_sum3A_13 = vector.multi_reduction <add>, %reduce_sum3A_11, %reduce_sum3A_12 [1, 2] : vector<1x50x6400xf32> to vector<1xf32>
    %reduce_sum3A_14 = vector.shape_cast %reduce_sum3A_13 : vector<1xf32> to vector<1x1x1xf32>
    %reduce_sum3A_15 = vector.extract %reduce_sum3A_14[0, 0, 0] : f32 from vector<1x1x1xf32>
    %add3A_16 = arith.constant 0.000000e+00 : f32
    %add3A_17 = arith.addf %add3A_16, %reduce_sum3A_15 : f32
    %get3A_18 = arith.constant 0 : index
    %get3A_19 = arith.constant 6400 : index
    %get3A_20 = vector.load %arg2[%get3A_18, %get3A_19] : memref<50x50000xf32, #tpu.memory_space<vmem>>, vector<50x6400xf32>
    %get3A_21 = arith.constant 0 : index
    %get3A_22 = arith.constant 6400 : index
    %get3A_23 = vector.load %arg3[%get3A_21, %get3A_22] : memref<50x50000xf32, #tpu.memory_space<vmem>>, vector<50x6400xf32>
    %reduce_sum3A_24 = vector.shape_cast %get3A_20 : vector<50x6400xf32> to vector<1x50x6400xf32>
    %reduce_sum3A_25 = arith.constant dense<0.000000e+00> : vector<1xf32>
    %reduce_sum3A_26 = vector.multi_reduction <add>, %reduce_sum3A_24, %reduce_sum3A_25 [1, 2] : vector<1x50x6400xf32> to vector<1xf32>
    %reduce_sum3A_27 = vector.shape_cast %reduce_sum3A_26 : vector<1xf32> to vector<1x1x1xf32>
    %reduce_sum3A_28 = vector.extract %reduce_sum3A_27[0, 0, 0] : f32 from vector<1x1x1xf32>
    %add3A_29 = arith.addf %add3A_9, %reduce_sum3A_28 : f32
    %add3A_30 = arith.addf %get3A_20, %get3A_23 : vector<50x6400xf32>
    %exp3A_31 = math.exp %add3A_30 : vector<50x6400xf32>
    %reduce_sum3A_32 = vector.shape_cast %exp3A_31 : vector<50x6400xf32> to vector<1x50x6400xf32>
    %reduce_sum3A_33 = arith.constant dense<0.000000e+00> : vector<1xf32>
    %reduce_sum3A_34 = vector.multi_reduction <add>, %reduce_sum3A_32, %reduce_sum3A_33 [1, 2] : vector<1x50x6400xf32> to vector<1xf32>
    %reduce_sum3A_35 = vector.shape_cast %reduce_sum3A_34 : vector<1xf32> to vector<1x1x1xf32>
    %reduce_sum3A_36 = vector.extract %reduce_sum3A_35[0, 0, 0] : f32 from vector<1x1x1xf32>
    %add3A_37 = arith.addf %add3A_17, %reduce_sum3A_36 : f32
    %get3A_38 = arith.constant 0 : index
    %get3A_39 = arith.constant 12800 : index
    %get3A_40 = vector.load %arg2[%get3A_38, %get3A_39] : memref<50x50000xf32, #tpu.memory_space<vmem>>, vector<50x6400xf32>
    %get3A_41 = arith.constant 0 : index
    %get3A_42 = arith.constant 12800 : index
    %get3A_43 = vector.load %arg3[%get3A_41, %get3A_42] : memref<50x50000xf32, #tpu.memory_space<vmem>>, vector<50x6400xf32>
    %reduce_sum3A_44 = vector.shape_cast %get3A_40 : vector<50x6400xf32> to vector<1x50x6400xf32>
    %reduce_sum3A_45 = arith.constant dense<0.000000e+00> : vector<1xf32>
    %reduce_sum3A_46 = vector.multi_reduction <add>, %reduce_sum3A_44, %reduce_sum3A_45 [1, 2] : vector<1x50x6400xf32> to vector<1xf32>
    %reduce_sum3A_47 = vector.shape_cast %reduce_sum3A_46 : vector<1xf32> to vector<1x1x1xf32>
    %reduce_sum3A_48 = vector.extract %reduce_sum3A_47[0, 0, 0] : f32 from vector<1x1x1xf32>
    %add3A_49 = arith.addf %add3A_29, %reduce_sum3A_48 : f32
    %add3A_50 = arith.addf %get3A_40, %get3A_43 : vector<50x6400xf32>
    %exp3A_51 = math.exp %add3A_50 : vector<50x6400xf32>
    %reduce_sum3A_52 = vector.shape_cast %exp3A_51 : vector<50x6400xf32> to vector<1x50x6400xf32>
    %reduce_sum3A_53 = arith.constant dense<0.000000e+00> : vector<1xf32>
    %reduce_sum3A_54 = vector.multi_reduction <add>, %reduce_sum3A_52, %reduce_sum3A_53 [1, 2] : vector<1x50x6400xf32> to vector<1xf32>
    %reduce_sum3A_55 = vector.shape_cast %reduce_sum3A_54 : vector<1xf32> to vector<1x1x1xf32>
    %reduce_sum3A_56 = vector.extract %reduce_sum3A_55[0, 0, 0] : f32 from vector<1x1x1xf32>
    %add3A_57 = arith.addf %add3A_37, %reduce_sum3A_56 : f32
    %get3A_58 = arith.constant 0 : index
    %get3A_59 = arith.constant 19200 : index
    %get3A_60 = vector.load %arg2[%get3A_58, %get3A_59] : memref<50x50000xf32, #tpu.memory_space<vmem>>, vector<50x6400xf32>
    %get3A_61 = arith.constant 0 : index
    %get3A_62 = arith.constant 19200 : index
    %get3A_63 = vector.load %arg3[%get3A_61, %get3A_62] : memref<50x50000xf32, #tpu.memory_space<vmem>>, vector<50x6400xf32>
    %reduce_sum3A_64 = vector.shape_cast %get3A_60 : vector<50x6400xf32> to vector<1x50x6400xf32>
    %reduce_sum3A_65 = arith.constant dense<0.000000e+00> : vector<1xf32>
    %reduce_sum3A_66 = vector.multi_reduction <add>, %reduce_sum3A_64, %reduce_sum3A_65 [1, 2] : vector<1x50x6400xf32> to vector<1xf32>
    %reduce_sum3A_67 = vector.shape_cast %reduce_sum3A_66 : vector<1xf32> to vector<1x1x1xf32>
    %reduce_sum3A_68 = vector.extract %reduce_sum3A_67[0, 0, 0] : f32 from vector<1x1x1xf32>
    %add3A_69 = arith.addf %add3A_49, %reduce_sum3A_68 : f32
    %add3A_70 = arith.addf %get3A_60, %get3A_63 : vector<50x6400xf32>
    %exp3A_71 = math.exp %add3A_70 : vector<50x6400xf32>
    %reduce_sum3A_72 = vector.shape_cast %exp3A_71 : vector<50x6400xf32> to vector<1x50x6400xf32>
    %reduce_sum3A_73 = arith.constant dense<0.000000e+00> : vector<1xf32>
    %reduce_sum3A_74 = vector.multi_reduction <add>, %reduce_sum3A_72, %reduce_sum3A_73 [1, 2] : vector<1x50x6400xf32> to vector<1xf32>
    %reduce_sum3A_75 = vector.shape_cast %reduce_sum3A_74 : vector<1xf32> to vector<1x1x1xf32>
    %reduce_sum3A_76 = vector.extract %reduce_sum3A_75[0, 0, 0] : f32 from vector<1x1x1xf32>
    %add3A_77 = arith.addf %add3A_57, %reduce_sum3A_76 : f32
    %get3A_78 = arith.constant 0 : index
    %get3A_79 = arith.constant 25600 : index
    %get3A_80 = vector.load %arg2[%get3A_78, %get3A_79] : memref<50x50000xf32, #tpu.memory_space<vmem>>, vector<50x6400xf32>
    %get3A_81 = arith.constant 0 : index
    %get3A_82 = arith.constant 25600 : index
    %get3A_83 = vector.load %arg3[%get3A_81, %get3A_82] : memref<50x50000xf32, #tpu.memory_space<vmem>>, vector<50x6400xf32>
    %reduce_sum3A_84 = vector.shape_cast %get3A_80 : vector<50x6400xf32> to vector<1x50x6400xf32>
    %reduce_sum3A_85 = arith.constant dense<0.000000e+00> : vector<1xf32>
    %reduce_sum3A_86 = vector.multi_reduction <add>, %reduce_sum3A_84, %reduce_sum3A_85 [1, 2] : vector<1x50x6400xf32> to vector<1xf32>
    %reduce_sum3A_87 = vector.shape_cast %reduce_sum3A_86 : vector<1xf32> to vector<1x1x1xf32>
    %reduce_sum3A_88 = vector.extract %reduce_sum3A_87[0, 0, 0] : f32 from vector<1x1x1xf32>
    %add3A_89 = arith.addf %add3A_69, %reduce_sum3A_88 : f32
    %add3A_90 = arith.addf %get3A_80, %get3A_83 : vector<50x6400xf32>
    %exp3A_91 = math.exp %add3A_90 : vector<50x6400xf32>
    %reduce_sum3A_92 = vector.shape_cast %exp3A_91 : vector<50x6400xf32> to vector<1x50x6400xf32>
    %reduce_sum3A_93 = arith.constant dense<0.000000e+00> : vector<1xf32>
    %reduce_sum3A_94 = vector.multi_reduction <add>, %reduce_sum3A_92, %reduce_sum3A_93 [1, 2] : vector<1x50x6400xf32> to vector<1xf32>
    %reduce_sum3A_95 = vector.shape_cast %reduce_sum3A_94 : vector<1xf32> to vector<1x1x1xf32>
    %reduce_sum3A_96 = vector.extract %reduce_sum3A_95[0, 0, 0] : f32 from vector<1x1x1xf32>
    %add3A_97 = arith.addf %add3A_77, %reduce_sum3A_96 : f32
    %get3A_98 = arith.constant 0 : index
    %get3A_99 = arith.constant 32000 : index
    %get3A_100 = vector.load %arg2[%get3A_98, %get3A_99] : memref<50x50000xf32, #tpu.memory_space<vmem>>, vector<50x6400xf32>
    %get3A_101 = arith.constant 0 : index
    %get3A_102 = arith.constant 32000 : index
    %get3A_103 = vector.load %arg3[%get3A_101, %get3A_102] : memref<50x50000xf32, #tpu.memory_space<vmem>>, vector<50x6400xf32>
    %reduce_sum3A_104 = vector.shape_cast %get3A_100 : vector<50x6400xf32> to vector<1x50x6400xf32>
    %reduce_sum3A_105 = arith.constant dense<0.000000e+00> : vector<1xf32>
    %reduce_sum3A_106 = vector.multi_reduction <add>, %reduce_sum3A_104, %reduce_sum3A_105 [1, 2] : vector<1x50x6400xf32> to vector<1xf32>
    %reduce_sum3A_107 = vector.shape_cast %reduce_sum3A_106 : vector<1xf32> to vector<1x1x1xf32>
    %reduce_sum3A_108 = vector.extract %reduce_sum3A_107[0, 0, 0] : f32 from vector<1x1x1xf32>
    %add3A_109 = arith.addf %add3A_89, %reduce_sum3A_108 : f32
    %add3A_110 = arith.addf %get3A_100, %get3A_103 : vector<50x6400xf32>
    %exp3A_111 = math.exp %add3A_110 : vector<50x6400xf32>
    %reduce_sum3A_112 = vector.shape_cast %exp3A_111 : vector<50x6400xf32> to vector<1x50x6400xf32>
    %reduce_sum3A_113 = arith.constant dense<0.000000e+00> : vector<1xf32>
    %reduce_sum3A_114 = vector.multi_reduction <add>, %reduce_sum3A_112, %reduce_sum3A_113 [1, 2] : vector<1x50x6400xf32> to vector<1xf32>
    %reduce_sum3A_115 = vector.shape_cast %reduce_sum3A_114 : vector<1xf32> to vector<1x1x1xf32>
    %reduce_sum3A_116 = vector.extract %reduce_sum3A_115[0, 0, 0] : f32 from vector<1x1x1xf32>
    %add3A_117 = arith.addf %add3A_97, %reduce_sum3A_116 : f32
    %get3A_118 = arith.constant 0 : index
    %get3A_119 = arith.constant 38400 : index
    %get3A_120 = vector.load %arg2[%get3A_118, %get3A_119] : memref<50x50000xf32, #tpu.memory_space<vmem>>, vector<50x6400xf32>
    %get3A_121 = arith.constant 0 : index
    %get3A_122 = arith.constant 38400 : index
    %get3A_123 = vector.load %arg3[%get3A_121, %get3A_122] : memref<50x50000xf32, #tpu.memory_space<vmem>>, vector<50x6400xf32>
    %reduce_sum3A_124 = vector.shape_cast %get3A_120 : vector<50x6400xf32> to vector<1x50x6400xf32>
    %reduce_sum3A_125 = arith.constant dense<0.000000e+00> : vector<1xf32>
    %reduce_sum3A_126 = vector.multi_reduction <add>, %reduce_sum3A_124, %reduce_sum3A_125 [1, 2] : vector<1x50x6400xf32> to vector<1xf32>
    %reduce_sum3A_127 = vector.shape_cast %reduce_sum3A_126 : vector<1xf32> to vector<1x1x1xf32>
    %reduce_sum3A_128 = vector.extract %reduce_sum3A_127[0, 0, 0] : f32 from vector<1x1x1xf32>
    %add3A_129 = arith.addf %add3A_109, %reduce_sum3A_128 : f32
    %add3A_130 = arith.addf %get3A_120, %get3A_123 : vector<50x6400xf32>
    %exp3A_131 = math.exp %add3A_130 : vector<50x6400xf32>
    %reduce_sum3A_132 = vector.shape_cast %exp3A_131 : vector<50x6400xf32> to vector<1x50x6400xf32>
    %reduce_sum3A_133 = arith.constant dense<0.000000e+00> : vector<1xf32>
    %reduce_sum3A_134 = vector.multi_reduction <add>, %reduce_sum3A_132, %reduce_sum3A_133 [1, 2] : vector<1x50x6400xf32> to vector<1xf32>
    %reduce_sum3A_135 = vector.shape_cast %reduce_sum3A_134 : vector<1xf32> to vector<1x1x1xf32>
    %reduce_sum3A_136 = vector.extract %reduce_sum3A_135[0, 0, 0] : f32 from vector<1x1x1xf32>
    %add3A_137 = arith.addf %add3A_117, %reduce_sum3A_136 : f32
    %get3A_138 = arith.constant 0 : index
    %get3A_139 = arith.constant 44800 : index
    %get3A_140 = vector.load %arg2[%get3A_138, %get3A_139] : memref<50x50000xf32, #tpu.memory_space<vmem>>, vector<50x5200xf32>
    %get3A_141 = arith.constant 0 : index
    %get3A_142 = arith.constant 44800 : index
    %get3A_143 = vector.load %arg3[%get3A_141, %get3A_142] : memref<50x50000xf32, #tpu.memory_space<vmem>>, vector<50x5200xf32>
    %reduce_sum3A_144 = vector.shape_cast %get3A_140 : vector<50x5200xf32> to vector<1x50x5200xf32>
    %reduce_sum3A_145 = arith.constant dense<0.000000e+00> : vector<1xf32>
    %reduce_sum3A_146 = vector.multi_reduction <add>, %reduce_sum3A_144, %reduce_sum3A_145 [1, 2] : vector<1x50x5200xf32> to vector<1xf32>
    %reduce_sum3A_147 = vector.shape_cast %reduce_sum3A_146 : vector<1xf32> to vector<1x1x1xf32>
    %reduce_sum3A_148 = vector.extract %reduce_sum3A_147[0, 0, 0] : f32 from vector<1x1x1xf32>
    %add3A_149 = arith.addf %add3A_129, %reduce_sum3A_148 : f32
    %add3A_150 = arith.addf %get3A_140, %get3A_143 : vector<50x5200xf32>
    %exp3A_151 = math.exp %add3A_150 : vector<50x5200xf32>
    %reduce_sum3A_152 = vector.shape_cast %exp3A_151 : vector<50x5200xf32> to vector<1x50x5200xf32>
    %reduce_sum3A_153 = arith.constant dense<0.000000e+00> : vector<1xf32>
    %reduce_sum3A_154 = vector.multi_reduction <add>, %reduce_sum3A_152, %reduce_sum3A_153 [1, 2] : vector<1x50x5200xf32> to vector<1xf32>
    %reduce_sum3A_155 = vector.shape_cast %reduce_sum3A_154 : vector<1xf32> to vector<1x1x1xf32>
    %reduce_sum3A_156 = vector.extract %reduce_sum3A_155[0, 0, 0] : f32 from vector<1x1x1xf32>
    %add3A_157 = arith.addf %add3A_137, %reduce_sum3A_156 : f32
    %swap3A = arith.constant 0 : index
    %swap3A_158 = arith.constant 0 : index
    %swap3A_159 = memref.load %arg4[%swap3A, %swap3A_158] : memref<1x1xf32, #tpu.memory_space<smem>>
    memref.store %add3A_149, %arg4[%swap3A, %swap3A_158] : memref<1x1xf32, #tpu.memory_space<smem>>
    %swap3A_160 = arith.constant 0 : index
    %swap3A_161 = arith.constant 0 : index
    %swap3A_162 = memref.load %arg5[%swap3A_160, %swap3A_161] : memref<1x1xf32, #tpu.memory_space<smem>>
    memref.store %add3A_157, %arg5[%swap3A_160, %swap3A_161] : memref<1x1xf32, #tpu.memory_space<smem>>
    %iota3A = tpu.iota {dimensions = array<i32: 1>} : vector<50x128xi32>
    %get3A_163 = arith.constant 0 : index
    %get3A_164 = memref.load %arg1[%get3A_163] : memref<64xi32, #tpu.memory_space<smem>>
    %jit3A = arith.constant 128 : i32
    %div3A = arith.divsi %get3A_164, %jit3A : i32
    %sign3A = arith.constant 0 : i32
    %sign3A_165 = arith.cmpi sgt, %get3A_164, %sign3A : i32
    %sign3A_166 = arith.extui %sign3A_165 : i1 to i32
    %sign3A_167 = arith.constant 0 : i32
    %sign3A_168 = arith.cmpi slt, %get3A_164, %sign3A_167 : i32
    %sign3A_169 = arith.extui %sign3A_168 : i1 to i32
    %sign3A_170 = arith.subi %sign3A_166, %sign3A_169 : i32
    %sign3A_171 = arith.constant 0 : i32
    %sign3A_172 = arith.cmpi sgt, %jit3A, %sign3A_171 : i32
    %sign3A_173 = arith.extui %sign3A_172 : i1 to i32
    %sign3A_174 = arith.constant 0 : i32
    %sign3A_175 = arith.cmpi slt, %jit3A, %sign3A_174 : i32
    %sign3A_176 = arith.extui %sign3A_175 : i1 to i32
    %sign3A_177 = arith.subi %sign3A_173, %sign3A_176 : i32
    %ne3A = arith.cmpi ne, %sign3A_170, %sign3A_177 : i32
    %rem3A = arith.remsi %get3A_164, %jit3A : i32
    %ne3A_178 = arith.constant 0 : i32
    %ne3A_179 = arith.cmpi ne, %rem3A, %ne3A_178 : i32
    %and3A = arith.andi %ne3A, %ne3A_179 : i1
    %sub3A = arith.constant 1 : i32
    %sub3A_180 = arith.subi %div3A, %sub3A : i32
    %select_n3A = arith.select %and3A, %sub3A_180, %div3A : i32
    %mul3A = arith.constant 128 : i32
    %mul3A_181 = arith.muli %select_n3A, %mul3A : i32
    %get3A_182 = arith.constant 0 : index
    %get3A_183 = arith.index_cast %mul3A_181 : i32 to index
    %get3A_184 = vector.load %arg2[%get3A_182, %get3A_183] : memref<50x50000xf32, #tpu.memory_space<vmem>>, vector<50x128xf32>
    %get3A_185 = arith.constant 0 : index
    %get3A_186 = arith.index_cast %mul3A_181 : i32 to index
    %get3A_187 = vector.load %arg3[%get3A_185, %get3A_186] : memref<50x50000xf32, #tpu.memory_space<vmem>>, vector<50x128xf32>
    %sub3A_188 = arith.subi %get3A_164, %mul3A_181 : i32
    %eq3A = vector.broadcast %sub3A_188 : i32 to vector<50x128xi32>
    %eq3A_189 = arith.cmpi eq, %iota3A, %eq3A : vector<50x128xi32>
    %jit3A_190 = arith.constant 1.44269502 : f32
    %jit3A_191 = arith.constant 0.000000e+00 : f32
    %broadcast_in_dim3A = vector.broadcast %jit3A_190 : f32 to vector<50x128xf32>
    %broadcast_in_dim3A_192 = vector.broadcast %jit3A_191 : f32 to vector<50x128xf32>
    %select_n3A_193 = arith.select %eq3A_189, %broadcast_in_dim3A, %broadcast_in_dim3A_192 : vector<50x128xi1>, vector<50x128xf32>
    %add3A_194 = arith.addf %get3A_184, %get3A_187 : vector<50x128xf32>
    %mul3A_195 = arith.mulf %add3A_194, %select_n3A_193 : vector<50x128xf32>
    %reduce_sum3A_196 = arith.constant dense<0.000000e+00> : vector<50xf32>
    %reduce_sum3A_197 = vector.multi_reduction <add>, %mul3A_195, %reduce_sum3A_196 [1] : vector<50x128xf32> to vector<50xf32>
    %broadcast_in_dim3A_198 = vector.shape_cast %reduce_sum3A_197 : vector<50xf32> to vector<50x1xf32>
    %swap3A_199 = arith.constant 0 : index
    %swap3A_200 = arith.constant 0 : index
    %swap3A_201 = arith.constant 0 : index
    %swap3A_202 = vector.load %arg6[%swap3A_199, %swap3A_200, %swap3A_201] : memref<2x50x32xf32, #tpu.memory_space<vmem>>, vector<1x50x1xf32>
    %swap3A_203 = vector.shape_cast %swap3A_202 : vector<1x50x1xf32> to vector<50x1xf32>
    %swap3A_204 = vector.shape_cast %broadcast_in_dim3A_198 : vector<50x1xf32> to vector<1x50x1xf32>
    tpu.vector_store %arg6[%swap3A_199, %swap3A_200, %swap3A_201], %swap3A_204 {strides = array<i32>} : memref<2x50x32xf32, #tpu.memory_space<vmem>>, vector<1x50x1xf32>,
    %get3A_205 = arith.constant 1 : index
    %get3A_206 = memref.load %arg1[%get3A_205] : memref<64xi32, #tpu.memory_space<smem>>
    %jit3A_207 = arith.constant 128 : i32
    %div3A_208 = arith.divsi %get3A_206, %jit3A_207 : i32
    %sign3A_209 = arith.constant 0 : i32
    %sign3A_210 = arith.cmpi sgt, %get3A_206, %sign3A_209 : i32
    %sign3A_211 = arith.extui %sign3A_210 : i1 to i32
    %sign3A_212 = arith.constant 0 : i32
    %sign3A_213 = arith.cmpi slt, %get3A_206, %sign3A_212 : i32
    %sign3A_214 = arith.extui %sign3A_213 : i1 to i32
    %sign3A_215 = arith.subi %sign3A_211, %sign3A_214 : i32
    %sign3A_216 = arith.constant 0 : i32
    %sign3A_217 = arith.cmpi sgt, %jit3A_207, %sign3A_216 : i32
    %sign3A_218 = arith.extui %sign3A_217 : i1 to i32
    %sign3A_219 = arith.constant 0 : i32
    %sign3A_220 = arith.cmpi slt, %jit3A_207, %sign3A_219 : i32
    %sign3A_221 = arith.extui %sign3A_220 : i1 to i32
    %sign3A_222 = arith.subi %sign3A_218, %sign3A_221 : i32
    %ne3A_223 = arith.cmpi ne, %sign3A_215, %sign3A_222 : i32
    %rem3A_224 = arith.remsi %get3A_206, %jit3A_207 : i32
    %ne3A_225 = arith.constant 0 : i32
    %ne3A_226 = arith.cmpi ne, %rem3A_224, %ne3A_225 : i32
    %and3A_227 = arith.andi %ne3A_223, %ne3A_226 : i1
    %sub3A_228 = arith.constant 1 : i32
    %sub3A_229 = arith.subi %div3A_208, %sub3A_228 : i32
    %select_n3A_230 = arith.select %and3A_227, %sub3A_229, %div3A_208 : i32
    %mul3A_231 = arith.constant 128 : i32
    %mul3A_232 = arith.muli %select_n3A_230, %mul3A_231 : i32
    %get3A_233 = arith.constant 0 : index
    %get3A_234 = arith.index_cast %mul3A_232 : i32 to index
    %get3A_235 = vector.load %arg2[%get3A_233, %get3A_234] : memref<50x50000xf32, #tpu.memory_space<vmem>>, vector<50x128xf32>
    %get3A_236 = arith.constant 0 : index
    %get3A_237 = arith.index_cast %mul3A_232 : i32 to index
    %get3A_238 = vector.load %arg3[%get3A_236, %get3A_237] : memref<50x50000xf32, #tpu.memory_space<vmem>>, vector<50x128xf32>
    %sub3A_239 = arith.subi %get3A_206, %mul3A_232 : i32
    %eq3A_240 = vector.broadcast %sub3A_239 : i32 to vector<50x128xi32>
    %eq3A_241 = arith.cmpi eq, %iota3A, %eq3A_240 : vector<50x128xi32>
    %jit3A_242 = arith.constant 1.44269502 : f32
    %jit3A_243 = arith.constant 0.000000e+00 : f32
    %broadcast_in_dim3A_244 = vector.broadcast %jit3A_242 : f32 to vector<50x128xf32>
    %broadcast_in_dim3A_245 = vector.broadcast %jit3A_243 : f32 to vector<50x128xf32>
    %select_n3A_246 = arith.select %eq3A_241, %broadcast_in_dim3A_244, %broadcast_in_dim3A_245 : vector<50x128xi1>, vector<50x128xf32>
    %add3A_247 = arith.addf %get3A_235, %get3A_238 : vector<50x128xf32>
    %mul3A_248 = arith.mulf %add3A_247, %select_n3A_246 : vector<50x128xf32>
    %reduce_sum3A_249 = arith.constant dense<0.000000e+00> : vector<50xf32>
    %reduce_sum3A_250 = vector.multi_reduction <add>, %mul3A_248, %reduce_sum3A_249 [1] : vector<50x128xf32> to vector<50xf32>
    %broadcast_in_dim3A_251 = vector.shape_cast %reduce_sum3A_250 : vector<50xf32> to vector<50x1xf32>
    %swap3A_252 = arith.constant 0 : index
    %swap3A_253 = arith.constant 0 : index
    %swap3A_254 = arith.constant 1 : index
    %swap3A_255 = vector.load %arg6[%swap3A_252, %swap3A_253, %swap3A_254] : memref<2x50x32xf32, #tpu.memory_space<vmem>>, vector<1x50x1xf32>
    %swap3A_256 = vector.shape_cast %swap3A_255 : vector<1x50x1xf32> to vector<50x1xf32>
    %swap3A_257 = vector.shape_cast %broadcast_in_dim3A_251 : vector<50x1xf32> to vector<1x50x1xf32>
    tpu.vector_store %arg6[%swap3A_252, %swap3A_253, %swap3A_254], %swap3A_257 {strides = array<i32>} : memref<2x50x32xf32, #tpu.memory_space<vmem>>, vector<1x50x1xf32>,
    %get3A_258 = arith.constant 2 : index
    %get3A_259 = memref.load %arg1[%get3A_258] : memref<64xi32, #tpu.memory_space<smem>>
    %jit3A_260 = arith.constant 128 : i32
    %div3A_261 = arith.divsi %get3A_259, %jit3A_260 : i32
    %sign3A_262 = arith.constant 0 : i32
    %sign3A_263 = arith.cmpi sgt, %get3A_259, %sign3A_262 : i32
    %sign3A_264 = arith.extui %sign3A_263 : i1 to i32
    %sign3A_265 = arith.constant 0 : i32
    %sign3A_266 = arith.cmpi slt, %get3A_259, %sign3A_265 : i32
    %sign3A_267 = arith.extui %sign3A_266 : i1 to i32
    %sign3A_268 = arith.subi %sign3A_264, %sign3A_267 : i32
    %sign3A_269 = arith.constant 0 : i32
    %sign3A_270 = arith.cmpi sgt, %jit3A_260, %sign3A_269 : i32
    %sign3A_271 = arith.extui %sign3A_270 : i1 to i32
    %sign3A_272 = arith.constant 0 : i32
    %sign3A_273 = arith.cmpi slt, %jit3A_260, %sign3A_272 : i32
    %sign3A_274 = arith.extui %sign3A_273 : i1 to i32
    %sign3A_275 = arith.subi %sign3A_271, %sign3A_274 : i32
    %ne3A_276 = arith.cmpi ne, %sign3A_268, %sign3A_275 : i32
    %rem3A_277 = arith.remsi %get3A_259, %jit3A_260 : i32
    %ne3A_278 = arith.constant 0 : i32
    %ne3A_279 = arith.cmpi ne, %rem3A_277, %ne3A_278 : i32
    %and3A_280 = arith.andi %ne3A_276, %ne3A_279 : i1
    %sub3A_281 = arith.constant 1 : i32
    %sub3A_282 = arith.subi %div3A_261, %sub3A_281 : i32
    %select_n3A_283 = arith.select %and3A_280, %sub3A_282, %div3A_261 : i32
    %mul3A_284 = arith.constant 128 : i32
    %mul3A_285 = arith.muli %select_n3A_283, %mul3A_284 : i32
    %get3A_286 = arith.constant 0 : index
    %get3A_287 = arith.index_cast %mul3A_285 : i32 to index
    %get3A_288 = vector.load %arg2[%get3A_286, %get3A_287] : memref<50x50000xf32, #tpu.memory_space<vmem>>, vector<50x128xf32>
    %get3A_289 = arith.constant 0 : index
    %get3A_290 = arith.index_cast %mul3A_285 : i32 to index
    %get3A_291 = vector.load %arg3[%get3A_289, %get3A_290] : memref<50x50000xf32, #tpu.memory_space<vmem>>, vector<50x128xf32>
    %sub3A_292 = arith.subi %get3A_259, %mul3A_285 : i32
    %eq3A_293 = vector.broadcast %sub3A_292 : i32 to vector<50x128xi32>
    %eq3A_294 = arith.cmpi eq, %iota3A, %eq3A_293 : vector<50x128xi32>
    %jit3A_295 = arith.constant 1.44269502 : f32
    %jit3A_296 = arith.constant 0.000000e+00 : f32
    %broadcast_in_dim3A_297 = vector.broadcast %jit3A_295 : f32 to vector<50x128xf32>
    %broadcast_in_dim3A_298 = vector.broadcast %jit3A_296 : f32 to vector<50x128xf32>
    %select_n3A_299 = arith.select %eq3A_294, %broadcast_in_dim3A_297, %broadcast_in_dim3A_298 : vector<50x128xi1>, vector<50x128xf32>
    %add3A_300 = arith.addf %get3A_288, %get3A_291 : vector<50x128xf32>
    %mul3A_301 = arith.mulf %add3A_300, %select_n3A_299 : vector<50x128xf32>
    %reduce_sum3A_302 = arith.constant dense<0.000000e+00> : vector<50xf32>
    %reduce_sum3A_303 = vector.multi_reduction <add>, %mul3A_301, %reduce_sum3A_302 [1] : vector<50x128xf32> to vector<50xf32>
    %broadcast_in_dim3A_304 = vector.shape_cast %reduce_sum3A_303 : vector<50xf32> to vector<50x1xf32>
    %swap3A_305 = arith.constant 0 : index
    %swap3A_306 = arith.constant 0 : index
    %swap3A_307 = arith.constant 2 : index
    %swap3A_308 = vector.load %arg6[%swap3A_305, %swap3A_306, %swap3A_307] : memref<2x50x32xf32, #tpu.memory_space<vmem>>, vector<1x50x1xf32>
    %swap3A_309 = vector.shape_cast %swap3A_308 : vector<1x50x1xf32> to vector<50x1xf32>
    %swap3A_310 = vector.shape_cast %broadcast_in_dim3A_304 : vector<50x1xf32> to vector<1x50x1xf32>
    tpu.vector_store %arg6[%swap3A_305, %swap3A_306, %swap3A_307], %swap3A_310 {strides = array<i32>} : memref<2x50x32xf32, #tpu.memory_space<vmem>>, vector<1x50x1xf32>,
    %get3A_311 = arith.constant 3 : index
    %get3A_312 = memref.load %arg1[%get3A_311] : memref<64xi32, #tpu.memory_space<smem>>
    %jit3A_313 = arith.constant 128 : i32
    %div3A_314 = arith.divsi %get3A_312, %jit3A_313 : i32
    %sign3A_315 = arith.constant 0 : i32
    %sign3A_316 = arith.cmpi sgt, %get3A_312, %sign3A_315 : i32
    %sign3A_317 = arith.extui %sign3A_316 : i1 to i32
    %sign3A_318 = arith.constant 0 : i32
    %sign3A_319 = arith.cmpi slt, %get3A_312, %sign3A_318 : i32
    %sign3A_320 = arith.extui %sign3A_319 : i1 to i32
    %sign3A_321 = arith.subi %sign3A_317, %sign3A_320 : i32
    %sign3A_322 = arith.constant 0 : i32
    %sign3A_323 = arith.cmpi sgt, %jit3A_313, %sign3A_322 : i32
    %sign3A_324 = arith.extui %sign3A_323 : i1 to i32
    %sign3A_325 = arith.constant 0 : i32
    %sign3A_326 = arith.cmpi slt, %jit3A_313, %sign3A_325 : i32
    %sign3A_327 = arith.extui %sign3A_326 : i1 to i32
    %sign3A_328 = arith.subi %sign3A_324, %sign3A_327 : i32
    %ne3A_329 = arith.cmpi ne, %sign3A_321, %sign3A_328 : i32
    %rem3A_330 = arith.remsi %get3A_312, %jit3A_313 : i32
    %ne3A_331 = arith.constant 0 : i32
    %ne3A_332 = arith.cmpi ne, %rem3A_330, %ne3A_331 : i32
    %and3A_333 = arith.andi %ne3A_329, %ne3A_332 : i1
    %sub3A_334 = arith.constant 1 : i32
    %sub3A_335 = arith.subi %div3A_314, %sub3A_334 : i32
    %select_n3A_336 = arith.select %and3A_333, %sub3A_335, %div3A_314 : i32
    %mul3A_337 = arith.constant 128 : i32
    %mul3A_338 = arith.muli %select_n3A_336, %mul3A_337 : i32
    %get3A_339 = arith.constant 0 : index
    %get3A_340 = arith.index_cast %mul3A_338 : i32 to index
    %get3A_341 = vector.load %arg2[%get3A_339, %get3A_340] : memref<50x50000xf32, #tpu.memory_space<vmem>>, vector<50x128xf32>
    %get3A_342 = arith.constant 0 : index
    %get3A_343 = arith.index_cast %mul3A_338 : i32 to index
    %get3A_344 = vector.load %arg3[%get3A_342, %get3A_343] : memref<50x50000xf32, #tpu.memory_space<vmem>>, vector<50x128xf32>
    %sub3A_345 = arith.subi %get3A_312, %mul3A_338 : i32
    %eq3A_346 = vector.broadcast %sub3A_345 : i32 to vector<50x128xi32>
    %eq3A_347 = arith.cmpi eq, %iota3A, %eq3A_346 : vector<50x128xi32>
    %jit3A_348 = arith.constant 1.44269502 : f32
    %jit3A_349 = arith.constant 0.000000e+00 : f32
    %broadcast_in_dim3A_350 = vector.broadcast %jit3A_348 : f32 to vector<50x128xf32>
    %broadcast_in_dim3A_351 = vector.broadcast %jit3A_349 : f32 to vector<50x128xf32>
    %select_n3A_352 = arith.select %eq3A_347, %broadcast_in_dim3A_350, %broadcast_in_dim3A_351 : vector<50x128xi1>, vector<50x128xf32>
    %add3A_353 = arith.addf %get3A_341, %get3A_344 : vector<50x128xf32>
    %mul3A_354 = arith.mulf %add3A_353, %select_n3A_352 : vector<50x128xf32>
    %reduce_sum3A_355 = arith.constant dense<0.000000e+00> : vector<50xf32>
    %reduce_sum3A_356 = vector.multi_reduction <add>, %mul3A_354, %reduce_sum3A_355 [1] : vector<50x128xf32> to vector<50xf32>
    %broadcast_in_dim3A_357 = vector.shape_cast %reduce_sum3A_356 : vector<50xf32> to vector<50x1xf32>
    %swap3A_358 = arith.constant 0 : index
    %swap3A_359 = arith.constant 0 : index
    %swap3A_360 = arith.constant 3 : index
    %swap3A_361 = vector.load %arg6[%swap3A_358, %swap3A_359, %swap3A_360] : memref<2x50x32xf32, #tpu.memory_space<vmem>>, vector<1x50x1xf32>
    %swap3A_362 = vector.shape_cast %swap3A_361 : vector<1x50x1xf32> to vector<50x1xf32>
    %swap3A_363 = vector.shape_cast %broadcast_in_dim3A_357 : vector<50x1xf32> to vector<1x50x1xf32>
    tpu.vector_store %arg6[%swap3A_358, %swap3A_359, %swap3A_360], %swap3A_363 {strides = array<i32>} : memref<2x50x32xf32, #tpu.memory_space<vmem>>, vector<1x50x1xf32>,
    %get3A_364 = arith.constant 4 : index
    %get3A_365 = memref.load %arg1[%get3A_364] : memref<64xi32, #tpu.memory_space<smem>>
    %jit3A_366 = arith.constant 128 : i32
    %div3A_367 = arith.divsi %get3A_365, %jit3A_366 : i32
    %sign3A_368 = arith.constant 0 : i32
    %sign3A_369 = arith.cmpi sgt, %get3A_365, %sign3A_368 : i32
    %sign3A_370 = arith.extui %sign3A_369 : i1 to i32
    %sign3A_371 = arith.constant 0 : i32
    %sign3A_372 = arith.cmpi slt, %get3A_365, %sign3A_371 : i32
    %sign3A_373 = arith.extui %sign3A_372 : i1 to i32
    %sign3A_374 = arith.subi %sign3A_370, %sign3A_373 : i32
    %sign3A_375 = arith.constant 0 : i32
    %sign3A_376 = arith.cmpi sgt, %jit3A_366, %sign3A_375 : i32
    %sign3A_377 = arith.extui %sign3A_376 : i1 to i32
    %sign3A_378 = arith.constant 0 : i32
    %sign3A_379 = arith.cmpi slt, %jit3A_366, %sign3A_378 : i32
    %sign3A_380 = arith.extui %sign3A_379 : i1 to i32
    %sign3A_381 = arith.subi %sign3A_377, %sign3A_380 : i32
    %ne3A_382 = arith.cmpi ne, %sign3A_374, %sign3A_381 : i32
    %rem3A_383 = arith.remsi %get3A_365, %jit3A_366 : i32
    %ne3A_384 = arith.constant 0 : i32
    %ne3A_385 = arith.cmpi ne, %rem3A_383, %ne3A_384 : i32
    %and3A_386 = arith.andi %ne3A_382, %ne3A_385 : i1
    %sub3A_387 = arith.constant 1 : i32
    %sub3A_388 = arith.subi %div3A_367, %sub3A_387 : i32
    %select_n3A_389 = arith.select %and3A_386, %sub3A_388, %div3A_367 : i32
    %mul3A_390 = arith.constant 128 : i32
    %mul3A_391 = arith.muli %select_n3A_389, %mul3A_390 : i32
    %get3A_392 = arith.constant 0 : index
    %get3A_393 = arith.index_cast %mul3A_391 : i32 to index
    %get3A_394 = vector.load %arg2[%get3A_392, %get3A_393] : memref<50x50000xf32, #tpu.memory_space<vmem>>, vector<50x128xf32>
    %get3A_395 = arith.constant 0 : index
    %get3A_396 = arith.index_cast %mul3A_391 : i32 to index
    %get3A_397 = vector.load %arg3[%get3A_395, %get3A_396] : memref<50x50000xf32, #tpu.memory_space<vmem>>, vector<50x128xf32>
    %sub3A_398 = arith.subi %get3A_365, %mul3A_391 : i32
    %eq3A_399 = vector.broadcast %sub3A_398 : i32 to vector<50x128xi32>
    %eq3A_400 = arith.cmpi eq, %iota3A, %eq3A_399 : vector<50x128xi32>
    %jit3A_401 = arith.constant 1.44269502 : f32
    %jit3A_402 = arith.constant 0.000000e+00 : f32
    %broadcast_in_dim3A_403 = vector.broadcast %jit3A_401 : f32 to vector<50x128xf32>
    %broadcast_in_dim3A_404 = vector.broadcast %jit3A_402 : f32 to vector<50x128xf32>
    %select_n3A_405 = arith.select %eq3A_400, %broadcast_in_dim3A_403, %broadcast_in_dim3A_404 : vector<50x128xi1>, vector<50x128xf32>
    %add3A_406 = arith.addf %get3A_394, %get3A_397 : vector<50x128xf32>
    %mul3A_407 = arith.mulf %add3A_406, %select_n3A_405 : vector<50x128xf32>
    %reduce_sum3A_408 = arith.constant dense<0.000000e+00> : vector<50xf32>
    %reduce_sum3A_409 = vector.multi_reduction <add>, %mul3A_407, %reduce_sum3A_408 [1] : vector<50x128xf32> to vector<50xf32>
    %broadcast_in_dim3A_410 = vector.shape_cast %reduce_sum3A_409 : vector<50xf32> to vector<50x1xf32>
    %swap3A_411 = arith.constant 0 : index
    %swap3A_412 = arith.constant 0 : index
    %swap3A_413 = arith.constant 4 : index
    %swap3A_414 = vector.load %arg6[%swap3A_411, %swap3A_412, %swap3A_413] : memref<2x50x32xf32, #tpu.memory_space<vmem>>, vector<1x50x1xf32>
    %swap3A_415 = vector.shape_cast %swap3A_414 : vector<1x50x1xf32> to vector<50x1xf32>
    %swap3A_416 = vector.shape_cast %broadcast_in_dim3A_410 : vector<50x1xf32> to vector<1x50x1xf32>
    tpu.vector_store %arg6[%swap3A_411, %swap3A_412, %swap3A_413], %swap3A_416 {strides = array<i32>} : memref<2x50x32xf32, #tpu.memory_space<vmem>>, vector<1x50x1xf32>,
    %get3A_417 = arith.constant 5 : index
    %get3A_418 = memref.load %arg1[%get3A_417] : memref<64xi32, #tpu.memory_space<smem>>
    %jit3A_419 = arith.constant 128 : i32
    %div3A_420 = arith.divsi %get3A_418, %jit3A_419 : i32
    %sign3A_421 = arith.constant 0 : i32
    %sign3A_422 = arith.cmpi sgt, %get3A_418, %sign3A_421 : i32
    %sign3A_423 = arith.extui %sign3A_422 : i1 to i32
    %sign3A_424 = arith.constant 0 : i32
    %sign3A_425 = arith.cmpi slt, %get3A_418, %sign3A_424 : i32
    %sign3A_426 = arith.extui %sign3A_425 : i1 to i32
    %sign3A_427 = arith.subi %sign3A_423, %sign3A_426 : i32
    %sign3A_428 = arith.constant 0 : i32
    %sign3A_429 = arith.cmpi sgt, %jit3A_419, %sign3A_428 : i32
    %sign3A_430 = arith.extui %sign3A_429 : i1 to i32
    %sign3A_431 = arith.constant 0 : i32
    %sign3A_432 = arith.cmpi slt, %jit3A_419, %sign3A_431 : i32
    %sign3A_433 = arith.extui %sign3A_432 : i1 to i32
    %sign3A_434 = arith.subi %sign3A_430, %sign3A_433 : i32
    %ne3A_435 = arith.cmpi ne, %sign3A_427, %sign3A_434 : i32
    %rem3A_436 = arith.remsi %get3A_418, %jit3A_419 : i32
    %ne3A_437 = arith.constant 0 : i32
    %ne3A_438 = arith.cmpi ne, %rem3A_436, %ne3A_437 : i32
    %and3A_439 = arith.andi %ne3A_435, %ne3A_438 : i1
    %sub3A_440 = arith.constant 1 : i32
    %sub3A_441 = arith.subi %div3A_420, %sub3A_440 : i32
    %select_n3A_442 = arith.select %and3A_439, %sub3A_441, %div3A_420 : i32
    %mul3A_443 = arith.constant 128 : i32
    %mul3A_444 = arith.muli %select_n3A_442, %mul3A_443 : i32
    %get3A_445 = arith.constant 0 : index
    %get3A_446 = arith.index_cast %mul3A_444 : i32 to index
    %get3A_447 = vector.load %arg2[%get3A_445, %get3A_446] : memref<50x50000xf32, #tpu.memory_space<vmem>>, vector<50x128xf32>
    %get3A_448 = arith.constant 0 : index
    %get3A_449 = arith.index_cast %mul3A_444 : i32 to index
    %get3A_450 = vector.load %arg3[%get3A_448, %get3A_449] : memref<50x50000xf32, #tpu.memory_space<vmem>>, vector<50x128xf32>
    %sub3A_451 = arith.subi %get3A_418, %mul3A_444 : i32
    %eq3A_452 = vector.broadcast %sub3A_451 : i32 to vector<50x128xi32>
    %eq3A_453 = arith.cmpi eq, %iota3A, %eq3A_452 : vector<50x128xi32>
    %jit3A_454 = arith.constant 1.44269502 : f32
    %jit3A_455 = arith.constant 0.000000e+00 : f32
    %broadcast_in_dim3A_456 = vector.broadcast %jit3A_454 : f32 to vector<50x128xf32>
    %broadcast_in_dim3A_457 = vector.broadcast %jit3A_455 : f32 to vector<50x128xf32>
    %select_n3A_458 = arith.select %eq3A_453, %broadcast_in_dim3A_456, %broadcast_in_dim3A_457 : vector<50x128xi1>, vector<50x128xf32>
    %add3A_459 = arith.addf %get3A_447, %get3A_450 : vector<50x128xf32>
    %mul3A_460 = arith.mulf %add3A_459, %select_n3A_458 : vector<50x128xf32>
    %reduce_sum3A_461 = arith.constant dense<0.000000e+00> : vector<50xf32>
    %reduce_sum3A_462 = vector.multi_reduction <add>, %mul3A_460, %reduce_sum3A_461 [1] : vector<50x128xf32> to vector<50xf32>
    %broadcast_in_dim3A_463 = vector.shape_cast %reduce_sum3A_462 : vector<50xf32> to vector<50x1xf32>
    %swap3A_464 = arith.constant 0 : index
    %swap3A_465 = arith.constant 0 : index
    %swap3A_466 = arith.constant 5 : index
    %swap3A_467 = vector.load %arg6[%swap3A_464, %swap3A_465, %swap3A_466] : memref<2x50x32xf32, #tpu.memory_space<vmem>>, vector<1x50x1xf32>
    %swap3A_468 = vector.shape_cast %swap3A_467 : vector<1x50x1xf32> to vector<50x1xf32>
    %swap3A_469 = vector.shape_cast %broadcast_in_dim3A_463 : vector<50x1xf32> to vector<1x50x1xf32>
    tpu.vector_store %arg6[%swap3A_464, %swap3A_465, %swap3A_466], %swap3A_469 {strides = array<i32>} : memref<2x50x32xf32, #tpu.memory_space<vmem>>, vector<1x50x1xf32>,
    %get3A_470 = arith.constant 6 : index
    %get3A_471 = memref.load %arg1[%get3A_470] : memref<64xi32, #tpu.memory_space<smem>>
    %jit3A_472 = arith.constant 128 : i32
    %div3A_473 = arith.divsi %get3A_471, %jit3A_472 : i32
    %sign3A_474 = arith.constant 0 : i32
    %sign3A_475 = arith.cmpi sgt, %get3A_471, %sign3A_474 : i32
    %sign3A_476 = arith.extui %sign3A_475 : i1 to i32
    %sign3A_477 = arith.constant 0 : i32
    %sign3A_478 = arith.cmpi slt, %get3A_471, %sign3A_477 : i32
    %sign3A_479 = arith.extui %sign3A_478 : i1 to i32
    %sign3A_480 = arith.subi %sign3A_476, %sign3A_479 : i32
    %sign3A_481 = arith.constant 0 : i32
    %sign3A_482 = arith.cmpi sgt, %jit3A_472, %sign3A_481 : i32
    %sign3A_483 = arith.extui %sign3A_482 : i1 to i32
    %sign3A_484 = arith.constant 0 : i32
    %sign3A_485 = arith.cmpi slt, %jit3A_472, %sign3A_484 : i32
    %sign3A_486 = arith.extui %sign3A_485 : i1 to i32
    %sign3A_487 = arith.subi %sign3A_483, %sign3A_486 : i32
    %ne3A_488 = arith.cmpi ne, %sign3A_480, %sign3A_487 : i32
    %rem3A_489 = arith.remsi %get3A_471, %jit3A_472 : i32
    %ne3A_490 = arith.constant 0 : i32
    %ne3A_491 = arith.cmpi ne, %rem3A_489, %ne3A_490 : i32
    %and3A_492 = arith.andi %ne3A_488, %ne3A_491 : i1
    %sub3A_493 = arith.constant 1 : i32
    %sub3A_494 = arith.subi %div3A_473, %sub3A_493 : i32
    %select_n3A_495 = arith.select %and3A_492, %sub3A_494, %div3A_473 : i32
    %mul3A_496 = arith.constant 128 : i32
    %mul3A_497 = arith.muli %select_n3A_495, %mul3A_496 : i32
    %get3A_498 = arith.constant 0 : index
    %get3A_499 = arith.index_cast %mul3A_497 : i32 to index
    %get3A_500 = vector.load %arg2[%get3A_498, %get3A_499] : memref<50x50000xf32, #tpu.memory_space<vmem>>, vector<50x128xf32>
    %get3A_501 = arith.constant 0 : index
    %get3A_502 = arith.index_cast %mul3A_497 : i32 to index
    %get3A_503 = vector.load %arg3[%get3A_501, %get3A_502] : memref<50x50000xf32, #tpu.memory_space<vmem>>, vector<50x128xf32>
    %sub3A_504 = arith.subi %get3A_471, %mul3A_497 : i32
    %eq3A_505 = vector.broadcast %sub3A_504 : i32 to vector<50x128xi32>
    %eq3A_506 = arith.cmpi eq, %iota3A, %eq3A_505 : vector<50x128xi32>
    %jit3A_507 = arith.constant 1.44269502 : f32
    %jit3A_508 = arith.constant 0.000000e+00 : f32
    %broadcast_in_dim3A_509 = vector.broadcast %jit3A_507 : f32 to vector<50x128xf32>
    %broadcast_in_dim3A_510 = vector.broadcast %jit3A_508 : f32 to vector<50x128xf32>
    %select_n3A_511 = arith.select %eq3A_506, %broadcast_in_dim3A_509, %broadcast_in_dim3A_510 : vector<50x128xi1>, vector<50x128xf32>
    %add3A_512 = arith.addf %get3A_500, %get3A_503 : vector<50x128xf32>
    %mul3A_513 = arith.mulf %add3A_512, %select_n3A_511 : vector<50x128xf32>
    %reduce_sum3A_514 = arith.constant dense<0.000000e+00> : vector<50xf32>
    %reduce_sum3A_515 = vector.multi_reduction <add>, %mul3A_513, %reduce_sum3A_514 [1] : vector<50x128xf32> to vector<50xf32>
    %broadcast_in_dim3A_516 = vector.shape_cast %reduce_sum3A_515 : vector<50xf32> to vector<50x1xf32>
    %swap3A_517 = arith.constant 0 : index
    %swap3A_518 = arith.constant 0 : index
    %swap3A_519 = arith.constant 6 : index
    %swap3A_520 = vector.load %arg6[%swap3A_517, %swap3A_518, %swap3A_519] : memref<2x50x32xf32, #tpu.memory_space<vmem>>, vector<1x50x1xf32>
    %swap3A_521 = vector.shape_cast %swap3A_520 : vector<1x50x1xf32> to vector<50x1xf32>
    %swap3A_522 = vector.shape_cast %broadcast_in_dim3A_516 : vector<50x1xf32> to vector<1x50x1xf32>
    tpu.vector_store %arg6[%swap3A_517, %swap3A_518, %swap3A_519], %swap3A_522 {strides = array<i32>} : memref<2x50x32xf32, #tpu.memory_space<vmem>>, vector<1x50x1xf32>,
    %get3A_523 = arith.constant 7 : index
    %get3A_524 = memref.load %arg1[%get3A_523] : memref<64xi32, #tpu.memory_space<smem>>
    %jit3A_525 = arith.constant 128 : i32
    %div3A_526 = arith.divsi %get3A_524, %jit3A_525 : i32
    %sign3A_527 = arith.constant 0 : i32
    %sign3A_528 = arith.cmpi sgt, %get3A_524, %sign3A_527 : i32
    %sign3A_529 = arith.extui %sign3A_528 : i1 to i32
    %sign3A_530 = arith.constant 0 : i32
    %sign3A_531 = arith.cmpi slt, %get3A_524, %sign3A_530 : i32
    %sign3A_532 = arith.extui %sign3A_531 : i1 to i32
    %sign3A_533 = arith.subi %sign3A_529, %sign3A_532 : i32
    %sign3A_534 = arith.constant 0 : i32
    %sign3A_535 = arith.cmpi sgt, %jit3A_525, %sign3A_534 : i32
    %sign3A_536 = arith.extui %sign3A_535 : i1 to i32
    %sign3A_537 = arith.constant 0 : i32
    %sign3A_538 = arith.cmpi slt, %jit3A_525, %sign3A_537 : i32
    %sign3A_539 = arith.extui %sign3A_538 : i1 to i32
    %sign3A_540 = arith.subi %sign3A_536, %sign3A_539 : i32
    %ne3A_541 = arith.cmpi ne, %sign3A_533, %sign3A_540 : i32
    %rem3A_542 = arith.remsi %get3A_524, %jit3A_525 : i32
    %ne3A_543 = arith.constant 0 : i32
    %ne3A_544 = arith.cmpi ne, %rem3A_542, %ne3A_543 : i32
    %and3A_545 = arith.andi %ne3A_541, %ne3A_544 : i1
    %sub3A_546 = arith.constant 1 : i32
    %sub3A_547 = arith.subi %div3A_526, %sub3A_546 : i32
    %select_n3A_548 = arith.select %and3A_545, %sub3A_547, %div3A_526 : i32
    %mul3A_549 = arith.constant 128 : i32
    %mul3A_550 = arith.muli %select_n3A_548, %mul3A_549 : i32
    %get3A_551 = arith.constant 0 : index
    %get3A_552 = arith.index_cast %mul3A_550 : i32 to index
    %get3A_553 = vector.load %arg2[%get3A_551, %get3A_552] : memref<50x50000xf32, #tpu.memory_space<vmem>>, vector<50x128xf32>
    %get3A_554 = arith.constant 0 : index
    %get3A_555 = arith.index_cast %mul3A_550 : i32 to index
    %get3A_556 = vector.load %arg3[%get3A_554, %get3A_555] : memref<50x50000xf32, #tpu.memory_space<vmem>>, vector<50x128xf32>
    %sub3A_557 = arith.subi %get3A_524, %mul3A_550 : i32
    %eq3A_558 = vector.broadcast %sub3A_557 : i32 to vector<50x128xi32>
    %eq3A_559 = arith.cmpi eq, %iota3A, %eq3A_558 : vector<50x128xi32>
    %jit3A_560 = arith.constant 1.44269502 : f32
    %jit3A_561 = arith.constant 0.000000e+00 : f32
    %broadcast_in_dim3A_562 = vector.broadcast %jit3A_560 : f32 to vector<50x128xf32>
    %broadcast_in_dim3A_563 = vector.broadcast %jit3A_561 : f32 to vector<50x128xf32>
    %select_n3A_564 = arith.select %eq3A_559, %broadcast_in_dim3A_562, %broadcast_in_dim3A_563 : vector<50x128xi1>, vector<50x128xf32>
    %add3A_565 = arith.addf %get3A_553, %get3A_556 : vector<50x128xf32>
    %mul3A_566 = arith.mulf %add3A_565, %select_n3A_564 : vector<50x128xf32>
    %reduce_sum3A_567 = arith.constant dense<0.000000e+00> : vector<50xf32>
    %reduce_sum3A_568 = vector.multi_reduction <add>, %mul3A_566, %reduce_sum3A_567 [1] : vector<50x128xf32> to vector<50xf32>
    %broadcast_in_dim3A_569 = vector.shape_cast %reduce_sum3A_568 : vector<50xf32> to vector<50x1xf32>
    %swap3A_570 = arith.constant 0 : index
    %swap3A_571 = arith.constant 0 : index
    %swap3A_572 = arith.constant 7 : index
    %swap3A_573 = vector.load %arg6[%swap3A_570, %swap3A_571, %swap3A_572] : memref<2x50x32xf32, #tpu.memory_space<vmem>>, vector<1x50x1xf32>
    %swap3A_574 = vector.shape_cast %swap3A_573 : vector<1x50x1xf32> to vector<50x1xf32>
    %swap3A_575 = vector.shape_cast %broadcast_in_dim3A_569 : vector<50x1xf32> to vector<1x50x1xf32>
    tpu.vector_store %arg6[%swap3A_570, %swap3A_571, %swap3A_572], %swap3A_575 {strides = array<i32>} : memref<2x50x32xf32, #tpu.memory_space<vmem>>, vector<1x50x1xf32>,
    %get3A_576 = arith.constant 8 : index
    %get3A_577 = memref.load %arg1[%get3A_576] : memref<64xi32, #tpu.memory_space<smem>>
    %jit3A_578 = arith.constant 128 : i32
    %div3A_579 = arith.divsi %get3A_577, %jit3A_578 : i32
    %sign3A_580 = arith.constant 0 : i32
    %sign3A_581 = arith.cmpi sgt, %get3A_577, %sign3A_580 : i32
    %sign3A_582 = arith.extui %sign3A_581 : i1 to i32
    %sign3A_583 = arith.constant 0 : i32
    %sign3A_584 = arith.cmpi slt, %get3A_577, %sign3A_583 : i32
    %sign3A_585 = arith.extui %sign3A_584 : i1 to i32
    %sign3A_586 = arith.subi %sign3A_582, %sign3A_585 : i32
    %sign3A_587 = arith.constant 0 : i32
    %sign3A_588 = arith.cmpi sgt, %jit3A_578, %sign3A_587 : i32
    %sign3A_589 = arith.extui %sign3A_588 : i1 to i32
    %sign3A_590 = arith.constant 0 : i32
    %sign3A_591 = arith.cmpi slt, %jit3A_578, %sign3A_590 : i32
    %sign3A_592 = arith.extui %sign3A_591 : i1 to i32
    %sign3A_593 = arith.subi %sign3A_589, %sign3A_592 : i32
    %ne3A_594 = arith.cmpi ne, %sign3A_586, %sign3A_593 : i32
    %rem3A_595 = arith.remsi %get3A_577, %jit3A_578 : i32
    %ne3A_596 = arith.constant 0 : i32
    %ne3A_597 = arith.cmpi ne, %rem3A_595, %ne3A_596 : i32
    %and3A_598 = arith.andi %ne3A_594, %ne3A_597 : i1
    %sub3A_599 = arith.constant 1 : i32
    %sub3A_600 = arith.subi %div3A_579, %sub3A_599 : i32
    %select_n3A_601 = arith.select %and3A_598, %sub3A_600, %div3A_579 : i32
    %mul3A_602 = arith.constant 128 : i32
    %mul3A_603 = arith.muli %select_n3A_601, %mul3A_602 : i32
    %get3A_604 = arith.constant 0 : index
    %get3A_605 = arith.index_cast %mul3A_603 : i32 to index
    %get3A_606 = vector.load %arg2[%get3A_604, %get3A_605] : memref<50x50000xf32, #tpu.memory_space<vmem>>, vector<50x128xf32>
    %get3A_607 = arith.constant 0 : index
    %get3A_608 = arith.index_cast %mul3A_603 : i32 to index
    %get3A_609 = vector.load %arg3[%get3A_607, %get3A_608] : memref<50x50000xf32, #tpu.memory_space<vmem>>, vector<50x128xf32>
    %sub3A_610 = arith.subi %get3A_577, %mul3A_603 : i32
    %eq3A_611 = vector.broadcast %sub3A_610 : i32 to vector<50x128xi32>
    %eq3A_612 = arith.cmpi eq, %iota3A, %eq3A_611 : vector<50x128xi32>
    %jit3A_613 = arith.constant 1.44269502 : f32
    %jit3A_614 = arith.constant 0.000000e+00 : f32
    %broadcast_in_dim3A_615 = vector.broadcast %jit3A_613 : f32 to vector<50x128xf32>
    %broadcast_in_dim3A_616 = vector.broadcast %jit3A_614 : f32 to vector<50x128xf32>
    %select_n3A_617 = arith.select %eq3A_612, %broadcast_in_dim3A_615, %broadcast_in_dim3A_616 : vector<50x128xi1>, vector<50x128xf32>
    %add3A_618 = arith.addf %get3A_606, %get3A_609 : vector<50x128xf32>
    %mul3A_619 = arith.mulf %add3A_618, %select_n3A_617 : vector<50x128xf32>
    %reduce_sum3A_620 = arith.constant dense<0.000000e+00> : vector<50xf32>
    %reduce_sum3A_621 = vector.multi_reduction <add>, %mul3A_619, %reduce_sum3A_620 [1] : vector<50x128xf32> to vector<50xf32>
    %broadcast_in_dim3A_622 = vector.shape_cast %reduce_sum3A_621 : vector<50xf32> to vector<50x1xf32>
    %swap3A_623 = arith.constant 0 : index
    %swap3A_624 = arith.constant 0 : index
    %swap3A_625 = arith.constant 8 : index
    %swap3A_626 = vector.load %arg6[%swap3A_623, %swap3A_624, %swap3A_625] : memref<2x50x32xf32, #tpu.memory_space<vmem>>, vector<1x50x1xf32>
    %swap3A_627 = vector.shape_cast %swap3A_626 : vector<1x50x1xf32> to vector<50x1xf32>
    %swap3A_628 = vector.shape_cast %broadcast_in_dim3A_622 : vector<50x1xf32> to vector<1x50x1xf32>
    tpu.vector_store %arg6[%swap3A_623, %swap3A_624, %swap3A_625], %swap3A_628 {strides = array<i32>} : memref<2x50x32xf32, #tpu.memory_space<vmem>>, vector<1x50x1xf32>,
    %get3A_629 = arith.constant 9 : index
    %get3A_630 = memref.load %arg1[%get3A_629] : memref<64xi32, #tpu.memory_space<smem>>
    %jit3A_631 = arith.constant 128 : i32
    %div3A_632 = arith.divsi %get3A_630, %jit3A_631 : i32
    %sign3A_633 = arith.constant 0 : i32
    %sign3A_634 = arith.cmpi sgt, %get3A_630, %sign3A_633 : i32
    %sign3A_635 = arith.extui %sign3A_634 : i1 to i32
    %sign3A_636 = arith.constant 0 : i32
    %sign3A_637 = arith.cmpi slt, %get3A_630, %sign3A_636 : i32
    %sign3A_638 = arith.extui %sign3A_637 : i1 to i32
    %sign3A_639 = arith.subi %sign3A_635, %sign3A_638 : i32
    %sign3A_640 = arith.constant 0 : i32
    %sign3A_641 = arith.cmpi sgt, %jit3A_631, %sign3A_640 : i32
    %sign3A_642 = arith.extui %sign3A_641 : i1 to i32
    %sign3A_643 = arith.constant 0 : i32
    %sign3A_644 = arith.cmpi slt, %jit3A_631, %sign3A_643 : i32
    %sign3A_645 = arith.extui %sign3A_644 : i1 to i32
    %sign3A_646 = arith.subi %sign3A_642, %sign3A_645 : i32
    %ne3A_647 = arith.cmpi ne, %sign3A_639, %sign3A_646 : i32
    %rem3A_648 = arith.remsi %get3A_630, %jit3A_631 : i32
    %ne3A_649 = arith.constant 0 : i32
    %ne3A_650 = arith.cmpi ne, %rem3A_648, %ne3A_649 : i32
    %and3A_651 = arith.andi %ne3A_647, %ne3A_650 : i1
    %sub3A_652 = arith.constant 1 : i32
    %sub3A_653 = arith.subi %div3A_632, %sub3A_652 : i32
    %select_n3A_654 = arith.select %and3A_651, %sub3A_653, %div3A_632 : i32
    %mul3A_655 = arith.constant 128 : i32
    %mul3A_656 = arith.muli %select_n3A_654, %mul3A_655 : i32
    %get3A_657 = arith.constant 0 : index
    %get3A_658 = arith.index_cast %mul3A_656 : i32 to index
    %get3A_659 = vector.load %arg2[%get3A_657, %get3A_658] : memref<50x50000xf32, #tpu.memory_space<vmem>>, vector<50x128xf32>
    %get3A_660 = arith.constant 0 : index
    %get3A_661 = arith.index_cast %mul3A_656 : i32 to index
    %get3A_662 = vector.load %arg3[%get3A_660, %get3A_661] : memref<50x50000xf32, #tpu.memory_space<vmem>>, vector<50x128xf32>
    %sub3A_663 = arith.subi %get3A_630, %mul3A_656 : i32
    %eq3A_664 = vector.broadcast %sub3A_663 : i32 to vector<50x128xi32>
    %eq3A_665 = arith.cmpi eq, %iota3A, %eq3A_664 : vector<50x128xi32>
    %jit3A_666 = arith.constant 1.44269502 : f32
    %jit3A_667 = arith.constant 0.000000e+00 : f32
    %broadcast_in_dim3A_668 = vector.broadcast %jit3A_666 : f32 to vector<50x128xf32>
    %broadcast_in_dim3A_669 = vector.broadcast %jit3A_667 : f32 to vector<50x128xf32>
    %select_n3A_670 = arith.select %eq3A_665, %broadcast_in_dim3A_668, %broadcast_in_dim3A_669 : vector<50x128xi1>, vector<50x128xf32>
    %add3A_671 = arith.addf %get3A_659, %get3A_662 : vector<50x128xf32>
    %mul3A_672 = arith.mulf %add3A_671, %select_n3A_670 : vector<50x128xf32>
    %reduce_sum3A_673 = arith.constant dense<0.000000e+00> : vector<50xf32>
    %reduce_sum3A_674 = vector.multi_reduction <add>, %mul3A_672, %reduce_sum3A_673 [1] : vector<50x128xf32> to vector<50xf32>
    %broadcast_in_dim3A_675 = vector.shape_cast %reduce_sum3A_674 : vector<50xf32> to vector<50x1xf32>
    %swap3A_676 = arith.constant 0 : index
    %swap3A_677 = arith.constant 0 : index
    %swap3A_678 = arith.constant 9 : index
    %swap3A_679 = vector.load %arg6[%swap3A_676, %swap3A_677, %swap3A_678] : memref<2x50x32xf32, #tpu.memory_space<vmem>>, vector<1x50x1xf32>
    %swap3A_680 = vector.shape_cast %swap3A_679 : vector<1x50x1xf32> to vector<50x1xf32>
    %swap3A_681 = vector.shape_cast %broadcast_in_dim3A_675 : vector<50x1xf32> to vector<1x50x1xf32>
    tpu.vector_store %arg6[%swap3A_676, %swap3A_677, %swap3A_678], %swap3A_681 {strides = array<i32>} : memref<2x50x32xf32, #tpu.memory_space<vmem>>, vector<1x50x1xf32>,
    %get3A_682 = arith.constant 10 : index
    %get3A_683 = memref.load %arg1[%get3A_682] : memref<64xi32, #tpu.memory_space<smem>>
    %jit3A_684 = arith.constant 128 : i32
    %div3A_685 = arith.divsi %get3A_683, %jit3A_684 : i32
    %sign3A_686 = arith.constant 0 : i32
    %sign3A_687 = arith.cmpi sgt, %get3A_683, %sign3A_686 : i32
    %sign3A_688 = arith.extui %sign3A_687 : i1 to i32
    %sign3A_689 = arith.constant 0 : i32
    %sign3A_690 = arith.cmpi slt, %get3A_683, %sign3A_689 : i32
    %sign3A_691 = arith.extui %sign3A_690 : i1 to i32
    %sign3A_692 = arith.subi %sign3A_688, %sign3A_691 : i32
    %sign3A_693 = arith.constant 0 : i32
    %sign3A_694 = arith.cmpi sgt, %jit3A_684, %sign3A_693 : i32
    %sign3A_695 = arith.extui %sign3A_694 : i1 to i32
    %sign3A_696 = arith.constant 0 : i32
    %sign3A_697 = arith.cmpi slt, %jit3A_684, %sign3A_696 : i32
    %sign3A_698 = arith.extui %sign3A_697 : i1 to i32
    %sign3A_699 = arith.subi %sign3A_695, %sign3A_698 : i32
    %ne3A_700 = arith.cmpi ne, %sign3A_692, %sign3A_699 : i32
    %rem3A_701 = arith.remsi %get3A_683, %jit3A_684 : i32
    %ne3A_702 = arith.constant 0 : i32
    %ne3A_703 = arith.cmpi ne, %rem3A_701, %ne3A_702 : i32
    %and3A_704 = arith.andi %ne3A_700, %ne3A_703 : i1
    %sub3A_705 = arith.constant 1 : i32
    %sub3A_706 = arith.subi %div3A_685, %sub3A_705 : i32
    %select_n3A_707 = arith.select %and3A_704, %sub3A_706, %div3A_685 : i32
    %mul3A_708 = arith.constant 128 : i32
    %mul3A_709 = arith.muli %select_n3A_707, %mul3A_708 : i32
    %get3A_710 = arith.constant 0 : index
    %get3A_711 = arith.index_cast %mul3A_709 : i32 to index
    %get3A_712 = vector.load %arg2[%get3A_710, %get3A_711] : memref<50x50000xf32, #tpu.memory_space<vmem>>, vector<50x128xf32>
    %get3A_713 = arith.constant 0 : index
    %get3A_714 = arith.index_cast %mul3A_709 : i32 to index
    %get3A_715 = vector.load %arg3[%get3A_713, %get3A_714] : memref<50x50000xf32, #tpu.memory_space<vmem>>, vector<50x128xf32>
    %sub3A_716 = arith.subi %get3A_683, %mul3A_709 : i32
    %eq3A_717 = vector.broadcast %sub3A_716 : i32 to vector<50x128xi32>
    %eq3A_718 = arith.cmpi eq, %iota3A, %eq3A_717 : vector<50x128xi32>
    %jit3A_719 = arith.constant 1.44269502 : f32
    %jit3A_720 = arith.constant 0.000000e+00 : f32
    %broadcast_in_dim3A_721 = vector.broadcast %jit3A_719 : f32 to vector<50x128xf32>
    %broadcast_in_dim3A_722 = vector.broadcast %jit3A_720 : f32 to vector<50x128xf32>
    %select_n3A_723 = arith.select %eq3A_718, %broadcast_in_dim3A_721, %broadcast_in_dim3A_722 : vector<50x128xi1>, vector<50x128xf32>
    %add3A_724 = arith.addf %get3A_712, %get3A_715 : vector<50x128xf32>
    %mul3A_725 = arith.mulf %add3A_724, %select_n3A_723 : vector<50x128xf32>
    %reduce_sum3A_726 = arith.constant dense<0.000000e+00> : vector<50xf32>
    %reduce_sum3A_727 = vector.multi_reduction <add>, %mul3A_725, %reduce_sum3A_726 [1] : vector<50x128xf32> to vector<50xf32>
    %broadcast_in_dim3A_728 = vector.shape_cast %reduce_sum3A_727 : vector<50xf32> to vector<50x1xf32>
    %swap3A_729 = arith.constant 0 : index
    %swap3A_730 = arith.constant 0 : index
    %swap3A_731 = arith.constant 10 : index
    %swap3A_732 = vector.load %arg6[%swap3A_729, %swap3A_730, %swap3A_731] : memref<2x50x32xf32, #tpu.memory_space<vmem>>, vector<1x50x1xf32>
    %swap3A_733 = vector.shape_cast %swap3A_732 : vector<1x50x1xf32> to vector<50x1xf32>
    %swap3A_734 = vector.shape_cast %broadcast_in_dim3A_728 : vector<50x1xf32> to vector<1x50x1xf32>
    tpu.vector_store %arg6[%swap3A_729, %swap3A_730, %swap3A_731], %swap3A_734 {strides = array<i32>} : memref<2x50x32xf32, #tpu.memory_space<vmem>>, vector<1x50x1xf32>,
    %get3A_735 = arith.constant 11 : index
    %get3A_736 = memref.load %arg1[%get3A_735] : memref<64xi32, #tpu.memory_space<smem>>
    %jit3A_737 = arith.constant 128 : i32
    %div3A_738 = arith.divsi %get3A_736, %jit3A_737 : i32
    %sign3A_739 = arith.constant 0 : i32
    %sign3A_740 = arith.cmpi sgt, %get3A_736, %sign3A_739 : i32
    %sign3A_741 = arith.extui %sign3A_740 : i1 to i32
    %sign3A_742 = arith.constant 0 : i32
    %sign3A_743 = arith.cmpi slt, %get3A_736, %sign3A_742 : i32
    %sign3A_744 = arith.extui %sign3A_743 : i1 to i32
    %sign3A_745 = arith.subi %sign3A_741, %sign3A_744 : i32
    %sign3A_746 = arith.constant 0 : i32
    %sign3A_747 = arith.cmpi sgt, %jit3A_737, %sign3A_746 : i32
    %sign3A_748 = arith.extui %sign3A_747 : i1 to i32
    %sign3A_749 = arith.constant 0 : i32
    %sign3A_750 = arith.cmpi slt, %jit3A_737, %sign3A_749 : i32
    %sign3A_751 = arith.extui %sign3A_750 : i1 to i32
    %sign3A_752 = arith.subi %sign3A_748, %sign3A_751 : i32
    %ne3A_753 = arith.cmpi ne, %sign3A_745, %sign3A_752 : i32
    %rem3A_754 = arith.remsi %get3A_736, %jit3A_737 : i32
    %ne3A_755 = arith.constant 0 : i32
    %ne3A_756 = arith.cmpi ne, %rem3A_754, %ne3A_755 : i32
    %and3A_757 = arith.andi %ne3A_753, %ne3A_756 : i1
    %sub3A_758 = arith.constant 1 : i32
    %sub3A_759 = arith.subi %div3A_738, %sub3A_758 : i32
    %select_n3A_760 = arith.select %and3A_757, %sub3A_759, %div3A_738 : i32
    %mul3A_761 = arith.constant 128 : i32
    %mul3A_762 = arith.muli %select_n3A_760, %mul3A_761 : i32
    %get3A_763 = arith.constant 0 : index
    %get3A_764 = arith.index_cast %mul3A_762 : i32 to index
    %get3A_765 = vector.load %arg2[%get3A_763, %get3A_764] : memref<50x50000xf32, #tpu.memory_space<vmem>>, vector<50x128xf32>
    %get3A_766 = arith.constant 0 : index
    %get3A_767 = arith.index_cast %mul3A_762 : i32 to index
    %get3A_768 = vector.load %arg3[%get3A_766, %get3A_767] : memref<50x50000xf32, #tpu.memory_space<vmem>>, vector<50x128xf32>
    %sub3A_769 = arith.subi %get3A_736, %mul3A_762 : i32
    %eq3A_770 = vector.broadcast %sub3A_769 : i32 to vector<50x128xi32>
    %eq3A_771 = arith.cmpi eq, %iota3A, %eq3A_770 : vector<50x128xi32>
    %jit3A_772 = arith.constant 1.44269502 : f32
    %jit3A_773 = arith.constant 0.000000e+00 : f32
    %broadcast_in_dim3A_774 = vector.broadcast %jit3A_772 : f32 to vector<50x128xf32>
    %broadcast_in_dim3A_775 = vector.broadcast %jit3A_773 : f32 to vector<50x128xf32>
    %select_n3A_776 = arith.select %eq3A_771, %broadcast_in_dim3A_774, %broadcast_in_dim3A_775 : vector<50x128xi1>, vector<50x128xf32>
    %add3A_777 = arith.addf %get3A_765, %get3A_768 : vector<50x128xf32>
    %mul3A_778 = arith.mulf %add3A_777, %select_n3A_776 : vector<50x128xf32>
    %reduce_sum3A_779 = arith.constant dense<0.000000e+00> : vector<50xf32>
    %reduce_sum3A_780 = vector.multi_reduction <add>, %mul3A_778, %reduce_sum3A_779 [1] : vector<50x128xf32> to vector<50xf32>
    %broadcast_in_dim3A_781 = vector.shape_cast %reduce_sum3A_780 : vector<50xf32> to vector<50x1xf32>
    %swap3A_782 = arith.constant 0 : index
    %swap3A_783 = arith.constant 0 : index
    %swap3A_784 = arith.constant 11 : index
    %swap3A_785 = vector.load %arg6[%swap3A_782, %swap3A_783, %swap3A_784] : memref<2x50x32xf32, #tpu.memory_space<vmem>>, vector<1x50x1xf32>
    %swap3A_786 = vector.shape_cast %swap3A_785 : vector<1x50x1xf32> to vector<50x1xf32>
    %swap3A_787 = vector.shape_cast %broadcast_in_dim3A_781 : vector<50x1xf32> to vector<1x50x1xf32>
    tpu.vector_store %arg6[%swap3A_782, %swap3A_783, %swap3A_784], %swap3A_787 {strides = array<i32>} : memref<2x50x32xf32, #tpu.memory_space<vmem>>, vector<1x50x1xf32>,
    %get3A_788 = arith.constant 12 : index
    %get3A_789 = memref.load %arg1[%get3A_788] : memref<64xi32, #tpu.memory_space<smem>>
    %jit3A_790 = arith.constant 128 : i32
    %div3A_791 = arith.divsi %get3A_789, %jit3A_790 : i32
    %sign3A_792 = arith.constant 0 : i32
    %sign3A_793 = arith.cmpi sgt, %get3A_789, %sign3A_792 : i32
    %sign3A_794 = arith.extui %sign3A_793 : i1 to i32
    %sign3A_795 = arith.constant 0 : i32
    %sign3A_796 = arith.cmpi slt, %get3A_789, %sign3A_795 : i32
    %sign3A_797 = arith.extui %sign3A_796 : i1 to i32
    %sign3A_798 = arith.subi %sign3A_794, %sign3A_797 : i32
    %sign3A_799 = arith.constant 0 : i32
    %sign3A_800 = arith.cmpi sgt, %jit3A_790, %sign3A_799 : i32
    %sign3A_801 = arith.extui %sign3A_800 : i1 to i32
    %sign3A_802 = arith.constant 0 : i32
    %sign3A_803 = arith.cmpi slt, %jit3A_790, %sign3A_802 : i32
    %sign3A_804 = arith.extui %sign3A_803 : i1 to i32
    %sign3A_805 = arith.subi %sign3A_801, %sign3A_804 : i32
    %ne3A_806 = arith.cmpi ne, %sign3A_798, %sign3A_805 : i32
    %rem3A_807 = arith.remsi %get3A_789, %jit3A_790 : i32
    %ne3A_808 = arith.constant 0 : i32
    %ne3A_809 = arith.cmpi ne, %rem3A_807, %ne3A_808 : i32
    %and3A_810 = arith.andi %ne3A_806, %ne3A_809 : i1
    %sub3A_811 = arith.constant 1 : i32
    %sub3A_812 = arith.subi %div3A_791, %sub3A_811 : i32
    %select_n3A_813 = arith.select %and3A_810, %sub3A_812, %div3A_791 : i32
    %mul3A_814 = arith.constant 128 : i32
    %mul3A_815 = arith.muli %select_n3A_813, %mul3A_814 : i32
    %get3A_816 = arith.constant 0 : index
    %get3A_817 = arith.index_cast %mul3A_815 : i32 to index
    %get3A_818 = vector.load %arg2[%get3A_816, %get3A_817] : memref<50x50000xf32, #tpu.memory_space<vmem>>, vector<50x128xf32>
    %get3A_819 = arith.constant 0 : index
    %get3A_820 = arith.index_cast %mul3A_815 : i32 to index
    %get3A_821 = vector.load %arg3[%get3A_819, %get3A_820] : memref<50x50000xf32, #tpu.memory_space<vmem>>, vector<50x128xf32>
    %sub3A_822 = arith.subi %get3A_789, %mul3A_815 : i32
    %eq3A_823 = vector.broadcast %sub3A_822 : i32 to vector<50x128xi32>
    %eq3A_824 = arith.cmpi eq, %iota3A, %eq3A_823 : vector<50x128xi32>
    %jit3A_825 = arith.constant 1.44269502 : f32
    %jit3A_826 = arith.constant 0.000000e+00 : f32
    %broadcast_in_dim3A_827 = vector.broadcast %jit3A_825 : f32 to vector<50x128xf32>
    %broadcast_in_dim3A_828 = vector.broadcast %jit3A_826 : f32 to vector<50x128xf32>
    %select_n3A_829 = arith.select %eq3A_824, %broadcast_in_dim3A_827, %broadcast_in_dim3A_828 : vector<50x128xi1>, vector<50x128xf32>
    %add3A_830 = arith.addf %get3A_818, %get3A_821 : vector<50x128xf32>
    %mul3A_831 = arith.mulf %add3A_830, %select_n3A_829 : vector<50x128xf32>
    %reduce_sum3A_832 = arith.constant dense<0.000000e+00> : vector<50xf32>
    %reduce_sum3A_833 = vector.multi_reduction <add>, %mul3A_831, %reduce_sum3A_832 [1] : vector<50x128xf32> to vector<50xf32>
    %broadcast_in_dim3A_834 = vector.shape_cast %reduce_sum3A_833 : vector<50xf32> to vector<50x1xf32>
    %swap3A_835 = arith.constant 0 : index
    %swap3A_836 = arith.constant 0 : index
    %swap3A_837 = arith.constant 12 : index
    %swap3A_838 = vector.load %arg6[%swap3A_835, %swap3A_836, %swap3A_837] : memref<2x50x32xf32, #tpu.memory_space<vmem>>, vector<1x50x1xf32>
    %swap3A_839 = vector.shape_cast %swap3A_838 : vector<1x50x1xf32> to vector<50x1xf32>
    %swap3A_840 = vector.shape_cast %broadcast_in_dim3A_834 : vector<50x1xf32> to vector<1x50x1xf32>
    tpu.vector_store %arg6[%swap3A_835, %swap3A_836, %swap3A_837], %swap3A_840 {strides = array<i32>} : memref<2x50x32xf32, #tpu.memory_space<vmem>>, vector<1x50x1xf32>,
    %get3A_841 = arith.constant 13 : index
    %get3A_842 = memref.load %arg1[%get3A_841] : memref<64xi32, #tpu.memory_space<smem>>
    %jit3A_843 = arith.constant 128 : i32
    %div3A_844 = arith.divsi %get3A_842, %jit3A_843 : i32
    %sign3A_845 = arith.constant 0 : i32
    %sign3A_846 = arith.cmpi sgt, %get3A_842, %sign3A_845 : i32
    %sign3A_847 = arith.extui %sign3A_846 : i1 to i32
    %sign3A_848 = arith.constant 0 : i32
    %sign3A_849 = arith.cmpi slt, %get3A_842, %sign3A_848 : i32
    %sign3A_850 = arith.extui %sign3A_849 : i1 to i32
    %sign3A_851 = arith.subi %sign3A_847, %sign3A_850 : i32
    %sign3A_852 = arith.constant 0 : i32
    %sign3A_853 = arith.cmpi sgt, %jit3A_843, %sign3A_852 : i32
    %sign3A_854 = arith.extui %sign3A_853 : i1 to i32
    %sign3A_855 = arith.constant 0 : i32
    %sign3A_856 = arith.cmpi slt, %jit3A_843, %sign3A_855 : i32
    %sign3A_857 = arith.extui %sign3A_856 : i1 to i32
    %sign3A_858 = arith.subi %sign3A_854, %sign3A_857 : i32
    %ne3A_859 = arith.cmpi ne, %sign3A_851, %sign3A_858 : i32
    %rem3A_860 = arith.remsi %get3A_842, %jit3A_843 : i32
    %ne3A_861 = arith.constant 0 : i32
    %ne3A_862 = arith.cmpi ne, %rem3A_860, %ne3A_861 : i32
    %and3A_863 = arith.andi %ne3A_859, %ne3A_862 : i1
    %sub3A_864 = arith.constant 1 : i32
    %sub3A_865 = arith.subi %div3A_844, %sub3A_864 : i32
    %select_n3A_866 = arith.select %and3A_863, %sub3A_865, %div3A_844 : i32
    %mul3A_867 = arith.constant 128 : i32
    %mul3A_868 = arith.muli %select_n3A_866, %mul3A_867 : i32
    %get3A_869 = arith.constant 0 : index
    %get3A_870 = arith.index_cast %mul3A_868 : i32 to index
    %get3A_871 = vector.load %arg2[%get3A_869, %get3A_870] : memref<50x50000xf32, #tpu.memory_space<vmem>>, vector<50x128xf32>
    %get3A_872 = arith.constant 0 : index
    %get3A_873 = arith.index_cast %mul3A_868 : i32 to index
    %get3A_874 = vector.load %arg3[%get3A_872, %get3A_873] : memref<50x50000xf32, #tpu.memory_space<vmem>>, vector<50x128xf32>
    %sub3A_875 = arith.subi %get3A_842, %mul3A_868 : i32
    %eq3A_876 = vector.broadcast %sub3A_875 : i32 to vector<50x128xi32>
    %eq3A_877 = arith.cmpi eq, %iota3A, %eq3A_876 : vector<50x128xi32>
    %jit3A_878 = arith.constant 1.44269502 : f32
    %jit3A_879 = arith.constant 0.000000e+00 : f32
    %broadcast_in_dim3A_880 = vector.broadcast %jit3A_878 : f32 to vector<50x128xf32>
    %broadcast_in_dim3A_881 = vector.broadcast %jit3A_879 : f32 to vector<50x128xf32>
    %select_n3A_882 = arith.select %eq3A_877, %broadcast_in_dim3A_880, %broadcast_in_dim3A_881 : vector<50x128xi1>, vector<50x128xf32>
    %add3A_883 = arith.addf %get3A_871, %get3A_874 : vector<50x128xf32>
    %mul3A_884 = arith.mulf %add3A_883, %select_n3A_882 : vector<50x128xf32>
    %reduce_sum3A_885 = arith.constant dense<0.000000e+00> : vector<50xf32>
    %reduce_sum3A_886 = vector.multi_reduction <add>, %mul3A_884, %reduce_sum3A_885 [1] : vector<50x128xf32> to vector<50xf32>
    %broadcast_in_dim3A_887 = vector.shape_cast %reduce_sum3A_886 : vector<50xf32> to vector<50x1xf32>
    %swap3A_888 = arith.constant 0 : index
    %swap3A_889 = arith.constant 0 : index
    %swap3A_890 = arith.constant 13 : index
    %swap3A_891 = vector.load %arg6[%swap3A_888, %swap3A_889, %swap3A_890] : memref<2x50x32xf32, #tpu.memory_space<vmem>>, vector<1x50x1xf32>
    %swap3A_892 = vector.shape_cast %swap3A_891 : vector<1x50x1xf32> to vector<50x1xf32>
    %swap3A_893 = vector.shape_cast %broadcast_in_dim3A_887 : vector<50x1xf32> to vector<1x50x1xf32>
    tpu.vector_store %arg6[%swap3A_888, %swap3A_889, %swap3A_890], %swap3A_893 {strides = array<i32>} : memref<2x50x32xf32, #tpu.memory_space<vmem>>, vector<1x50x1xf32>,
    %get3A_894 = arith.constant 14 : index
    %get3A_895 = memref.load %arg1[%get3A_894] : memref<64xi32, #tpu.memory_space<smem>>
    %jit3A_896 = arith.constant 128 : i32
    %div3A_897 = arith.divsi %get3A_895, %jit3A_896 : i32
    %sign3A_898 = arith.constant 0 : i32
    %sign3A_899 = arith.cmpi sgt, %get3A_895, %sign3A_898 : i32
    %sign3A_900 = arith.extui %sign3A_899 : i1 to i32
    %sign3A_901 = arith.constant 0 : i32
    %sign3A_902 = arith.cmpi slt, %get3A_895, %sign3A_901 : i32
    %sign3A_903 = arith.extui %sign3A_902 : i1 to i32
    %sign3A_904 = arith.subi %sign3A_900, %sign3A_903 : i32
    %sign3A_905 = arith.constant 0 : i32
    %sign3A_906 = arith.cmpi sgt, %jit3A_896, %sign3A_905 : i32
    %sign3A_907 = arith.extui %sign3A_906 : i1 to i32
    %sign3A_908 = arith.constant 0 : i32
    %sign3A_909 = arith.cmpi slt, %jit3A_896, %sign3A_908 : i32
    %sign3A_910 = arith.extui %sign3A_909 : i1 to i32
    %sign3A_911 = arith.subi %sign3A_907, %sign3A_910 : i32
    %ne3A_912 = arith.cmpi ne, %sign3A_904, %sign3A_911 : i32
    %rem3A_913 = arith.remsi %get3A_895, %jit3A_896 : i32
    %ne3A_914 = arith.constant 0 : i32
    %ne3A_915 = arith.cmpi ne, %rem3A_913, %ne3A_914 : i32
    %and3A_916 = arith.andi %ne3A_912, %ne3A_915 : i1
    %sub3A_917 = arith.constant 1 : i32
    %sub3A_918 = arith.subi %div3A_897, %sub3A_917 : i32
    %select_n3A_919 = arith.select %and3A_916, %sub3A_918, %div3A_897 : i32
    %mul3A_920 = arith.constant 128 : i32
    %mul3A_921 = arith.muli %select_n3A_919, %mul3A_920 : i32
    %get3A_922 = arith.constant 0 : index
    %get3A_923 = arith.index_cast %mul3A_921 : i32 to index
    %get3A_924 = vector.load %arg2[%get3A_922, %get3A_923] : memref<50x50000xf32, #tpu.memory_space<vmem>>, vector<50x128xf32>
    %get3A_925 = arith.constant 0 : index
    %get3A_926 = arith.index_cast %mul3A_921 : i32 to index
    %get3A_927 = vector.load %arg3[%get3A_925, %get3A_926] : memref<50x50000xf32, #tpu.memory_space<vmem>>, vector<50x128xf32>
    %sub3A_928 = arith.subi %get3A_895, %mul3A_921 : i32
    %eq3A_929 = vector.broadcast %sub3A_928 : i32 to vector<50x128xi32>
    %eq3A_930 = arith.cmpi eq, %iota3A, %eq3A_929 : vector<50x128xi32>
    %jit3A_931 = arith.constant 1.44269502 : f32
    %jit3A_932 = arith.constant 0.000000e+00 : f32
    %broadcast_in_dim3A_933 = vector.broadcast %jit3A_931 : f32 to vector<50x128xf32>
    %broadcast_in_dim3A_934 = vector.broadcast %jit3A_932 : f32 to vector<50x128xf32>
    %select_n3A_935 = arith.select %eq3A_930, %broadcast_in_dim3A_933, %broadcast_in_dim3A_934 : vector<50x128xi1>, vector<50x128xf32>
    %add3A_936 = arith.addf %get3A_924, %get3A_927 : vector<50x128xf32>
    %mul3A_937 = arith.mulf %add3A_936, %select_n3A_935 : vector<50x128xf32>
    %reduce_sum3A_938 = arith.constant dense<0.000000e+00> : vector<50xf32>
    %reduce_sum3A_939 = vector.multi_reduction <add>, %mul3A_937, %reduce_sum3A_938 [1] : vector<50x128xf32> to vector<50xf32>
    %broadcast_in_dim3A_940 = vector.shape_cast %reduce_sum3A_939 : vector<50xf32> to vector<50x1xf32>
    %swap3A_941 = arith.constant 0 : index
    %swap3A_942 = arith.constant 0 : index
    %swap3A_943 = arith.constant 14 : index
    %swap3A_944 = vector.load %arg6[%swap3A_941, %swap3A_942, %swap3A_943] : memref<2x50x32xf32, #tpu.memory_space<vmem>>, vector<1x50x1xf32>
    %swap3A_945 = vector.shape_cast %swap3A_944 : vector<1x50x1xf32> to vector<50x1xf32>
    %swap3A_946 = vector.shape_cast %broadcast_in_dim3A_940 : vector<50x1xf32> to vector<1x50x1xf32>
    tpu.vector_store %arg6[%swap3A_941, %swap3A_942, %swap3A_943], %swap3A_946 {strides = array<i32>} : memref<2x50x32xf32, #tpu.memory_space<vmem>>, vector<1x50x1xf32>,
    %get3A_947 = arith.constant 15 : index
    %get3A_948 = memref.load %arg1[%get3A_947] : memref<64xi32, #tpu.memory_space<smem>>
    %jit3A_949 = arith.constant 128 : i32
    %div3A_950 = arith.divsi %get3A_948, %jit3A_949 : i32
    %sign3A_951 = arith.constant 0 : i32
    %sign3A_952 = arith.cmpi sgt, %get3A_948, %sign3A_951 : i32
    %sign3A_953 = arith.extui %sign3A_952 : i1 to i32
    %sign3A_954 = arith.constant 0 : i32
    %sign3A_955 = arith.cmpi slt, %get3A_948, %sign3A_954 : i32
    %sign3A_956 = arith.extui %sign3A_955 : i1 to i32
    %sign3A_957 = arith.subi %sign3A_953, %sign3A_956 : i32
    %sign3A_958 = arith.constant 0 : i32
    %sign3A_959 = arith.cmpi sgt, %jit3A_949, %sign3A_958 : i32
    %sign3A_960 = arith.extui %sign3A_959 : i1 to i32
    %sign3A_961 = arith.constant 0 : i32
    %sign3A_962 = arith.cmpi slt, %jit3A_949, %sign3A_961 : i32
    %sign3A_963 = arith.extui %sign3A_962 : i1 to i32
    %sign3A_964 = arith.subi %sign3A_960, %sign3A_963 : i32
    %ne3A_965 = arith.cmpi ne, %sign3A_957, %sign3A_964 : i32
    %rem3A_966 = arith.remsi %get3A_948, %jit3A_949 : i32
    %ne3A_967 = arith.constant 0 : i32
    %ne3A_968 = arith.cmpi ne, %rem3A_966, %ne3A_967 : i32
    %and3A_969 = arith.andi %ne3A_965, %ne3A_968 : i1
    %sub3A_970 = arith.constant 1 : i32
    %sub3A_971 = arith.subi %div3A_950, %sub3A_970 : i32
    %select_n3A_972 = arith.select %and3A_969, %sub3A_971, %div3A_950 : i32
    %mul3A_973 = arith.constant 128 : i32
    %mul3A_974 = arith.muli %select_n3A_972, %mul3A_973 : i32
    %get3A_975 = arith.constant 0 : index
    %get3A_976 = arith.index_cast %mul3A_974 : i32 to index
    %get3A_977 = vector.load %arg2[%get3A_975, %get3A_976] : memref<50x50000xf32, #tpu.memory_space<vmem>>, vector<50x128xf32>
    %get3A_978 = arith.constant 0 : index
    %get3A_979 = arith.index_cast %mul3A_974 : i32 to index
    %get3A_980 = vector.load %arg3[%get3A_978, %get3A_979] : memref<50x50000xf32, #tpu.memory_space<vmem>>, vector<50x128xf32>
    %sub3A_981 = arith.subi %get3A_948, %mul3A_974 : i32
    %eq3A_982 = vector.broadcast %sub3A_981 : i32 to vector<50x128xi32>
    %eq3A_983 = arith.cmpi eq, %iota3A, %eq3A_982 : vector<50x128xi32>
    %jit3A_984 = arith.constant 1.44269502 : f32
    %jit3A_985 = arith.constant 0.000000e+00 : f32
    %broadcast_in_dim3A_986 = vector.broadcast %jit3A_984 : f32 to vector<50x128xf32>
    %broadcast_in_dim3A_987 = vector.broadcast %jit3A_985 : f32 to vector<50x128xf32>
    %select_n3A_988 = arith.select %eq3A_983, %broadcast_in_dim3A_986, %broadcast_in_dim3A_987 : vector<50x128xi1>, vector<50x128xf32>
    %add3A_989 = arith.addf %get3A_977, %get3A_980 : vector<50x128xf32>
    %mul3A_990 = arith.mulf %add3A_989, %select_n3A_988 : vector<50x128xf32>
    %reduce_sum3A_991 = arith.constant dense<0.000000e+00> : vector<50xf32>
    %reduce_sum3A_992 = vector.multi_reduction <add>, %mul3A_990, %reduce_sum3A_991 [1] : vector<50x128xf32> to vector<50xf32>
    %broadcast_in_dim3A_993 = vector.shape_cast %reduce_sum3A_992 : vector<50xf32> to vector<50x1xf32>
    %swap3A_994 = arith.constant 0 : index
    %swap3A_995 = arith.constant 0 : index
    %swap3A_996 = arith.constant 15 : index
    %swap3A_997 = vector.load %arg6[%swap3A_994, %swap3A_995, %swap3A_996] : memref<2x50x32xf32, #tpu.memory_space<vmem>>, vector<1x50x1xf32>
    %swap3A_998 = vector.shape_cast %swap3A_997 : vector<1x50x1xf32> to vector<50x1xf32>
    %swap3A_999 = vector.shape_cast %broadcast_in_dim3A_993 : vector<50x1xf32> to vector<1x50x1xf32>
    tpu.vector_store %arg6[%swap3A_994, %swap3A_995, %swap3A_996], %swap3A_999 {strides = array<i32>} : memref<2x50x32xf32, #tpu.memory_space<vmem>>, vector<1x50x1xf32>,
    %get3A_1000 = arith.constant 16 : index
    %get3A_1001 = memref.load %arg1[%get3A_1000] : memref<64xi32, #tpu.memory_space<smem>>
    %jit3A_1002 = arith.constant 128 : i32
    %div3A_1003 = arith.divsi %get3A_1001, %jit3A_1002 : i32
    %sign3A_1004 = arith.constant 0 : i32
    %sign3A_1005 = arith.cmpi sgt, %get3A_1001, %sign3A_1004 : i32
    %sign3A_1006 = arith.extui %sign3A_1005 : i1 to i32
    %sign3A_1007 = arith.constant 0 : i32
    %sign3A_1008 = arith.cmpi slt, %get3A_1001, %sign3A_1007 : i32
    %sign3A_1009 = arith.extui %sign3A_1008 : i1 to i32
    %sign3A_1010 = arith.subi %sign3A_1006, %sign3A_1009 : i32
    %sign3A_1011 = arith.constant 0 : i32
    %sign3A_1012 = arith.cmpi sgt, %jit3A_1002, %sign3A_1011 : i32
    %sign3A_1013 = arith.extui %sign3A_1012 : i1 to i32
    %sign3A_1014 = arith.constant 0 : i32
    %sign3A_1015 = arith.cmpi slt, %jit3A_1002, %sign3A_1014 : i32
    %sign3A_1016 = arith.extui %sign3A_1015 : i1 to i32
    %sign3A_1017 = arith.subi %sign3A_1013, %sign3A_1016 : i32
    %ne3A_1018 = arith.cmpi ne, %sign3A_1010, %sign3A_1017 : i32
    %rem3A_1019 = arith.remsi %get3A_1001, %jit3A_1002 : i32
    %ne3A_1020 = arith.constant 0 : i32
    %ne3A_1021 = arith.cmpi ne, %rem3A_1019, %ne3A_1020 : i32
    %and3A_1022 = arith.andi %ne3A_1018, %ne3A_1021 : i1
    %sub3A_1023 = arith.constant 1 : i32
    %sub3A_1024 = arith.subi %div3A_1003, %sub3A_1023 : i32
    %select_n3A_1025 = arith.select %and3A_1022, %sub3A_1024, %div3A_1003 : i32
    %mul3A_1026 = arith.constant 128 : i32
    %mul3A_1027 = arith.muli %select_n3A_1025, %mul3A_1026 : i32
    %get3A_1028 = arith.constant 0 : index
    %get3A_1029 = arith.index_cast %mul3A_1027 : i32 to index
    %get3A_1030 = vector.load %arg2[%get3A_1028, %get3A_1029] : memref<50x50000xf32, #tpu.memory_space<vmem>>, vector<50x128xf32>
    %get3A_1031 = arith.constant 0 : index
    %get3A_1032 = arith.index_cast %mul3A_1027 : i32 to index
    %get3A_1033 = vector.load %arg3[%get3A_1031, %get3A_1032] : memref<50x50000xf32, #tpu.memory_space<vmem>>, vector<50x128xf32>
    %sub3A_1034 = arith.subi %get3A_1001, %mul3A_1027 : i32
    %eq3A_1035 = vector.broadcast %sub3A_1034 : i32 to vector<50x128xi32>
    %eq3A_1036 = arith.cmpi eq, %iota3A, %eq3A_1035 : vector<50x128xi32>
    %jit3A_1037 = arith.constant 1.44269502 : f32
    %jit3A_1038 = arith.constant 0.000000e+00 : f32
    %broadcast_in_dim3A_1039 = vector.broadcast %jit3A_1037 : f32 to vector<50x128xf32>
    %broadcast_in_dim3A_1040 = vector.broadcast %jit3A_1038 : f32 to vector<50x128xf32>
    %select_n3A_1041 = arith.select %eq3A_1036, %broadcast_in_dim3A_1039, %broadcast_in_dim3A_1040 : vector<50x128xi1>, vector<50x128xf32>
    %add3A_1042 = arith.addf %get3A_1030, %get3A_1033 : vector<50x128xf32>
    %mul3A_1043 = arith.mulf %add3A_1042, %select_n3A_1041 : vector<50x128xf32>
    %reduce_sum3A_1044 = arith.constant dense<0.000000e+00> : vector<50xf32>
    %reduce_sum3A_1045 = vector.multi_reduction <add>, %mul3A_1043, %reduce_sum3A_1044 [1] : vector<50x128xf32> to vector<50xf32>
    %broadcast_in_dim3A_1046 = vector.shape_cast %reduce_sum3A_1045 : vector<50xf32> to vector<50x1xf32>
    %swap3A_1047 = arith.constant 0 : index
    %swap3A_1048 = arith.constant 0 : index
    %swap3A_1049 = arith.constant 16 : index
    %swap3A_1050 = vector.load %arg6[%swap3A_1047, %swap3A_1048, %swap3A_1049] : memref<2x50x32xf32, #tpu.memory_space<vmem>>, vector<1x50x1xf32>
    %swap3A_1051 = vector.shape_cast %swap3A_1050 : vector<1x50x1xf32> to vector<50x1xf32>
    %swap3A_1052 = vector.shape_cast %broadcast_in_dim3A_1046 : vector<50x1xf32> to vector<1x50x1xf32>
    tpu.vector_store %arg6[%swap3A_1047, %swap3A_1048, %swap3A_1049], %swap3A_1052 {strides = array<i32>} : memref<2x50x32xf32, #tpu.memory_space<vmem>>, vector<1x50x1xf32>,
    %get3A_1053 = arith.constant 17 : index
    %get3A_1054 = memref.load %arg1[%get3A_1053] : memref<64xi32, #tpu.memory_space<smem>>
    %jit3A_1055 = arith.constant 128 : i32
    %div3A_1056 = arith.divsi %get3A_1054, %jit3A_1055 : i32
    %sign3A_1057 = arith.constant 0 : i32
    %sign3A_1058 = arith.cmpi sgt, %get3A_1054, %sign3A_1057 : i32
    %sign3A_1059 = arith.extui %sign3A_1058 : i1 to i32
    %sign3A_1060 = arith.constant 0 : i32
    %sign3A_1061 = arith.cmpi slt, %get3A_1054, %sign3A_1060 : i32
    %sign3A_1062 = arith.extui %sign3A_1061 : i1 to i32
    %sign3A_1063 = arith.subi %sign3A_1059, %sign3A_1062 : i32
    %sign3A_1064 = arith.constant 0 : i32
    %sign3A_1065 = arith.cmpi sgt, %jit3A_1055, %sign3A_1064 : i32
    %sign3A_1066 = arith.extui %sign3A_1065 : i1 to i32
    %sign3A_1067 = arith.constant 0 : i32
    %sign3A_1068 = arith.cmpi slt, %jit3A_1055, %sign3A_1067 : i32
    %sign3A_1069 = arith.extui %sign3A_1068 : i1 to i32
    %sign3A_1070 = arith.subi %sign3A_1066, %sign3A_1069 : i32
    %ne3A_1071 = arith.cmpi ne, %sign3A_1063, %sign3A_1070 : i32
    %rem3A_1072 = arith.remsi %get3A_1054, %jit3A_1055 : i32
    %ne3A_1073 = arith.constant 0 : i32
    %ne3A_1074 = arith.cmpi ne, %rem3A_1072, %ne3A_1073 : i32
    %and3A_1075 = arith.andi %ne3A_1071, %ne3A_1074 : i1
    %sub3A_1076 = arith.constant 1 : i32
    %sub3A_1077 = arith.subi %div3A_1056, %sub3A_1076 : i32
    %select_n3A_1078 = arith.select %and3A_1075, %sub3A_1077, %div3A_1056 : i32
    %mul3A_1079 = arith.constant 128 : i32
    %mul3A_1080 = arith.muli %select_n3A_1078, %mul3A_1079 : i32
    %get3A_1081 = arith.constant 0 : index
    %get3A_1082 = arith.index_cast %mul3A_1080 : i32 to index
    %get3A_1083 = vector.load %arg2[%get3A_1081, %get3A_1082] : memref<50x50000xf32, #tpu.memory_space<vmem>>, vector<50x128xf32>
    %get3A_1084 = arith.constant 0 : index
    %get3A_1085 = arith.index_cast %mul3A_1080 : i32 to index
    %get3A_1086 = vector.load %arg3[%get3A_1084, %get3A_1085] : memref<50x50000xf32, #tpu.memory_space<vmem>>, vector<50x128xf32>
    %sub3A_1087 = arith.subi %get3A_1054, %mul3A_1080 : i32
    %eq3A_1088 = vector.broadcast %sub3A_1087 : i32 to vector<50x128xi32>
    %eq3A_1089 = arith.cmpi eq, %iota3A, %eq3A_1088 : vector<50x128xi32>
    %jit3A_1090 = arith.constant 1.44269502 : f32
    %jit3A_1091 = arith.constant 0.000000e+00 : f32
    %broadcast_in_dim3A_1092 = vector.broadcast %jit3A_1090 : f32 to vector<50x128xf32>
    %broadcast_in_dim3A_1093 = vector.broadcast %jit3A_1091 : f32 to vector<50x128xf32>
    %select_n3A_1094 = arith.select %eq3A_1089, %broadcast_in_dim3A_1092, %broadcast_in_dim3A_1093 : vector<50x128xi1>, vector<50x128xf32>
    %add3A_1095 = arith.addf %get3A_1083, %get3A_1086 : vector<50x128xf32>
    %mul3A_1096 = arith.mulf %add3A_1095, %select_n3A_1094 : vector<50x128xf32>
    %reduce_sum3A_1097 = arith.constant dense<0.000000e+00> : vector<50xf32>
    %reduce_sum3A_1098 = vector.multi_reduction <add>, %mul3A_1096, %reduce_sum3A_1097 [1] : vector<50x128xf32> to vector<50xf32>
    %broadcast_in_dim3A_1099 = vector.shape_cast %reduce_sum3A_1098 : vector<50xf32> to vector<50x1xf32>
    %swap3A_1100 = arith.constant 0 : index
    %swap3A_1101 = arith.constant 0 : index
    %swap3A_1102 = arith.constant 17 : index
    %swap3A_1103 = vector.load %arg6[%swap3A_1100, %swap3A_1101, %swap3A_1102] : memref<2x50x32xf32, #tpu.memory_space<vmem>>, vector<1x50x1xf32>
    %swap3A_1104 = vector.shape_cast %swap3A_1103 : vector<1x50x1xf32> to vector<50x1xf32>
    %swap3A_1105 = vector.shape_cast %broadcast_in_dim3A_1099 : vector<50x1xf32> to vector<1x50x1xf32>
    tpu.vector_store %arg6[%swap3A_1100, %swap3A_1101, %swap3A_1102], %swap3A_1105 {strides = array<i32>} : memref<2x50x32xf32, #tpu.memory_space<vmem>>, vector<1x50x1xf32>,
    %get3A_1106 = arith.constant 18 : index
    %get3A_1107 = memref.load %arg1[%get3A_1106] : memref<64xi32, #tpu.memory_space<smem>>
    %jit3A_1108 = arith.constant 128 : i32
    %div3A_1109 = arith.divsi %get3A_1107, %jit3A_1108 : i32
    %sign3A_1110 = arith.constant 0 : i32
    %sign3A_1111 = arith.cmpi sgt, %get3A_1107, %sign3A_1110 : i32
    %sign3A_1112 = arith.extui %sign3A_1111 : i1 to i32
    %sign3A_1113 = arith.constant 0 : i32
    %sign3A_1114 = arith.cmpi slt, %get3A_1107, %sign3A_1113 : i32
    %sign3A_1115 = arith.extui %sign3A_1114 : i1 to i32
    %sign3A_1116 = arith.subi %sign3A_1112, %sign3A_1115 : i32
    %sign3A_1117 = arith.constant 0 : i32
    %sign3A_1118 = arith.cmpi sgt, %jit3A_1108, %sign3A_1117 : i32
    %sign3A_1119 = arith.extui %sign3A_1118 : i1 to i32
    %sign3A_1120 = arith.constant 0 : i32
    %sign3A_1121 = arith.cmpi slt, %jit3A_1108, %sign3A_1120 : i32
    %sign3A_1122 = arith.extui %sign3A_1121 : i1 to i32
    %sign3A_1123 = arith.subi %sign3A_1119, %sign3A_1122 : i32
    %ne3A_1124 = arith.cmpi ne, %sign3A_1116, %sign3A_1123 : i32
    %rem3A_1125 = arith.remsi %get3A_1107, %jit3A_1108 : i32
    %ne3A_1126 = arith.constant 0 : i32
    %ne3A_1127 = arith.cmpi ne, %rem3A_1125, %ne3A_1126 : i32
    %and3A_1128 = arith.andi %ne3A_1124, %ne3A_1127 : i1
    %sub3A_1129 = arith.constant 1 : i32
    %sub3A_1130 = arith.subi %div3A_1109, %sub3A_1129 : i32
    %select_n3A_1131 = arith.select %and3A_1128, %sub3A_1130, %div3A_1109 : i32
    %mul3A_1132 = arith.constant 128 : i32
    %mul3A_1133 = arith.muli %select_n3A_1131, %mul3A_1132 : i32
    %get3A_1134 = arith.constant 0 : index
    %get3A_1135 = arith.index_cast %mul3A_1133 : i32 to index
    %get3A_1136 = vector.load %arg2[%get3A_1134, %get3A_1135] : memref<50x50000xf32, #tpu.memory_space<vmem>>, vector<50x128xf32>
    %get3A_1137 = arith.constant 0 : index
    %get3A_1138 = arith.index_cast %mul3A_1133 : i32 to index
    %get3A_1139 = vector.load %arg3[%get3A_1137, %get3A_1138] : memref<50x50000xf32, #tpu.memory_space<vmem>>, vector<50x128xf32>
    %sub3A_1140 = arith.subi %get3A_1107, %mul3A_1133 : i32
    %eq3A_1141 = vector.broadcast %sub3A_1140 : i32 to vector<50x128xi32>
    %eq3A_1142 = arith.cmpi eq, %iota3A, %eq3A_1141 : vector<50x128xi32>
    %jit3A_1143 = arith.constant 1.44269502 : f32
    %jit3A_1144 = arith.constant 0.000000e+00 : f32
    %broadcast_in_dim3A_1145 = vector.broadcast %jit3A_1143 : f32 to vector<50x128xf32>
    %broadcast_in_dim3A_1146 = vector.broadcast %jit3A_1144 : f32 to vector<50x128xf32>
    %select_n3A_1147 = arith.select %eq3A_1142, %broadcast_in_dim3A_1145, %broadcast_in_dim3A_1146 : vector<50x128xi1>, vector<50x128xf32>
    %add3A_1148 = arith.addf %get3A_1136, %get3A_1139 : vector<50x128xf32>
    %mul3A_1149 = arith.mulf %add3A_1148, %select_n3A_1147 : vector<50x128xf32>
    %reduce_sum3A_1150 = arith.constant dense<0.000000e+00> : vector<50xf32>
    %reduce_sum3A_1151 = vector.multi_reduction <add>, %mul3A_1149, %reduce_sum3A_1150 [1] : vector<50x128xf32> to vector<50xf32>
    %broadcast_in_dim3A_1152 = vector.shape_cast %reduce_sum3A_1151 : vector<50xf32> to vector<50x1xf32>
    %swap3A_1153 = arith.constant 0 : index
    %swap3A_1154 = arith.constant 0 : index
    %swap3A_1155 = arith.constant 18 : index
    %swap3A_1156 = vector.load %arg6[%swap3A_1153, %swap3A_1154, %swap3A_1155] : memref<2x50x32xf32, #tpu.memory_space<vmem>>, vector<1x50x1xf32>
    %swap3A_1157 = vector.shape_cast %swap3A_1156 : vector<1x50x1xf32> to vector<50x1xf32>
    %swap3A_1158 = vector.shape_cast %broadcast_in_dim3A_1152 : vector<50x1xf32> to vector<1x50x1xf32>
    tpu.vector_store %arg6[%swap3A_1153, %swap3A_1154, %swap3A_1155], %swap3A_1158 {strides = array<i32>} : memref<2x50x32xf32, #tpu.memory_space<vmem>>, vector<1x50x1xf32>,
    %get3A_1159 = arith.constant 19 : index
    %get3A_1160 = memref.load %arg1[%get3A_1159] : memref<64xi32, #tpu.memory_space<smem>>
    %jit3A_1161 = arith.constant 128 : i32
    %div3A_1162 = arith.divsi %get3A_1160, %jit3A_1161 : i32
    %sign3A_1163 = arith.constant 0 : i32
    %sign3A_1164 = arith.cmpi sgt, %get3A_1160, %sign3A_1163 : i32
    %sign3A_1165 = arith.extui %sign3A_1164 : i1 to i32
    %sign3A_1166 = arith.constant 0 : i32
    %sign3A_1167 = arith.cmpi slt, %get3A_1160, %sign3A_1166 : i32
    %sign3A_1168 = arith.extui %sign3A_1167 : i1 to i32
    %sign3A_1169 = arith.subi %sign3A_1165, %sign3A_1168 : i32
    %sign3A_1170 = arith.constant 0 : i32
    %sign3A_1171 = arith.cmpi sgt, %jit3A_1161, %sign3A_1170 : i32
    %sign3A_1172 = arith.extui %sign3A_1171 : i1 to i32
    %sign3A_1173 = arith.constant 0 : i32
    %sign3A_1174 = arith.cmpi slt, %jit3A_1161, %sign3A_1173 : i32
    %sign3A_1175 = arith.extui %sign3A_1174 : i1 to i32
    %sign3A_1176 = arith.subi %sign3A_1172, %sign3A_1175 : i32
    %ne3A_1177 = arith.cmpi ne, %sign3A_1169, %sign3A_1176 : i32
    %rem3A_1178 = arith.remsi %get3A_1160, %jit3A_1161 : i32
    %ne3A_1179 = arith.constant 0 : i32
    %ne3A_1180 = arith.cmpi ne, %rem3A_1178, %ne3A_1179 : i32
    %and3A_1181 = arith.andi %ne3A_1177, %ne3A_1180 : i1
    %sub3A_1182 = arith.constant 1 : i32
    %sub3A_1183 = arith.subi %div3A_1162, %sub3A_1182 : i32
    %select_n3A_1184 = arith.select %and3A_1181, %sub3A_1183, %div3A_1162 : i32
    %mul3A_1185 = arith.constant 128 : i32
    %mul3A_1186 = arith.muli %select_n3A_1184, %mul3A_1185 : i32
    %get3A_1187 = arith.constant 0 : index
    %get3A_1188 = arith.index_cast %mul3A_1186 : i32 to index
    %get3A_1189 = vector.load %arg2[%get3A_1187, %get3A_1188] : memref<50x50000xf32, #tpu.memory_space<vmem>>, vector<50x128xf32>
    %get3A_1190 = arith.constant 0 : index
    %get3A_1191 = arith.index_cast %mul3A_1186 : i32 to index
    %get3A_1192 = vector.load %arg3[%get3A_1190, %get3A_1191] : memref<50x50000xf32, #tpu.memory_space<vmem>>, vector<50x128xf32>
    %sub3A_1193 = arith.subi %get3A_1160, %mul3A_1186 : i32
    %eq3A_1194 = vector.broadcast %sub3A_1193 : i32 to vector<50x128xi32>
    %eq3A_1195 = arith.cmpi eq, %iota3A, %eq3A_1194 : vector<50x128xi32>
    %jit3A_1196 = arith.constant 1.44269502 : f32
    %jit3A_1197 = arith.constant 0.000000e+00 : f32
    %broadcast_in_dim3A_1198 = vector.broadcast %jit3A_1196 : f32 to vector<50x128xf32>
    %broadcast_in_dim3A_1199 = vector.broadcast %jit3A_1197 : f32 to vector<50x128xf32>
    %select_n3A_1200 = arith.select %eq3A_1195, %broadcast_in_dim3A_1198, %broadcast_in_dim3A_1199 : vector<50x128xi1>, vector<50x128xf32>
    %add3A_1201 = arith.addf %get3A_1189, %get3A_1192 : vector<50x128xf32>
    %mul3A_1202 = arith.mulf %add3A_1201, %select_n3A_1200 : vector<50x128xf32>
    %reduce_sum3A_1203 = arith.constant dense<0.000000e+00> : vector<50xf32>
    %reduce_sum3A_1204 = vector.multi_reduction <add>, %mul3A_1202, %reduce_sum3A_1203 [1] : vector<50x128xf32> to vector<50xf32>
    %broadcast_in_dim3A_1205 = vector.shape_cast %reduce_sum3A_1204 : vector<50xf32> to vector<50x1xf32>
    %swap3A_1206 = arith.constant 0 : index
    %swap3A_1207 = arith.constant 0 : index
    %swap3A_1208 = arith.constant 19 : index
    %swap3A_1209 = vector.load %arg6[%swap3A_1206, %swap3A_1207, %swap3A_1208] : memref<2x50x32xf32, #tpu.memory_space<vmem>>, vector<1x50x1xf32>
    %swap3A_1210 = vector.shape_cast %swap3A_1209 : vector<1x50x1xf32> to vector<50x1xf32>
    %swap3A_1211 = vector.shape_cast %broadcast_in_dim3A_1205 : vector<50x1xf32> to vector<1x50x1xf32>
    tpu.vector_store %arg6[%swap3A_1206, %swap3A_1207, %swap3A_1208], %swap3A_1211 {strides = array<i32>} : memref<2x50x32xf32, #tpu.memory_space<vmem>>, vector<1x50x1xf32>,
    %get3A_1212 = arith.constant 20 : index
    %get3A_1213 = memref.load %arg1[%get3A_1212] : memref<64xi32, #tpu.memory_space<smem>>
    %jit3A_1214 = arith.constant 128 : i32
    %div3A_1215 = arith.divsi %get3A_1213, %jit3A_1214 : i32
    %sign3A_1216 = arith.constant 0 : i32
    %sign3A_1217 = arith.cmpi sgt, %get3A_1213, %sign3A_1216 : i32
    %sign3A_1218 = arith.extui %sign3A_1217 : i1 to i32
    %sign3A_1219 = arith.constant 0 : i32
    %sign3A_1220 = arith.cmpi slt, %get3A_1213, %sign3A_1219 : i32
    %sign3A_1221 = arith.extui %sign3A_1220 : i1 to i32
    %sign3A_1222 = arith.subi %sign3A_1218, %sign3A_1221 : i32
    %sign3A_1223 = arith.constant 0 : i32
    %sign3A_1224 = arith.cmpi sgt, %jit3A_1214, %sign3A_1223 : i32
    %sign3A_1225 = arith.extui %sign3A_1224 : i1 to i32
    %sign3A_1226 = arith.constant 0 : i32
    %sign3A_1227 = arith.cmpi slt, %jit3A_1214, %sign3A_1226 : i32
    %sign3A_1228 = arith.extui %sign3A_1227 : i1 to i32
    %sign3A_1229 = arith.subi %sign3A_1225, %sign3A_1228 : i32
    %ne3A_1230 = arith.cmpi ne, %sign3A_1222, %sign3A_1229 : i32
    %rem3A_1231 = arith.remsi %get3A_1213, %jit3A_1214 : i32
    %ne3A_1232 = arith.constant 0 : i32
    %ne3A_1233 = arith.cmpi ne, %rem3A_1231, %ne3A_1232 : i32
    %and3A_1234 = arith.andi %ne3A_1230, %ne3A_1233 : i1
    %sub3A_1235 = arith.constant 1 : i32
    %sub3A_1236 = arith.subi %div3A_1215, %sub3A_1235 : i32
    %select_n3A_1237 = arith.select %and3A_1234, %sub3A_1236, %div3A_1215 : i32
    %mul3A_1238 = arith.constant 128 : i32
    %mul3A_1239 = arith.muli %select_n3A_1237, %mul3A_1238 : i32
    %get3A_1240 = arith.constant 0 : index
    %get3A_1241 = arith.index_cast %mul3A_1239 : i32 to index
    %get3A_1242 = vector.load %arg2[%get3A_1240, %get3A_1241] : memref<50x50000xf32, #tpu.memory_space<vmem>>, vector<50x128xf32>
    %get3A_1243 = arith.constant 0 : index
    %get3A_1244 = arith.index_cast %mul3A_1239 : i32 to index
    %get3A_1245 = vector.load %arg3[%get3A_1243, %get3A_1244] : memref<50x50000xf32, #tpu.memory_space<vmem>>, vector<50x128xf32>
    %sub3A_1246 = arith.subi %get3A_1213, %mul3A_1239 : i32
    %eq3A_1247 = vector.broadcast %sub3A_1246 : i32 to vector<50x128xi32>
    %eq3A_1248 = arith.cmpi eq, %iota3A, %eq3A_1247 : vector<50x128xi32>
    %jit3A_1249 = arith.constant 1.44269502 : f32
    %jit3A_1250 = arith.constant 0.000000e+00 : f32
    %broadcast_in_dim3A_1251 = vector.broadcast %jit3A_1249 : f32 to vector<50x128xf32>
    %broadcast_in_dim3A_1252 = vector.broadcast %jit3A_1250 : f32 to vector<50x128xf32>
    %select_n3A_1253 = arith.select %eq3A_1248, %broadcast_in_dim3A_1251, %broadcast_in_dim3A_1252 : vector<50x128xi1>, vector<50x128xf32>
    %add3A_1254 = arith.addf %get3A_1242, %get3A_1245 : vector<50x128xf32>
    %mul3A_1255 = arith.mulf %add3A_1254, %select_n3A_1253 : vector<50x128xf32>
    %reduce_sum3A_1256 = arith.constant dense<0.000000e+00> : vector<50xf32>
    %reduce_sum3A_1257 = vector.multi_reduction <add>, %mul3A_1255, %reduce_sum3A_1256 [1] : vector<50x128xf32> to vector<50xf32>
    %broadcast_in_dim3A_1258 = vector.shape_cast %reduce_sum3A_1257 : vector<50xf32> to vector<50x1xf32>
    %swap3A_1259 = arith.constant 0 : index
    %swap3A_1260 = arith.constant 0 : index
    %swap3A_1261 = arith.constant 20 : index
    %swap3A_1262 = vector.load %arg6[%swap3A_1259, %swap3A_1260, %swap3A_1261] : memref<2x50x32xf32, #tpu.memory_space<vmem>>, vector<1x50x1xf32>
    %swap3A_1263 = vector.shape_cast %swap3A_1262 : vector<1x50x1xf32> to vector<50x1xf32>
    %swap3A_1264 = vector.shape_cast %broadcast_in_dim3A_1258 : vector<50x1xf32> to vector<1x50x1xf32>
    tpu.vector_store %arg6[%swap3A_1259, %swap3A_1260, %swap3A_1261], %swap3A_1264 {strides = array<i32>} : memref<2x50x32xf32, #tpu.memory_space<vmem>>, vector<1x50x1xf32>,
    %get3A_1265 = arith.constant 21 : index
    %get3A_1266 = memref.load %arg1[%get3A_1265] : memref<64xi32, #tpu.memory_space<smem>>
    %jit3A_1267 = arith.constant 128 : i32
    %div3A_1268 = arith.divsi %get3A_1266, %jit3A_1267 : i32
    %sign3A_1269 = arith.constant 0 : i32
    %sign3A_1270 = arith.cmpi sgt, %get3A_1266, %sign3A_1269 : i32
    %sign3A_1271 = arith.extui %sign3A_1270 : i1 to i32
    %sign3A_1272 = arith.constant 0 : i32
    %sign3A_1273 = arith.cmpi slt, %get3A_1266, %sign3A_1272 : i32
    %sign3A_1274 = arith.extui %sign3A_1273 : i1 to i32
    %sign3A_1275 = arith.subi %sign3A_1271, %sign3A_1274 : i32
    %sign3A_1276 = arith.constant 0 : i32
    %sign3A_1277 = arith.cmpi sgt, %jit3A_1267, %sign3A_1276 : i32
    %sign3A_1278 = arith.extui %sign3A_1277 : i1 to i32
    %sign3A_1279 = arith.constant 0 : i32
    %sign3A_1280 = arith.cmpi slt, %jit3A_1267, %sign3A_1279 : i32
    %sign3A_1281 = arith.extui %sign3A_1280 : i1 to i32
    %sign3A_1282 = arith.subi %sign3A_1278, %sign3A_1281 : i32
    %ne3A_1283 = arith.cmpi ne, %sign3A_1275, %sign3A_1282 : i32
    %rem3A_1284 = arith.remsi %get3A_1266, %jit3A_1267 : i32
    %ne3A_1285 = arith.constant 0 : i32
    %ne3A_1286 = arith.cmpi ne, %rem3A_1284, %ne3A_1285 : i32
    %and3A_1287 = arith.andi %ne3A_1283, %ne3A_1286 : i1
    %sub3A_1288 = arith.constant 1 : i32
    %sub3A_1289 = arith.subi %div3A_1268, %sub3A_1288 : i32
    %select_n3A_1290 = arith.select %and3A_1287, %sub3A_1289, %div3A_1268 : i32
    %mul3A_1291 = arith.constant 128 : i32
    %mul3A_1292 = arith.muli %select_n3A_1290, %mul3A_1291 : i32
    %get3A_1293 = arith.constant 0 : index
    %get3A_1294 = arith.index_cast %mul3A_1292 : i32 to index
    %get3A_1295 = vector.load %arg2[%get3A_1293, %get3A_1294] : memref<50x50000xf32, #tpu.memory_space<vmem>>, vector<50x128xf32>
    %get3A_1296 = arith.constant 0 : index
    %get3A_1297 = arith.index_cast %mul3A_1292 : i32 to index
    %get3A_1298 = vector.load %arg3[%get3A_1296, %get3A_1297] : memref<50x50000xf32, #tpu.memory_space<vmem>>, vector<50x128xf32>
    %sub3A_1299 = arith.subi %get3A_1266, %mul3A_1292 : i32
    %eq3A_1300 = vector.broadcast %sub3A_1299 : i32 to vector<50x128xi32>
    %eq3A_1301 = arith.cmpi eq, %iota3A, %eq3A_1300 : vector<50x128xi32>
    %jit3A_1302 = arith.constant 1.44269502 : f32
    %jit3A_1303 = arith.constant 0.000000e+00 : f32
    %broadcast_in_dim3A_1304 = vector.broadcast %jit3A_1302 : f32 to vector<50x128xf32>
    %broadcast_in_dim3A_1305 = vector.broadcast %jit3A_1303 : f32 to vector<50x128xf32>
    %select_n3A_1306 = arith.select %eq3A_1301, %broadcast_in_dim3A_1304, %broadcast_in_dim3A_1305 : vector<50x128xi1>, vector<50x128xf32>
    %add3A_1307 = arith.addf %get3A_1295, %get3A_1298 : vector<50x128xf32>
    %mul3A_1308 = arith.mulf %add3A_1307, %select_n3A_1306 : vector<50x128xf32>
    %reduce_sum3A_1309 = arith.constant dense<0.000000e+00> : vector<50xf32>
    %reduce_sum3A_1310 = vector.multi_reduction <add>, %mul3A_1308, %reduce_sum3A_1309 [1] : vector<50x128xf32> to vector<50xf32>
    %broadcast_in_dim3A_1311 = vector.shape_cast %reduce_sum3A_1310 : vector<50xf32> to vector<50x1xf32>
    %swap3A_1312 = arith.constant 0 : index
    %swap3A_1313 = arith.constant 0 : index
    %swap3A_1314 = arith.constant 21 : index
    %swap3A_1315 = vector.load %arg6[%swap3A_1312, %swap3A_1313, %swap3A_1314] : memref<2x50x32xf32, #tpu.memory_space<vmem>>, vector<1x50x1xf32>
    %swap3A_1316 = vector.shape_cast %swap3A_1315 : vector<1x50x1xf32> to vector<50x1xf32>
    %swap3A_1317 = vector.shape_cast %broadcast_in_dim3A_1311 : vector<50x1xf32> to vector<1x50x1xf32>
    tpu.vector_store %arg6[%swap3A_1312, %swap3A_1313, %swap3A_1314], %swap3A_1317 {strides = array<i32>} : memref<2x50x32xf32, #tpu.memory_space<vmem>>, vector<1x50x1xf32>,
    %get3A_1318 = arith.constant 22 : index
    %get3A_1319 = memref.load %arg1[%get3A_1318] : memref<64xi32, #tpu.memory_space<smem>>
    %jit3A_1320 = arith.constant 128 : i32
    %div3A_1321 = arith.divsi %get3A_1319, %jit3A_1320 : i32
    %sign3A_1322 = arith.constant 0 : i32
    %sign3A_1323 = arith.cmpi sgt, %get3A_1319, %sign3A_1322 : i32
    %sign3A_1324 = arith.extui %sign3A_1323 : i1 to i32
    %sign3A_1325 = arith.constant 0 : i32
    %sign3A_1326 = arith.cmpi slt, %get3A_1319, %sign3A_1325 : i32
    %sign3A_1327 = arith.extui %sign3A_1326 : i1 to i32
    %sign3A_1328 = arith.subi %sign3A_1324, %sign3A_1327 : i32
    %sign3A_1329 = arith.constant 0 : i32
    %sign3A_1330 = arith.cmpi sgt, %jit3A_1320, %sign3A_1329 : i32
    %sign3A_1331 = arith.extui %sign3A_1330 : i1 to i32
    %sign3A_1332 = arith.constant 0 : i32
    %sign3A_1333 = arith.cmpi slt, %jit3A_1320, %sign3A_1332 : i32
    %sign3A_1334 = arith.extui %sign3A_1333 : i1 to i32
    %sign3A_1335 = arith.subi %sign3A_1331, %sign3A_1334 : i32
    %ne3A_1336 = arith.cmpi ne, %sign3A_1328, %sign3A_1335 : i32
    %rem3A_1337 = arith.remsi %get3A_1319, %jit3A_1320 : i32
    %ne3A_1338 = arith.constant 0 : i32
    %ne3A_1339 = arith.cmpi ne, %rem3A_1337, %ne3A_1338 : i32
    %and3A_1340 = arith.andi %ne3A_1336, %ne3A_1339 : i1
    %sub3A_1341 = arith.constant 1 : i32
    %sub3A_1342 = arith.subi %div3A_1321, %sub3A_1341 : i32
    %select_n3A_1343 = arith.select %and3A_1340, %sub3A_1342, %div3A_1321 : i32
    %mul3A_1344 = arith.constant 128 : i32
    %mul3A_1345 = arith.muli %select_n3A_1343, %mul3A_1344 : i32
    %get3A_1346 = arith.constant 0 : index
    %get3A_1347 = arith.index_cast %mul3A_1345 : i32 to index
    %get3A_1348 = vector.load %arg2[%get3A_1346, %get3A_1347] : memref<50x50000xf32, #tpu.memory_space<vmem>>, vector<50x128xf32>
    %get3A_1349 = arith.constant 0 : index
    %get3A_1350 = arith.index_cast %mul3A_1345 : i32 to index
    %get3A_1351 = vector.load %arg3[%get3A_1349, %get3A_1350] : memref<50x50000xf32, #tpu.memory_space<vmem>>, vector<50x128xf32>
    %sub3A_1352 = arith.subi %get3A_1319, %mul3A_1345 : i32
    %eq3A_1353 = vector.broadcast %sub3A_1352 : i32 to vector<50x128xi32>
    %eq3A_1354 = arith.cmpi eq, %iota3A, %eq3A_1353 : vector<50x128xi32>
    %jit3A_1355 = arith.constant 1.44269502 : f32
    %jit3A_1356 = arith.constant 0.000000e+00 : f32
    %broadcast_in_dim3A_1357 = vector.broadcast %jit3A_1355 : f32 to vector<50x128xf32>
    %broadcast_in_dim3A_1358 = vector.broadcast %jit3A_1356 : f32 to vector<50x128xf32>
    %select_n3A_1359 = arith.select %eq3A_1354, %broadcast_in_dim3A_1357, %broadcast_in_dim3A_1358 : vector<50x128xi1>, vector<50x128xf32>
    %add3A_1360 = arith.addf %get3A_1348, %get3A_1351 : vector<50x128xf32>
    %mul3A_1361 = arith.mulf %add3A_1360, %select_n3A_1359 : vector<50x128xf32>
    %reduce_sum3A_1362 = arith.constant dense<0.000000e+00> : vector<50xf32>
    %reduce_sum3A_1363 = vector.multi_reduction <add>, %mul3A_1361, %reduce_sum3A_1362 [1] : vector<50x128xf32> to vector<50xf32>
    %broadcast_in_dim3A_1364 = vector.shape_cast %reduce_sum3A_1363 : vector<50xf32> to vector<50x1xf32>
    %swap3A_1365 = arith.constant 0 : index
    %swap3A_1366 = arith.constant 0 : index
    %swap3A_1367 = arith.constant 22 : index
    %swap3A_1368 = vector.load %arg6[%swap3A_1365, %swap3A_1366, %swap3A_1367] : memref<2x50x32xf32, #tpu.memory_space<vmem>>, vector<1x50x1xf32>
    %swap3A_1369 = vector.shape_cast %swap3A_1368 : vector<1x50x1xf32> to vector<50x1xf32>
    %swap3A_1370 = vector.shape_cast %broadcast_in_dim3A_1364 : vector<50x1xf32> to vector<1x50x1xf32>
    tpu.vector_store %arg6[%swap3A_1365, %swap3A_1366, %swap3A_1367], %swap3A_1370 {strides = array<i32>} : memref<2x50x32xf32, #tpu.memory_space<vmem>>, vector<1x50x1xf32>,
    %get3A_1371 = arith.constant 23 : index
    %get3A_1372 = memref.load %arg1[%get3A_1371] : memref<64xi32, #tpu.memory_space<smem>>
    %jit3A_1373 = arith.constant 128 : i32
    %div3A_1374 = arith.divsi %get3A_1372, %jit3A_1373 : i32
    %sign3A_1375 = arith.constant 0 : i32
    %sign3A_1376 = arith.cmpi sgt, %get3A_1372, %sign3A_1375 : i32
    %sign3A_1377 = arith.extui %sign3A_1376 : i1 to i32
    %sign3A_1378 = arith.constant 0 : i32
    %sign3A_1379 = arith.cmpi slt, %get3A_1372, %sign3A_1378 : i32
    %sign3A_1380 = arith.extui %sign3A_1379 : i1 to i32
    %sign3A_1381 = arith.subi %sign3A_1377, %sign3A_1380 : i32
    %sign3A_1382 = arith.constant 0 : i32
    %sign3A_1383 = arith.cmpi sgt, %jit3A_1373, %sign3A_1382 : i32
    %sign3A_1384 = arith.extui %sign3A_1383 : i1 to i32
    %sign3A_1385 = arith.constant 0 : i32
    %sign3A_1386 = arith.cmpi slt, %jit3A_1373, %sign3A_1385 : i32
    %sign3A_1387 = arith.extui %sign3A_1386 : i1 to i32
    %sign3A_1388 = arith.subi %sign3A_1384, %sign3A_1387 : i32
    %ne3A_1389 = arith.cmpi ne, %sign3A_1381, %sign3A_1388 : i32
    %rem3A_1390 = arith.remsi %get3A_1372, %jit3A_1373 : i32
    %ne3A_1391 = arith.constant 0 : i32
    %ne3A_1392 = arith.cmpi ne, %rem3A_1390, %ne3A_1391 : i32
    %and3A_1393 = arith.andi %ne3A_1389, %ne3A_1392 : i1
    %sub3A_1394 = arith.constant 1 : i32
    %sub3A_1395 = arith.subi %div3A_1374, %sub3A_1394 : i32
    %select_n3A_1396 = arith.select %and3A_1393, %sub3A_1395, %div3A_1374 : i32
    %mul3A_1397 = arith.constant 128 : i32
    %mul3A_1398 = arith.muli %select_n3A_1396, %mul3A_1397 : i32
    %get3A_1399 = arith.constant 0 : index
    %get3A_1400 = arith.index_cast %mul3A_1398 : i32 to index
    %get3A_1401 = vector.load %arg2[%get3A_1399, %get3A_1400] : memref<50x50000xf32, #tpu.memory_space<vmem>>, vector<50x128xf32>
    %get3A_1402 = arith.constant 0 : index
    %get3A_1403 = arith.index_cast %mul3A_1398 : i32 to index
    %get3A_1404 = vector.load %arg3[%get3A_1402, %get3A_1403] : memref<50x50000xf32, #tpu.memory_space<vmem>>, vector<50x128xf32>
    %sub3A_1405 = arith.subi %get3A_1372, %mul3A_1398 : i32
    %eq3A_1406 = vector.broadcast %sub3A_1405 : i32 to vector<50x128xi32>
    %eq3A_1407 = arith.cmpi eq, %iota3A, %eq3A_1406 : vector<50x128xi32>
    %jit3A_1408 = arith.constant 1.44269502 : f32
    %jit3A_1409 = arith.constant 0.000000e+00 : f32
    %broadcast_in_dim3A_1410 = vector.broadcast %jit3A_1408 : f32 to vector<50x128xf32>
    %broadcast_in_dim3A_1411 = vector.broadcast %jit3A_1409 : f32 to vector<50x128xf32>
    %select_n3A_1412 = arith.select %eq3A_1407, %broadcast_in_dim3A_1410, %broadcast_in_dim3A_1411 : vector<50x128xi1>, vector<50x128xf32>
    %add3A_1413 = arith.addf %get3A_1401, %get3A_1404 : vector<50x128xf32>
    %mul3A_1414 = arith.mulf %add3A_1413, %select_n3A_1412 : vector<50x128xf32>
    %reduce_sum3A_1415 = arith.constant dense<0.000000e+00> : vector<50xf32>
    %reduce_sum3A_1416 = vector.multi_reduction <add>, %mul3A_1414, %reduce_sum3A_1415 [1] : vector<50x128xf32> to vector<50xf32>
    %broadcast_in_dim3A_1417 = vector.shape_cast %reduce_sum3A_1416 : vector<50xf32> to vector<50x1xf32>
    %swap3A_1418 = arith.constant 0 : index
    %swap3A_1419 = arith.constant 0 : index
    %swap3A_1420 = arith.constant 23 : index
    %swap3A_1421 = vector.load %arg6[%swap3A_1418, %swap3A_1419, %swap3A_1420] : memref<2x50x32xf32, #tpu.memory_space<vmem>>, vector<1x50x1xf32>
    %swap3A_1422 = vector.shape_cast %swap3A_1421 : vector<1x50x1xf32> to vector<50x1xf32>
    %swap3A_1423 = vector.shape_cast %broadcast_in_dim3A_1417 : vector<50x1xf32> to vector<1x50x1xf32>
    tpu.vector_store %arg6[%swap3A_1418, %swap3A_1419, %swap3A_1420], %swap3A_1423 {strides = array<i32>} : memref<2x50x32xf32, #tpu.memory_space<vmem>>, vector<1x50x1xf32>,
    %get3A_1424 = arith.constant 24 : index
    %get3A_1425 = memref.load %arg1[%get3A_1424] : memref<64xi32, #tpu.memory_space<smem>>
    %jit3A_1426 = arith.constant 128 : i32
    %div3A_1427 = arith.divsi %get3A_1425, %jit3A_1426 : i32
    %sign3A_1428 = arith.constant 0 : i32
    %sign3A_1429 = arith.cmpi sgt, %get3A_1425, %sign3A_1428 : i32
    %sign3A_1430 = arith.extui %sign3A_1429 : i1 to i32
    %sign3A_1431 = arith.constant 0 : i32
    %sign3A_1432 = arith.cmpi slt, %get3A_1425, %sign3A_1431 : i32
    %sign3A_1433 = arith.extui %sign3A_1432 : i1 to i32
    %sign3A_1434 = arith.subi %sign3A_1430, %sign3A_1433 : i32
    %sign3A_1435 = arith.constant 0 : i32
    %sign3A_1436 = arith.cmpi sgt, %jit3A_1426, %sign3A_1435 : i32
    %sign3A_1437 = arith.extui %sign3A_1436 : i1 to i32
    %sign3A_1438 = arith.constant 0 : i32
    %sign3A_1439 = arith.cmpi slt, %jit3A_1426, %sign3A_1438 : i32
    %sign3A_1440 = arith.extui %sign3A_1439 : i1 to i32
    %sign3A_1441 = arith.subi %sign3A_1437, %sign3A_1440 : i32
    %ne3A_1442 = arith.cmpi ne, %sign3A_1434, %sign3A_1441 : i32
    %rem3A_1443 = arith.remsi %get3A_1425, %jit3A_1426 : i32
    %ne3A_1444 = arith.constant 0 : i32
    %ne3A_1445 = arith.cmpi ne, %rem3A_1443, %ne3A_1444 : i32
    %and3A_1446 = arith.andi %ne3A_1442, %ne3A_1445 : i1
    %sub3A_1447 = arith.constant 1 : i32
    %sub3A_1448 = arith.subi %div3A_1427, %sub3A_1447 : i32
    %select_n3A_1449 = arith.select %and3A_1446, %sub3A_1448, %div3A_1427 : i32
    %mul3A_1450 = arith.constant 128 : i32
    %mul3A_1451 = arith.muli %select_n3A_1449, %mul3A_1450 : i32
    %get3A_1452 = arith.constant 0 : index
    %get3A_1453 = arith.index_cast %mul3A_1451 : i32 to index
    %get3A_1454 = vector.load %arg2[%get3A_1452, %get3A_1453] : memref<50x50000xf32, #tpu.memory_space<vmem>>, vector<50x128xf32>
    %get3A_1455 = arith.constant 0 : index
    %get3A_1456 = arith.index_cast %mul3A_1451 : i32 to index
    %get3A_1457 = vector.load %arg3[%get3A_1455, %get3A_1456] : memref<50x50000xf32, #tpu.memory_space<vmem>>, vector<50x128xf32>
    %sub3A_1458 = arith.subi %get3A_1425, %mul3A_1451 : i32
    %eq3A_1459 = vector.broadcast %sub3A_1458 : i32 to vector<50x128xi32>
    %eq3A_1460 = arith.cmpi eq, %iota3A, %eq3A_1459 : vector<50x128xi32>
    %jit3A_1461 = arith.constant 1.44269502 : f32
    %jit3A_1462 = arith.constant 0.000000e+00 : f32
    %broadcast_in_dim3A_1463 = vector.broadcast %jit3A_1461 : f32 to vector<50x128xf32>
    %broadcast_in_dim3A_1464 = vector.broadcast %jit3A_1462 : f32 to vector<50x128xf32>
    %select_n3A_1465 = arith.select %eq3A_1460, %broadcast_in_dim3A_1463, %broadcast_in_dim3A_1464 : vector<50x128xi1>, vector<50x128xf32>
    %add3A_1466 = arith.addf %get3A_1454, %get3A_1457 : vector<50x128xf32>
    %mul3A_1467 = arith.mulf %add3A_1466, %select_n3A_1465 : vector<50x128xf32>
    %reduce_sum3A_1468 = arith.constant dense<0.000000e+00> : vector<50xf32>
    %reduce_sum3A_1469 = vector.multi_reduction <add>, %mul3A_1467, %reduce_sum3A_1468 [1] : vector<50x128xf32> to vector<50xf32>
    %broadcast_in_dim3A_1470 = vector.shape_cast %reduce_sum3A_1469 : vector<50xf32> to vector<50x1xf32>
    %swap3A_1471 = arith.constant 0 : index
    %swap3A_1472 = arith.constant 0 : index
    %swap3A_1473 = arith.constant 24 : index
    %swap3A_1474 = vector.load %arg6[%swap3A_1471, %swap3A_1472, %swap3A_1473] : memref<2x50x32xf32, #tpu.memory_space<vmem>>, vector<1x50x1xf32>
    %swap3A_1475 = vector.shape_cast %swap3A_1474 : vector<1x50x1xf32> to vector<50x1xf32>
    %swap3A_1476 = vector.shape_cast %broadcast_in_dim3A_1470 : vector<50x1xf32> to vector<1x50x1xf32>
    tpu.vector_store %arg6[%swap3A_1471, %swap3A_1472, %swap3A_1473], %swap3A_1476 {strides = array<i32>} : memref<2x50x32xf32, #tpu.memory_space<vmem>>, vector<1x50x1xf32>,
    %get3A_1477 = arith.constant 25 : index
    %get3A_1478 = memref.load %arg1[%get3A_1477] : memref<64xi32, #tpu.memory_space<smem>>
    %jit3A_1479 = arith.constant 128 : i32
    %div3A_1480 = arith.divsi %get3A_1478, %jit3A_1479 : i32
    %sign3A_1481 = arith.constant 0 : i32
    %sign3A_1482 = arith.cmpi sgt, %get3A_1478, %sign3A_1481 : i32
    %sign3A_1483 = arith.extui %sign3A_1482 : i1 to i32
    %sign3A_1484 = arith.constant 0 : i32
    %sign3A_1485 = arith.cmpi slt, %get3A_1478, %sign3A_1484 : i32
    %sign3A_1486 = arith.extui %sign3A_1485 : i1 to i32
    %sign3A_1487 = arith.subi %sign3A_1483, %sign3A_1486 : i32
    %sign3A_1488 = arith.constant 0 : i32
    %sign3A_1489 = arith.cmpi sgt, %jit3A_1479, %sign3A_1488 : i32
    %sign3A_1490 = arith.extui %sign3A_1489 : i1 to i32
    %sign3A_1491 = arith.constant 0 : i32
    %sign3A_1492 = arith.cmpi slt, %jit3A_1479, %sign3A_1491 : i32
    %sign3A_1493 = arith.extui %sign3A_1492 : i1 to i32
    %sign3A_1494 = arith.subi %sign3A_1490, %sign3A_1493 : i32
    %ne3A_1495 = arith.cmpi ne, %sign3A_1487, %sign3A_1494 : i32
    %rem3A_1496 = arith.remsi %get3A_1478, %jit3A_1479 : i32
    %ne3A_1497 = arith.constant 0 : i32
    %ne3A_1498 = arith.cmpi ne, %rem3A_1496, %ne3A_1497 : i32
    %and3A_1499 = arith.andi %ne3A_1495, %ne3A_1498 : i1
    %sub3A_1500 = arith.constant 1 : i32
    %sub3A_1501 = arith.subi %div3A_1480, %sub3A_1500 : i32
    %select_n3A_1502 = arith.select %and3A_1499, %sub3A_1501, %div3A_1480 : i32
    %mul3A_1503 = arith.constant 128 : i32
    %mul3A_1504 = arith.muli %select_n3A_1502, %mul3A_1503 : i32
    %get3A_1505 = arith.constant 0 : index
    %get3A_1506 = arith.index_cast %mul3A_1504 : i32 to index
    %get3A_1507 = vector.load %arg2[%get3A_1505, %get3A_1506] : memref<50x50000xf32, #tpu.memory_space<vmem>>, vector<50x128xf32>
    %get3A_1508 = arith.constant 0 : index
    %get3A_1509 = arith.index_cast %mul3A_1504 : i32 to index
    %get3A_1510 = vector.load %arg3[%get3A_1508, %get3A_1509] : memref<50x50000xf32, #tpu.memory_space<vmem>>, vector<50x128xf32>
    %sub3A_1511 = arith.subi %get3A_1478, %mul3A_1504 : i32
    %eq3A_1512 = vector.broadcast %sub3A_1511 : i32 to vector<50x128xi32>
    %eq3A_1513 = arith.cmpi eq, %iota3A, %eq3A_1512 : vector<50x128xi32>
    %jit3A_1514 = arith.constant 1.44269502 : f32
    %jit3A_1515 = arith.constant 0.000000e+00 : f32
    %broadcast_in_dim3A_1516 = vector.broadcast %jit3A_1514 : f32 to vector<50x128xf32>
    %broadcast_in_dim3A_1517 = vector.broadcast %jit3A_1515 : f32 to vector<50x128xf32>
    %select_n3A_1518 = arith.select %eq3A_1513, %broadcast_in_dim3A_1516, %broadcast_in_dim3A_1517 : vector<50x128xi1>, vector<50x128xf32>
    %add3A_1519 = arith.addf %get3A_1507, %get3A_1510 : vector<50x128xf32>
    %mul3A_1520 = arith.mulf %add3A_1519, %select_n3A_1518 : vector<50x128xf32>
    %reduce_sum3A_1521 = arith.constant dense<0.000000e+00> : vector<50xf32>
    %reduce_sum3A_1522 = vector.multi_reduction <add>, %mul3A_1520, %reduce_sum3A_1521 [1] : vector<50x128xf32> to vector<50xf32>
    %broadcast_in_dim3A_1523 = vector.shape_cast %reduce_sum3A_1522 : vector<50xf32> to vector<50x1xf32>
    %swap3A_1524 = arith.constant 0 : index
    %swap3A_1525 = arith.constant 0 : index
    %swap3A_1526 = arith.constant 25 : index
    %swap3A_1527 = vector.load %arg6[%swap3A_1524, %swap3A_1525, %swap3A_1526] : memref<2x50x32xf32, #tpu.memory_space<vmem>>, vector<1x50x1xf32>
    %swap3A_1528 = vector.shape_cast %swap3A_1527 : vector<1x50x1xf32> to vector<50x1xf32>
    %swap3A_1529 = vector.shape_cast %broadcast_in_dim3A_1523 : vector<50x1xf32> to vector<1x50x1xf32>
    tpu.vector_store %arg6[%swap3A_1524, %swap3A_1525, %swap3A_1526], %swap3A_1529 {strides = array<i32>} : memref<2x50x32xf32, #tpu.memory_space<vmem>>, vector<1x50x1xf32>,
    %get3A_1530 = arith.constant 26 : index
    %get3A_1531 = memref.load %arg1[%get3A_1530] : memref<64xi32, #tpu.memory_space<smem>>
    %jit3A_1532 = arith.constant 128 : i32
    %div3A_1533 = arith.divsi %get3A_1531, %jit3A_1532 : i32
    %sign3A_1534 = arith.constant 0 : i32
    %sign3A_1535 = arith.cmpi sgt, %get3A_1531, %sign3A_1534 : i32
    %sign3A_1536 = arith.extui %sign3A_1535 : i1 to i32
    %sign3A_1537 = arith.constant 0 : i32
    %sign3A_1538 = arith.cmpi slt, %get3A_1531, %sign3A_1537 : i32
    %sign3A_1539 = arith.extui %sign3A_1538 : i1 to i32
    %sign3A_1540 = arith.subi %sign3A_1536, %sign3A_1539 : i32
    %sign3A_1541 = arith.constant 0 : i32
    %sign3A_1542 = arith.cmpi sgt, %jit3A_1532, %sign3A_1541 : i32
    %sign3A_1543 = arith.extui %sign3A_1542 : i1 to i32
    %sign3A_1544 = arith.constant 0 : i32
    %sign3A_1545 = arith.cmpi slt, %jit3A_1532, %sign3A_1544 : i32
    %sign3A_1546 = arith.extui %sign3A_1545 : i1 to i32
    %sign3A_1547 = arith.subi %sign3A_1543, %sign3A_1546 : i32
    %ne3A_1548 = arith.cmpi ne, %sign3A_1540, %sign3A_1547 : i32
    %rem3A_1549 = arith.remsi %get3A_1531, %jit3A_1532 : i32
    %ne3A_1550 = arith.constant 0 : i32
    %ne3A_1551 = arith.cmpi ne, %rem3A_1549, %ne3A_1550 : i32
    %and3A_1552 = arith.andi %ne3A_1548, %ne3A_1551 : i1
    %sub3A_1553 = arith.constant 1 : i32
    %sub3A_1554 = arith.subi %div3A_1533, %sub3A_1553 : i32
    %select_n3A_1555 = arith.select %and3A_1552, %sub3A_1554, %div3A_1533 : i32
    %mul3A_1556 = arith.constant 128 : i32
    %mul3A_1557 = arith.muli %select_n3A_1555, %mul3A_1556 : i32
    %get3A_1558 = arith.constant 0 : index
    %get3A_1559 = arith.index_cast %mul3A_1557 : i32 to index
    %get3A_1560 = vector.load %arg2[%get3A_1558, %get3A_1559] : memref<50x50000xf32, #tpu.memory_space<vmem>>, vector<50x128xf32>
    %get3A_1561 = arith.constant 0 : index
    %get3A_1562 = arith.index_cast %mul3A_1557 : i32 to index
    %get3A_1563 = vector.load %arg3[%get3A_1561, %get3A_1562] : memref<50x50000xf32, #tpu.memory_space<vmem>>, vector<50x128xf32>
    %sub3A_1564 = arith.subi %get3A_1531, %mul3A_1557 : i32
    %eq3A_1565 = vector.broadcast %sub3A_1564 : i32 to vector<50x128xi32>
    %eq3A_1566 = arith.cmpi eq, %iota3A, %eq3A_1565 : vector<50x128xi32>
    %jit3A_1567 = arith.constant 1.44269502 : f32
    %jit3A_1568 = arith.constant 0.000000e+00 : f32
    %broadcast_in_dim3A_1569 = vector.broadcast %jit3A_1567 : f32 to vector<50x128xf32>
    %broadcast_in_dim3A_1570 = vector.broadcast %jit3A_1568 : f32 to vector<50x128xf32>
    %select_n3A_1571 = arith.select %eq3A_1566, %broadcast_in_dim3A_1569, %broadcast_in_dim3A_1570 : vector<50x128xi1>, vector<50x128xf32>
    %add3A_1572 = arith.addf %get3A_1560, %get3A_1563 : vector<50x128xf32>
    %mul3A_1573 = arith.mulf %add3A_1572, %select_n3A_1571 : vector<50x128xf32>
    %reduce_sum3A_1574 = arith.constant dense<0.000000e+00> : vector<50xf32>
    %reduce_sum3A_1575 = vector.multi_reduction <add>, %mul3A_1573, %reduce_sum3A_1574 [1] : vector<50x128xf32> to vector<50xf32>
    %broadcast_in_dim3A_1576 = vector.shape_cast %reduce_sum3A_1575 : vector<50xf32> to vector<50x1xf32>
    %swap3A_1577 = arith.constant 0 : index
    %swap3A_1578 = arith.constant 0 : index
    %swap3A_1579 = arith.constant 26 : index
    %swap3A_1580 = vector.load %arg6[%swap3A_1577, %swap3A_1578, %swap3A_1579] : memref<2x50x32xf32, #tpu.memory_space<vmem>>, vector<1x50x1xf32>
    %swap3A_1581 = vector.shape_cast %swap3A_1580 : vector<1x50x1xf32> to vector<50x1xf32>
    %swap3A_1582 = vector.shape_cast %broadcast_in_dim3A_1576 : vector<50x1xf32> to vector<1x50x1xf32>
    tpu.vector_store %arg6[%swap3A_1577, %swap3A_1578, %swap3A_1579], %swap3A_1582 {strides = array<i32>} : memref<2x50x32xf32, #tpu.memory_space<vmem>>, vector<1x50x1xf32>,
    %get3A_1583 = arith.constant 27 : index
    %get3A_1584 = memref.load %arg1[%get3A_1583] : memref<64xi32, #tpu.memory_space<smem>>
    %jit3A_1585 = arith.constant 128 : i32
    %div3A_1586 = arith.divsi %get3A_1584, %jit3A_1585 : i32
    %sign3A_1587 = arith.constant 0 : i32
    %sign3A_1588 = arith.cmpi sgt, %get3A_1584, %sign3A_1587 : i32
    %sign3A_1589 = arith.extui %sign3A_1588 : i1 to i32
    %sign3A_1590 = arith.constant 0 : i32
    %sign3A_1591 = arith.cmpi slt, %get3A_1584, %sign3A_1590 : i32
    %sign3A_1592 = arith.extui %sign3A_1591 : i1 to i32
    %sign3A_1593 = arith.subi %sign3A_1589, %sign3A_1592 : i32
    %sign3A_1594 = arith.constant 0 : i32
    %sign3A_1595 = arith.cmpi sgt, %jit3A_1585, %sign3A_1594 : i32
    %sign3A_1596 = arith.extui %sign3A_1595 : i1 to i32
    %sign3A_1597 = arith.constant 0 : i32
    %sign3A_1598 = arith.cmpi slt, %jit3A_1585, %sign3A_1597 : i32
    %sign3A_1599 = arith.extui %sign3A_1598 : i1 to i32
    %sign3A_1600 = arith.subi %sign3A_1596, %sign3A_1599 : i32
    %ne3A_1601 = arith.cmpi ne, %sign3A_1593, %sign3A_1600 : i32
    %rem3A_1602 = arith.remsi %get3A_1584, %jit3A_1585 : i32
    %ne3A_1603 = arith.constant 0 : i32
    %ne3A_1604 = arith.cmpi ne, %rem3A_1602, %ne3A_1603 : i32
    %and3A_1605 = arith.andi %ne3A_1601, %ne3A_1604 : i1
    %sub3A_1606 = arith.constant 1 : i32
    %sub3A_1607 = arith.subi %div3A_1586, %sub3A_1606 : i32
    %select_n3A_1608 = arith.select %and3A_1605, %sub3A_1607, %div3A_1586 : i32
    %mul3A_1609 = arith.constant 128 : i32
    %mul3A_1610 = arith.muli %select_n3A_1608, %mul3A_1609 : i32
    %get3A_1611 = arith.constant 0 : index
    %get3A_1612 = arith.index_cast %mul3A_1610 : i32 to index
    %get3A_1613 = vector.load %arg2[%get3A_1611, %get3A_1612] : memref<50x50000xf32, #tpu.memory_space<vmem>>, vector<50x128xf32>
    %get3A_1614 = arith.constant 0 : index
    %get3A_1615 = arith.index_cast %mul3A_1610 : i32 to index
    %get3A_1616 = vector.load %arg3[%get3A_1614, %get3A_1615] : memref<50x50000xf32, #tpu.memory_space<vmem>>, vector<50x128xf32>
    %sub3A_1617 = arith.subi %get3A_1584, %mul3A_1610 : i32
    %eq3A_1618 = vector.broadcast %sub3A_1617 : i32 to vector<50x128xi32>
    %eq3A_1619 = arith.cmpi eq, %iota3A, %eq3A_1618 : vector<50x128xi32>
    %jit3A_1620 = arith.constant 1.44269502 : f32
    %jit3A_1621 = arith.constant 0.000000e+00 : f32
    %broadcast_in_dim3A_1622 = vector.broadcast %jit3A_1620 : f32 to vector<50x128xf32>
    %broadcast_in_dim3A_1623 = vector.broadcast %jit3A_1621 : f32 to vector<50x128xf32>
    %select_n3A_1624 = arith.select %eq3A_1619, %broadcast_in_dim3A_1622, %broadcast_in_dim3A_1623 : vector<50x128xi1>, vector<50x128xf32>
    %add3A_1625 = arith.addf %get3A_1613, %get3A_1616 : vector<50x128xf32>
    %mul3A_1626 = arith.mulf %add3A_1625, %select_n3A_1624 : vector<50x128xf32>
    %reduce_sum3A_1627 = arith.constant dense<0.000000e+00> : vector<50xf32>
    %reduce_sum3A_1628 = vector.multi_reduction <add>, %mul3A_1626, %reduce_sum3A_1627 [1] : vector<50x128xf32> to vector<50xf32>
    %broadcast_in_dim3A_1629 = vector.shape_cast %reduce_sum3A_1628 : vector<50xf32> to vector<50x1xf32>
    %swap3A_1630 = arith.constant 0 : index
    %swap3A_1631 = arith.constant 0 : index
    %swap3A_1632 = arith.constant 27 : index
    %swap3A_1633 = vector.load %arg6[%swap3A_1630, %swap3A_1631, %swap3A_1632] : memref<2x50x32xf32, #tpu.memory_space<vmem>>, vector<1x50x1xf32>
    %swap3A_1634 = vector.shape_cast %swap3A_1633 : vector<1x50x1xf32> to vector<50x1xf32>
    %swap3A_1635 = vector.shape_cast %broadcast_in_dim3A_1629 : vector<50x1xf32> to vector<1x50x1xf32>
    tpu.vector_store %arg6[%swap3A_1630, %swap3A_1631, %swap3A_1632], %swap3A_1635 {strides = array<i32>} : memref<2x50x32xf32, #tpu.memory_space<vmem>>, vector<1x50x1xf32>,
    %get3A_1636 = arith.constant 28 : index
    %get3A_1637 = memref.load %arg1[%get3A_1636] : memref<64xi32, #tpu.memory_space<smem>>
    %jit3A_1638 = arith.constant 128 : i32
    %div3A_1639 = arith.divsi %get3A_1637, %jit3A_1638 : i32
    %sign3A_1640 = arith.constant 0 : i32
    %sign3A_1641 = arith.cmpi sgt, %get3A_1637, %sign3A_1640 : i32
    %sign3A_1642 = arith.extui %sign3A_1641 : i1 to i32
    %sign3A_1643 = arith.constant 0 : i32
    %sign3A_1644 = arith.cmpi slt, %get3A_1637, %sign3A_1643 : i32
    %sign3A_1645 = arith.extui %sign3A_1644 : i1 to i32
    %sign3A_1646 = arith.subi %sign3A_1642, %sign3A_1645 : i32
    %sign3A_1647 = arith.constant 0 : i32
    %sign3A_1648 = arith.cmpi sgt, %jit3A_1638, %sign3A_1647 : i32
    %sign3A_1649 = arith.extui %sign3A_1648 : i1 to i32
    %sign3A_1650 = arith.constant 0 : i32
    %sign3A_1651 = arith.cmpi slt, %jit3A_1638, %sign3A_1650 : i32
    %sign3A_1652 = arith.extui %sign3A_1651 : i1 to i32
    %sign3A_1653 = arith.subi %sign3A_1649, %sign3A_1652 : i32
    %ne3A_1654 = arith.cmpi ne, %sign3A_1646, %sign3A_1653 : i32
    %rem3A_1655 = arith.remsi %get3A_1637, %jit3A_1638 : i32
    %ne3A_1656 = arith.constant 0 : i32
    %ne3A_1657 = arith.cmpi ne, %rem3A_1655, %ne3A_1656 : i32
    %and3A_1658 = arith.andi %ne3A_1654, %ne3A_1657 : i1
    %sub3A_1659 = arith.constant 1 : i32
    %sub3A_1660 = arith.subi %div3A_1639, %sub3A_1659 : i32
    %select_n3A_1661 = arith.select %and3A_1658, %sub3A_1660, %div3A_1639 : i32
    %mul3A_1662 = arith.constant 128 : i32
    %mul3A_1663 = arith.muli %select_n3A_1661, %mul3A_1662 : i32
    %get3A_1664 = arith.constant 0 : index
    %get3A_1665 = arith.index_cast %mul3A_1663 : i32 to index
    %get3A_1666 = vector.load %arg2[%get3A_1664, %get3A_1665] : memref<50x50000xf32, #tpu.memory_space<vmem>>, vector<50x128xf32>
    %get3A_1667 = arith.constant 0 : index
    %get3A_1668 = arith.index_cast %mul3A_1663 : i32 to index
    %get3A_1669 = vector.load %arg3[%get3A_1667, %get3A_1668] : memref<50x50000xf32, #tpu.memory_space<vmem>>, vector<50x128xf32>
    %sub3A_1670 = arith.subi %get3A_1637, %mul3A_1663 : i32
    %eq3A_1671 = vector.broadcast %sub3A_1670 : i32 to vector<50x128xi32>
    %eq3A_1672 = arith.cmpi eq, %iota3A, %eq3A_1671 : vector<50x128xi32>
    %jit3A_1673 = arith.constant 1.44269502 : f32
    %jit3A_1674 = arith.constant 0.000000e+00 : f32
    %broadcast_in_dim3A_1675 = vector.broadcast %jit3A_1673 : f32 to vector<50x128xf32>
    %broadcast_in_dim3A_1676 = vector.broadcast %jit3A_1674 : f32 to vector<50x128xf32>
    %select_n3A_1677 = arith.select %eq3A_1672, %broadcast_in_dim3A_1675, %broadcast_in_dim3A_1676 : vector<50x128xi1>, vector<50x128xf32>
    %add3A_1678 = arith.addf %get3A_1666, %get3A_1669 : vector<50x128xf32>
    %mul3A_1679 = arith.mulf %add3A_1678, %select_n3A_1677 : vector<50x128xf32>
    %reduce_sum3A_1680 = arith.constant dense<0.000000e+00> : vector<50xf32>
    %reduce_sum3A_1681 = vector.multi_reduction <add>, %mul3A_1679, %reduce_sum3A_1680 [1] : vector<50x128xf32> to vector<50xf32>
    %broadcast_in_dim3A_1682 = vector.shape_cast %reduce_sum3A_1681 : vector<50xf32> to vector<50x1xf32>
    %swap3A_1683 = arith.constant 0 : index
    %swap3A_1684 = arith.constant 0 : index
    %swap3A_1685 = arith.constant 28 : index
    %swap3A_1686 = vector.load %arg6[%swap3A_1683, %swap3A_1684, %swap3A_1685] : memref<2x50x32xf32, #tpu.memory_space<vmem>>, vector<1x50x1xf32>
    %swap3A_1687 = vector.shape_cast %swap3A_1686 : vector<1x50x1xf32> to vector<50x1xf32>
    %swap3A_1688 = vector.shape_cast %broadcast_in_dim3A_1682 : vector<50x1xf32> to vector<1x50x1xf32>
    tpu.vector_store %arg6[%swap3A_1683, %swap3A_1684, %swap3A_1685], %swap3A_1688 {strides = array<i32>} : memref<2x50x32xf32, #tpu.memory_space<vmem>>, vector<1x50x1xf32>,
    %get3A_1689 = arith.constant 29 : index
    %get3A_1690 = memref.load %arg1[%get3A_1689] : memref<64xi32, #tpu.memory_space<smem>>
    %jit3A_1691 = arith.constant 128 : i32
    %div3A_1692 = arith.divsi %get3A_1690, %jit3A_1691 : i32
    %sign3A_1693 = arith.constant 0 : i32
    %sign3A_1694 = arith.cmpi sgt, %get3A_1690, %sign3A_1693 : i32
    %sign3A_1695 = arith.extui %sign3A_1694 : i1 to i32
    %sign3A_1696 = arith.constant 0 : i32
    %sign3A_1697 = arith.cmpi slt, %get3A_1690, %sign3A_1696 : i32
    %sign3A_1698 = arith.extui %sign3A_1697 : i1 to i32
    %sign3A_1699 = arith.subi %sign3A_1695, %sign3A_1698 : i32
    %sign3A_1700 = arith.constant 0 : i32
    %sign3A_1701 = arith.cmpi sgt, %jit3A_1691, %sign3A_1700 : i32
    %sign3A_1702 = arith.extui %sign3A_1701 : i1 to i32
    %sign3A_1703 = arith.constant 0 : i32
    %sign3A_1704 = arith.cmpi slt, %jit3A_1691, %sign3A_1703 : i32
    %sign3A_1705 = arith.extui %sign3A_1704 : i1 to i32
    %sign3A_1706 = arith.subi %sign3A_1702, %sign3A_1705 : i32
    %ne3A_1707 = arith.cmpi ne, %sign3A_1699, %sign3A_1706 : i32
    %rem3A_1708 = arith.remsi %get3A_1690, %jit3A_1691 : i32
    %ne3A_1709 = arith.constant 0 : i32
    %ne3A_1710 = arith.cmpi ne, %rem3A_1708, %ne3A_1709 : i32
    %and3A_1711 = arith.andi %ne3A_1707, %ne3A_1710 : i1
    %sub3A_1712 = arith.constant 1 : i32
    %sub3A_1713 = arith.subi %div3A_1692, %sub3A_1712 : i32
    %select_n3A_1714 = arith.select %and3A_1711, %sub3A_1713, %div3A_1692 : i32
    %mul3A_1715 = arith.constant 128 : i32
    %mul3A_1716 = arith.muli %select_n3A_1714, %mul3A_1715 : i32
    %get3A_1717 = arith.constant 0 : index
    %get3A_1718 = arith.index_cast %mul3A_1716 : i32 to index
    %get3A_1719 = vector.load %arg2[%get3A_1717, %get3A_1718] : memref<50x50000xf32, #tpu.memory_space<vmem>>, vector<50x128xf32>
    %get3A_1720 = arith.constant 0 : index
    %get3A_1721 = arith.index_cast %mul3A_1716 : i32 to index
    %get3A_1722 = vector.load %arg3[%get3A_1720, %get3A_1721] : memref<50x50000xf32, #tpu.memory_space<vmem>>, vector<50x128xf32>
    %sub3A_1723 = arith.subi %get3A_1690, %mul3A_1716 : i32
    %eq3A_1724 = vector.broadcast %sub3A_1723 : i32 to vector<50x128xi32>
    %eq3A_1725 = arith.cmpi eq, %iota3A, %eq3A_1724 : vector<50x128xi32>
    %jit3A_1726 = arith.constant 1.44269502 : f32
    %jit3A_1727 = arith.constant 0.000000e+00 : f32
    %broadcast_in_dim3A_1728 = vector.broadcast %jit3A_1726 : f32 to vector<50x128xf32>
    %broadcast_in_dim3A_1729 = vector.broadcast %jit3A_1727 : f32 to vector<50x128xf32>
    %select_n3A_1730 = arith.select %eq3A_1725, %broadcast_in_dim3A_1728, %broadcast_in_dim3A_1729 : vector<50x128xi1>, vector<50x128xf32>
    %add3A_1731 = arith.addf %get3A_1719, %get3A_1722 : vector<50x128xf32>
    %mul3A_1732 = arith.mulf %add3A_1731, %select_n3A_1730 : vector<50x128xf32>
    %reduce_sum3A_1733 = arith.constant dense<0.000000e+00> : vector<50xf32>
    %reduce_sum3A_1734 = vector.multi_reduction <add>, %mul3A_1732, %reduce_sum3A_1733 [1] : vector<50x128xf32> to vector<50xf32>
    %broadcast_in_dim3A_1735 = vector.shape_cast %reduce_sum3A_1734 : vector<50xf32> to vector<50x1xf32>
    %swap3A_1736 = arith.constant 0 : index
    %swap3A_1737 = arith.constant 0 : index
    %swap3A_1738 = arith.constant 29 : index
    %swap3A_1739 = vector.load %arg6[%swap3A_1736, %swap3A_1737, %swap3A_1738] : memref<2x50x32xf32, #tpu.memory_space<vmem>>, vector<1x50x1xf32>
    %swap3A_1740 = vector.shape_cast %swap3A_1739 : vector<1x50x1xf32> to vector<50x1xf32>
    %swap3A_1741 = vector.shape_cast %broadcast_in_dim3A_1735 : vector<50x1xf32> to vector<1x50x1xf32>
    tpu.vector_store %arg6[%swap3A_1736, %swap3A_1737, %swap3A_1738], %swap3A_1741 {strides = array<i32>} : memref<2x50x32xf32, #tpu.memory_space<vmem>>, vector<1x50x1xf32>,
    %get3A_1742 = arith.constant 30 : index
    %get3A_1743 = memref.load %arg1[%get3A_1742] : memref<64xi32, #tpu.memory_space<smem>>
    %jit3A_1744 = arith.constant 128 : i32
    %div3A_1745 = arith.divsi %get3A_1743, %jit3A_1744 : i32
    %sign3A_1746 = arith.constant 0 : i32
    %sign3A_1747 = arith.cmpi sgt, %get3A_1743, %sign3A_1746 : i32
    %sign3A_1748 = arith.extui %sign3A_1747 : i1 to i32
    %sign3A_1749 = arith.constant 0 : i32
    %sign3A_1750 = arith.cmpi slt, %get3A_1743, %sign3A_1749 : i32
    %sign3A_1751 = arith.extui %sign3A_1750 : i1 to i32
    %sign3A_1752 = arith.subi %sign3A_1748, %sign3A_1751 : i32
    %sign3A_1753 = arith.constant 0 : i32
    %sign3A_1754 = arith.cmpi sgt, %jit3A_1744, %sign3A_1753 : i32
    %sign3A_1755 = arith.extui %sign3A_1754 : i1 to i32
    %sign3A_1756 = arith.constant 0 : i32
    %sign3A_1757 = arith.cmpi slt, %jit3A_1744, %sign3A_1756 : i32
    %sign3A_1758 = arith.extui %sign3A_1757 : i1 to i32
    %sign3A_1759 = arith.subi %sign3A_1755, %sign3A_1758 : i32
    %ne3A_1760 = arith.cmpi ne, %sign3A_1752, %sign3A_1759 : i32
    %rem3A_1761 = arith.remsi %get3A_1743, %jit3A_1744 : i32
    %ne3A_1762 = arith.constant 0 : i32
    %ne3A_1763 = arith.cmpi ne, %rem3A_1761, %ne3A_1762 : i32
    %and3A_1764 = arith.andi %ne3A_1760, %ne3A_1763 : i1
    %sub3A_1765 = arith.constant 1 : i32
    %sub3A_1766 = arith.subi %div3A_1745, %sub3A_1765 : i32
    %select_n3A_1767 = arith.select %and3A_1764, %sub3A_1766, %div3A_1745 : i32
    %mul3A_1768 = arith.constant 128 : i32
    %mul3A_1769 = arith.muli %select_n3A_1767, %mul3A_1768 : i32
    %get3A_1770 = arith.constant 0 : index
    %get3A_1771 = arith.index_cast %mul3A_1769 : i32 to index
    %get3A_1772 = vector.load %arg2[%get3A_1770, %get3A_1771] : memref<50x50000xf32, #tpu.memory_space<vmem>>, vector<50x128xf32>
    %get3A_1773 = arith.constant 0 : index
    %get3A_1774 = arith.index_cast %mul3A_1769 : i32 to index
    %get3A_1775 = vector.load %arg3[%get3A_1773, %get3A_1774] : memref<50x50000xf32, #tpu.memory_space<vmem>>, vector<50x128xf32>
    %sub3A_1776 = arith.subi %get3A_1743, %mul3A_1769 : i32
    %eq3A_1777 = vector.broadcast %sub3A_1776 : i32 to vector<50x128xi32>
    %eq3A_1778 = arith.cmpi eq, %iota3A, %eq3A_1777 : vector<50x128xi32>
    %jit3A_1779 = arith.constant 1.44269502 : f32
    %jit3A_1780 = arith.constant 0.000000e+00 : f32
    %broadcast_in_dim3A_1781 = vector.broadcast %jit3A_1779 : f32 to vector<50x128xf32>
    %broadcast_in_dim3A_1782 = vector.broadcast %jit3A_1780 : f32 to vector<50x128xf32>
    %select_n3A_1783 = arith.select %eq3A_1778, %broadcast_in_dim3A_1781, %broadcast_in_dim3A_1782 : vector<50x128xi1>, vector<50x128xf32>
    %add3A_1784 = arith.addf %get3A_1772, %get3A_1775 : vector<50x128xf32>
    %mul3A_1785 = arith.mulf %add3A_1784, %select_n3A_1783 : vector<50x128xf32>
    %reduce_sum3A_1786 = arith.constant dense<0.000000e+00> : vector<50xf32>
    %reduce_sum3A_1787 = vector.multi_reduction <add>, %mul3A_1785, %reduce_sum3A_1786 [1] : vector<50x128xf32> to vector<50xf32>
    %broadcast_in_dim3A_1788 = vector.shape_cast %reduce_sum3A_1787 : vector<50xf32> to vector<50x1xf32>
    %swap3A_1789 = arith.constant 0 : index
    %swap3A_1790 = arith.constant 0 : index
    %swap3A_1791 = arith.constant 30 : index
    %swap3A_1792 = vector.load %arg6[%swap3A_1789, %swap3A_1790, %swap3A_1791] : memref<2x50x32xf32, #tpu.memory_space<vmem>>, vector<1x50x1xf32>
    %swap3A_1793 = vector.shape_cast %swap3A_1792 : vector<1x50x1xf32> to vector<50x1xf32>
    %swap3A_1794 = vector.shape_cast %broadcast_in_dim3A_1788 : vector<50x1xf32> to vector<1x50x1xf32>
    tpu.vector_store %arg6[%swap3A_1789, %swap3A_1790, %swap3A_1791], %swap3A_1794 {strides = array<i32>} : memref<2x50x32xf32, #tpu.memory_space<vmem>>, vector<1x50x1xf32>,
    %get3A_1795 = arith.constant 31 : index
    %get3A_1796 = memref.load %arg1[%get3A_1795] : memref<64xi32, #tpu.memory_space<smem>>
    %jit3A_1797 = arith.constant 128 : i32
    %div3A_1798 = arith.divsi %get3A_1796, %jit3A_1797 : i32
    %sign3A_1799 = arith.constant 0 : i32
    %sign3A_1800 = arith.cmpi sgt, %get3A_1796, %sign3A_1799 : i32
    %sign3A_1801 = arith.extui %sign3A_1800 : i1 to i32
    %sign3A_1802 = arith.constant 0 : i32
    %sign3A_1803 = arith.cmpi slt, %get3A_1796, %sign3A_1802 : i32
    %sign3A_1804 = arith.extui %sign3A_1803 : i1 to i32
    %sign3A_1805 = arith.subi %sign3A_1801, %sign3A_1804 : i32
    %sign3A_1806 = arith.constant 0 : i32
    %sign3A_1807 = arith.cmpi sgt, %jit3A_1797, %sign3A_1806 : i32
    %sign3A_1808 = arith.extui %sign3A_1807 : i1 to i32
    %sign3A_1809 = arith.constant 0 : i32
    %sign3A_1810 = arith.cmpi slt, %jit3A_1797, %sign3A_1809 : i32
    %sign3A_1811 = arith.extui %sign3A_1810 : i1 to i32
    %sign3A_1812 = arith.subi %sign3A_1808, %sign3A_1811 : i32
    %ne3A_1813 = arith.cmpi ne, %sign3A_1805, %sign3A_1812 : i32
    %rem3A_1814 = arith.remsi %get3A_1796, %jit3A_1797 : i32
    %ne3A_1815 = arith.constant 0 : i32
    %ne3A_1816 = arith.cmpi ne, %rem3A_1814, %ne3A_1815 : i32
    %and3A_1817 = arith.andi %ne3A_1813, %ne3A_1816 : i1
    %sub3A_1818 = arith.constant 1 : i32
    %sub3A_1819 = arith.subi %div3A_1798, %sub3A_1818 : i32
    %select_n3A_1820 = arith.select %and3A_1817, %sub3A_1819, %div3A_1798 : i32
    %mul3A_1821 = arith.constant 128 : i32
    %mul3A_1822 = arith.muli %select_n3A_1820, %mul3A_1821 : i32
    %get3A_1823 = arith.constant 0 : index
    %get3A_1824 = arith.index_cast %mul3A_1822 : i32 to index
    %get3A_1825 = vector.load %arg2[%get3A_1823, %get3A_1824] : memref<50x50000xf32, #tpu.memory_space<vmem>>, vector<50x128xf32>
    %get3A_1826 = arith.constant 0 : index
    %get3A_1827 = arith.index_cast %mul3A_1822 : i32 to index
    %get3A_1828 = vector.load %arg3[%get3A_1826, %get3A_1827] : memref<50x50000xf32, #tpu.memory_space<vmem>>, vector<50x128xf32>
    %sub3A_1829 = arith.subi %get3A_1796, %mul3A_1822 : i32
    %eq3A_1830 = vector.broadcast %sub3A_1829 : i32 to vector<50x128xi32>
    %eq3A_1831 = arith.cmpi eq, %iota3A, %eq3A_1830 : vector<50x128xi32>
    %jit3A_1832 = arith.constant 1.44269502 : f32
    %jit3A_1833 = arith.constant 0.000000e+00 : f32
    %broadcast_in_dim3A_1834 = vector.broadcast %jit3A_1832 : f32 to vector<50x128xf32>
    %broadcast_in_dim3A_1835 = vector.broadcast %jit3A_1833 : f32 to vector<50x128xf32>
    %select_n3A_1836 = arith.select %eq3A_1831, %broadcast_in_dim3A_1834, %broadcast_in_dim3A_1835 : vector<50x128xi1>, vector<50x128xf32>
    %add3A_1837 = arith.addf %get3A_1825, %get3A_1828 : vector<50x128xf32>
    %mul3A_1838 = arith.mulf %add3A_1837, %select_n3A_1836 : vector<50x128xf32>
    %reduce_sum3A_1839 = arith.constant dense<0.000000e+00> : vector<50xf32>
    %reduce_sum3A_1840 = vector.multi_reduction <add>, %mul3A_1838, %reduce_sum3A_1839 [1] : vector<50x128xf32> to vector<50xf32>
    %broadcast_in_dim3A_1841 = vector.shape_cast %reduce_sum3A_1840 : vector<50xf32> to vector<50x1xf32>
    %swap3A_1842 = arith.constant 0 : index
    %swap3A_1843 = arith.constant 0 : index
    %swap3A_1844 = arith.constant 31 : index
    %swap3A_1845 = vector.load %arg6[%swap3A_1842, %swap3A_1843, %swap3A_1844] : memref<2x50x32xf32, #tpu.memory_space<vmem>>, vector<1x50x1xf32>
    %swap3A_1846 = vector.shape_cast %swap3A_1845 : vector<1x50x1xf32> to vector<50x1xf32>
    %swap3A_1847 = vector.shape_cast %broadcast_in_dim3A_1841 : vector<50x1xf32> to vector<1x50x1xf32>
    tpu.vector_store %arg6[%swap3A_1842, %swap3A_1843, %swap3A_1844], %swap3A_1847 {strides = array<i32>} : memref<2x50x32xf32, #tpu.memory_space<vmem>>, vector<1x50x1xf32>,
    %get3A_1848 = arith.constant 32 : index
    %get3A_1849 = memref.load %arg1[%get3A_1848] : memref<64xi32, #tpu.memory_space<smem>>
    %jit3A_1850 = arith.constant 128 : i32
    %div3A_1851 = arith.divsi %get3A_1849, %jit3A_1850 : i32
    %sign3A_1852 = arith.constant 0 : i32
    %sign3A_1853 = arith.cmpi sgt, %get3A_1849, %sign3A_1852 : i32
    %sign3A_1854 = arith.extui %sign3A_1853 : i1 to i32
    %sign3A_1855 = arith.constant 0 : i32
    %sign3A_1856 = arith.cmpi slt, %get3A_1849, %sign3A_1855 : i32
    %sign3A_1857 = arith.extui %sign3A_1856 : i1 to i32
    %sign3A_1858 = arith.subi %sign3A_1854, %sign3A_1857 : i32
    %sign3A_1859 = arith.constant 0 : i32
    %sign3A_1860 = arith.cmpi sgt, %jit3A_1850, %sign3A_1859 : i32
    %sign3A_1861 = arith.extui %sign3A_1860 : i1 to i32
    %sign3A_1862 = arith.constant 0 : i32
    %sign3A_1863 = arith.cmpi slt, %jit3A_1850, %sign3A_1862 : i32
    %sign3A_1864 = arith.extui %sign3A_1863 : i1 to i32
    %sign3A_1865 = arith.subi %sign3A_1861, %sign3A_1864 : i32
    %ne3A_1866 = arith.cmpi ne, %sign3A_1858, %sign3A_1865 : i32
    %rem3A_1867 = arith.remsi %get3A_1849, %jit3A_1850 : i32
    %ne3A_1868 = arith.constant 0 : i32
    %ne3A_1869 = arith.cmpi ne, %rem3A_1867, %ne3A_1868 : i32
    %and3A_1870 = arith.andi %ne3A_1866, %ne3A_1869 : i1
    %sub3A_1871 = arith.constant 1 : i32
    %sub3A_1872 = arith.subi %div3A_1851, %sub3A_1871 : i32
    %select_n3A_1873 = arith.select %and3A_1870, %sub3A_1872, %div3A_1851 : i32
    %mul3A_1874 = arith.constant 128 : i32
    %mul3A_1875 = arith.muli %select_n3A_1873, %mul3A_1874 : i32
    %get3A_1876 = arith.constant 0 : index
    %get3A_1877 = arith.index_cast %mul3A_1875 : i32 to index
    %get3A_1878 = vector.load %arg2[%get3A_1876, %get3A_1877] : memref<50x50000xf32, #tpu.memory_space<vmem>>, vector<50x128xf32>
    %get3A_1879 = arith.constant 0 : index
    %get3A_1880 = arith.index_cast %mul3A_1875 : i32 to index
    %get3A_1881 = vector.load %arg3[%get3A_1879, %get3A_1880] : memref<50x50000xf32, #tpu.memory_space<vmem>>, vector<50x128xf32>
    %sub3A_1882 = arith.subi %get3A_1849, %mul3A_1875 : i32
    %eq3A_1883 = vector.broadcast %sub3A_1882 : i32 to vector<50x128xi32>
    %eq3A_1884 = arith.cmpi eq, %iota3A, %eq3A_1883 : vector<50x128xi32>
    %jit3A_1885 = arith.constant 1.44269502 : f32
    %jit3A_1886 = arith.constant 0.000000e+00 : f32
    %broadcast_in_dim3A_1887 = vector.broadcast %jit3A_1885 : f32 to vector<50x128xf32>
    %broadcast_in_dim3A_1888 = vector.broadcast %jit3A_1886 : f32 to vector<50x128xf32>
    %select_n3A_1889 = arith.select %eq3A_1884, %broadcast_in_dim3A_1887, %broadcast_in_dim3A_1888 : vector<50x128xi1>, vector<50x128xf32>
    %add3A_1890 = arith.addf %get3A_1878, %get3A_1881 : vector<50x128xf32>
    %mul3A_1891 = arith.mulf %add3A_1890, %select_n3A_1889 : vector<50x128xf32>
    %reduce_sum3A_1892 = arith.constant dense<0.000000e+00> : vector<50xf32>
    %reduce_sum3A_1893 = vector.multi_reduction <add>, %mul3A_1891, %reduce_sum3A_1892 [1] : vector<50x128xf32> to vector<50xf32>
    %broadcast_in_dim3A_1894 = vector.shape_cast %reduce_sum3A_1893 : vector<50xf32> to vector<50x1xf32>
    %swap3A_1895 = arith.constant 1 : index
    %swap3A_1896 = arith.constant 0 : index
    %swap3A_1897 = arith.constant 0 : index
    %swap3A_1898 = vector.load %arg6[%swap3A_1895, %swap3A_1896, %swap3A_1897] : memref<2x50x32xf32, #tpu.memory_space<vmem>>, vector<1x50x1xf32>
    %swap3A_1899 = vector.shape_cast %swap3A_1898 : vector<1x50x1xf32> to vector<50x1xf32>
    %swap3A_1900 = vector.shape_cast %broadcast_in_dim3A_1894 : vector<50x1xf32> to vector<1x50x1xf32>
    tpu.vector_store %arg6[%swap3A_1895, %swap3A_1896, %swap3A_1897], %swap3A_1900 {strides = array<i32>} : memref<2x50x32xf32, #tpu.memory_space<vmem>>, vector<1x50x1xf32>,
    %get3A_1901 = arith.constant 33 : index
    %get3A_1902 = memref.load %arg1[%get3A_1901] : memref<64xi32, #tpu.memory_space<smem>>
    %jit3A_1903 = arith.constant 128 : i32
    %div3A_1904 = arith.divsi %get3A_1902, %jit3A_1903 : i32
    %sign3A_1905 = arith.constant 0 : i32
    %sign3A_1906 = arith.cmpi sgt, %get3A_1902, %sign3A_1905 : i32
    %sign3A_1907 = arith.extui %sign3A_1906 : i1 to i32
    %sign3A_1908 = arith.constant 0 : i32
    %sign3A_1909 = arith.cmpi slt, %get3A_1902, %sign3A_1908 : i32
    %sign3A_1910 = arith.extui %sign3A_1909 : i1 to i32
    %sign3A_1911 = arith.subi %sign3A_1907, %sign3A_1910 : i32
    %sign3A_1912 = arith.constant 0 : i32
    %sign3A_1913 = arith.cmpi sgt, %jit3A_1903, %sign3A_1912 : i32
    %sign3A_1914 = arith.extui %sign3A_1913 : i1 to i32
    %sign3A_1915 = arith.constant 0 : i32
    %sign3A_1916 = arith.cmpi slt, %jit3A_1903, %sign3A_1915 : i32
    %sign3A_1917 = arith.extui %sign3A_1916 : i1 to i32
    %sign3A_1918 = arith.subi %sign3A_1914, %sign3A_1917 : i32
    %ne3A_1919 = arith.cmpi ne, %sign3A_1911, %sign3A_1918 : i32
    %rem3A_1920 = arith.remsi %get3A_1902, %jit3A_1903 : i32
    %ne3A_1921 = arith.constant 0 : i32
    %ne3A_1922 = arith.cmpi ne, %rem3A_1920, %ne3A_1921 : i32
    %and3A_1923 = arith.andi %ne3A_1919, %ne3A_1922 : i1
    %sub3A_1924 = arith.constant 1 : i32
    %sub3A_1925 = arith.subi %div3A_1904, %sub3A_1924 : i32
    %select_n3A_1926 = arith.select %and3A_1923, %sub3A_1925, %div3A_1904 : i32
    %mul3A_1927 = arith.constant 128 : i32
    %mul3A_1928 = arith.muli %select_n3A_1926, %mul3A_1927 : i32
    %get3A_1929 = arith.constant 0 : index
    %get3A_1930 = arith.index_cast %mul3A_1928 : i32 to index
    %get3A_1931 = vector.load %arg2[%get3A_1929, %get3A_1930] : memref<50x50000xf32, #tpu.memory_space<vmem>>, vector<50x128xf32>
    %get3A_1932 = arith.constant 0 : index
    %get3A_1933 = arith.index_cast %mul3A_1928 : i32 to index
    %get3A_1934 = vector.load %arg3[%get3A_1932, %get3A_1933] : memref<50x50000xf32, #tpu.memory_space<vmem>>, vector<50x128xf32>
    %sub3A_1935 = arith.subi %get3A_1902, %mul3A_1928 : i32
    %eq3A_1936 = vector.broadcast %sub3A_1935 : i32 to vector<50x128xi32>
    %eq3A_1937 = arith.cmpi eq, %iota3A, %eq3A_1936 : vector<50x128xi32>
    %jit3A_1938 = arith.constant 1.44269502 : f32
    %jit3A_1939 = arith.constant 0.000000e+00 : f32
    %broadcast_in_dim3A_1940 = vector.broadcast %jit3A_1938 : f32 to vector<50x128xf32>
    %broadcast_in_dim3A_1941 = vector.broadcast %jit3A_1939 : f32 to vector<50x128xf32>
    %select_n3A_1942 = arith.select %eq3A_1937, %broadcast_in_dim3A_1940, %broadcast_in_dim3A_1941 : vector<50x128xi1>, vector<50x128xf32>
    %add3A_1943 = arith.addf %get3A_1931, %get3A_1934 : vector<50x128xf32>
    %mul3A_1944 = arith.mulf %add3A_1943, %select_n3A_1942 : vector<50x128xf32>
    %reduce_sum3A_1945 = arith.constant dense<0.000000e+00> : vector<50xf32>
    %reduce_sum3A_1946 = vector.multi_reduction <add>, %mul3A_1944, %reduce_sum3A_1945 [1] : vector<50x128xf32> to vector<50xf32>
    %broadcast_in_dim3A_1947 = vector.shape_cast %reduce_sum3A_1946 : vector<50xf32> to vector<50x1xf32>
    %swap3A_1948 = arith.constant 1 : index
    %swap3A_1949 = arith.constant 0 : index
    %swap3A_1950 = arith.constant 1 : index
    %swap3A_1951 = vector.load %arg6[%swap3A_1948, %swap3A_1949, %swap3A_1950] : memref<2x50x32xf32, #tpu.memory_space<vmem>>, vector<1x50x1xf32>
    %swap3A_1952 = vector.shape_cast %swap3A_1951 : vector<1x50x1xf32> to vector<50x1xf32>
    %swap3A_1953 = vector.shape_cast %broadcast_in_dim3A_1947 : vector<50x1xf32> to vector<1x50x1xf32>
    tpu.vector_store %arg6[%swap3A_1948, %swap3A_1949, %swap3A_1950], %swap3A_1953 {strides = array<i32>} : memref<2x50x32xf32, #tpu.memory_space<vmem>>, vector<1x50x1xf32>,
    %get3A_1954 = arith.constant 34 : index
    %get3A_1955 = memref.load %arg1[%get3A_1954] : memref<64xi32, #tpu.memory_space<smem>>
    %jit3A_1956 = arith.constant 128 : i32
    %div3A_1957 = arith.divsi %get3A_1955, %jit3A_1956 : i32
    %sign3A_1958 = arith.constant 0 : i32
    %sign3A_1959 = arith.cmpi sgt, %get3A_1955, %sign3A_1958 : i32
    %sign3A_1960 = arith.extui %sign3A_1959 : i1 to i32
    %sign3A_1961 = arith.constant 0 : i32
    %sign3A_1962 = arith.cmpi slt, %get3A_1955, %sign3A_1961 : i32
    %sign3A_1963 = arith.extui %sign3A_1962 : i1 to i32
    %sign3A_1964 = arith.subi %sign3A_1960, %sign3A_1963 : i32
    %sign3A_1965 = arith.constant 0 : i32
    %sign3A_1966 = arith.cmpi sgt, %jit3A_1956, %sign3A_1965 : i32
    %sign3A_1967 = arith.extui %sign3A_1966 : i1 to i32
    %sign3A_1968 = arith.constant 0 : i32
    %sign3A_1969 = arith.cmpi slt, %jit3A_1956, %sign3A_1968 : i32
    %sign3A_1970 = arith.extui %sign3A_1969 : i1 to i32
    %sign3A_1971 = arith.subi %sign3A_1967, %sign3A_1970 : i32
    %ne3A_1972 = arith.cmpi ne, %sign3A_1964, %sign3A_1971 : i32
    %rem3A_1973 = arith.remsi %get3A_1955, %jit3A_1956 : i32
    %ne3A_1974 = arith.constant 0 : i32
    %ne3A_1975 = arith.cmpi ne, %rem3A_1973, %ne3A_1974 : i32
    %and3A_1976 = arith.andi %ne3A_1972, %ne3A_1975 : i1
    %sub3A_1977 = arith.constant 1 : i32
    %sub3A_1978 = arith.subi %div3A_1957, %sub3A_1977 : i32
    %select_n3A_1979 = arith.select %and3A_1976, %sub3A_1978, %div3A_1957 : i32
    %mul3A_1980 = arith.constant 128 : i32
    %mul3A_1981 = arith.muli %select_n3A_1979, %mul3A_1980 : i32
    %get3A_1982 = arith.constant 0 : index
    %get3A_1983 = arith.index_cast %mul3A_1981 : i32 to index
    %get3A_1984 = vector.load %arg2[%get3A_1982, %get3A_1983] : memref<50x50000xf32, #tpu.memory_space<vmem>>, vector<50x128xf32>
    %get3A_1985 = arith.constant 0 : index
    %get3A_1986 = arith.index_cast %mul3A_1981 : i32 to index
    %get3A_1987 = vector.load %arg3[%get3A_1985, %get3A_1986] : memref<50x50000xf32, #tpu.memory_space<vmem>>, vector<50x128xf32>
    %sub3A_1988 = arith.subi %get3A_1955, %mul3A_1981 : i32
    %eq3A_1989 = vector.broadcast %sub3A_1988 : i32 to vector<50x128xi32>
    %eq3A_1990 = arith.cmpi eq, %iota3A, %eq3A_1989 : vector<50x128xi32>
    %jit3A_1991 = arith.constant 1.44269502 : f32
    %jit3A_1992 = arith.constant 0.000000e+00 : f32
    %broadcast_in_dim3A_1993 = vector.broadcast %jit3A_1991 : f32 to vector<50x128xf32>
    %broadcast_in_dim3A_1994 = vector.broadcast %jit3A_1992 : f32 to vector<50x128xf32>
    %select_n3A_1995 = arith.select %eq3A_1990, %broadcast_in_dim3A_1993, %broadcast_in_dim3A_1994 : vector<50x128xi1>, vector<50x128xf32>
    %add3A_1996 = arith.addf %get3A_1984, %get3A_1987 : vector<50x128xf32>
    %mul3A_1997 = arith.mulf %add3A_1996, %select_n3A_1995 : vector<50x128xf32>
    %reduce_sum3A_1998 = arith.constant dense<0.000000e+00> : vector<50xf32>
    %reduce_sum3A_1999 = vector.multi_reduction <add>, %mul3A_1997, %reduce_sum3A_1998 [1] : vector<50x128xf32> to vector<50xf32>
    %broadcast_in_dim3A_2000 = vector.shape_cast %reduce_sum3A_1999 : vector<50xf32> to vector<50x1xf32>
    %swap3A_2001 = arith.constant 1 : index
    %swap3A_2002 = arith.constant 0 : index
    %swap3A_2003 = arith.constant 2 : index
    %swap3A_2004 = vector.load %arg6[%swap3A_2001, %swap3A_2002, %swap3A_2003] : memref<2x50x32xf32, #tpu.memory_space<vmem>>, vector<1x50x1xf32>
    %swap3A_2005 = vector.shape_cast %swap3A_2004 : vector<1x50x1xf32> to vector<50x1xf32>
    %swap3A_2006 = vector.shape_cast %broadcast_in_dim3A_2000 : vector<50x1xf32> to vector<1x50x1xf32>
    tpu.vector_store %arg6[%swap3A_2001, %swap3A_2002, %swap3A_2003], %swap3A_2006 {strides = array<i32>} : memref<2x50x32xf32, #tpu.memory_space<vmem>>, vector<1x50x1xf32>,
    %get3A_2007 = arith.constant 35 : index
    %get3A_2008 = memref.load %arg1[%get3A_2007] : memref<64xi32, #tpu.memory_space<smem>>
    %jit3A_2009 = arith.constant 128 : i32
    %div3A_2010 = arith.divsi %get3A_2008, %jit3A_2009 : i32
    %sign3A_2011 = arith.constant 0 : i32
    %sign3A_2012 = arith.cmpi sgt, %get3A_2008, %sign3A_2011 : i32
    %sign3A_2013 = arith.extui %sign3A_2012 : i1 to i32
    %sign3A_2014 = arith.constant 0 : i32
    %sign3A_2015 = arith.cmpi slt, %get3A_2008, %sign3A_2014 : i32
    %sign3A_2016 = arith.extui %sign3A_2015 : i1 to i32
    %sign3A_2017 = arith.subi %sign3A_2013, %sign3A_2016 : i32
    %sign3A_2018 = arith.constant 0 : i32
    %sign3A_2019 = arith.cmpi sgt, %jit3A_2009, %sign3A_2018 : i32
    %sign3A_2020 = arith.extui %sign3A_2019 : i1 to i32
    %sign3A_2021 = arith.constant 0 : i32
    %sign3A_2022 = arith.cmpi slt, %jit3A_2009, %sign3A_2021 : i32
    %sign3A_2023 = arith.extui %sign3A_2022 : i1 to i32
    %sign3A_2024 = arith.subi %sign3A_2020, %sign3A_2023 : i32
    %ne3A_2025 = arith.cmpi ne, %sign3A_2017, %sign3A_2024 : i32
    %rem3A_2026 = arith.remsi %get3A_2008, %jit3A_2009 : i32
    %ne3A_2027 = arith.constant 0 : i32
    %ne3A_2028 = arith.cmpi ne, %rem3A_2026, %ne3A_2027 : i32
    %and3A_2029 = arith.andi %ne3A_2025, %ne3A_2028 : i1
    %sub3A_2030 = arith.constant 1 : i32
    %sub3A_2031 = arith.subi %div3A_2010, %sub3A_2030 : i32
    %select_n3A_2032 = arith.select %and3A_2029, %sub3A_2031, %div3A_2010 : i32
    %mul3A_2033 = arith.constant 128 : i32
    %mul3A_2034 = arith.muli %select_n3A_2032, %mul3A_2033 : i32
    %get3A_2035 = arith.constant 0 : index
    %get3A_2036 = arith.index_cast %mul3A_2034 : i32 to index
    %get3A_2037 = vector.load %arg2[%get3A_2035, %get3A_2036] : memref<50x50000xf32, #tpu.memory_space<vmem>>, vector<50x128xf32>
    %get3A_2038 = arith.constant 0 : index
    %get3A_2039 = arith.index_cast %mul3A_2034 : i32 to index
    %get3A_2040 = vector.load %arg3[%get3A_2038, %get3A_2039] : memref<50x50000xf32, #tpu.memory_space<vmem>>, vector<50x128xf32>
    %sub3A_2041 = arith.subi %get3A_2008, %mul3A_2034 : i32
    %eq3A_2042 = vector.broadcast %sub3A_2041 : i32 to vector<50x128xi32>
    %eq3A_2043 = arith.cmpi eq, %iota3A, %eq3A_2042 : vector<50x128xi32>
    %jit3A_2044 = arith.constant 1.44269502 : f32
    %jit3A_2045 = arith.constant 0.000000e+00 : f32
    %broadcast_in_dim3A_2046 = vector.broadcast %jit3A_2044 : f32 to vector<50x128xf32>
    %broadcast_in_dim3A_2047 = vector.broadcast %jit3A_2045 : f32 to vector<50x128xf32>
    %select_n3A_2048 = arith.select %eq3A_2043, %broadcast_in_dim3A_2046, %broadcast_in_dim3A_2047 : vector<50x128xi1>, vector<50x128xf32>
    %add3A_2049 = arith.addf %get3A_2037, %get3A_2040 : vector<50x128xf32>
    %mul3A_2050 = arith.mulf %add3A_2049, %select_n3A_2048 : vector<50x128xf32>
    %reduce_sum3A_2051 = arith.constant dense<0.000000e+00> : vector<50xf32>
    %reduce_sum3A_2052 = vector.multi_reduction <add>, %mul3A_2050, %reduce_sum3A_2051 [1] : vector<50x128xf32> to vector<50xf32>
    %broadcast_in_dim3A_2053 = vector.shape_cast %reduce_sum3A_2052 : vector<50xf32> to vector<50x1xf32>
    %swap3A_2054 = arith.constant 1 : index
    %swap3A_2055 = arith.constant 0 : index
    %swap3A_2056 = arith.constant 3 : index
    %swap3A_2057 = vector.load %arg6[%swap3A_2054, %swap3A_2055, %swap3A_2056] : memref<2x50x32xf32, #tpu.memory_space<vmem>>, vector<1x50x1xf32>
    %swap3A_2058 = vector.shape_cast %swap3A_2057 : vector<1x50x1xf32> to vector<50x1xf32>
    %swap3A_2059 = vector.shape_cast %broadcast_in_dim3A_2053 : vector<50x1xf32> to vector<1x50x1xf32>
    tpu.vector_store %arg6[%swap3A_2054, %swap3A_2055, %swap3A_2056], %swap3A_2059 {strides = array<i32>} : memref<2x50x32xf32, #tpu.memory_space<vmem>>, vector<1x50x1xf32>,
    %get3A_2060 = arith.constant 36 : index
    %get3A_2061 = memref.load %arg1[%get3A_2060] : memref<64xi32, #tpu.memory_space<smem>>
    %jit3A_2062 = arith.constant 128 : i32
    %div3A_2063 = arith.divsi %get3A_2061, %jit3A_2062 : i32
    %sign3A_2064 = arith.constant 0 : i32
    %sign3A_2065 = arith.cmpi sgt, %get3A_2061, %sign3A_2064 : i32
    %sign3A_2066 = arith.extui %sign3A_2065 : i1 to i32
    %sign3A_2067 = arith.constant 0 : i32
    %sign3A_2068 = arith.cmpi slt, %get3A_2061, %sign3A_2067 : i32
    %sign3A_2069 = arith.extui %sign3A_2068 : i1 to i32
    %sign3A_2070 = arith.subi %sign3A_2066, %sign3A_2069 : i32
    %sign3A_2071 = arith.constant 0 : i32
    %sign3A_2072 = arith.cmpi sgt, %jit3A_2062, %sign3A_2071 : i32
    %sign3A_2073 = arith.extui %sign3A_2072 : i1 to i32
    %sign3A_2074 = arith.constant 0 : i32
    %sign3A_2075 = arith.cmpi slt, %jit3A_2062, %sign3A_2074 : i32
    %sign3A_2076 = arith.extui %sign3A_2075 : i1 to i32
    %sign3A_2077 = arith.subi %sign3A_2073, %sign3A_2076 : i32
    %ne3A_2078 = arith.cmpi ne, %sign3A_2070, %sign3A_2077 : i32
    %rem3A_2079 = arith.remsi %get3A_2061, %jit3A_2062 : i32
    %ne3A_2080 = arith.constant 0 : i32
    %ne3A_2081 = arith.cmpi ne, %rem3A_2079, %ne3A_2080 : i32
    %and3A_2082 = arith.andi %ne3A_2078, %ne3A_2081 : i1
    %sub3A_2083 = arith.constant 1 : i32
    %sub3A_2084 = arith.subi %div3A_2063, %sub3A_2083 : i32
    %select_n3A_2085 = arith.select %and3A_2082, %sub3A_2084, %div3A_2063 : i32
    %mul3A_2086 = arith.constant 128 : i32
    %mul3A_2087 = arith.muli %select_n3A_2085, %mul3A_2086 : i32
    %get3A_2088 = arith.constant 0 : index
    %get3A_2089 = arith.index_cast %mul3A_2087 : i32 to index
    %get3A_2090 = vector.load %arg2[%get3A_2088, %get3A_2089] : memref<50x50000xf32, #tpu.memory_space<vmem>>, vector<50x128xf32>
    %get3A_2091 = arith.constant 0 : index
    %get3A_2092 = arith.index_cast %mul3A_2087 : i32 to index
    %get3A_2093 = vector.load %arg3[%get3A_2091, %get3A_2092] : memref<50x50000xf32, #tpu.memory_space<vmem>>, vector<50x128xf32>
    %sub3A_2094 = arith.subi %get3A_2061, %mul3A_2087 : i32
    %eq3A_2095 = vector.broadcast %sub3A_2094 : i32 to vector<50x128xi32>
    %eq3A_2096 = arith.cmpi eq, %iota3A, %eq3A_2095 : vector<50x128xi32>
    %jit3A_2097 = arith.constant 1.44269502 : f32
    %jit3A_2098 = arith.constant 0.000000e+00 : f32
    %broadcast_in_dim3A_2099 = vector.broadcast %jit3A_2097 : f32 to vector<50x128xf32>
    %broadcast_in_dim3A_2100 = vector.broadcast %jit3A_2098 : f32 to vector<50x128xf32>
    %select_n3A_2101 = arith.select %eq3A_2096, %broadcast_in_dim3A_2099, %broadcast_in_dim3A_2100 : vector<50x128xi1>, vector<50x128xf32>
    %add3A_2102 = arith.addf %get3A_2090, %get3A_2093 : vector<50x128xf32>
    %mul3A_2103 = arith.mulf %add3A_2102, %select_n3A_2101 : vector<50x128xf32>
    %reduce_sum3A_2104 = arith.constant dense<0.000000e+00> : vector<50xf32>
    %reduce_sum3A_2105 = vector.multi_reduction <add>, %mul3A_2103, %reduce_sum3A_2104 [1] : vector<50x128xf32> to vector<50xf32>
    %broadcast_in_dim3A_2106 = vector.shape_cast %reduce_sum3A_2105 : vector<50xf32> to vector<50x1xf32>
    %swap3A_2107 = arith.constant 1 : index
    %swap3A_2108 = arith.constant 0 : index
    %swap3A_2109 = arith.constant 4 : index
    %swap3A_2110 = vector.load %arg6[%swap3A_2107, %swap3A_2108, %swap3A_2109] : memref<2x50x32xf32, #tpu.memory_space<vmem>>, vector<1x50x1xf32>
    %swap3A_2111 = vector.shape_cast %swap3A_2110 : vector<1x50x1xf32> to vector<50x1xf32>
    %swap3A_2112 = vector.shape_cast %broadcast_in_dim3A_2106 : vector<50x1xf32> to vector<1x50x1xf32>
    tpu.vector_store %arg6[%swap3A_2107, %swap3A_2108, %swap3A_2109], %swap3A_2112 {strides = array<i32>} : memref<2x50x32xf32, #tpu.memory_space<vmem>>, vector<1x50x1xf32>,
    %get3A_2113 = arith.constant 37 : index
    %get3A_2114 = memref.load %arg1[%get3A_2113] : memref<64xi32, #tpu.memory_space<smem>>
    %jit3A_2115 = arith.constant 128 : i32
    %div3A_2116 = arith.divsi %get3A_2114, %jit3A_2115 : i32
    %sign3A_2117 = arith.constant 0 : i32
    %sign3A_2118 = arith.cmpi sgt, %get3A_2114, %sign3A_2117 : i32
    %sign3A_2119 = arith.extui %sign3A_2118 : i1 to i32
    %sign3A_2120 = arith.constant 0 : i32
    %sign3A_2121 = arith.cmpi slt, %get3A_2114, %sign3A_2120 : i32
    %sign3A_2122 = arith.extui %sign3A_2121 : i1 to i32
    %sign3A_2123 = arith.subi %sign3A_2119, %sign3A_2122 : i32
    %sign3A_2124 = arith.constant 0 : i32
    %sign3A_2125 = arith.cmpi sgt, %jit3A_2115, %sign3A_2124 : i32
    %sign3A_2126 = arith.extui %sign3A_2125 : i1 to i32
    %sign3A_2127 = arith.constant 0 : i32
    %sign3A_2128 = arith.cmpi slt, %jit3A_2115, %sign3A_2127 : i32
    %sign3A_2129 = arith.extui %sign3A_2128 : i1 to i32
    %sign3A_2130 = arith.subi %sign3A_2126, %sign3A_2129 : i32
    %ne3A_2131 = arith.cmpi ne, %sign3A_2123, %sign3A_2130 : i32
    %rem3A_2132 = arith.remsi %get3A_2114, %jit3A_2115 : i32
    %ne3A_2133 = arith.constant 0 : i32
    %ne3A_2134 = arith.cmpi ne, %rem3A_2132, %ne3A_2133 : i32
    %and3A_2135 = arith.andi %ne3A_2131, %ne3A_2134 : i1
    %sub3A_2136 = arith.constant 1 : i32
    %sub3A_2137 = arith.subi %div3A_2116, %sub3A_2136 : i32
    %select_n3A_2138 = arith.select %and3A_2135, %sub3A_2137, %div3A_2116 : i32
    %mul3A_2139 = arith.constant 128 : i32
    %mul3A_2140 = arith.muli %select_n3A_2138, %mul3A_2139 : i32
    %get3A_2141 = arith.constant 0 : index
    %get3A_2142 = arith.index_cast %mul3A_2140 : i32 to index
    %get3A_2143 = vector.load %arg2[%get3A_2141, %get3A_2142] : memref<50x50000xf32, #tpu.memory_space<vmem>>, vector<50x128xf32>
    %get3A_2144 = arith.constant 0 : index
    %get3A_2145 = arith.index_cast %mul3A_2140 : i32 to index
    %get3A_2146 = vector.load %arg3[%get3A_2144, %get3A_2145] : memref<50x50000xf32, #tpu.memory_space<vmem>>, vector<50x128xf32>
    %sub3A_2147 = arith.subi %get3A_2114, %mul3A_2140 : i32
    %eq3A_2148 = vector.broadcast %sub3A_2147 : i32 to vector<50x128xi32>
    %eq3A_2149 = arith.cmpi eq, %iota3A, %eq3A_2148 : vector<50x128xi32>
    %jit3A_2150 = arith.constant 1.44269502 : f32
    %jit3A_2151 = arith.constant 0.000000e+00 : f32
    %broadcast_in_dim3A_2152 = vector.broadcast %jit3A_2150 : f32 to vector<50x128xf32>
    %broadcast_in_dim3A_2153 = vector.broadcast %jit3A_2151 : f32 to vector<50x128xf32>
    %select_n3A_2154 = arith.select %eq3A_2149, %broadcast_in_dim3A_2152, %broadcast_in_dim3A_2153 : vector<50x128xi1>, vector<50x128xf32>
    %add3A_2155 = arith.addf %get3A_2143, %get3A_2146 : vector<50x128xf32>
    %mul3A_2156 = arith.mulf %add3A_2155, %select_n3A_2154 : vector<50x128xf32>
    %reduce_sum3A_2157 = arith.constant dense<0.000000e+00> : vector<50xf32>
    %reduce_sum3A_2158 = vector.multi_reduction <add>, %mul3A_2156, %reduce_sum3A_2157 [1] : vector<50x128xf32> to vector<50xf32>
    %broadcast_in_dim3A_2159 = vector.shape_cast %reduce_sum3A_2158 : vector<50xf32> to vector<50x1xf32>
    %swap3A_2160 = arith.constant 1 : index
    %swap3A_2161 = arith.constant 0 : index
    %swap3A_2162 = arith.constant 5 : index
    %swap3A_2163 = vector.load %arg6[%swap3A_2160, %swap3A_2161, %swap3A_2162] : memref<2x50x32xf32, #tpu.memory_space<vmem>>, vector<1x50x1xf32>
    %swap3A_2164 = vector.shape_cast %swap3A_2163 : vector<1x50x1xf32> to vector<50x1xf32>
    %swap3A_2165 = vector.shape_cast %broadcast_in_dim3A_2159 : vector<50x1xf32> to vector<1x50x1xf32>
    tpu.vector_store %arg6[%swap3A_2160, %swap3A_2161, %swap3A_2162], %swap3A_2165 {strides = array<i32>} : memref<2x50x32xf32, #tpu.memory_space<vmem>>, vector<1x50x1xf32>,
    %get3A_2166 = arith.constant 38 : index
    %get3A_2167 = memref.load %arg1[%get3A_2166] : memref<64xi32, #tpu.memory_space<smem>>
    %jit3A_2168 = arith.constant 128 : i32
    %div3A_2169 = arith.divsi %get3A_2167, %jit3A_2168 : i32
    %sign3A_2170 = arith.constant 0 : i32
    %sign3A_2171 = arith.cmpi sgt, %get3A_2167, %sign3A_2170 : i32
    %sign3A_2172 = arith.extui %sign3A_2171 : i1 to i32
    %sign3A_2173 = arith.constant 0 : i32
    %sign3A_2174 = arith.cmpi slt, %get3A_2167, %sign3A_2173 : i32
    %sign3A_2175 = arith.extui %sign3A_2174 : i1 to i32
    %sign3A_2176 = arith.subi %sign3A_2172, %sign3A_2175 : i32
    %sign3A_2177 = arith.constant 0 : i32
    %sign3A_2178 = arith.cmpi sgt, %jit3A_2168, %sign3A_2177 : i32
    %sign3A_2179 = arith.extui %sign3A_2178 : i1 to i32
    %sign3A_2180 = arith.constant 0 : i32
    %sign3A_2181 = arith.cmpi slt, %jit3A_2168, %sign3A_2180 : i32
    %sign3A_2182 = arith.extui %sign3A_2181 : i1 to i32
    %sign3A_2183 = arith.subi %sign3A_2179, %sign3A_2182 : i32
    %ne3A_2184 = arith.cmpi ne, %sign3A_2176, %sign3A_2183 : i32
    %rem3A_2185 = arith.remsi %get3A_2167, %jit3A_2168 : i32
    %ne3A_2186 = arith.constant 0 : i32
    %ne3A_2187 = arith.cmpi ne, %rem3A_2185, %ne3A_2186 : i32
    %and3A_2188 = arith.andi %ne3A_2184, %ne3A_2187 : i1
    %sub3A_2189 = arith.constant 1 : i32
    %sub3A_2190 = arith.subi %div3A_2169, %sub3A_2189 : i32
    %select_n3A_2191 = arith.select %and3A_2188, %sub3A_2190, %div3A_2169 : i32
    %mul3A_2192 = arith.constant 128 : i32
    %mul3A_2193 = arith.muli %select_n3A_2191, %mul3A_2192 : i32
    %get3A_2194 = arith.constant 0 : index
    %get3A_2195 = arith.index_cast %mul3A_2193 : i32 to index
    %get3A_2196 = vector.load %arg2[%get3A_2194, %get3A_2195] : memref<50x50000xf32, #tpu.memory_space<vmem>>, vector<50x128xf32>
    %get3A_2197 = arith.constant 0 : index
    %get3A_2198 = arith.index_cast %mul3A_2193 : i32 to index
    %get3A_2199 = vector.load %arg3[%get3A_2197, %get3A_2198] : memref<50x50000xf32, #tpu.memory_space<vmem>>, vector<50x128xf32>
    %sub3A_2200 = arith.subi %get3A_2167, %mul3A_2193 : i32
    %eq3A_2201 = vector.broadcast %sub3A_2200 : i32 to vector<50x128xi32>
    %eq3A_2202 = arith.cmpi eq, %iota3A, %eq3A_2201 : vector<50x128xi32>
    %jit3A_2203 = arith.constant 1.44269502 : f32
    %jit3A_2204 = arith.constant 0.000000e+00 : f32
    %broadcast_in_dim3A_2205 = vector.broadcast %jit3A_2203 : f32 to vector<50x128xf32>
    %broadcast_in_dim3A_2206 = vector.broadcast %jit3A_2204 : f32 to vector<50x128xf32>
    %select_n3A_2207 = arith.select %eq3A_2202, %broadcast_in_dim3A_2205, %broadcast_in_dim3A_2206 : vector<50x128xi1>, vector<50x128xf32>
    %add3A_2208 = arith.addf %get3A_2196, %get3A_2199 : vector<50x128xf32>
    %mul3A_2209 = arith.mulf %add3A_2208, %select_n3A_2207 : vector<50x128xf32>
    %reduce_sum3A_2210 = arith.constant dense<0.000000e+00> : vector<50xf32>
    %reduce_sum3A_2211 = vector.multi_reduction <add>, %mul3A_2209, %reduce_sum3A_2210 [1] : vector<50x128xf32> to vector<50xf32>
    %broadcast_in_dim3A_2212 = vector.shape_cast %reduce_sum3A_2211 : vector<50xf32> to vector<50x1xf32>
    %swap3A_2213 = arith.constant 1 : index
    %swap3A_2214 = arith.constant 0 : index
    %swap3A_2215 = arith.constant 6 : index
    %swap3A_2216 = vector.load %arg6[%swap3A_2213, %swap3A_2214, %swap3A_2215] : memref<2x50x32xf32, #tpu.memory_space<vmem>>, vector<1x50x1xf32>
    %swap3A_2217 = vector.shape_cast %swap3A_2216 : vector<1x50x1xf32> to vector<50x1xf32>
    %swap3A_2218 = vector.shape_cast %broadcast_in_dim3A_2212 : vector<50x1xf32> to vector<1x50x1xf32>
    tpu.vector_store %arg6[%swap3A_2213, %swap3A_2214, %swap3A_2215], %swap3A_2218 {strides = array<i32>} : memref<2x50x32xf32, #tpu.memory_space<vmem>>, vector<1x50x1xf32>,
    %get3A_2219 = arith.constant 39 : index
    %get3A_2220 = memref.load %arg1[%get3A_2219] : memref<64xi32, #tpu.memory_space<smem>>
    %jit3A_2221 = arith.constant 128 : i32
    %div3A_2222 = arith.divsi %get3A_2220, %jit3A_2221 : i32
    %sign3A_2223 = arith.constant 0 : i32
    %sign3A_2224 = arith.cmpi sgt, %get3A_2220, %sign3A_2223 : i32
    %sign3A_2225 = arith.extui %sign3A_2224 : i1 to i32
    %sign3A_2226 = arith.constant 0 : i32
    %sign3A_2227 = arith.cmpi slt, %get3A_2220, %sign3A_2226 : i32
    %sign3A_2228 = arith.extui %sign3A_2227 : i1 to i32
    %sign3A_2229 = arith.subi %sign3A_2225, %sign3A_2228 : i32
    %sign3A_2230 = arith.constant 0 : i32
    %sign3A_2231 = arith.cmpi sgt, %jit3A_2221, %sign3A_2230 : i32
    %sign3A_2232 = arith.extui %sign3A_2231 : i1 to i32
    %sign3A_2233 = arith.constant 0 : i32
    %sign3A_2234 = arith.cmpi slt, %jit3A_2221, %sign3A_2233 : i32
    %sign3A_2235 = arith.extui %sign3A_2234 : i1 to i32
    %sign3A_2236 = arith.subi %sign3A_2232, %sign3A_2235 : i32
    %ne3A_2237 = arith.cmpi ne, %sign3A_2229, %sign3A_2236 : i32
    %rem3A_2238 = arith.remsi %get3A_2220, %jit3A_2221 : i32
    %ne3A_2239 = arith.constant 0 : i32
    %ne3A_2240 = arith.cmpi ne, %rem3A_2238, %ne3A_2239 : i32
    %and3A_2241 = arith.andi %ne3A_2237, %ne3A_2240 : i1
    %sub3A_2242 = arith.constant 1 : i32
    %sub3A_2243 = arith.subi %div3A_2222, %sub3A_2242 : i32
    %select_n3A_2244 = arith.select %and3A_2241, %sub3A_2243, %div3A_2222 : i32
    %mul3A_2245 = arith.constant 128 : i32
    %mul3A_2246 = arith.muli %select_n3A_2244, %mul3A_2245 : i32
    %get3A_2247 = arith.constant 0 : index
    %get3A_2248 = arith.index_cast %mul3A_2246 : i32 to index
    %get3A_2249 = vector.load %arg2[%get3A_2247, %get3A_2248] : memref<50x50000xf32, #tpu.memory_space<vmem>>, vector<50x128xf32>
    %get3A_2250 = arith.constant 0 : index
    %get3A_2251 = arith.index_cast %mul3A_2246 : i32 to index
    %get3A_2252 = vector.load %arg3[%get3A_2250, %get3A_2251] : memref<50x50000xf32, #tpu.memory_space<vmem>>, vector<50x128xf32>
    %sub3A_2253 = arith.subi %get3A_2220, %mul3A_2246 : i32
    %eq3A_2254 = vector.broadcast %sub3A_2253 : i32 to vector<50x128xi32>
    %eq3A_2255 = arith.cmpi eq, %iota3A, %eq3A_2254 : vector<50x128xi32>
    %jit3A_2256 = arith.constant 1.44269502 : f32
    %jit3A_2257 = arith.constant 0.000000e+00 : f32
    %broadcast_in_dim3A_2258 = vector.broadcast %jit3A_2256 : f32 to vector<50x128xf32>
    %broadcast_in_dim3A_2259 = vector.broadcast %jit3A_2257 : f32 to vector<50x128xf32>
    %select_n3A_2260 = arith.select %eq3A_2255, %broadcast_in_dim3A_2258, %broadcast_in_dim3A_2259 : vector<50x128xi1>, vector<50x128xf32>
    %add3A_2261 = arith.addf %get3A_2249, %get3A_2252 : vector<50x128xf32>
    %mul3A_2262 = arith.mulf %add3A_2261, %select_n3A_2260 : vector<50x128xf32>
    %reduce_sum3A_2263 = arith.constant dense<0.000000e+00> : vector<50xf32>
    %reduce_sum3A_2264 = vector.multi_reduction <add>, %mul3A_2262, %reduce_sum3A_2263 [1] : vector<50x128xf32> to vector<50xf32>
    %broadcast_in_dim3A_2265 = vector.shape_cast %reduce_sum3A_2264 : vector<50xf32> to vector<50x1xf32>
    %swap3A_2266 = arith.constant 1 : index
    %swap3A_2267 = arith.constant 0 : index
    %swap3A_2268 = arith.constant 7 : index
    %swap3A_2269 = vector.load %arg6[%swap3A_2266, %swap3A_2267, %swap3A_2268] : memref<2x50x32xf32, #tpu.memory_space<vmem>>, vector<1x50x1xf32>
    %swap3A_2270 = vector.shape_cast %swap3A_2269 : vector<1x50x1xf32> to vector<50x1xf32>
    %swap3A_2271 = vector.shape_cast %broadcast_in_dim3A_2265 : vector<50x1xf32> to vector<1x50x1xf32>
    tpu.vector_store %arg6[%swap3A_2266, %swap3A_2267, %swap3A_2268], %swap3A_2271 {strides = array<i32>} : memref<2x50x32xf32, #tpu.memory_space<vmem>>, vector<1x50x1xf32>,
    %get3A_2272 = arith.constant 40 : index
    %get3A_2273 = memref.load %arg1[%get3A_2272] : memref<64xi32, #tpu.memory_space<smem>>
    %jit3A_2274 = arith.constant 128 : i32
    %div3A_2275 = arith.divsi %get3A_2273, %jit3A_2274 : i32
    %sign3A_2276 = arith.constant 0 : i32
    %sign3A_2277 = arith.cmpi sgt, %get3A_2273, %sign3A_2276 : i32
    %sign3A_2278 = arith.extui %sign3A_2277 : i1 to i32
    %sign3A_2279 = arith.constant 0 : i32
    %sign3A_2280 = arith.cmpi slt, %get3A_2273, %sign3A_2279 : i32
    %sign3A_2281 = arith.extui %sign3A_2280 : i1 to i32
    %sign3A_2282 = arith.subi %sign3A_2278, %sign3A_2281 : i32
    %sign3A_2283 = arith.constant 0 : i32
    %sign3A_2284 = arith.cmpi sgt, %jit3A_2274, %sign3A_2283 : i32
    %sign3A_2285 = arith.extui %sign3A_2284 : i1 to i32
    %sign3A_2286 = arith.constant 0 : i32
    %sign3A_2287 = arith.cmpi slt, %jit3A_2274, %sign3A_2286 : i32
    %sign3A_2288 = arith.extui %sign3A_2287 : i1 to i32
    %sign3A_2289 = arith.subi %sign3A_2285, %sign3A_2288 : i32
    %ne3A_2290 = arith.cmpi ne, %sign3A_2282, %sign3A_2289 : i32
    %rem3A_2291 = arith.remsi %get3A_2273, %jit3A_2274 : i32
    %ne3A_2292 = arith.constant 0 : i32
    %ne3A_2293 = arith.cmpi ne, %rem3A_2291, %ne3A_2292 : i32
    %and3A_2294 = arith.andi %ne3A_2290, %ne3A_2293 : i1
    %sub3A_2295 = arith.constant 1 : i32
    %sub3A_2296 = arith.subi %div3A_2275, %sub3A_2295 : i32
    %select_n3A_2297 = arith.select %and3A_2294, %sub3A_2296, %div3A_2275 : i32
    %mul3A_2298 = arith.constant 128 : i32
    %mul3A_2299 = arith.muli %select_n3A_2297, %mul3A_2298 : i32
    %get3A_2300 = arith.constant 0 : index
    %get3A_2301 = arith.index_cast %mul3A_2299 : i32 to index
    %get3A_2302 = vector.load %arg2[%get3A_2300, %get3A_2301] : memref<50x50000xf32, #tpu.memory_space<vmem>>, vector<50x128xf32>
    %get3A_2303 = arith.constant 0 : index
    %get3A_2304 = arith.index_cast %mul3A_2299 : i32 to index
    %get3A_2305 = vector.load %arg3[%get3A_2303, %get3A_2304] : memref<50x50000xf32, #tpu.memory_space<vmem>>, vector<50x128xf32>
    %sub3A_2306 = arith.subi %get3A_2273, %mul3A_2299 : i32
    %eq3A_2307 = vector.broadcast %sub3A_2306 : i32 to vector<50x128xi32>
    %eq3A_2308 = arith.cmpi eq, %iota3A, %eq3A_2307 : vector<50x128xi32>
    %jit3A_2309 = arith.constant 1.44269502 : f32
    %jit3A_2310 = arith.constant 0.000000e+00 : f32
    %broadcast_in_dim3A_2311 = vector.broadcast %jit3A_2309 : f32 to vector<50x128xf32>
    %broadcast_in_dim3A_2312 = vector.broadcast %jit3A_2310 : f32 to vector<50x128xf32>
    %select_n3A_2313 = arith.select %eq3A_2308, %broadcast_in_dim3A_2311, %broadcast_in_dim3A_2312 : vector<50x128xi1>, vector<50x128xf32>
    %add3A_2314 = arith.addf %get3A_2302, %get3A_2305 : vector<50x128xf32>
    %mul3A_2315 = arith.mulf %add3A_2314, %select_n3A_2313 : vector<50x128xf32>
    %reduce_sum3A_2316 = arith.constant dense<0.000000e+00> : vector<50xf32>
    %reduce_sum3A_2317 = vector.multi_reduction <add>, %mul3A_2315, %reduce_sum3A_2316 [1] : vector<50x128xf32> to vector<50xf32>
    %broadcast_in_dim3A_2318 = vector.shape_cast %reduce_sum3A_2317 : vector<50xf32> to vector<50x1xf32>
    %swap3A_2319 = arith.constant 1 : index
    %swap3A_2320 = arith.constant 0 : index
    %swap3A_2321 = arith.constant 8 : index
    %swap3A_2322 = vector.load %arg6[%swap3A_2319, %swap3A_2320, %swap3A_2321] : memref<2x50x32xf32, #tpu.memory_space<vmem>>, vector<1x50x1xf32>
    %swap3A_2323 = vector.shape_cast %swap3A_2322 : vector<1x50x1xf32> to vector<50x1xf32>
    %swap3A_2324 = vector.shape_cast %broadcast_in_dim3A_2318 : vector<50x1xf32> to vector<1x50x1xf32>
    tpu.vector_store %arg6[%swap3A_2319, %swap3A_2320, %swap3A_2321], %swap3A_2324 {strides = array<i32>} : memref<2x50x32xf32, #tpu.memory_space<vmem>>, vector<1x50x1xf32>,
    %get3A_2325 = arith.constant 41 : index
    %get3A_2326 = memref.load %arg1[%get3A_2325] : memref<64xi32, #tpu.memory_space<smem>>
    %jit3A_2327 = arith.constant 128 : i32
    %div3A_2328 = arith.divsi %get3A_2326, %jit3A_2327 : i32
    %sign3A_2329 = arith.constant 0 : i32
    %sign3A_2330 = arith.cmpi sgt, %get3A_2326, %sign3A_2329 : i32
    %sign3A_2331 = arith.extui %sign3A_2330 : i1 to i32
    %sign3A_2332 = arith.constant 0 : i32
    %sign3A_2333 = arith.cmpi slt, %get3A_2326, %sign3A_2332 : i32
    %sign3A_2334 = arith.extui %sign3A_2333 : i1 to i32
    %sign3A_2335 = arith.subi %sign3A_2331, %sign3A_2334 : i32
    %sign3A_2336 = arith.constant 0 : i32
    %sign3A_2337 = arith.cmpi sgt, %jit3A_2327, %sign3A_2336 : i32
    %sign3A_2338 = arith.extui %sign3A_2337 : i1 to i32
    %sign3A_2339 = arith.constant 0 : i32
    %sign3A_2340 = arith.cmpi slt, %jit3A_2327, %sign3A_2339 : i32
    %sign3A_2341 = arith.extui %sign3A_2340 : i1 to i32
    %sign3A_2342 = arith.subi %sign3A_2338, %sign3A_2341 : i32
    %ne3A_2343 = arith.cmpi ne, %sign3A_2335, %sign3A_2342 : i32
    %rem3A_2344 = arith.remsi %get3A_2326, %jit3A_2327 : i32
    %ne3A_2345 = arith.constant 0 : i32
    %ne3A_2346 = arith.cmpi ne, %rem3A_2344, %ne3A_2345 : i32
    %and3A_2347 = arith.andi %ne3A_2343, %ne3A_2346 : i1
    %sub3A_2348 = arith.constant 1 : i32
    %sub3A_2349 = arith.subi %div3A_2328, %sub3A_2348 : i32
    %select_n3A_2350 = arith.select %and3A_2347, %sub3A_2349, %div3A_2328 : i32
    %mul3A_2351 = arith.constant 128 : i32
    %mul3A_2352 = arith.muli %select_n3A_2350, %mul3A_2351 : i32
    %get3A_2353 = arith.constant 0 : index
    %get3A_2354 = arith.index_cast %mul3A_2352 : i32 to index
    %get3A_2355 = vector.load %arg2[%get3A_2353, %get3A_2354] : memref<50x50000xf32, #tpu.memory_space<vmem>>, vector<50x128xf32>
    %get3A_2356 = arith.constant 0 : index
    %get3A_2357 = arith.index_cast %mul3A_2352 : i32 to index
    %get3A_2358 = vector.load %arg3[%get3A_2356, %get3A_2357] : memref<50x50000xf32, #tpu.memory_space<vmem>>, vector<50x128xf32>
    %sub3A_2359 = arith.subi %get3A_2326, %mul3A_2352 : i32
    %eq3A_2360 = vector.broadcast %sub3A_2359 : i32 to vector<50x128xi32>
    %eq3A_2361 = arith.cmpi eq, %iota3A, %eq3A_2360 : vector<50x128xi32>
    %jit3A_2362 = arith.constant 1.44269502 : f32
    %jit3A_2363 = arith.constant 0.000000e+00 : f32
    %broadcast_in_dim3A_2364 = vector.broadcast %jit3A_2362 : f32 to vector<50x128xf32>
    %broadcast_in_dim3A_2365 = vector.broadcast %jit3A_2363 : f32 to vector<50x128xf32>
    %select_n3A_2366 = arith.select %eq3A_2361, %broadcast_in_dim3A_2364, %broadcast_in_dim3A_2365 : vector<50x128xi1>, vector<50x128xf32>
    %add3A_2367 = arith.addf %get3A_2355, %get3A_2358 : vector<50x128xf32>
    %mul3A_2368 = arith.mulf %add3A_2367, %select_n3A_2366 : vector<50x128xf32>
    %reduce_sum3A_2369 = arith.constant dense<0.000000e+00> : vector<50xf32>
    %reduce_sum3A_2370 = vector.multi_reduction <add>, %mul3A_2368, %reduce_sum3A_2369 [1] : vector<50x128xf32> to vector<50xf32>
    %broadcast_in_dim3A_2371 = vector.shape_cast %reduce_sum3A_2370 : vector<50xf32> to vector<50x1xf32>
    %swap3A_2372 = arith.constant 1 : index
    %swap3A_2373 = arith.constant 0 : index
    %swap3A_2374 = arith.constant 9 : index
    %swap3A_2375 = vector.load %arg6[%swap3A_2372, %swap3A_2373, %swap3A_2374] : memref<2x50x32xf32, #tpu.memory_space<vmem>>, vector<1x50x1xf32>
    %swap3A_2376 = vector.shape_cast %swap3A_2375 : vector<1x50x1xf32> to vector<50x1xf32>
    %swap3A_2377 = vector.shape_cast %broadcast_in_dim3A_2371 : vector<50x1xf32> to vector<1x50x1xf32>
    tpu.vector_store %arg6[%swap3A_2372, %swap3A_2373, %swap3A_2374], %swap3A_2377 {strides = array<i32>} : memref<2x50x32xf32, #tpu.memory_space<vmem>>, vector<1x50x1xf32>,
    %get3A_2378 = arith.constant 42 : index
    %get3A_2379 = memref.load %arg1[%get3A_2378] : memref<64xi32, #tpu.memory_space<smem>>
    %jit3A_2380 = arith.constant 128 : i32
    %div3A_2381 = arith.divsi %get3A_2379, %jit3A_2380 : i32
    %sign3A_2382 = arith.constant 0 : i32
    %sign3A_2383 = arith.cmpi sgt, %get3A_2379, %sign3A_2382 : i32
    %sign3A_2384 = arith.extui %sign3A_2383 : i1 to i32
    %sign3A_2385 = arith.constant 0 : i32
    %sign3A_2386 = arith.cmpi slt, %get3A_2379, %sign3A_2385 : i32
    %sign3A_2387 = arith.extui %sign3A_2386 : i1 to i32
    %sign3A_2388 = arith.subi %sign3A_2384, %sign3A_2387 : i32
    %sign3A_2389 = arith.constant 0 : i32
    %sign3A_2390 = arith.cmpi sgt, %jit3A_2380, %sign3A_2389 : i32
    %sign3A_2391 = arith.extui %sign3A_2390 : i1 to i32
    %sign3A_2392 = arith.constant 0 : i32
    %sign3A_2393 = arith.cmpi slt, %jit3A_2380, %sign3A_2392 : i32
    %sign3A_2394 = arith.extui %sign3A_2393 : i1 to i32
    %sign3A_2395 = arith.subi %sign3A_2391, %sign3A_2394 : i32
    %ne3A_2396 = arith.cmpi ne, %sign3A_2388, %sign3A_2395 : i32
    %rem3A_2397 = arith.remsi %get3A_2379, %jit3A_2380 : i32
    %ne3A_2398 = arith.constant 0 : i32
    %ne3A_2399 = arith.cmpi ne, %rem3A_2397, %ne3A_2398 : i32
    %and3A_2400 = arith.andi %ne3A_2396, %ne3A_2399 : i1
    %sub3A_2401 = arith.constant 1 : i32
    %sub3A_2402 = arith.subi %div3A_2381, %sub3A_2401 : i32
    %select_n3A_2403 = arith.select %and3A_2400, %sub3A_2402, %div3A_2381 : i32
    %mul3A_2404 = arith.constant 128 : i32
    %mul3A_2405 = arith.muli %select_n3A_2403, %mul3A_2404 : i32
    %get3A_2406 = arith.constant 0 : index
    %get3A_2407 = arith.index_cast %mul3A_2405 : i32 to index
    %get3A_2408 = vector.load %arg2[%get3A_2406, %get3A_2407] : memref<50x50000xf32, #tpu.memory_space<vmem>>, vector<50x128xf32>
    %get3A_2409 = arith.constant 0 : index
    %get3A_2410 = arith.index_cast %mul3A_2405 : i32 to index
    %get3A_2411 = vector.load %arg3[%get3A_2409, %get3A_2410] : memref<50x50000xf32, #tpu.memory_space<vmem>>, vector<50x128xf32>
    %sub3A_2412 = arith.subi %get3A_2379, %mul3A_2405 : i32
    %eq3A_2413 = vector.broadcast %sub3A_2412 : i32 to vector<50x128xi32>
    %eq3A_2414 = arith.cmpi eq, %iota3A, %eq3A_2413 : vector<50x128xi32>
    %jit3A_2415 = arith.constant 1.44269502 : f32
    %jit3A_2416 = arith.constant 0.000000e+00 : f32
    %broadcast_in_dim3A_2417 = vector.broadcast %jit3A_2415 : f32 to vector<50x128xf32>
    %broadcast_in_dim3A_2418 = vector.broadcast %jit3A_2416 : f32 to vector<50x128xf32>
    %select_n3A_2419 = arith.select %eq3A_2414, %broadcast_in_dim3A_2417, %broadcast_in_dim3A_2418 : vector<50x128xi1>, vector<50x128xf32>
    %add3A_2420 = arith.addf %get3A_2408, %get3A_2411 : vector<50x128xf32>
    %mul3A_2421 = arith.mulf %add3A_2420, %select_n3A_2419 : vector<50x128xf32>
    %reduce_sum3A_2422 = arith.constant dense<0.000000e+00> : vector<50xf32>
    %reduce_sum3A_2423 = vector.multi_reduction <add>, %mul3A_2421, %reduce_sum3A_2422 [1] : vector<50x128xf32> to vector<50xf32>
    %broadcast_in_dim3A_2424 = vector.shape_cast %reduce_sum3A_2423 : vector<50xf32> to vector<50x1xf32>
    %swap3A_2425 = arith.constant 1 : index
    %swap3A_2426 = arith.constant 0 : index
    %swap3A_2427 = arith.constant 10 : index
    %swap3A_2428 = vector.load %arg6[%swap3A_2425, %swap3A_2426, %swap3A_2427] : memref<2x50x32xf32, #tpu.memory_space<vmem>>, vector<1x50x1xf32>
    %swap3A_2429 = vector.shape_cast %swap3A_2428 : vector<1x50x1xf32> to vector<50x1xf32>
    %swap3A_2430 = vector.shape_cast %broadcast_in_dim3A_2424 : vector<50x1xf32> to vector<1x50x1xf32>
    tpu.vector_store %arg6[%swap3A_2425, %swap3A_2426, %swap3A_2427], %swap3A_2430 {strides = array<i32>} : memref<2x50x32xf32, #tpu.memory_space<vmem>>, vector<1x50x1xf32>,
    %get3A_2431 = arith.constant 43 : index
    %get3A_2432 = memref.load %arg1[%get3A_2431] : memref<64xi32, #tpu.memory_space<smem>>
    %jit3A_2433 = arith.constant 128 : i32
    %div3A_2434 = arith.divsi %get3A_2432, %jit3A_2433 : i32
    %sign3A_2435 = arith.constant 0 : i32
    %sign3A_2436 = arith.cmpi sgt, %get3A_2432, %sign3A_2435 : i32
    %sign3A_2437 = arith.extui %sign3A_2436 : i1 to i32
    %sign3A_2438 = arith.constant 0 : i32
    %sign3A_2439 = arith.cmpi slt, %get3A_2432, %sign3A_2438 : i32
    %sign3A_2440 = arith.extui %sign3A_2439 : i1 to i32
    %sign3A_2441 = arith.subi %sign3A_2437, %sign3A_2440 : i32
    %sign3A_2442 = arith.constant 0 : i32
    %sign3A_2443 = arith.cmpi sgt, %jit3A_2433, %sign3A_2442 : i32
    %sign3A_2444 = arith.extui %sign3A_2443 : i1 to i32
    %sign3A_2445 = arith.constant 0 : i32
    %sign3A_2446 = arith.cmpi slt, %jit3A_2433, %sign3A_2445 : i32
    %sign3A_2447 = arith.extui %sign3A_2446 : i1 to i32
    %sign3A_2448 = arith.subi %sign3A_2444, %sign3A_2447 : i32
    %ne3A_2449 = arith.cmpi ne, %sign3A_2441, %sign3A_2448 : i32
    %rem3A_2450 = arith.remsi %get3A_2432, %jit3A_2433 : i32
    %ne3A_2451 = arith.constant 0 : i32
    %ne3A_2452 = arith.cmpi ne, %rem3A_2450, %ne3A_2451 : i32
    %and3A_2453 = arith.andi %ne3A_2449, %ne3A_2452 : i1
    %sub3A_2454 = arith.constant 1 : i32
    %sub3A_2455 = arith.subi %div3A_2434, %sub3A_2454 : i32
    %select_n3A_2456 = arith.select %and3A_2453, %sub3A_2455, %div3A_2434 : i32
    %mul3A_2457 = arith.constant 128 : i32
    %mul3A_2458 = arith.muli %select_n3A_2456, %mul3A_2457 : i32
    %get3A_2459 = arith.constant 0 : index
    %get3A_2460 = arith.index_cast %mul3A_2458 : i32 to index
    %get3A_2461 = vector.load %arg2[%get3A_2459, %get3A_2460] : memref<50x50000xf32, #tpu.memory_space<vmem>>, vector<50x128xf32>
    %get3A_2462 = arith.constant 0 : index
    %get3A_2463 = arith.index_cast %mul3A_2458 : i32 to index
    %get3A_2464 = vector.load %arg3[%get3A_2462, %get3A_2463] : memref<50x50000xf32, #tpu.memory_space<vmem>>, vector<50x128xf32>
    %sub3A_2465 = arith.subi %get3A_2432, %mul3A_2458 : i32
    %eq3A_2466 = vector.broadcast %sub3A_2465 : i32 to vector<50x128xi32>
    %eq3A_2467 = arith.cmpi eq, %iota3A, %eq3A_2466 : vector<50x128xi32>
    %jit3A_2468 = arith.constant 1.44269502 : f32
    %jit3A_2469 = arith.constant 0.000000e+00 : f32
    %broadcast_in_dim3A_2470 = vector.broadcast %jit3A_2468 : f32 to vector<50x128xf32>
    %broadcast_in_dim3A_2471 = vector.broadcast %jit3A_2469 : f32 to vector<50x128xf32>
    %select_n3A_2472 = arith.select %eq3A_2467, %broadcast_in_dim3A_2470, %broadcast_in_dim3A_2471 : vector<50x128xi1>, vector<50x128xf32>
    %add3A_2473 = arith.addf %get3A_2461, %get3A_2464 : vector<50x128xf32>
    %mul3A_2474 = arith.mulf %add3A_2473, %select_n3A_2472 : vector<50x128xf32>
    %reduce_sum3A_2475 = arith.constant dense<0.000000e+00> : vector<50xf32>
    %reduce_sum3A_2476 = vector.multi_reduction <add>, %mul3A_2474, %reduce_sum3A_2475 [1] : vector<50x128xf32> to vector<50xf32>
    %broadcast_in_dim3A_2477 = vector.shape_cast %reduce_sum3A_2476 : vector<50xf32> to vector<50x1xf32>
    %swap3A_2478 = arith.constant 1 : index
    %swap3A_2479 = arith.constant 0 : index
    %swap3A_2480 = arith.constant 11 : index
    %swap3A_2481 = vector.load %arg6[%swap3A_2478, %swap3A_2479, %swap3A_2480] : memref<2x50x32xf32, #tpu.memory_space<vmem>>, vector<1x50x1xf32>
    %swap3A_2482 = vector.shape_cast %swap3A_2481 : vector<1x50x1xf32> to vector<50x1xf32>
    %swap3A_2483 = vector.shape_cast %broadcast_in_dim3A_2477 : vector<50x1xf32> to vector<1x50x1xf32>
    tpu.vector_store %arg6[%swap3A_2478, %swap3A_2479, %swap3A_2480], %swap3A_2483 {strides = array<i32>} : memref<2x50x32xf32, #tpu.memory_space<vmem>>, vector<1x50x1xf32>,
    %get3A_2484 = arith.constant 44 : index
    %get3A_2485 = memref.load %arg1[%get3A_2484] : memref<64xi32, #tpu.memory_space<smem>>
    %jit3A_2486 = arith.constant 128 : i32
    %div3A_2487 = arith.divsi %get3A_2485, %jit3A_2486 : i32
    %sign3A_2488 = arith.constant 0 : i32
    %sign3A_2489 = arith.cmpi sgt, %get3A_2485, %sign3A_2488 : i32
    %sign3A_2490 = arith.extui %sign3A_2489 : i1 to i32
    %sign3A_2491 = arith.constant 0 : i32
    %sign3A_2492 = arith.cmpi slt, %get3A_2485, %sign3A_2491 : i32
    %sign3A_2493 = arith.extui %sign3A_2492 : i1 to i32
    %sign3A_2494 = arith.subi %sign3A_2490, %sign3A_2493 : i32
    %sign3A_2495 = arith.constant 0 : i32
    %sign3A_2496 = arith.cmpi sgt, %jit3A_2486, %sign3A_2495 : i32
    %sign3A_2497 = arith.extui %sign3A_2496 : i1 to i32
    %sign3A_2498 = arith.constant 0 : i32
    %sign3A_2499 = arith.cmpi slt, %jit3A_2486, %sign3A_2498 : i32
    %sign3A_2500 = arith.extui %sign3A_2499 : i1 to i32
    %sign3A_2501 = arith.subi %sign3A_2497, %sign3A_2500 : i32
    %ne3A_2502 = arith.cmpi ne, %sign3A_2494, %sign3A_2501 : i32
    %rem3A_2503 = arith.remsi %get3A_2485, %jit3A_2486 : i32
    %ne3A_2504 = arith.constant 0 : i32
    %ne3A_2505 = arith.cmpi ne, %rem3A_2503, %ne3A_2504 : i32
    %and3A_2506 = arith.andi %ne3A_2502, %ne3A_2505 : i1
    %sub3A_2507 = arith.constant 1 : i32
    %sub3A_2508 = arith.subi %div3A_2487, %sub3A_2507 : i32
    %select_n3A_2509 = arith.select %and3A_2506, %sub3A_2508, %div3A_2487 : i32
    %mul3A_2510 = arith.constant 128 : i32
    %mul3A_2511 = arith.muli %select_n3A_2509, %mul3A_2510 : i32
    %get3A_2512 = arith.constant 0 : index
    %get3A_2513 = arith.index_cast %mul3A_2511 : i32 to index
    %get3A_2514 = vector.load %arg2[%get3A_2512, %get3A_2513] : memref<50x50000xf32, #tpu.memory_space<vmem>>, vector<50x128xf32>
    %get3A_2515 = arith.constant 0 : index
    %get3A_2516 = arith.index_cast %mul3A_2511 : i32 to index
    %get3A_2517 = vector.load %arg3[%get3A_2515, %get3A_2516] : memref<50x50000xf32, #tpu.memory_space<vmem>>, vector<50x128xf32>
    %sub3A_2518 = arith.subi %get3A_2485, %mul3A_2511 : i32
    %eq3A_2519 = vector.broadcast %sub3A_2518 : i32 to vector<50x128xi32>
    %eq3A_2520 = arith.cmpi eq, %iota3A, %eq3A_2519 : vector<50x128xi32>
    %jit3A_2521 = arith.constant 1.44269502 : f32
    %jit3A_2522 = arith.constant 0.000000e+00 : f32
    %broadcast_in_dim3A_2523 = vector.broadcast %jit3A_2521 : f32 to vector<50x128xf32>
    %broadcast_in_dim3A_2524 = vector.broadcast %jit3A_2522 : f32 to vector<50x128xf32>
    %select_n3A_2525 = arith.select %eq3A_2520, %broadcast_in_dim3A_2523, %broadcast_in_dim3A_2524 : vector<50x128xi1>, vector<50x128xf32>
    %add3A_2526 = arith.addf %get3A_2514, %get3A_2517 : vector<50x128xf32>
    %mul3A_2527 = arith.mulf %add3A_2526, %select_n3A_2525 : vector<50x128xf32>
    %reduce_sum3A_2528 = arith.constant dense<0.000000e+00> : vector<50xf32>
    %reduce_sum3A_2529 = vector.multi_reduction <add>, %mul3A_2527, %reduce_sum3A_2528 [1] : vector<50x128xf32> to vector<50xf32>
    %broadcast_in_dim3A_2530 = vector.shape_cast %reduce_sum3A_2529 : vector<50xf32> to vector<50x1xf32>
    %swap3A_2531 = arith.constant 1 : index
    %swap3A_2532 = arith.constant 0 : index
    %swap3A_2533 = arith.constant 12 : index
    %swap3A_2534 = vector.load %arg6[%swap3A_2531, %swap3A_2532, %swap3A_2533] : memref<2x50x32xf32, #tpu.memory_space<vmem>>, vector<1x50x1xf32>
    %swap3A_2535 = vector.shape_cast %swap3A_2534 : vector<1x50x1xf32> to vector<50x1xf32>
    %swap3A_2536 = vector.shape_cast %broadcast_in_dim3A_2530 : vector<50x1xf32> to vector<1x50x1xf32>
    tpu.vector_store %arg6[%swap3A_2531, %swap3A_2532, %swap3A_2533], %swap3A_2536 {strides = array<i32>} : memref<2x50x32xf32, #tpu.memory_space<vmem>>, vector<1x50x1xf32>,
    %get3A_2537 = arith.constant 45 : index
    %get3A_2538 = memref.load %arg1[%get3A_2537] : memref<64xi32, #tpu.memory_space<smem>>
    %jit3A_2539 = arith.constant 128 : i32
    %div3A_2540 = arith.divsi %get3A_2538, %jit3A_2539 : i32
    %sign3A_2541 = arith.constant 0 : i32
    %sign3A_2542 = arith.cmpi sgt, %get3A_2538, %sign3A_2541 : i32
    %sign3A_2543 = arith.extui %sign3A_2542 : i1 to i32
    %sign3A_2544 = arith.constant 0 : i32
    %sign3A_2545 = arith.cmpi slt, %get3A_2538, %sign3A_2544 : i32
    %sign3A_2546 = arith.extui %sign3A_2545 : i1 to i32
    %sign3A_2547 = arith.subi %sign3A_2543, %sign3A_2546 : i32
    %sign3A_2548 = arith.constant 0 : i32
    %sign3A_2549 = arith.cmpi sgt, %jit3A_2539, %sign3A_2548 : i32
    %sign3A_2550 = arith.extui %sign3A_2549 : i1 to i32
    %sign3A_2551 = arith.constant 0 : i32
    %sign3A_2552 = arith.cmpi slt, %jit3A_2539, %sign3A_2551 : i32
    %sign3A_2553 = arith.extui %sign3A_2552 : i1 to i32
    %sign3A_2554 = arith.subi %sign3A_2550, %sign3A_2553 : i32
    %ne3A_2555 = arith.cmpi ne, %sign3A_2547, %sign3A_2554 : i32
    %rem3A_2556 = arith.remsi %get3A_2538, %jit3A_2539 : i32
    %ne3A_2557 = arith.constant 0 : i32
    %ne3A_2558 = arith.cmpi ne, %rem3A_2556, %ne3A_2557 : i32
    %and3A_2559 = arith.andi %ne3A_2555, %ne3A_2558 : i1
    %sub3A_2560 = arith.constant 1 : i32
    %sub3A_2561 = arith.subi %div3A_2540, %sub3A_2560 : i32
    %select_n3A_2562 = arith.select %and3A_2559, %sub3A_2561, %div3A_2540 : i32
    %mul3A_2563 = arith.constant 128 : i32
    %mul3A_2564 = arith.muli %select_n3A_2562, %mul3A_2563 : i32
    %get3A_2565 = arith.constant 0 : index
    %get3A_2566 = arith.index_cast %mul3A_2564 : i32 to index
    %get3A_2567 = vector.load %arg2[%get3A_2565, %get3A_2566] : memref<50x50000xf32, #tpu.memory_space<vmem>>, vector<50x128xf32>
    %get3A_2568 = arith.constant 0 : index
    %get3A_2569 = arith.index_cast %mul3A_2564 : i32 to index
    %get3A_2570 = vector.load %arg3[%get3A_2568, %get3A_2569] : memref<50x50000xf32, #tpu.memory_space<vmem>>, vector<50x128xf32>
    %sub3A_2571 = arith.subi %get3A_2538, %mul3A_2564 : i32
    %eq3A_2572 = vector.broadcast %sub3A_2571 : i32 to vector<50x128xi32>
    %eq3A_2573 = arith.cmpi eq, %iota3A, %eq3A_2572 : vector<50x128xi32>
    %jit3A_2574 = arith.constant 1.44269502 : f32
    %jit3A_2575 = arith.constant 0.000000e+00 : f32
    %broadcast_in_dim3A_2576 = vector.broadcast %jit3A_2574 : f32 to vector<50x128xf32>
    %broadcast_in_dim3A_2577 = vector.broadcast %jit3A_2575 : f32 to vector<50x128xf32>
    %select_n3A_2578 = arith.select %eq3A_2573, %broadcast_in_dim3A_2576, %broadcast_in_dim3A_2577 : vector<50x128xi1>, vector<50x128xf32>
    %add3A_2579 = arith.addf %get3A_2567, %get3A_2570 : vector<50x128xf32>
    %mul3A_2580 = arith.mulf %add3A_2579, %select_n3A_2578 : vector<50x128xf32>
    %reduce_sum3A_2581 = arith.constant dense<0.000000e+00> : vector<50xf32>
    %reduce_sum3A_2582 = vector.multi_reduction <add>, %mul3A_2580, %reduce_sum3A_2581 [1] : vector<50x128xf32> to vector<50xf32>
    %broadcast_in_dim3A_2583 = vector.shape_cast %reduce_sum3A_2582 : vector<50xf32> to vector<50x1xf32>
    %swap3A_2584 = arith.constant 1 : index
    %swap3A_2585 = arith.constant 0 : index
    %swap3A_2586 = arith.constant 13 : index
    %swap3A_2587 = vector.load %arg6[%swap3A_2584, %swap3A_2585, %swap3A_2586] : memref<2x50x32xf32, #tpu.memory_space<vmem>>, vector<1x50x1xf32>
    %swap3A_2588 = vector.shape_cast %swap3A_2587 : vector<1x50x1xf32> to vector<50x1xf32>
    %swap3A_2589 = vector.shape_cast %broadcast_in_dim3A_2583 : vector<50x1xf32> to vector<1x50x1xf32>
    tpu.vector_store %arg6[%swap3A_2584, %swap3A_2585, %swap3A_2586], %swap3A_2589 {strides = array<i32>} : memref<2x50x32xf32, #tpu.memory_space<vmem>>, vector<1x50x1xf32>,
    %get3A_2590 = arith.constant 46 : index
    %get3A_2591 = memref.load %arg1[%get3A_2590] : memref<64xi32, #tpu.memory_space<smem>>
    %jit3A_2592 = arith.constant 128 : i32
    %div3A_2593 = arith.divsi %get3A_2591, %jit3A_2592 : i32
    %sign3A_2594 = arith.constant 0 : i32
    %sign3A_2595 = arith.cmpi sgt, %get3A_2591, %sign3A_2594 : i32
    %sign3A_2596 = arith.extui %sign3A_2595 : i1 to i32
    %sign3A_2597 = arith.constant 0 : i32
    %sign3A_2598 = arith.cmpi slt, %get3A_2591, %sign3A_2597 : i32
    %sign3A_2599 = arith.extui %sign3A_2598 : i1 to i32
    %sign3A_2600 = arith.subi %sign3A_2596, %sign3A_2599 : i32
    %sign3A_2601 = arith.constant 0 : i32
    %sign3A_2602 = arith.cmpi sgt, %jit3A_2592, %sign3A_2601 : i32
    %sign3A_2603 = arith.extui %sign3A_2602 : i1 to i32
    %sign3A_2604 = arith.constant 0 : i32
    %sign3A_2605 = arith.cmpi slt, %jit3A_2592, %sign3A_2604 : i32
    %sign3A_2606 = arith.extui %sign3A_2605 : i1 to i32
    %sign3A_2607 = arith.subi %sign3A_2603, %sign3A_2606 : i32
    %ne3A_2608 = arith.cmpi ne, %sign3A_2600, %sign3A_2607 : i32
    %rem3A_2609 = arith.remsi %get3A_2591, %jit3A_2592 : i32
    %ne3A_2610 = arith.constant 0 : i32
    %ne3A_2611 = arith.cmpi ne, %rem3A_2609, %ne3A_2610 : i32
    %and3A_2612 = arith.andi %ne3A_2608, %ne3A_2611 : i1
    %sub3A_2613 = arith.constant 1 : i32
    %sub3A_2614 = arith.subi %div3A_2593, %sub3A_2613 : i32
    %select_n3A_2615 = arith.select %and3A_2612, %sub3A_2614, %div3A_2593 : i32
    %mul3A_2616 = arith.constant 128 : i32
    %mul3A_2617 = arith.muli %select_n3A_2615, %mul3A_2616 : i32
    %get3A_2618 = arith.constant 0 : index
    %get3A_2619 = arith.index_cast %mul3A_2617 : i32 to index
    %get3A_2620 = vector.load %arg2[%get3A_2618, %get3A_2619] : memref<50x50000xf32, #tpu.memory_space<vmem>>, vector<50x128xf32>
    %get3A_2621 = arith.constant 0 : index
    %get3A_2622 = arith.index_cast %mul3A_2617 : i32 to index
    %get3A_2623 = vector.load %arg3[%get3A_2621, %get3A_2622] : memref<50x50000xf32, #tpu.memory_space<vmem>>, vector<50x128xf32>
    %sub3A_2624 = arith.subi %get3A_2591, %mul3A_2617 : i32
    %eq3A_2625 = vector.broadcast %sub3A_2624 : i32 to vector<50x128xi32>
    %eq3A_2626 = arith.cmpi eq, %iota3A, %eq3A_2625 : vector<50x128xi32>
    %jit3A_2627 = arith.constant 1.44269502 : f32
    %jit3A_2628 = arith.constant 0.000000e+00 : f32
    %broadcast_in_dim3A_2629 = vector.broadcast %jit3A_2627 : f32 to vector<50x128xf32>
    %broadcast_in_dim3A_2630 = vector.broadcast %jit3A_2628 : f32 to vector<50x128xf32>
    %select_n3A_2631 = arith.select %eq3A_2626, %broadcast_in_dim3A_2629, %broadcast_in_dim3A_2630 : vector<50x128xi1>, vector<50x128xf32>
    %add3A_2632 = arith.addf %get3A_2620, %get3A_2623 : vector<50x128xf32>
    %mul3A_2633 = arith.mulf %add3A_2632, %select_n3A_2631 : vector<50x128xf32>
    %reduce_sum3A_2634 = arith.constant dense<0.000000e+00> : vector<50xf32>
    %reduce_sum3A_2635 = vector.multi_reduction <add>, %mul3A_2633, %reduce_sum3A_2634 [1] : vector<50x128xf32> to vector<50xf32>
    %broadcast_in_dim3A_2636 = vector.shape_cast %reduce_sum3A_2635 : vector<50xf32> to vector<50x1xf32>
    %swap3A_2637 = arith.constant 1 : index
    %swap3A_2638 = arith.constant 0 : index
    %swap3A_2639 = arith.constant 14 : index
    %swap3A_2640 = vector.load %arg6[%swap3A_2637, %swap3A_2638, %swap3A_2639] : memref<2x50x32xf32, #tpu.memory_space<vmem>>, vector<1x50x1xf32>
    %swap3A_2641 = vector.shape_cast %swap3A_2640 : vector<1x50x1xf32> to vector<50x1xf32>
    %swap3A_2642 = vector.shape_cast %broadcast_in_dim3A_2636 : vector<50x1xf32> to vector<1x50x1xf32>
    tpu.vector_store %arg6[%swap3A_2637, %swap3A_2638, %swap3A_2639], %swap3A_2642 {strides = array<i32>} : memref<2x50x32xf32, #tpu.memory_space<vmem>>, vector<1x50x1xf32>,
    %get3A_2643 = arith.constant 47 : index
    %get3A_2644 = memref.load %arg1[%get3A_2643] : memref<64xi32, #tpu.memory_space<smem>>
    %jit3A_2645 = arith.constant 128 : i32
    %div3A_2646 = arith.divsi %get3A_2644, %jit3A_2645 : i32
    %sign3A_2647 = arith.constant 0 : i32
    %sign3A_2648 = arith.cmpi sgt, %get3A_2644, %sign3A_2647 : i32
    %sign3A_2649 = arith.extui %sign3A_2648 : i1 to i32
    %sign3A_2650 = arith.constant 0 : i32
    %sign3A_2651 = arith.cmpi slt, %get3A_2644, %sign3A_2650 : i32
    %sign3A_2652 = arith.extui %sign3A_2651 : i1 to i32
    %sign3A_2653 = arith.subi %sign3A_2649, %sign3A_2652 : i32
    %sign3A_2654 = arith.constant 0 : i32
    %sign3A_2655 = arith.cmpi sgt, %jit3A_2645, %sign3A_2654 : i32
    %sign3A_2656 = arith.extui %sign3A_2655 : i1 to i32
    %sign3A_2657 = arith.constant 0 : i32
    %sign3A_2658 = arith.cmpi slt, %jit3A_2645, %sign3A_2657 : i32
    %sign3A_2659 = arith.extui %sign3A_2658 : i1 to i32
    %sign3A_2660 = arith.subi %sign3A_2656, %sign3A_2659 : i32
    %ne3A_2661 = arith.cmpi ne, %sign3A_2653, %sign3A_2660 : i32
    %rem3A_2662 = arith.remsi %get3A_2644, %jit3A_2645 : i32
    %ne3A_2663 = arith.constant 0 : i32
    %ne3A_2664 = arith.cmpi ne, %rem3A_2662, %ne3A_2663 : i32
    %and3A_2665 = arith.andi %ne3A_2661, %ne3A_2664 : i1
    %sub3A_2666 = arith.constant 1 : i32
    %sub3A_2667 = arith.subi %div3A_2646, %sub3A_2666 : i32
    %select_n3A_2668 = arith.select %and3A_2665, %sub3A_2667, %div3A_2646 : i32
    %mul3A_2669 = arith.constant 128 : i32
    %mul3A_2670 = arith.muli %select_n3A_2668, %mul3A_2669 : i32
    %get3A_2671 = arith.constant 0 : index
    %get3A_2672 = arith.index_cast %mul3A_2670 : i32 to index
    %get3A_2673 = vector.load %arg2[%get3A_2671, %get3A_2672] : memref<50x50000xf32, #tpu.memory_space<vmem>>, vector<50x128xf32>
    %get3A_2674 = arith.constant 0 : index
    %get3A_2675 = arith.index_cast %mul3A_2670 : i32 to index
    %get3A_2676 = vector.load %arg3[%get3A_2674, %get3A_2675] : memref<50x50000xf32, #tpu.memory_space<vmem>>, vector<50x128xf32>
    %sub3A_2677 = arith.subi %get3A_2644, %mul3A_2670 : i32
    %eq3A_2678 = vector.broadcast %sub3A_2677 : i32 to vector<50x128xi32>
    %eq3A_2679 = arith.cmpi eq, %iota3A, %eq3A_2678 : vector<50x128xi32>
    %jit3A_2680 = arith.constant 1.44269502 : f32
    %jit3A_2681 = arith.constant 0.000000e+00 : f32
    %broadcast_in_dim3A_2682 = vector.broadcast %jit3A_2680 : f32 to vector<50x128xf32>
    %broadcast_in_dim3A_2683 = vector.broadcast %jit3A_2681 : f32 to vector<50x128xf32>
    %select_n3A_2684 = arith.select %eq3A_2679, %broadcast_in_dim3A_2682, %broadcast_in_dim3A_2683 : vector<50x128xi1>, vector<50x128xf32>
    %add3A_2685 = arith.addf %get3A_2673, %get3A_2676 : vector<50x128xf32>
    %mul3A_2686 = arith.mulf %add3A_2685, %select_n3A_2684 : vector<50x128xf32>
    %reduce_sum3A_2687 = arith.constant dense<0.000000e+00> : vector<50xf32>
    %reduce_sum3A_2688 = vector.multi_reduction <add>, %mul3A_2686, %reduce_sum3A_2687 [1] : vector<50x128xf32> to vector<50xf32>
    %broadcast_in_dim3A_2689 = vector.shape_cast %reduce_sum3A_2688 : vector<50xf32> to vector<50x1xf32>
    %swap3A_2690 = arith.constant 1 : index
    %swap3A_2691 = arith.constant 0 : index
    %swap3A_2692 = arith.constant 15 : index
    %swap3A_2693 = vector.load %arg6[%swap3A_2690, %swap3A_2691, %swap3A_2692] : memref<2x50x32xf32, #tpu.memory_space<vmem>>, vector<1x50x1xf32>
    %swap3A_2694 = vector.shape_cast %swap3A_2693 : vector<1x50x1xf32> to vector<50x1xf32>
    %swap3A_2695 = vector.shape_cast %broadcast_in_dim3A_2689 : vector<50x1xf32> to vector<1x50x1xf32>
    tpu.vector_store %arg6[%swap3A_2690, %swap3A_2691, %swap3A_2692], %swap3A_2695 {strides = array<i32>} : memref<2x50x32xf32, #tpu.memory_space<vmem>>, vector<1x50x1xf32>,
    %get3A_2696 = arith.constant 48 : index
    %get3A_2697 = memref.load %arg1[%get3A_2696] : memref<64xi32, #tpu.memory_space<smem>>
    %jit3A_2698 = arith.constant 128 : i32
    %div3A_2699 = arith.divsi %get3A_2697, %jit3A_2698 : i32
    %sign3A_2700 = arith.constant 0 : i32
    %sign3A_2701 = arith.cmpi sgt, %get3A_2697, %sign3A_2700 : i32
    %sign3A_2702 = arith.extui %sign3A_2701 : i1 to i32
    %sign3A_2703 = arith.constant 0 : i32
    %sign3A_2704 = arith.cmpi slt, %get3A_2697, %sign3A_2703 : i32
    %sign3A_2705 = arith.extui %sign3A_2704 : i1 to i32
    %sign3A_2706 = arith.subi %sign3A_2702, %sign3A_2705 : i32
    %sign3A_2707 = arith.constant 0 : i32
    %sign3A_2708 = arith.cmpi sgt, %jit3A_2698, %sign3A_2707 : i32
    %sign3A_2709 = arith.extui %sign3A_2708 : i1 to i32
    %sign3A_2710 = arith.constant 0 : i32
    %sign3A_2711 = arith.cmpi slt, %jit3A_2698, %sign3A_2710 : i32
    %sign3A_2712 = arith.extui %sign3A_2711 : i1 to i32
    %sign3A_2713 = arith.subi %sign3A_2709, %sign3A_2712 : i32
    %ne3A_2714 = arith.cmpi ne, %sign3A_2706, %sign3A_2713 : i32
    %rem3A_2715 = arith.remsi %get3A_2697, %jit3A_2698 : i32
    %ne3A_2716 = arith.constant 0 : i32
    %ne3A_2717 = arith.cmpi ne, %rem3A_2715, %ne3A_2716 : i32
    %and3A_2718 = arith.andi %ne3A_2714, %ne3A_2717 : i1
    %sub3A_2719 = arith.constant 1 : i32
    %sub3A_2720 = arith.subi %div3A_2699, %sub3A_2719 : i32
    %select_n3A_2721 = arith.select %and3A_2718, %sub3A_2720, %div3A_2699 : i32
    %mul3A_2722 = arith.constant 128 : i32
    %mul3A_2723 = arith.muli %select_n3A_2721, %mul3A_2722 : i32
    %get3A_2724 = arith.constant 0 : index
    %get3A_2725 = arith.index_cast %mul3A_2723 : i32 to index
    %get3A_2726 = vector.load %arg2[%get3A_2724, %get3A_2725] : memref<50x50000xf32, #tpu.memory_space<vmem>>, vector<50x128xf32>
    %get3A_2727 = arith.constant 0 : index
    %get3A_2728 = arith.index_cast %mul3A_2723 : i32 to index
    %get3A_2729 = vector.load %arg3[%get3A_2727, %get3A_2728] : memref<50x50000xf32, #tpu.memory_space<vmem>>, vector<50x128xf32>
    %sub3A_2730 = arith.subi %get3A_2697, %mul3A_2723 : i32
    %eq3A_2731 = vector.broadcast %sub3A_2730 : i32 to vector<50x128xi32>
    %eq3A_2732 = arith.cmpi eq, %iota3A, %eq3A_2731 : vector<50x128xi32>
    %jit3A_2733 = arith.constant 1.44269502 : f32
    %jit3A_2734 = arith.constant 0.000000e+00 : f32
    %broadcast_in_dim3A_2735 = vector.broadcast %jit3A_2733 : f32 to vector<50x128xf32>
    %broadcast_in_dim3A_2736 = vector.broadcast %jit3A_2734 : f32 to vector<50x128xf32>
    %select_n3A_2737 = arith.select %eq3A_2732, %broadcast_in_dim3A_2735, %broadcast_in_dim3A_2736 : vector<50x128xi1>, vector<50x128xf32>
    %add3A_2738 = arith.addf %get3A_2726, %get3A_2729 : vector<50x128xf32>
    %mul3A_2739 = arith.mulf %add3A_2738, %select_n3A_2737 : vector<50x128xf32>
    %reduce_sum3A_2740 = arith.constant dense<0.000000e+00> : vector<50xf32>
    %reduce_sum3A_2741 = vector.multi_reduction <add>, %mul3A_2739, %reduce_sum3A_2740 [1] : vector<50x128xf32> to vector<50xf32>
    %broadcast_in_dim3A_2742 = vector.shape_cast %reduce_sum3A_2741 : vector<50xf32> to vector<50x1xf32>
    %swap3A_2743 = arith.constant 1 : index
    %swap3A_2744 = arith.constant 0 : index
    %swap3A_2745 = arith.constant 16 : index
    %swap3A_2746 = vector.load %arg6[%swap3A_2743, %swap3A_2744, %swap3A_2745] : memref<2x50x32xf32, #tpu.memory_space<vmem>>, vector<1x50x1xf32>
    %swap3A_2747 = vector.shape_cast %swap3A_2746 : vector<1x50x1xf32> to vector<50x1xf32>
    %swap3A_2748 = vector.shape_cast %broadcast_in_dim3A_2742 : vector<50x1xf32> to vector<1x50x1xf32>
    tpu.vector_store %arg6[%swap3A_2743, %swap3A_2744, %swap3A_2745], %swap3A_2748 {strides = array<i32>} : memref<2x50x32xf32, #tpu.memory_space<vmem>>, vector<1x50x1xf32>,
    %get3A_2749 = arith.constant 49 : index
    %get3A_2750 = memref.load %arg1[%get3A_2749] : memref<64xi32, #tpu.memory_space<smem>>
    %jit3A_2751 = arith.constant 128 : i32
    %div3A_2752 = arith.divsi %get3A_2750, %jit3A_2751 : i32
    %sign3A_2753 = arith.constant 0 : i32
    %sign3A_2754 = arith.cmpi sgt, %get3A_2750, %sign3A_2753 : i32
    %sign3A_2755 = arith.extui %sign3A_2754 : i1 to i32
    %sign3A_2756 = arith.constant 0 : i32
    %sign3A_2757 = arith.cmpi slt, %get3A_2750, %sign3A_2756 : i32
    %sign3A_2758 = arith.extui %sign3A_2757 : i1 to i32
    %sign3A_2759 = arith.subi %sign3A_2755, %sign3A_2758 : i32
    %sign3A_2760 = arith.constant 0 : i32
    %sign3A_2761 = arith.cmpi sgt, %jit3A_2751, %sign3A_2760 : i32
    %sign3A_2762 = arith.extui %sign3A_2761 : i1 to i32
    %sign3A_2763 = arith.constant 0 : i32
    %sign3A_2764 = arith.cmpi slt, %jit3A_2751, %sign3A_2763 : i32
    %sign3A_2765 = arith.extui %sign3A_2764 : i1 to i32
    %sign3A_2766 = arith.subi %sign3A_2762, %sign3A_2765 : i32
    %ne3A_2767 = arith.cmpi ne, %sign3A_2759, %sign3A_2766 : i32
    %rem3A_2768 = arith.remsi %get3A_2750, %jit3A_2751 : i32
    %ne3A_2769 = arith.constant 0 : i32
    %ne3A_2770 = arith.cmpi ne, %rem3A_2768, %ne3A_2769 : i32
    %and3A_2771 = arith.andi %ne3A_2767, %ne3A_2770 : i1
    %sub3A_2772 = arith.constant 1 : i32
    %sub3A_2773 = arith.subi %div3A_2752, %sub3A_2772 : i32
    %select_n3A_2774 = arith.select %and3A_2771, %sub3A_2773, %div3A_2752 : i32
    %mul3A_2775 = arith.constant 128 : i32
    %mul3A_2776 = arith.muli %select_n3A_2774, %mul3A_2775 : i32
    %get3A_2777 = arith.constant 0 : index
    %get3A_2778 = arith.index_cast %mul3A_2776 : i32 to index
    %get3A_2779 = vector.load %arg2[%get3A_2777, %get3A_2778] : memref<50x50000xf32, #tpu.memory_space<vmem>>, vector<50x128xf32>
    %get3A_2780 = arith.constant 0 : index
    %get3A_2781 = arith.index_cast %mul3A_2776 : i32 to index
    %get3A_2782 = vector.load %arg3[%get3A_2780, %get3A_2781] : memref<50x50000xf32, #tpu.memory_space<vmem>>, vector<50x128xf32>
    %sub3A_2783 = arith.subi %get3A_2750, %mul3A_2776 : i32
    %eq3A_2784 = vector.broadcast %sub3A_2783 : i32 to vector<50x128xi32>
    %eq3A_2785 = arith.cmpi eq, %iota3A, %eq3A_2784 : vector<50x128xi32>
    %jit3A_2786 = arith.constant 1.44269502 : f32
    %jit3A_2787 = arith.constant 0.000000e+00 : f32
    %broadcast_in_dim3A_2788 = vector.broadcast %jit3A_2786 : f32 to vector<50x128xf32>
    %broadcast_in_dim3A_2789 = vector.broadcast %jit3A_2787 : f32 to vector<50x128xf32>
    %select_n3A_2790 = arith.select %eq3A_2785, %broadcast_in_dim3A_2788, %broadcast_in_dim3A_2789 : vector<50x128xi1>, vector<50x128xf32>
    %add3A_2791 = arith.addf %get3A_2779, %get3A_2782 : vector<50x128xf32>
    %mul3A_2792 = arith.mulf %add3A_2791, %select_n3A_2790 : vector<50x128xf32>
    %reduce_sum3A_2793 = arith.constant dense<0.000000e+00> : vector<50xf32>
    %reduce_sum3A_2794 = vector.multi_reduction <add>, %mul3A_2792, %reduce_sum3A_2793 [1] : vector<50x128xf32> to vector<50xf32>
    %broadcast_in_dim3A_2795 = vector.shape_cast %reduce_sum3A_2794 : vector<50xf32> to vector<50x1xf32>
    %swap3A_2796 = arith.constant 1 : index
    %swap3A_2797 = arith.constant 0 : index
    %swap3A_2798 = arith.constant 17 : index
    %swap3A_2799 = vector.load %arg6[%swap3A_2796, %swap3A_2797, %swap3A_2798] : memref<2x50x32xf32, #tpu.memory_space<vmem>>, vector<1x50x1xf32>
    %swap3A_2800 = vector.shape_cast %swap3A_2799 : vector<1x50x1xf32> to vector<50x1xf32>
    %swap3A_2801 = vector.shape_cast %broadcast_in_dim3A_2795 : vector<50x1xf32> to vector<1x50x1xf32>
    tpu.vector_store %arg6[%swap3A_2796, %swap3A_2797, %swap3A_2798], %swap3A_2801 {strides = array<i32>} : memref<2x50x32xf32, #tpu.memory_space<vmem>>, vector<1x50x1xf32>,
    %get3A_2802 = arith.constant 50 : index
    %get3A_2803 = memref.load %arg1[%get3A_2802] : memref<64xi32, #tpu.memory_space<smem>>
    %jit3A_2804 = arith.constant 128 : i32
    %div3A_2805 = arith.divsi %get3A_2803, %jit3A_2804 : i32
    %sign3A_2806 = arith.constant 0 : i32
    %sign3A_2807 = arith.cmpi sgt, %get3A_2803, %sign3A_2806 : i32
    %sign3A_2808 = arith.extui %sign3A_2807 : i1 to i32
    %sign3A_2809 = arith.constant 0 : i32
    %sign3A_2810 = arith.cmpi slt, %get3A_2803, %sign3A_2809 : i32
    %sign3A_2811 = arith.extui %sign3A_2810 : i1 to i32
    %sign3A_2812 = arith.subi %sign3A_2808, %sign3A_2811 : i32
    %sign3A_2813 = arith.constant 0 : i32
    %sign3A_2814 = arith.cmpi sgt, %jit3A_2804, %sign3A_2813 : i32
    %sign3A_2815 = arith.extui %sign3A_2814 : i1 to i32
    %sign3A_2816 = arith.constant 0 : i32
    %sign3A_2817 = arith.cmpi slt, %jit3A_2804, %sign3A_2816 : i32
    %sign3A_2818 = arith.extui %sign3A_2817 : i1 to i32
    %sign3A_2819 = arith.subi %sign3A_2815, %sign3A_2818 : i32
    %ne3A_2820 = arith.cmpi ne, %sign3A_2812, %sign3A_2819 : i32
    %rem3A_2821 = arith.remsi %get3A_2803, %jit3A_2804 : i32
    %ne3A_2822 = arith.constant 0 : i32
    %ne3A_2823 = arith.cmpi ne, %rem3A_2821, %ne3A_2822 : i32
    %and3A_2824 = arith.andi %ne3A_2820, %ne3A_2823 : i1
    %sub3A_2825 = arith.constant 1 : i32
    %sub3A_2826 = arith.subi %div3A_2805, %sub3A_2825 : i32
    %select_n3A_2827 = arith.select %and3A_2824, %sub3A_2826, %div3A_2805 : i32
    %mul3A_2828 = arith.constant 128 : i32
    %mul3A_2829 = arith.muli %select_n3A_2827, %mul3A_2828 : i32
    %get3A_2830 = arith.constant 0 : index
    %get3A_2831 = arith.index_cast %mul3A_2829 : i32 to index
    %get3A_2832 = vector.load %arg2[%get3A_2830, %get3A_2831] : memref<50x50000xf32, #tpu.memory_space<vmem>>, vector<50x128xf32>
    %get3A_2833 = arith.constant 0 : index
    %get3A_2834 = arith.index_cast %mul3A_2829 : i32 to index
    %get3A_2835 = vector.load %arg3[%get3A_2833, %get3A_2834] : memref<50x50000xf32, #tpu.memory_space<vmem>>, vector<50x128xf32>
    %sub3A_2836 = arith.subi %get3A_2803, %mul3A_2829 : i32
    %eq3A_2837 = vector.broadcast %sub3A_2836 : i32 to vector<50x128xi32>
    %eq3A_2838 = arith.cmpi eq, %iota3A, %eq3A_2837 : vector<50x128xi32>
    %jit3A_2839 = arith.constant 1.44269502 : f32
    %jit3A_2840 = arith.constant 0.000000e+00 : f32
    %broadcast_in_dim3A_2841 = vector.broadcast %jit3A_2839 : f32 to vector<50x128xf32>
    %broadcast_in_dim3A_2842 = vector.broadcast %jit3A_2840 : f32 to vector<50x128xf32>
    %select_n3A_2843 = arith.select %eq3A_2838, %broadcast_in_dim3A_2841, %broadcast_in_dim3A_2842 : vector<50x128xi1>, vector<50x128xf32>
    %add3A_2844 = arith.addf %get3A_2832, %get3A_2835 : vector<50x128xf32>
    %mul3A_2845 = arith.mulf %add3A_2844, %select_n3A_2843 : vector<50x128xf32>
    %reduce_sum3A_2846 = arith.constant dense<0.000000e+00> : vector<50xf32>
    %reduce_sum3A_2847 = vector.multi_reduction <add>, %mul3A_2845, %reduce_sum3A_2846 [1] : vector<50x128xf32> to vector<50xf32>
    %broadcast_in_dim3A_2848 = vector.shape_cast %reduce_sum3A_2847 : vector<50xf32> to vector<50x1xf32>
    %swap3A_2849 = arith.constant 1 : index
    %swap3A_2850 = arith.constant 0 : index
    %swap3A_2851 = arith.constant 18 : index
    %swap3A_2852 = vector.load %arg6[%swap3A_2849, %swap3A_2850, %swap3A_2851] : memref<2x50x32xf32, #tpu.memory_space<vmem>>, vector<1x50x1xf32>
    %swap3A_2853 = vector.shape_cast %swap3A_2852 : vector<1x50x1xf32> to vector<50x1xf32>
    %swap3A_2854 = vector.shape_cast %broadcast_in_dim3A_2848 : vector<50x1xf32> to vector<1x50x1xf32>
    tpu.vector_store %arg6[%swap3A_2849, %swap3A_2850, %swap3A_2851], %swap3A_2854 {strides = array<i32>} : memref<2x50x32xf32, #tpu.memory_space<vmem>>, vector<1x50x1xf32>,
    %get3A_2855 = arith.constant 51 : index
    %get3A_2856 = memref.load %arg1[%get3A_2855] : memref<64xi32, #tpu.memory_space<smem>>
    %jit3A_2857 = arith.constant 128 : i32
    %div3A_2858 = arith.divsi %get3A_2856, %jit3A_2857 : i32
    %sign3A_2859 = arith.constant 0 : i32
    %sign3A_2860 = arith.cmpi sgt, %get3A_2856, %sign3A_2859 : i32
    %sign3A_2861 = arith.extui %sign3A_2860 : i1 to i32
    %sign3A_2862 = arith.constant 0 : i32
    %sign3A_2863 = arith.cmpi slt, %get3A_2856, %sign3A_2862 : i32
    %sign3A_2864 = arith.extui %sign3A_2863 : i1 to i32
    %sign3A_2865 = arith.subi %sign3A_2861, %sign3A_2864 : i32
    %sign3A_2866 = arith.constant 0 : i32
    %sign3A_2867 = arith.cmpi sgt, %jit3A_2857, %sign3A_2866 : i32
    %sign3A_2868 = arith.extui %sign3A_2867 : i1 to i32
    %sign3A_2869 = arith.constant 0 : i32
    %sign3A_2870 = arith.cmpi slt, %jit3A_2857, %sign3A_2869 : i32
    %sign3A_2871 = arith.extui %sign3A_2870 : i1 to i32
    %sign3A_2872 = arith.subi %sign3A_2868, %sign3A_2871 : i32
    %ne3A_2873 = arith.cmpi ne, %sign3A_2865, %sign3A_2872 : i32
    %rem3A_2874 = arith.remsi %get3A_2856, %jit3A_2857 : i32
    %ne3A_2875 = arith.constant 0 : i32
    %ne3A_2876 = arith.cmpi ne, %rem3A_2874, %ne3A_2875 : i32
    %and3A_2877 = arith.andi %ne3A_2873, %ne3A_2876 : i1
    %sub3A_2878 = arith.constant 1 : i32
    %sub3A_2879 = arith.subi %div3A_2858, %sub3A_2878 : i32
    %select_n3A_2880 = arith.select %and3A_2877, %sub3A_2879, %div3A_2858 : i32
    %mul3A_2881 = arith.constant 128 : i32
    %mul3A_2882 = arith.muli %select_n3A_2880, %mul3A_2881 : i32
    %get3A_2883 = arith.constant 0 : index
    %get3A_2884 = arith.index_cast %mul3A_2882 : i32 to index
    %get3A_2885 = vector.load %arg2[%get3A_2883, %get3A_2884] : memref<50x50000xf32, #tpu.memory_space<vmem>>, vector<50x128xf32>
    %get3A_2886 = arith.constant 0 : index
    %get3A_2887 = arith.index_cast %mul3A_2882 : i32 to index
    %get3A_2888 = vector.load %arg3[%get3A_2886, %get3A_2887] : memref<50x50000xf32, #tpu.memory_space<vmem>>, vector<50x128xf32>
    %sub3A_2889 = arith.subi %get3A_2856, %mul3A_2882 : i32
    %eq3A_2890 = vector.broadcast %sub3A_2889 : i32 to vector<50x128xi32>
    %eq3A_2891 = arith.cmpi eq, %iota3A, %eq3A_2890 : vector<50x128xi32>
    %jit3A_2892 = arith.constant 1.44269502 : f32
    %jit3A_2893 = arith.constant 0.000000e+00 : f32
    %broadcast_in_dim3A_2894 = vector.broadcast %jit3A_2892 : f32 to vector<50x128xf32>
    %broadcast_in_dim3A_2895 = vector.broadcast %jit3A_2893 : f32 to vector<50x128xf32>
    %select_n3A_2896 = arith.select %eq3A_2891, %broadcast_in_dim3A_2894, %broadcast_in_dim3A_2895 : vector<50x128xi1>, vector<50x128xf32>
    %add3A_2897 = arith.addf %get3A_2885, %get3A_2888 : vector<50x128xf32>
    %mul3A_2898 = arith.mulf %add3A_2897, %select_n3A_2896 : vector<50x128xf32>
    %reduce_sum3A_2899 = arith.constant dense<0.000000e+00> : vector<50xf32>
    %reduce_sum3A_2900 = vector.multi_reduction <add>, %mul3A_2898, %reduce_sum3A_2899 [1] : vector<50x128xf32> to vector<50xf32>
    %broadcast_in_dim3A_2901 = vector.shape_cast %reduce_sum3A_2900 : vector<50xf32> to vector<50x1xf32>
    %swap3A_2902 = arith.constant 1 : index
    %swap3A_2903 = arith.constant 0 : index
    %swap3A_2904 = arith.constant 19 : index
    %swap3A_2905 = vector.load %arg6[%swap3A_2902, %swap3A_2903, %swap3A_2904] : memref<2x50x32xf32, #tpu.memory_space<vmem>>, vector<1x50x1xf32>
    %swap3A_2906 = vector.shape_cast %swap3A_2905 : vector<1x50x1xf32> to vector<50x1xf32>
    %swap3A_2907 = vector.shape_cast %broadcast_in_dim3A_2901 : vector<50x1xf32> to vector<1x50x1xf32>
    tpu.vector_store %arg6[%swap3A_2902, %swap3A_2903, %swap3A_2904], %swap3A_2907 {strides = array<i32>} : memref<2x50x32xf32, #tpu.memory_space<vmem>>, vector<1x50x1xf32>,
    %get3A_2908 = arith.constant 52 : index
    %get3A_2909 = memref.load %arg1[%get3A_2908] : memref<64xi32, #tpu.memory_space<smem>>
    %jit3A_2910 = arith.constant 128 : i32
    %div3A_2911 = arith.divsi %get3A_2909, %jit3A_2910 : i32
    %sign3A_2912 = arith.constant 0 : i32
    %sign3A_2913 = arith.cmpi sgt, %get3A_2909, %sign3A_2912 : i32
    %sign3A_2914 = arith.extui %sign3A_2913 : i1 to i32
    %sign3A_2915 = arith.constant 0 : i32
    %sign3A_2916 = arith.cmpi slt, %get3A_2909, %sign3A_2915 : i32
    %sign3A_2917 = arith.extui %sign3A_2916 : i1 to i32
    %sign3A_2918 = arith.subi %sign3A_2914, %sign3A_2917 : i32
    %sign3A_2919 = arith.constant 0 : i32
    %sign3A_2920 = arith.cmpi sgt, %jit3A_2910, %sign3A_2919 : i32
    %sign3A_2921 = arith.extui %sign3A_2920 : i1 to i32
    %sign3A_2922 = arith.constant 0 : i32
    %sign3A_2923 = arith.cmpi slt, %jit3A_2910, %sign3A_2922 : i32
    %sign3A_2924 = arith.extui %sign3A_2923 : i1 to i32
    %sign3A_2925 = arith.subi %sign3A_2921, %sign3A_2924 : i32
    %ne3A_2926 = arith.cmpi ne, %sign3A_2918, %sign3A_2925 : i32
    %rem3A_2927 = arith.remsi %get3A_2909, %jit3A_2910 : i32
    %ne3A_2928 = arith.constant 0 : i32
    %ne3A_2929 = arith.cmpi ne, %rem3A_2927, %ne3A_2928 : i32
    %and3A_2930 = arith.andi %ne3A_2926, %ne3A_2929 : i1
    %sub3A_2931 = arith.constant 1 : i32
    %sub3A_2932 = arith.subi %div3A_2911, %sub3A_2931 : i32
    %select_n3A_2933 = arith.select %and3A_2930, %sub3A_2932, %div3A_2911 : i32
    %mul3A_2934 = arith.constant 128 : i32
    %mul3A_2935 = arith.muli %select_n3A_2933, %mul3A_2934 : i32
    %get3A_2936 = arith.constant 0 : index
    %get3A_2937 = arith.index_cast %mul3A_2935 : i32 to index
    %get3A_2938 = vector.load %arg2[%get3A_2936, %get3A_2937] : memref<50x50000xf32, #tpu.memory_space<vmem>>, vector<50x128xf32>
    %get3A_2939 = arith.constant 0 : index
    %get3A_2940 = arith.index_cast %mul3A_2935 : i32 to index
    %get3A_2941 = vector.load %arg3[%get3A_2939, %get3A_2940] : memref<50x50000xf32, #tpu.memory_space<vmem>>, vector<50x128xf32>
    %sub3A_2942 = arith.subi %get3A_2909, %mul3A_2935 : i32
    %eq3A_2943 = vector.broadcast %sub3A_2942 : i32 to vector<50x128xi32>
    %eq3A_2944 = arith.cmpi eq, %iota3A, %eq3A_2943 : vector<50x128xi32>
    %jit3A_2945 = arith.constant 1.44269502 : f32
    %jit3A_2946 = arith.constant 0.000000e+00 : f32
    %broadcast_in_dim3A_2947 = vector.broadcast %jit3A_2945 : f32 to vector<50x128xf32>
    %broadcast_in_dim3A_2948 = vector.broadcast %jit3A_2946 : f32 to vector<50x128xf32>
    %select_n3A_2949 = arith.select %eq3A_2944, %broadcast_in_dim3A_2947, %broadcast_in_dim3A_2948 : vector<50x128xi1>, vector<50x128xf32>
    %add3A_2950 = arith.addf %get3A_2938, %get3A_2941 : vector<50x128xf32>
    %mul3A_2951 = arith.mulf %add3A_2950, %select_n3A_2949 : vector<50x128xf32>
    %reduce_sum3A_2952 = arith.constant dense<0.000000e+00> : vector<50xf32>
    %reduce_sum3A_2953 = vector.multi_reduction <add>, %mul3A_2951, %reduce_sum3A_2952 [1] : vector<50x128xf32> to vector<50xf32>
    %broadcast_in_dim3A_2954 = vector.shape_cast %reduce_sum3A_2953 : vector<50xf32> to vector<50x1xf32>
    %swap3A_2955 = arith.constant 1 : index
    %swap3A_2956 = arith.constant 0 : index
    %swap3A_2957 = arith.constant 20 : index
    %swap3A_2958 = vector.load %arg6[%swap3A_2955, %swap3A_2956, %swap3A_2957] : memref<2x50x32xf32, #tpu.memory_space<vmem>>, vector<1x50x1xf32>
    %swap3A_2959 = vector.shape_cast %swap3A_2958 : vector<1x50x1xf32> to vector<50x1xf32>
    %swap3A_2960 = vector.shape_cast %broadcast_in_dim3A_2954 : vector<50x1xf32> to vector<1x50x1xf32>
    tpu.vector_store %arg6[%swap3A_2955, %swap3A_2956, %swap3A_2957], %swap3A_2960 {strides = array<i32>} : memref<2x50x32xf32, #tpu.memory_space<vmem>>, vector<1x50x1xf32>,
    %get3A_2961 = arith.constant 53 : index
    %get3A_2962 = memref.load %arg1[%get3A_2961] : memref<64xi32, #tpu.memory_space<smem>>
    %jit3A_2963 = arith.constant 128 : i32
    %div3A_2964 = arith.divsi %get3A_2962, %jit3A_2963 : i32
    %sign3A_2965 = arith.constant 0 : i32
    %sign3A_2966 = arith.cmpi sgt, %get3A_2962, %sign3A_2965 : i32
    %sign3A_2967 = arith.extui %sign3A_2966 : i1 to i32
    %sign3A_2968 = arith.constant 0 : i32
    %sign3A_2969 = arith.cmpi slt, %get3A_2962, %sign3A_2968 : i32
    %sign3A_2970 = arith.extui %sign3A_2969 : i1 to i32
    %sign3A_2971 = arith.subi %sign3A_2967, %sign3A_2970 : i32
    %sign3A_2972 = arith.constant 0 : i32
    %sign3A_2973 = arith.cmpi sgt, %jit3A_2963, %sign3A_2972 : i32
    %sign3A_2974 = arith.extui %sign3A_2973 : i1 to i32
    %sign3A_2975 = arith.constant 0 : i32
    %sign3A_2976 = arith.cmpi slt, %jit3A_2963, %sign3A_2975 : i32
    %sign3A_2977 = arith.extui %sign3A_2976 : i1 to i32
    %sign3A_2978 = arith.subi %sign3A_2974, %sign3A_2977 : i32
    %ne3A_2979 = arith.cmpi ne, %sign3A_2971, %sign3A_2978 : i32
    %rem3A_2980 = arith.remsi %get3A_2962, %jit3A_2963 : i32
    %ne3A_2981 = arith.constant 0 : i32
    %ne3A_2982 = arith.cmpi ne, %rem3A_2980, %ne3A_2981 : i32
    %and3A_2983 = arith.andi %ne3A_2979, %ne3A_2982 : i1
    %sub3A_2984 = arith.constant 1 : i32
    %sub3A_2985 = arith.subi %div3A_2964, %sub3A_2984 : i32
    %select_n3A_2986 = arith.select %and3A_2983, %sub3A_2985, %div3A_2964 : i32
    %mul3A_2987 = arith.constant 128 : i32
    %mul3A_2988 = arith.muli %select_n3A_2986, %mul3A_2987 : i32
    %get3A_2989 = arith.constant 0 : index
    %get3A_2990 = arith.index_cast %mul3A_2988 : i32 to index
    %get3A_2991 = vector.load %arg2[%get3A_2989, %get3A_2990] : memref<50x50000xf32, #tpu.memory_space<vmem>>, vector<50x128xf32>
    %get3A_2992 = arith.constant 0 : index
    %get3A_2993 = arith.index_cast %mul3A_2988 : i32 to index
    %get3A_2994 = vector.load %arg3[%get3A_2992, %get3A_2993] : memref<50x50000xf32, #tpu.memory_space<vmem>>, vector<50x128xf32>
    %sub3A_2995 = arith.subi %get3A_2962, %mul3A_2988 : i32
    %eq3A_2996 = vector.broadcast %sub3A_2995 : i32 to vector<50x128xi32>
    %eq3A_2997 = arith.cmpi eq, %iota3A, %eq3A_2996 : vector<50x128xi32>
    %jit3A_2998 = arith.constant 1.44269502 : f32
    %jit3A_2999 = arith.constant 0.000000e+00 : f32
    %broadcast_in_dim3A_3000 = vector.broadcast %jit3A_2998 : f32 to vector<50x128xf32>
    %broadcast_in_dim3A_3001 = vector.broadcast %jit3A_2999 : f32 to vector<50x128xf32>
    %select_n3A_3002 = arith.select %eq3A_2997, %broadcast_in_dim3A_3000, %broadcast_in_dim3A_3001 : vector<50x128xi1>, vector<50x128xf32>
    %add3A_3003 = arith.addf %get3A_2991, %get3A_2994 : vector<50x128xf32>
    %mul3A_3004 = arith.mulf %add3A_3003, %select_n3A_3002 : vector<50x128xf32>
    %reduce_sum3A_3005 = arith.constant dense<0.000000e+00> : vector<50xf32>
    %reduce_sum3A_3006 = vector.multi_reduction <add>, %mul3A_3004, %reduce_sum3A_3005 [1] : vector<50x128xf32> to vector<50xf32>
    %broadcast_in_dim3A_3007 = vector.shape_cast %reduce_sum3A_3006 : vector<50xf32> to vector<50x1xf32>
    %swap3A_3008 = arith.constant 1 : index
    %swap3A_3009 = arith.constant 0 : index
    %swap3A_3010 = arith.constant 21 : index
    %swap3A_3011 = vector.load %arg6[%swap3A_3008, %swap3A_3009, %swap3A_3010] : memref<2x50x32xf32, #tpu.memory_space<vmem>>, vector<1x50x1xf32>
    %swap3A_3012 = vector.shape_cast %swap3A_3011 : vector<1x50x1xf32> to vector<50x1xf32>
    %swap3A_3013 = vector.shape_cast %broadcast_in_dim3A_3007 : vector<50x1xf32> to vector<1x50x1xf32>
    tpu.vector_store %arg6[%swap3A_3008, %swap3A_3009, %swap3A_3010], %swap3A_3013 {strides = array<i32>} : memref<2x50x32xf32, #tpu.memory_space<vmem>>, vector<1x50x1xf32>,
    %get3A_3014 = arith.constant 54 : index
    %get3A_3015 = memref.load %arg1[%get3A_3014] : memref<64xi32, #tpu.memory_space<smem>>
    %jit3A_3016 = arith.constant 128 : i32
    %div3A_3017 = arith.divsi %get3A_3015, %jit3A_3016 : i32
    %sign3A_3018 = arith.constant 0 : i32
    %sign3A_3019 = arith.cmpi sgt, %get3A_3015, %sign3A_3018 : i32
    %sign3A_3020 = arith.extui %sign3A_3019 : i1 to i32
    %sign3A_3021 = arith.constant 0 : i32
    %sign3A_3022 = arith.cmpi slt, %get3A_3015, %sign3A_3021 : i32
    %sign3A_3023 = arith.extui %sign3A_3022 : i1 to i32
    %sign3A_3024 = arith.subi %sign3A_3020, %sign3A_3023 : i32
    %sign3A_3025 = arith.constant 0 : i32
    %sign3A_3026 = arith.cmpi sgt, %jit3A_3016, %sign3A_3025 : i32
    %sign3A_3027 = arith.extui %sign3A_3026 : i1 to i32
    %sign3A_3028 = arith.constant 0 : i32
    %sign3A_3029 = arith.cmpi slt, %jit3A_3016, %sign3A_3028 : i32
    %sign3A_3030 = arith.extui %sign3A_3029 : i1 to i32
    %sign3A_3031 = arith.subi %sign3A_3027, %sign3A_3030 : i32
    %ne3A_3032 = arith.cmpi ne, %sign3A_3024, %sign3A_3031 : i32
    %rem3A_3033 = arith.remsi %get3A_3015, %jit3A_3016 : i32
    %ne3A_3034 = arith.constant 0 : i32
    %ne3A_3035 = arith.cmpi ne, %rem3A_3033, %ne3A_3034 : i32
    %and3A_3036 = arith.andi %ne3A_3032, %ne3A_3035 : i1
    %sub3A_3037 = arith.constant 1 : i32
    %sub3A_3038 = arith.subi %div3A_3017, %sub3A_3037 : i32
    %select_n3A_3039 = arith.select %and3A_3036, %sub3A_3038, %div3A_3017 : i32
    %mul3A_3040 = arith.constant 128 : i32
    %mul3A_3041 = arith.muli %select_n3A_3039, %mul3A_3040 : i32
    %get3A_3042 = arith.constant 0 : index
    %get3A_3043 = arith.index_cast %mul3A_3041 : i32 to index
    %get3A_3044 = vector.load %arg2[%get3A_3042, %get3A_3043] : memref<50x50000xf32, #tpu.memory_space<vmem>>, vector<50x128xf32>
    %get3A_3045 = arith.constant 0 : index
    %get3A_3046 = arith.index_cast %mul3A_3041 : i32 to index
    %get3A_3047 = vector.load %arg3[%get3A_3045, %get3A_3046] : memref<50x50000xf32, #tpu.memory_space<vmem>>, vector<50x128xf32>
    %sub3A_3048 = arith.subi %get3A_3015, %mul3A_3041 : i32
    %eq3A_3049 = vector.broadcast %sub3A_3048 : i32 to vector<50x128xi32>
    %eq3A_3050 = arith.cmpi eq, %iota3A, %eq3A_3049 : vector<50x128xi32>
    %jit3A_3051 = arith.constant 1.44269502 : f32
    %jit3A_3052 = arith.constant 0.000000e+00 : f32
    %broadcast_in_dim3A_3053 = vector.broadcast %jit3A_3051 : f32 to vector<50x128xf32>
    %broadcast_in_dim3A_3054 = vector.broadcast %jit3A_3052 : f32 to vector<50x128xf32>
    %select_n3A_3055 = arith.select %eq3A_3050, %broadcast_in_dim3A_3053, %broadcast_in_dim3A_3054 : vector<50x128xi1>, vector<50x128xf32>
    %add3A_3056 = arith.addf %get3A_3044, %get3A_3047 : vector<50x128xf32>
    %mul3A_3057 = arith.mulf %add3A_3056, %select_n3A_3055 : vector<50x128xf32>
    %reduce_sum3A_3058 = arith.constant dense<0.000000e+00> : vector<50xf32>
    %reduce_sum3A_3059 = vector.multi_reduction <add>, %mul3A_3057, %reduce_sum3A_3058 [1] : vector<50x128xf32> to vector<50xf32>
    %broadcast_in_dim3A_3060 = vector.shape_cast %reduce_sum3A_3059 : vector<50xf32> to vector<50x1xf32>
    %swap3A_3061 = arith.constant 1 : index
    %swap3A_3062 = arith.constant 0 : index
    %swap3A_3063 = arith.constant 22 : index
    %swap3A_3064 = vector.load %arg6[%swap3A_3061, %swap3A_3062, %swap3A_3063] : memref<2x50x32xf32, #tpu.memory_space<vmem>>, vector<1x50x1xf32>
    %swap3A_3065 = vector.shape_cast %swap3A_3064 : vector<1x50x1xf32> to vector<50x1xf32>
    %swap3A_3066 = vector.shape_cast %broadcast_in_dim3A_3060 : vector<50x1xf32> to vector<1x50x1xf32>
    tpu.vector_store %arg6[%swap3A_3061, %swap3A_3062, %swap3A_3063], %swap3A_3066 {strides = array<i32>} : memref<2x50x32xf32, #tpu.memory_space<vmem>>, vector<1x50x1xf32>,
    %get3A_3067 = arith.constant 55 : index
    %get3A_3068 = memref.load %arg1[%get3A_3067] : memref<64xi32, #tpu.memory_space<smem>>
    %jit3A_3069 = arith.constant 128 : i32
    %div3A_3070 = arith.divsi %get3A_3068, %jit3A_3069 : i32
    %sign3A_3071 = arith.constant 0 : i32
    %sign3A_3072 = arith.cmpi sgt, %get3A_3068, %sign3A_3071 : i32
    %sign3A_3073 = arith.extui %sign3A_3072 : i1 to i32
    %sign3A_3074 = arith.constant 0 : i32
    %sign3A_3075 = arith.cmpi slt, %get3A_3068, %sign3A_3074 : i32
    %sign3A_3076 = arith.extui %sign3A_3075 : i1 to i32
    %sign3A_3077 = arith.subi %sign3A_3073, %sign3A_3076 : i32
    %sign3A_3078 = arith.constant 0 : i32
    %sign3A_3079 = arith.cmpi sgt, %jit3A_3069, %sign3A_3078 : i32
    %sign3A_3080 = arith.extui %sign3A_3079 : i1 to i32
    %sign3A_3081 = arith.constant 0 : i32
    %sign3A_3082 = arith.cmpi slt, %jit3A_3069, %sign3A_3081 : i32
    %sign3A_3083 = arith.extui %sign3A_3082 : i1 to i32
    %sign3A_3084 = arith.subi %sign3A_3080, %sign3A_3083 : i32
    %ne3A_3085 = arith.cmpi ne, %sign3A_3077, %sign3A_3084 : i32
    %rem3A_3086 = arith.remsi %get3A_3068, %jit3A_3069 : i32
    %ne3A_3087 = arith.constant 0 : i32
    %ne3A_3088 = arith.cmpi ne, %rem3A_3086, %ne3A_3087 : i32
    %and3A_3089 = arith.andi %ne3A_3085, %ne3A_3088 : i1
    %sub3A_3090 = arith.constant 1 : i32
    %sub3A_3091 = arith.subi %div3A_3070, %sub3A_3090 : i32
    %select_n3A_3092 = arith.select %and3A_3089, %sub3A_3091, %div3A_3070 : i32
    %mul3A_3093 = arith.constant 128 : i32
    %mul3A_3094 = arith.muli %select_n3A_3092, %mul3A_3093 : i32
    %get3A_3095 = arith.constant 0 : index
    %get3A_3096 = arith.index_cast %mul3A_3094 : i32 to index
    %get3A_3097 = vector.load %arg2[%get3A_3095, %get3A_3096] : memref<50x50000xf32, #tpu.memory_space<vmem>>, vector<50x128xf32>
    %get3A_3098 = arith.constant 0 : index
    %get3A_3099 = arith.index_cast %mul3A_3094 : i32 to index
    %get3A_3100 = vector.load %arg3[%get3A_3098, %get3A_3099] : memref<50x50000xf32, #tpu.memory_space<vmem>>, vector<50x128xf32>
    %sub3A_3101 = arith.subi %get3A_3068, %mul3A_3094 : i32
    %eq3A_3102 = vector.broadcast %sub3A_3101 : i32 to vector<50x128xi32>
    %eq3A_3103 = arith.cmpi eq, %iota3A, %eq3A_3102 : vector<50x128xi32>
    %jit3A_3104 = arith.constant 1.44269502 : f32
    %jit3A_3105 = arith.constant 0.000000e+00 : f32
    %broadcast_in_dim3A_3106 = vector.broadcast %jit3A_3104 : f32 to vector<50x128xf32>
    %broadcast_in_dim3A_3107 = vector.broadcast %jit3A_3105 : f32 to vector<50x128xf32>
    %select_n3A_3108 = arith.select %eq3A_3103, %broadcast_in_dim3A_3106, %broadcast_in_dim3A_3107 : vector<50x128xi1>, vector<50x128xf32>
    %add3A_3109 = arith.addf %get3A_3097, %get3A_3100 : vector<50x128xf32>
    %mul3A_3110 = arith.mulf %add3A_3109, %select_n3A_3108 : vector<50x128xf32>
    %reduce_sum3A_3111 = arith.constant dense<0.000000e+00> : vector<50xf32>
    %reduce_sum3A_3112 = vector.multi_reduction <add>, %mul3A_3110, %reduce_sum3A_3111 [1] : vector<50x128xf32> to vector<50xf32>
    %broadcast_in_dim3A_3113 = vector.shape_cast %reduce_sum3A_3112 : vector<50xf32> to vector<50x1xf32>
    %swap3A_3114 = arith.constant 1 : index
    %swap3A_3115 = arith.constant 0 : index
    %swap3A_3116 = arith.constant 23 : index
    %swap3A_3117 = vector.load %arg6[%swap3A_3114, %swap3A_3115, %swap3A_3116] : memref<2x50x32xf32, #tpu.memory_space<vmem>>, vector<1x50x1xf32>
    %swap3A_3118 = vector.shape_cast %swap3A_3117 : vector<1x50x1xf32> to vector<50x1xf32>
    %swap3A_3119 = vector.shape_cast %broadcast_in_dim3A_3113 : vector<50x1xf32> to vector<1x50x1xf32>
    tpu.vector_store %arg6[%swap3A_3114, %swap3A_3115, %swap3A_3116], %swap3A_3119 {strides = array<i32>} : memref<2x50x32xf32, #tpu.memory_space<vmem>>, vector<1x50x1xf32>,
    %get3A_3120 = arith.constant 56 : index
    %get3A_3121 = memref.load %arg1[%get3A_3120] : memref<64xi32, #tpu.memory_space<smem>>
    %jit3A_3122 = arith.constant 128 : i32
    %div3A_3123 = arith.divsi %get3A_3121, %jit3A_3122 : i32
    %sign3A_3124 = arith.constant 0 : i32
    %sign3A_3125 = arith.cmpi sgt, %get3A_3121, %sign3A_3124 : i32
    %sign3A_3126 = arith.extui %sign3A_3125 : i1 to i32
    %sign3A_3127 = arith.constant 0 : i32
    %sign3A_3128 = arith.cmpi slt, %get3A_3121, %sign3A_3127 : i32
    %sign3A_3129 = arith.extui %sign3A_3128 : i1 to i32
    %sign3A_3130 = arith.subi %sign3A_3126, %sign3A_3129 : i32
    %sign3A_3131 = arith.constant 0 : i32
    %sign3A_3132 = arith.cmpi sgt, %jit3A_3122, %sign3A_3131 : i32
    %sign3A_3133 = arith.extui %sign3A_3132 : i1 to i32
    %sign3A_3134 = arith.constant 0 : i32
    %sign3A_3135 = arith.cmpi slt, %jit3A_3122, %sign3A_3134 : i32
    %sign3A_3136 = arith.extui %sign3A_3135 : i1 to i32
    %sign3A_3137 = arith.subi %sign3A_3133, %sign3A_3136 : i32
    %ne3A_3138 = arith.cmpi ne, %sign3A_3130, %sign3A_3137 : i32
    %rem3A_3139 = arith.remsi %get3A_3121, %jit3A_3122 : i32
    %ne3A_3140 = arith.constant 0 : i32
    %ne3A_3141 = arith.cmpi ne, %rem3A_3139, %ne3A_3140 : i32
    %and3A_3142 = arith.andi %ne3A_3138, %ne3A_3141 : i1
    %sub3A_3143 = arith.constant 1 : i32
    %sub3A_3144 = arith.subi %div3A_3123, %sub3A_3143 : i32
    %select_n3A_3145 = arith.select %and3A_3142, %sub3A_3144, %div3A_3123 : i32
    %mul3A_3146 = arith.constant 128 : i32
    %mul3A_3147 = arith.muli %select_n3A_3145, %mul3A_3146 : i32
    %get3A_3148 = arith.constant 0 : index
    %get3A_3149 = arith.index_cast %mul3A_3147 : i32 to index
    %get3A_3150 = vector.load %arg2[%get3A_3148, %get3A_3149] : memref<50x50000xf32, #tpu.memory_space<vmem>>, vector<50x128xf32>
    %get3A_3151 = arith.constant 0 : index
    %get3A_3152 = arith.index_cast %mul3A_3147 : i32 to index
    %get3A_3153 = vector.load %arg3[%get3A_3151, %get3A_3152] : memref<50x50000xf32, #tpu.memory_space<vmem>>, vector<50x128xf32>
    %sub3A_3154 = arith.subi %get3A_3121, %mul3A_3147 : i32
    %eq3A_3155 = vector.broadcast %sub3A_3154 : i32 to vector<50x128xi32>
    %eq3A_3156 = arith.cmpi eq, %iota3A, %eq3A_3155 : vector<50x128xi32>
    %jit3A_3157 = arith.constant 1.44269502 : f32
    %jit3A_3158 = arith.constant 0.000000e+00 : f32
    %broadcast_in_dim3A_3159 = vector.broadcast %jit3A_3157 : f32 to vector<50x128xf32>
    %broadcast_in_dim3A_3160 = vector.broadcast %jit3A_3158 : f32 to vector<50x128xf32>
    %select_n3A_3161 = arith.select %eq3A_3156, %broadcast_in_dim3A_3159, %broadcast_in_dim3A_3160 : vector<50x128xi1>, vector<50x128xf32>
    %add3A_3162 = arith.addf %get3A_3150, %get3A_3153 : vector<50x128xf32>
    %mul3A_3163 = arith.mulf %add3A_3162, %select_n3A_3161 : vector<50x128xf32>
    %reduce_sum3A_3164 = arith.constant dense<0.000000e+00> : vector<50xf32>
    %reduce_sum3A_3165 = vector.multi_reduction <add>, %mul3A_3163, %reduce_sum3A_3164 [1] : vector<50x128xf32> to vector<50xf32>
    %broadcast_in_dim3A_3166 = vector.shape_cast %reduce_sum3A_3165 : vector<50xf32> to vector<50x1xf32>
    %swap3A_3167 = arith.constant 1 : index
    %swap3A_3168 = arith.constant 0 : index
    %swap3A_3169 = arith.constant 24 : index
    %swap3A_3170 = vector.load %arg6[%swap3A_3167, %swap3A_3168, %swap3A_3169] : memref<2x50x32xf32, #tpu.memory_space<vmem>>, vector<1x50x1xf32>
    %swap3A_3171 = vector.shape_cast %swap3A_3170 : vector<1x50x1xf32> to vector<50x1xf32>
    %swap3A_3172 = vector.shape_cast %broadcast_in_dim3A_3166 : vector<50x1xf32> to vector<1x50x1xf32>
    tpu.vector_store %arg6[%swap3A_3167, %swap3A_3168, %swap3A_3169], %swap3A_3172 {strides = array<i32>} : memref<2x50x32xf32, #tpu.memory_space<vmem>>, vector<1x50x1xf32>,
    %get3A_3173 = arith.constant 57 : index
    %get3A_3174 = memref.load %arg1[%get3A_3173] : memref<64xi32, #tpu.memory_space<smem>>
    %jit3A_3175 = arith.constant 128 : i32
    %div3A_3176 = arith.divsi %get3A_3174, %jit3A_3175 : i32
    %sign3A_3177 = arith.constant 0 : i32
    %sign3A_3178 = arith.cmpi sgt, %get3A_3174, %sign3A_3177 : i32
    %sign3A_3179 = arith.extui %sign3A_3178 : i1 to i32
    %sign3A_3180 = arith.constant 0 : i32
    %sign3A_3181 = arith.cmpi slt, %get3A_3174, %sign3A_3180 : i32
    %sign3A_3182 = arith.extui %sign3A_3181 : i1 to i32
    %sign3A_3183 = arith.subi %sign3A_3179, %sign3A_3182 : i32
    %sign3A_3184 = arith.constant 0 : i32
    %sign3A_3185 = arith.cmpi sgt, %jit3A_3175, %sign3A_3184 : i32
    %sign3A_3186 = arith.extui %sign3A_3185 : i1 to i32
    %sign3A_3187 = arith.constant 0 : i32
    %sign3A_3188 = arith.cmpi slt, %jit3A_3175, %sign3A_3187 : i32
    %sign3A_3189 = arith.extui %sign3A_3188 : i1 to i32
    %sign3A_3190 = arith.subi %sign3A_3186, %sign3A_3189 : i32
    %ne3A_3191 = arith.cmpi ne, %sign3A_3183, %sign3A_3190 : i32
    %rem3A_3192 = arith.remsi %get3A_3174, %jit3A_3175 : i32
    %ne3A_3193 = arith.constant 0 : i32
    %ne3A_3194 = arith.cmpi ne, %rem3A_3192, %ne3A_3193 : i32
    %and3A_3195 = arith.andi %ne3A_3191, %ne3A_3194 : i1
    %sub3A_3196 = arith.constant 1 : i32
    %sub3A_3197 = arith.subi %div3A_3176, %sub3A_3196 : i32
    %select_n3A_3198 = arith.select %and3A_3195, %sub3A_3197, %div3A_3176 : i32
    %mul3A_3199 = arith.constant 128 : i32
    %mul3A_3200 = arith.muli %select_n3A_3198, %mul3A_3199 : i32
    %get3A_3201 = arith.constant 0 : index
    %get3A_3202 = arith.index_cast %mul3A_3200 : i32 to index
    %get3A_3203 = vector.load %arg2[%get3A_3201, %get3A_3202] : memref<50x50000xf32, #tpu.memory_space<vmem>>, vector<50x128xf32>
    %get3A_3204 = arith.constant 0 : index
    %get3A_3205 = arith.index_cast %mul3A_3200 : i32 to index
    %get3A_3206 = vector.load %arg3[%get3A_3204, %get3A_3205] : memref<50x50000xf32, #tpu.memory_space<vmem>>, vector<50x128xf32>
    %sub3A_3207 = arith.subi %get3A_3174, %mul3A_3200 : i32
    %eq3A_3208 = vector.broadcast %sub3A_3207 : i32 to vector<50x128xi32>
    %eq3A_3209 = arith.cmpi eq, %iota3A, %eq3A_3208 : vector<50x128xi32>
    %jit3A_3210 = arith.constant 1.44269502 : f32
    %jit3A_3211 = arith.constant 0.000000e+00 : f32
    %broadcast_in_dim3A_3212 = vector.broadcast %jit3A_3210 : f32 to vector<50x128xf32>
    %broadcast_in_dim3A_3213 = vector.broadcast %jit3A_3211 : f32 to vector<50x128xf32>
    %select_n3A_3214 = arith.select %eq3A_3209, %broadcast_in_dim3A_3212, %broadcast_in_dim3A_3213 : vector<50x128xi1>, vector<50x128xf32>
    %add3A_3215 = arith.addf %get3A_3203, %get3A_3206 : vector<50x128xf32>
    %mul3A_3216 = arith.mulf %add3A_3215, %select_n3A_3214 : vector<50x128xf32>
    %reduce_sum3A_3217 = arith.constant dense<0.000000e+00> : vector<50xf32>
    %reduce_sum3A_3218 = vector.multi_reduction <add>, %mul3A_3216, %reduce_sum3A_3217 [1] : vector<50x128xf32> to vector<50xf32>
    %broadcast_in_dim3A_3219 = vector.shape_cast %reduce_sum3A_3218 : vector<50xf32> to vector<50x1xf32>
    %swap3A_3220 = arith.constant 1 : index
    %swap3A_3221 = arith.constant 0 : index
    %swap3A_3222 = arith.constant 25 : index
    %swap3A_3223 = vector.load %arg6[%swap3A_3220, %swap3A_3221, %swap3A_3222] : memref<2x50x32xf32, #tpu.memory_space<vmem>>, vector<1x50x1xf32>
    %swap3A_3224 = vector.shape_cast %swap3A_3223 : vector<1x50x1xf32> to vector<50x1xf32>
    %swap3A_3225 = vector.shape_cast %broadcast_in_dim3A_3219 : vector<50x1xf32> to vector<1x50x1xf32>
    tpu.vector_store %arg6[%swap3A_3220, %swap3A_3221, %swap3A_3222], %swap3A_3225 {strides = array<i32>} : memref<2x50x32xf32, #tpu.memory_space<vmem>>, vector<1x50x1xf32>,
    %get3A_3226 = arith.constant 58 : index
    %get3A_3227 = memref.load %arg1[%get3A_3226] : memref<64xi32, #tpu.memory_space<smem>>
    %jit3A_3228 = arith.constant 128 : i32
    %div3A_3229 = arith.divsi %get3A_3227, %jit3A_3228 : i32
    %sign3A_3230 = arith.constant 0 : i32
    %sign3A_3231 = arith.cmpi sgt, %get3A_3227, %sign3A_3230 : i32
    %sign3A_3232 = arith.extui %sign3A_3231 : i1 to i32
    %sign3A_3233 = arith.constant 0 : i32
    %sign3A_3234 = arith.cmpi slt, %get3A_3227, %sign3A_3233 : i32
    %sign3A_3235 = arith.extui %sign3A_3234 : i1 to i32
    %sign3A_3236 = arith.subi %sign3A_3232, %sign3A_3235 : i32
    %sign3A_3237 = arith.constant 0 : i32
    %sign3A_3238 = arith.cmpi sgt, %jit3A_3228, %sign3A_3237 : i32
    %sign3A_3239 = arith.extui %sign3A_3238 : i1 to i32
    %sign3A_3240 = arith.constant 0 : i32
    %sign3A_3241 = arith.cmpi slt, %jit3A_3228, %sign3A_3240 : i32
    %sign3A_3242 = arith.extui %sign3A_3241 : i1 to i32
    %sign3A_3243 = arith.subi %sign3A_3239, %sign3A_3242 : i32
    %ne3A_3244 = arith.cmpi ne, %sign3A_3236, %sign3A_3243 : i32
    %rem3A_3245 = arith.remsi %get3A_3227, %jit3A_3228 : i32
    %ne3A_3246 = arith.constant 0 : i32
    %ne3A_3247 = arith.cmpi ne, %rem3A_3245, %ne3A_3246 : i32
    %and3A_3248 = arith.andi %ne3A_3244, %ne3A_3247 : i1
    %sub3A_3249 = arith.constant 1 : i32
    %sub3A_3250 = arith.subi %div3A_3229, %sub3A_3249 : i32
    %select_n3A_3251 = arith.select %and3A_3248, %sub3A_3250, %div3A_3229 : i32
    %mul3A_3252 = arith.constant 128 : i32
    %mul3A_3253 = arith.muli %select_n3A_3251, %mul3A_3252 : i32
    %get3A_3254 = arith.constant 0 : index
    %get3A_3255 = arith.index_cast %mul3A_3253 : i32 to index
    %get3A_3256 = vector.load %arg2[%get3A_3254, %get3A_3255] : memref<50x50000xf32, #tpu.memory_space<vmem>>, vector<50x128xf32>
    %get3A_3257 = arith.constant 0 : index
    %get3A_3258 = arith.index_cast %mul3A_3253 : i32 to index
    %get3A_3259 = vector.load %arg3[%get3A_3257, %get3A_3258] : memref<50x50000xf32, #tpu.memory_space<vmem>>, vector<50x128xf32>
    %sub3A_3260 = arith.subi %get3A_3227, %mul3A_3253 : i32
    %eq3A_3261 = vector.broadcast %sub3A_3260 : i32 to vector<50x128xi32>
    %eq3A_3262 = arith.cmpi eq, %iota3A, %eq3A_3261 : vector<50x128xi32>
    %jit3A_3263 = arith.constant 1.44269502 : f32
    %jit3A_3264 = arith.constant 0.000000e+00 : f32
    %broadcast_in_dim3A_3265 = vector.broadcast %jit3A_3263 : f32 to vector<50x128xf32>
    %broadcast_in_dim3A_3266 = vector.broadcast %jit3A_3264 : f32 to vector<50x128xf32>
    %select_n3A_3267 = arith.select %eq3A_3262, %broadcast_in_dim3A_3265, %broadcast_in_dim3A_3266 : vector<50x128xi1>, vector<50x128xf32>
    %add3A_3268 = arith.addf %get3A_3256, %get3A_3259 : vector<50x128xf32>
    %mul3A_3269 = arith.mulf %add3A_3268, %select_n3A_3267 : vector<50x128xf32>
    %reduce_sum3A_3270 = arith.constant dense<0.000000e+00> : vector<50xf32>
    %reduce_sum3A_3271 = vector.multi_reduction <add>, %mul3A_3269, %reduce_sum3A_3270 [1] : vector<50x128xf32> to vector<50xf32>
    %broadcast_in_dim3A_3272 = vector.shape_cast %reduce_sum3A_3271 : vector<50xf32> to vector<50x1xf32>
    %swap3A_3273 = arith.constant 1 : index
    %swap3A_3274 = arith.constant 0 : index
    %swap3A_3275 = arith.constant 26 : index
    %swap3A_3276 = vector.load %arg6[%swap3A_3273, %swap3A_3274, %swap3A_3275] : memref<2x50x32xf32, #tpu.memory_space<vmem>>, vector<1x50x1xf32>
    %swap3A_3277 = vector.shape_cast %swap3A_3276 : vector<1x50x1xf32> to vector<50x1xf32>
    %swap3A_3278 = vector.shape_cast %broadcast_in_dim3A_3272 : vector<50x1xf32> to vector<1x50x1xf32>
    tpu.vector_store %arg6[%swap3A_3273, %swap3A_3274, %swap3A_3275], %swap3A_3278 {strides = array<i32>} : memref<2x50x32xf32, #tpu.memory_space<vmem>>, vector<1x50x1xf32>,
    %get3A_3279 = arith.constant 59 : index
    %get3A_3280 = memref.load %arg1[%get3A_3279] : memref<64xi32, #tpu.memory_space<smem>>
    %jit3A_3281 = arith.constant 128 : i32
    %div3A_3282 = arith.divsi %get3A_3280, %jit3A_3281 : i32
    %sign3A_3283 = arith.constant 0 : i32
    %sign3A_3284 = arith.cmpi sgt, %get3A_3280, %sign3A_3283 : i32
    %sign3A_3285 = arith.extui %sign3A_3284 : i1 to i32
    %sign3A_3286 = arith.constant 0 : i32
    %sign3A_3287 = arith.cmpi slt, %get3A_3280, %sign3A_3286 : i32
    %sign3A_3288 = arith.extui %sign3A_3287 : i1 to i32
    %sign3A_3289 = arith.subi %sign3A_3285, %sign3A_3288 : i32
    %sign3A_3290 = arith.constant 0 : i32
    %sign3A_3291 = arith.cmpi sgt, %jit3A_3281, %sign3A_3290 : i32
    %sign3A_3292 = arith.extui %sign3A_3291 : i1 to i32
    %sign3A_3293 = arith.constant 0 : i32
    %sign3A_3294 = arith.cmpi slt, %jit3A_3281, %sign3A_3293 : i32
    %sign3A_3295 = arith.extui %sign3A_3294 : i1 to i32
    %sign3A_3296 = arith.subi %sign3A_3292, %sign3A_3295 : i32
    %ne3A_3297 = arith.cmpi ne, %sign3A_3289, %sign3A_3296 : i32
    %rem3A_3298 = arith.remsi %get3A_3280, %jit3A_3281 : i32
    %ne3A_3299 = arith.constant 0 : i32
    %ne3A_3300 = arith.cmpi ne, %rem3A_3298, %ne3A_3299 : i32
    %and3A_3301 = arith.andi %ne3A_3297, %ne3A_3300 : i1
    %sub3A_3302 = arith.constant 1 : i32
    %sub3A_3303 = arith.subi %div3A_3282, %sub3A_3302 : i32
    %select_n3A_3304 = arith.select %and3A_3301, %sub3A_3303, %div3A_3282 : i32
    %mul3A_3305 = arith.constant 128 : i32
    %mul3A_3306 = arith.muli %select_n3A_3304, %mul3A_3305 : i32
    %get3A_3307 = arith.constant 0 : index
    %get3A_3308 = arith.index_cast %mul3A_3306 : i32 to index
    %get3A_3309 = vector.load %arg2[%get3A_3307, %get3A_3308] : memref<50x50000xf32, #tpu.memory_space<vmem>>, vector<50x128xf32>
    %get3A_3310 = arith.constant 0 : index
    %get3A_3311 = arith.index_cast %mul3A_3306 : i32 to index
    %get3A_3312 = vector.load %arg3[%get3A_3310, %get3A_3311] : memref<50x50000xf32, #tpu.memory_space<vmem>>, vector<50x128xf32>
    %sub3A_3313 = arith.subi %get3A_3280, %mul3A_3306 : i32
    %eq3A_3314 = vector.broadcast %sub3A_3313 : i32 to vector<50x128xi32>
    %eq3A_3315 = arith.cmpi eq, %iota3A, %eq3A_3314 : vector<50x128xi32>
    %jit3A_3316 = arith.constant 1.44269502 : f32
    %jit3A_3317 = arith.constant 0.000000e+00 : f32
    %broadcast_in_dim3A_3318 = vector.broadcast %jit3A_3316 : f32 to vector<50x128xf32>
    %broadcast_in_dim3A_3319 = vector.broadcast %jit3A_3317 : f32 to vector<50x128xf32>
    %select_n3A_3320 = arith.select %eq3A_3315, %broadcast_in_dim3A_3318, %broadcast_in_dim3A_3319 : vector<50x128xi1>, vector<50x128xf32>
    %add3A_3321 = arith.addf %get3A_3309, %get3A_3312 : vector<50x128xf32>
    %mul3A_3322 = arith.mulf %add3A_3321, %select_n3A_3320 : vector<50x128xf32>
    %reduce_sum3A_3323 = arith.constant dense<0.000000e+00> : vector<50xf32>
    %reduce_sum3A_3324 = vector.multi_reduction <add>, %mul3A_3322, %reduce_sum3A_3323 [1] : vector<50x128xf32> to vector<50xf32>
    %broadcast_in_dim3A_3325 = vector.shape_cast %reduce_sum3A_3324 : vector<50xf32> to vector<50x1xf32>
    %swap3A_3326 = arith.constant 1 : index
    %swap3A_3327 = arith.constant 0 : index
    %swap3A_3328 = arith.constant 27 : index
    %swap3A_3329 = vector.load %arg6[%swap3A_3326, %swap3A_3327, %swap3A_3328] : memref<2x50x32xf32, #tpu.memory_space<vmem>>, vector<1x50x1xf32>
    %swap3A_3330 = vector.shape_cast %swap3A_3329 : vector<1x50x1xf32> to vector<50x1xf32>
    %swap3A_3331 = vector.shape_cast %broadcast_in_dim3A_3325 : vector<50x1xf32> to vector<1x50x1xf32>
    tpu.vector_store %arg6[%swap3A_3326, %swap3A_3327, %swap3A_3328], %swap3A_3331 {strides = array<i32>} : memref<2x50x32xf32, #tpu.memory_space<vmem>>, vector<1x50x1xf32>,
    %get3A_3332 = arith.constant 60 : index
    %get3A_3333 = memref.load %arg1[%get3A_3332] : memref<64xi32, #tpu.memory_space<smem>>
    %jit3A_3334 = arith.constant 128 : i32
    %div3A_3335 = arith.divsi %get3A_3333, %jit3A_3334 : i32
    %sign3A_3336 = arith.constant 0 : i32
    %sign3A_3337 = arith.cmpi sgt, %get3A_3333, %sign3A_3336 : i32
    %sign3A_3338 = arith.extui %sign3A_3337 : i1 to i32
    %sign3A_3339 = arith.constant 0 : i32
    %sign3A_3340 = arith.cmpi slt, %get3A_3333, %sign3A_3339 : i32
    %sign3A_3341 = arith.extui %sign3A_3340 : i1 to i32
    %sign3A_3342 = arith.subi %sign3A_3338, %sign3A_3341 : i32
    %sign3A_3343 = arith.constant 0 : i32
    %sign3A_3344 = arith.cmpi sgt, %jit3A_3334, %sign3A_3343 : i32
    %sign3A_3345 = arith.extui %sign3A_3344 : i1 to i32
    %sign3A_3346 = arith.constant 0 : i32
    %sign3A_3347 = arith.cmpi slt, %jit3A_3334, %sign3A_3346 : i32
    %sign3A_3348 = arith.extui %sign3A_3347 : i1 to i32
    %sign3A_3349 = arith.subi %sign3A_3345, %sign3A_3348 : i32
    %ne3A_3350 = arith.cmpi ne, %sign3A_3342, %sign3A_3349 : i32
    %rem3A_3351 = arith.remsi %get3A_3333, %jit3A_3334 : i32
    %ne3A_3352 = arith.constant 0 : i32
    %ne3A_3353 = arith.cmpi ne, %rem3A_3351, %ne3A_3352 : i32
    %and3A_3354 = arith.andi %ne3A_3350, %ne3A_3353 : i1
    %sub3A_3355 = arith.constant 1 : i32
    %sub3A_3356 = arith.subi %div3A_3335, %sub3A_3355 : i32
    %select_n3A_3357 = arith.select %and3A_3354, %sub3A_3356, %div3A_3335 : i32
    %mul3A_3358 = arith.constant 128 : i32
    %mul3A_3359 = arith.muli %select_n3A_3357, %mul3A_3358 : i32
    %get3A_3360 = arith.constant 0 : index
    %get3A_3361 = arith.index_cast %mul3A_3359 : i32 to index
    %get3A_3362 = vector.load %arg2[%get3A_3360, %get3A_3361] : memref<50x50000xf32, #tpu.memory_space<vmem>>, vector<50x128xf32>
    %get3A_3363 = arith.constant 0 : index
    %get3A_3364 = arith.index_cast %mul3A_3359 : i32 to index
    %get3A_3365 = vector.load %arg3[%get3A_3363, %get3A_3364] : memref<50x50000xf32, #tpu.memory_space<vmem>>, vector<50x128xf32>
    %sub3A_3366 = arith.subi %get3A_3333, %mul3A_3359 : i32
    %eq3A_3367 = vector.broadcast %sub3A_3366 : i32 to vector<50x128xi32>
    %eq3A_3368 = arith.cmpi eq, %iota3A, %eq3A_3367 : vector<50x128xi32>
    %jit3A_3369 = arith.constant 1.44269502 : f32
    %jit3A_3370 = arith.constant 0.000000e+00 : f32
    %broadcast_in_dim3A_3371 = vector.broadcast %jit3A_3369 : f32 to vector<50x128xf32>
    %broadcast_in_dim3A_3372 = vector.broadcast %jit3A_3370 : f32 to vector<50x128xf32>
    %select_n3A_3373 = arith.select %eq3A_3368, %broadcast_in_dim3A_3371, %broadcast_in_dim3A_3372 : vector<50x128xi1>, vector<50x128xf32>
    %add3A_3374 = arith.addf %get3A_3362, %get3A_3365 : vector<50x128xf32>
    %mul3A_3375 = arith.mulf %add3A_3374, %select_n3A_3373 : vector<50x128xf32>
    %reduce_sum3A_3376 = arith.constant dense<0.000000e+00> : vector<50xf32>
    %reduce_sum3A_3377 = vector.multi_reduction <add>, %mul3A_3375, %reduce_sum3A_3376 [1] : vector<50x128xf32> to vector<50xf32>
    %broadcast_in_dim3A_3378 = vector.shape_cast %reduce_sum3A_3377 : vector<50xf32> to vector<50x1xf32>
    %swap3A_3379 = arith.constant 1 : index
    %swap3A_3380 = arith.constant 0 : index
    %swap3A_3381 = arith.constant 28 : index
    %swap3A_3382 = vector.load %arg6[%swap3A_3379, %swap3A_3380, %swap3A_3381] : memref<2x50x32xf32, #tpu.memory_space<vmem>>, vector<1x50x1xf32>
    %swap3A_3383 = vector.shape_cast %swap3A_3382 : vector<1x50x1xf32> to vector<50x1xf32>
    %swap3A_3384 = vector.shape_cast %broadcast_in_dim3A_3378 : vector<50x1xf32> to vector<1x50x1xf32>
    tpu.vector_store %arg6[%swap3A_3379, %swap3A_3380, %swap3A_3381], %swap3A_3384 {strides = array<i32>} : memref<2x50x32xf32, #tpu.memory_space<vmem>>, vector<1x50x1xf32>,
    %get3A_3385 = arith.constant 61 : index
    %get3A_3386 = memref.load %arg1[%get3A_3385] : memref<64xi32, #tpu.memory_space<smem>>
    %jit3A_3387 = arith.constant 128 : i32
    %div3A_3388 = arith.divsi %get3A_3386, %jit3A_3387 : i32
    %sign3A_3389 = arith.constant 0 : i32
    %sign3A_3390 = arith.cmpi sgt, %get3A_3386, %sign3A_3389 : i32
    %sign3A_3391 = arith.extui %sign3A_3390 : i1 to i32
    %sign3A_3392 = arith.constant 0 : i32
    %sign3A_3393 = arith.cmpi slt, %get3A_3386, %sign3A_3392 : i32
    %sign3A_3394 = arith.extui %sign3A_3393 : i1 to i32
    %sign3A_3395 = arith.subi %sign3A_3391, %sign3A_3394 : i32
    %sign3A_3396 = arith.constant 0 : i32
    %sign3A_3397 = arith.cmpi sgt, %jit3A_3387, %sign3A_3396 : i32
    %sign3A_3398 = arith.extui %sign3A_3397 : i1 to i32
    %sign3A_3399 = arith.constant 0 : i32
    %sign3A_3400 = arith.cmpi slt, %jit3A_3387, %sign3A_3399 : i32
    %sign3A_3401 = arith.extui %sign3A_3400 : i1 to i32
    %sign3A_3402 = arith.subi %sign3A_3398, %sign3A_3401 : i32
    %ne3A_3403 = arith.cmpi ne, %sign3A_3395, %sign3A_3402 : i32
    %rem3A_3404 = arith.remsi %get3A_3386, %jit3A_3387 : i32
    %ne3A_3405 = arith.constant 0 : i32
    %ne3A_3406 = arith.cmpi ne, %rem3A_3404, %ne3A_3405 : i32
    %and3A_3407 = arith.andi %ne3A_3403, %ne3A_3406 : i1
    %sub3A_3408 = arith.constant 1 : i32
    %sub3A_3409 = arith.subi %div3A_3388, %sub3A_3408 : i32
    %select_n3A_3410 = arith.select %and3A_3407, %sub3A_3409, %div3A_3388 : i32
    %mul3A_3411 = arith.constant 128 : i32
    %mul3A_3412 = arith.muli %select_n3A_3410, %mul3A_3411 : i32
    %get3A_3413 = arith.constant 0 : index
    %get3A_3414 = arith.index_cast %mul3A_3412 : i32 to index
    %get3A_3415 = vector.load %arg2[%get3A_3413, %get3A_3414] : memref<50x50000xf32, #tpu.memory_space<vmem>>, vector<50x128xf32>
    %get3A_3416 = arith.constant 0 : index
    %get3A_3417 = arith.index_cast %mul3A_3412 : i32 to index
    %get3A_3418 = vector.load %arg3[%get3A_3416, %get3A_3417] : memref<50x50000xf32, #tpu.memory_space<vmem>>, vector<50x128xf32>
    %sub3A_3419 = arith.subi %get3A_3386, %mul3A_3412 : i32
    %eq3A_3420 = vector.broadcast %sub3A_3419 : i32 to vector<50x128xi32>
    %eq3A_3421 = arith.cmpi eq, %iota3A, %eq3A_3420 : vector<50x128xi32>
    %jit3A_3422 = arith.constant 1.44269502 : f32
    %jit3A_3423 = arith.constant 0.000000e+00 : f32
    %broadcast_in_dim3A_3424 = vector.broadcast %jit3A_3422 : f32 to vector<50x128xf32>
    %broadcast_in_dim3A_3425 = vector.broadcast %jit3A_3423 : f32 to vector<50x128xf32>
    %select_n3A_3426 = arith.select %eq3A_3421, %broadcast_in_dim3A_3424, %broadcast_in_dim3A_3425 : vector<50x128xi1>, vector<50x128xf32>
    %add3A_3427 = arith.addf %get3A_3415, %get3A_3418 : vector<50x128xf32>
    %mul3A_3428 = arith.mulf %add3A_3427, %select_n3A_3426 : vector<50x128xf32>
    %reduce_sum3A_3429 = arith.constant dense<0.000000e+00> : vector<50xf32>
    %reduce_sum3A_3430 = vector.multi_reduction <add>, %mul3A_3428, %reduce_sum3A_3429 [1] : vector<50x128xf32> to vector<50xf32>
    %broadcast_in_dim3A_3431 = vector.shape_cast %reduce_sum3A_3430 : vector<50xf32> to vector<50x1xf32>
    %swap3A_3432 = arith.constant 1 : index
    %swap3A_3433 = arith.constant 0 : index
    %swap3A_3434 = arith.constant 29 : index
    %swap3A_3435 = vector.load %arg6[%swap3A_3432, %swap3A_3433, %swap3A_3434] : memref<2x50x32xf32, #tpu.memory_space<vmem>>, vector<1x50x1xf32>
    %swap3A_3436 = vector.shape_cast %swap3A_3435 : vector<1x50x1xf32> to vector<50x1xf32>
    %swap3A_3437 = vector.shape_cast %broadcast_in_dim3A_3431 : vector<50x1xf32> to vector<1x50x1xf32>
    tpu.vector_store %arg6[%swap3A_3432, %swap3A_3433, %swap3A_3434], %swap3A_3437 {strides = array<i32>} : memref<2x50x32xf32, #tpu.memory_space<vmem>>, vector<1x50x1xf32>,
    %get3A_3438 = arith.constant 62 : index
    %get3A_3439 = memref.load %arg1[%get3A_3438] : memref<64xi32, #tpu.memory_space<smem>>
    %jit3A_3440 = arith.constant 128 : i32
    %div3A_3441 = arith.divsi %get3A_3439, %jit3A_3440 : i32
    %sign3A_3442 = arith.constant 0 : i32
    %sign3A_3443 = arith.cmpi sgt, %get3A_3439, %sign3A_3442 : i32
    %sign3A_3444 = arith.extui %sign3A_3443 : i1 to i32
    %sign3A_3445 = arith.constant 0 : i32
    %sign3A_3446 = arith.cmpi slt, %get3A_3439, %sign3A_3445 : i32
    %sign3A_3447 = arith.extui %sign3A_3446 : i1 to i32
    %sign3A_3448 = arith.subi %sign3A_3444, %sign3A_3447 : i32
    %sign3A_3449 = arith.constant 0 : i32
    %sign3A_3450 = arith.cmpi sgt, %jit3A_3440, %sign3A_3449 : i32
    %sign3A_3451 = arith.extui %sign3A_3450 : i1 to i32
    %sign3A_3452 = arith.constant 0 : i32
    %sign3A_3453 = arith.cmpi slt, %jit3A_3440, %sign3A_3452 : i32
    %sign3A_3454 = arith.extui %sign3A_3453 : i1 to i32
    %sign3A_3455 = arith.subi %sign3A_3451, %sign3A_3454 : i32
    %ne3A_3456 = arith.cmpi ne, %sign3A_3448, %sign3A_3455 : i32
    %rem3A_3457 = arith.remsi %get3A_3439, %jit3A_3440 : i32
    %ne3A_3458 = arith.constant 0 : i32
    %ne3A_3459 = arith.cmpi ne, %rem3A_3457, %ne3A_3458 : i32
    %and3A_3460 = arith.andi %ne3A_3456, %ne3A_3459 : i1
    %sub3A_3461 = arith.constant 1 : i32
    %sub3A_3462 = arith.subi %div3A_3441, %sub3A_3461 : i32
    %select_n3A_3463 = arith.select %and3A_3460, %sub3A_3462, %div3A_3441 : i32
    %mul3A_3464 = arith.constant 128 : i32
    %mul3A_3465 = arith.muli %select_n3A_3463, %mul3A_3464 : i32
    %get3A_3466 = arith.constant 0 : index
    %get3A_3467 = arith.index_cast %mul3A_3465 : i32 to index
    %get3A_3468 = vector.load %arg2[%get3A_3466, %get3A_3467] : memref<50x50000xf32, #tpu.memory_space<vmem>>, vector<50x128xf32>
    %get3A_3469 = arith.constant 0 : index
    %get3A_3470 = arith.index_cast %mul3A_3465 : i32 to index
    %get3A_3471 = vector.load %arg3[%get3A_3469, %get3A_3470] : memref<50x50000xf32, #tpu.memory_space<vmem>>, vector<50x128xf32>
    %sub3A_3472 = arith.subi %get3A_3439, %mul3A_3465 : i32
    %eq3A_3473 = vector.broadcast %sub3A_3472 : i32 to vector<50x128xi32>
    %eq3A_3474 = arith.cmpi eq, %iota3A, %eq3A_3473 : vector<50x128xi32>
    %jit3A_3475 = arith.constant 1.44269502 : f32
    %jit3A_3476 = arith.constant 0.000000e+00 : f32
    %broadcast_in_dim3A_3477 = vector.broadcast %jit3A_3475 : f32 to vector<50x128xf32>
    %broadcast_in_dim3A_3478 = vector.broadcast %jit3A_3476 : f32 to vector<50x128xf32>
    %select_n3A_3479 = arith.select %eq3A_3474, %broadcast_in_dim3A_3477, %broadcast_in_dim3A_3478 : vector<50x128xi1>, vector<50x128xf32>
    %add3A_3480 = arith.addf %get3A_3468, %get3A_3471 : vector<50x128xf32>
    %mul3A_3481 = arith.mulf %add3A_3480, %select_n3A_3479 : vector<50x128xf32>
    %reduce_sum3A_3482 = arith.constant dense<0.000000e+00> : vector<50xf32>
    %reduce_sum3A_3483 = vector.multi_reduction <add>, %mul3A_3481, %reduce_sum3A_3482 [1] : vector<50x128xf32> to vector<50xf32>
    %broadcast_in_dim3A_3484 = vector.shape_cast %reduce_sum3A_3483 : vector<50xf32> to vector<50x1xf32>
    %swap3A_3485 = arith.constant 1 : index
    %swap3A_3486 = arith.constant 0 : index
    %swap3A_3487 = arith.constant 30 : index
    %swap3A_3488 = vector.load %arg6[%swap3A_3485, %swap3A_3486, %swap3A_3487] : memref<2x50x32xf32, #tpu.memory_space<vmem>>, vector<1x50x1xf32>
    %swap3A_3489 = vector.shape_cast %swap3A_3488 : vector<1x50x1xf32> to vector<50x1xf32>
    %swap3A_3490 = vector.shape_cast %broadcast_in_dim3A_3484 : vector<50x1xf32> to vector<1x50x1xf32>
    tpu.vector_store %arg6[%swap3A_3485, %swap3A_3486, %swap3A_3487], %swap3A_3490 {strides = array<i32>} : memref<2x50x32xf32, #tpu.memory_space<vmem>>, vector<1x50x1xf32>,
    %get3A_3491 = arith.constant 63 : index
    %get3A_3492 = memref.load %arg1[%get3A_3491] : memref<64xi32, #tpu.memory_space<smem>>
    %jit3A_3493 = arith.constant 128 : i32
    %div3A_3494 = arith.divsi %get3A_3492, %jit3A_3493 : i32
    %sign3A_3495 = arith.constant 0 : i32
    %sign3A_3496 = arith.cmpi sgt, %get3A_3492, %sign3A_3495 : i32
    %sign3A_3497 = arith.extui %sign3A_3496 : i1 to i32
    %sign3A_3498 = arith.constant 0 : i32
    %sign3A_3499 = arith.cmpi slt, %get3A_3492, %sign3A_3498 : i32
    %sign3A_3500 = arith.extui %sign3A_3499 : i1 to i32
    %sign3A_3501 = arith.subi %sign3A_3497, %sign3A_3500 : i32
    %sign3A_3502 = arith.constant 0 : i32
    %sign3A_3503 = arith.cmpi sgt, %jit3A_3493, %sign3A_3502 : i32
    %sign3A_3504 = arith.extui %sign3A_3503 : i1 to i32
    %sign3A_3505 = arith.constant 0 : i32
    %sign3A_3506 = arith.cmpi slt, %jit3A_3493, %sign3A_3505 : i32
    %sign3A_3507 = arith.extui %sign3A_3506 : i1 to i32
    %sign3A_3508 = arith.subi %sign3A_3504, %sign3A_3507 : i32
    %ne3A_3509 = arith.cmpi ne, %sign3A_3501, %sign3A_3508 : i32
    %rem3A_3510 = arith.remsi %get3A_3492, %jit3A_3493 : i32
    %ne3A_3511 = arith.constant 0 : i32
    %ne3A_3512 = arith.cmpi ne, %rem3A_3510, %ne3A_3511 : i32
    %and3A_3513 = arith.andi %ne3A_3509, %ne3A_3512 : i1
    %sub3A_3514 = arith.constant 1 : i32
    %sub3A_3515 = arith.subi %div3A_3494, %sub3A_3514 : i32
    %select_n3A_3516 = arith.select %and3A_3513, %sub3A_3515, %div3A_3494 : i32
    %mul3A_3517 = arith.constant 128 : i32
    %mul3A_3518 = arith.muli %select_n3A_3516, %mul3A_3517 : i32
    %get3A_3519 = arith.constant 0 : index
    %get3A_3520 = arith.index_cast %mul3A_3518 : i32 to index
    %get3A_3521 = vector.load %arg2[%get3A_3519, %get3A_3520] : memref<50x50000xf32, #tpu.memory_space<vmem>>, vector<50x128xf32>
    %get3A_3522 = arith.constant 0 : index
    %get3A_3523 = arith.index_cast %mul3A_3518 : i32 to index
    %get3A_3524 = vector.load %arg3[%get3A_3522, %get3A_3523] : memref<50x50000xf32, #tpu.memory_space<vmem>>, vector<50x128xf32>
    %sub3A_3525 = arith.subi %get3A_3492, %mul3A_3518 : i32
    %eq3A_3526 = vector.broadcast %sub3A_3525 : i32 to vector<50x128xi32>
    %eq3A_3527 = arith.cmpi eq, %iota3A, %eq3A_3526 : vector<50x128xi32>
    %jit3A_3528 = arith.constant 1.44269502 : f32
    %jit3A_3529 = arith.constant 0.000000e+00 : f32
    %broadcast_in_dim3A_3530 = vector.broadcast %jit3A_3528 : f32 to vector<50x128xf32>
    %broadcast_in_dim3A_3531 = vector.broadcast %jit3A_3529 : f32 to vector<50x128xf32>
    %select_n3A_3532 = arith.select %eq3A_3527, %broadcast_in_dim3A_3530, %broadcast_in_dim3A_3531 : vector<50x128xi1>, vector<50x128xf32>
    %add3A_3533 = arith.addf %get3A_3521, %get3A_3524 : vector<50x128xf32>
    %mul3A_3534 = arith.mulf %add3A_3533, %select_n3A_3532 : vector<50x128xf32>
    %reduce_sum3A_3535 = arith.constant dense<0.000000e+00> : vector<50xf32>
    %reduce_sum3A_3536 = vector.multi_reduction <add>, %mul3A_3534, %reduce_sum3A_3535 [1] : vector<50x128xf32> to vector<50xf32>
    %broadcast_in_dim3A_3537 = vector.shape_cast %reduce_sum3A_3536 : vector<50xf32> to vector<50x1xf32>
    %swap3A_3538 = arith.constant 1 : index
    %swap3A_3539 = arith.constant 0 : index
    %swap3A_3540 = arith.constant 31 : index
    %swap3A_3541 = vector.load %arg6[%swap3A_3538, %swap3A_3539, %swap3A_3540] : memref<2x50x32xf32, #tpu.memory_space<vmem>>, vector<1x50x1xf32>
    %swap3A_3542 = vector.shape_cast %swap3A_3541 : vector<1x50x1xf32> to vector<50x1xf32>
    %swap3A_3543 = vector.shape_cast %broadcast_in_dim3A_3537 : vector<50x1xf32> to vector<1x50x1xf32>
    tpu.vector_store %arg6[%swap3A_3538, %swap3A_3539, %swap3A_3540], %swap3A_3543 {strides = array<i32>} : memref<2x50x32xf32, #tpu.memory_space<vmem>>, vector<1x50x1xf32>,
    return
  }
  func.func @transform_0(%arg0: i32) -> i32 {
    %c0_i32 = arith.constant 0 : i32
    %c0_i32_0 = arith.constant 0 : i32
    return %c0_i32 : i32
  }
  func.func @transform_1(%arg0: i32) -> (i32, i32) {
    %c0_i32 = arith.constant 0 : i32
    %c0_i32_0 = arith.constant 0 : i32
    %c0_i32_1 = arith.constant 0 : i32
    return %c0_i32, %c0_i32_0 : i32, i32
  }
  func.func @transform_2(%arg0: i32) -> (i32, i32) {
    %c0_i32 = arith.constant 0 : i32
    %c0_i32_0 = arith.constant 0 : i32
    %c0_i32_1 = arith.constant 0 : i32
    return %c0_i32, %c0_i32_0 : i32, i32
  }
  func.func @transform_3(%arg0: i32) -> (i32, i32) {
    %c0_i32 = arith.constant 0 : i32
    %c0_i32_0 = arith.constant 0 : i32
    %c0_i32_1 = arith.constant 0 : i32
    return %c0_i32, %c0_i32_0 : i32, i32
  }
  func.func @transform_4(%arg0: i32) -> (i32, i32) {
    %c0_i32 = arith.constant 0 : i32
    %c0_i32_0 = arith.constant 0 : i32
    %c0_i32_1 = arith.constant 0 : i32
    return %c0_i32, %c0_i32_0 : i32, i32
  }
  func.func @transform_5(%arg0: i32) -> (i32, i32, i32) {
    %c0_i32 = arith.constant 0 : i32
    %c0_i32_0 = arith.constant 0 : i32
    %c0_i32_1 = arith.constant 0 : i32
    %c0_i32_2 = arith.constant 0 : i32
    return %c0_i32, %c0_i32_0, %c0_i32_1 : i32, i32, i32
  }
}

module attributes {stable_mosaic.version = 14 : i64} {
  func.func @_rate_body(%arg0: i32, %arg1: memref<1x50x32xf32, #tpu.memory_space<vmem>>, %arg2: memref<1x50x32xf32, #tpu.memory_space<vmem>>, %arg3: memref<50x5000xf32, #tpu.memory_space<vmem>>, %arg4: memref<50x5000xf32, #tpu.memory_space<vmem>>, %arg5: memref<50x5000xf32, #tpu.memory_space<vmem>>, %arg6: memref<50x5000xf32, #tpu.memory_space<vmem>>, %arg7: memref<500x128xf32, #tpu.memory_space<vmem>>, %arg8: memref<500x128xf32, #tpu.memory_space<vmem>>, %arg9: memref<32x5000xf32, #tpu.memory_space<vmem>>, %arg10: memref<1x1xf32, #tpu.memory_space<smem>>, %arg11: memref<1x1xf32, #tpu.memory_space<smem>>, %arg12: memref<1x1xf32, #tpu.memory_space<smem>>, %arg13: memref<1x1xf32, #tpu.memory_space<smem>>, %arg14: memref<1x1xf32, #tpu.memory_space<smem>>, %arg15: memref<1x1xf32, #tpu.memory_space<smem>>, %arg16: memref<50x5000xf32, #tpu.memory_space<vmem>>, %arg17: memref<50x5000xf32, #tpu.memory_space<vmem>>) attributes {dimension_semantics = [#tpu.dimension_semantics<arbitrary>], iteration_bounds = array<i64: 2>, scalar_prefetch = 0 : i64, scratch_operands = 2 : i64, tpu.core_type = #tpu.core_type<tc>, window_params = [{transform_indices = @transform_0, window_bounds = array<i64: 1, 50, 32>}, {transform_indices = @transform_1, window_bounds = array<i64: 1, 50, 32>}, {pipeline_mode = #tpu.pipeline_mode<synchronous>, transform_indices = @transform_2, window_bounds = array<i64: 50, 5000>}, {pipeline_mode = #tpu.pipeline_mode<synchronous>, transform_indices = @transform_3, window_bounds = array<i64: 50, 5000>}, {pipeline_mode = #tpu.pipeline_mode<synchronous>, transform_indices = @transform_4, window_bounds = array<i64: 50, 5000>}, {pipeline_mode = #tpu.pipeline_mode<synchronous>, transform_indices = @transform_5, window_bounds = array<i64: 50, 5000>}, {pipeline_mode = #tpu.pipeline_mode<synchronous>, transform_indices = @transform_6, window_bounds = array<i64: 500, 128>}, {pipeline_mode = #tpu.pipeline_mode<synchronous>, transform_indices = @transform_7, window_bounds = array<i64: 500, 128>}, {transform_indices = @transform_8, window_bounds = array<i64: 32, 5000>}, {transform_indices = @transform_9, window_bounds = array<i64: 1, 1>}, {transform_indices = @transform_10, window_bounds = array<i64: 1, 1>}, {transform_indices = @transform_11, window_bounds = array<i64: 1, 1>}, {transform_indices = @transform_12, window_bounds = array<i64: 1, 1>}, {transform_indices = @transform_13, window_bounds = array<i64: 1, 1>}, {transform_indices = @transform_14, window_bounds = array<i64: 1, 1>}]} {
    %eq3A = arith.constant 0 : i32
    %eq3A_0 = arith.cmpi eq, %arg0, %eq3A : i32
    %convert_element_type3A = arith.extui %eq3A_0 : i1 to i32
    %cond3A = arith.constant 0 : i32
    %cond3A_1 = arith.cmpi ne, %convert_element_type3A, %cond3A : i32
    scf.if %cond3A_1 {
      %get3A_458 = arith.constant 0 : index
      %get3A_459 = arith.constant 0 : index
      %get3A_460 = vector.load %arg3[%get3A_458, %get3A_459] : memref<50x5000xf32, #tpu.memory_space<vmem>>, vector<50x5000xf32>
      %get3A_461 = arith.constant 0 : index
      %get3A_462 = arith.constant 0 : index
      %get3A_463 = vector.load %arg4[%get3A_461, %get3A_462] : memref<50x5000xf32, #tpu.memory_space<vmem>>, vector<50x5000xf32>
      %get3A_464 = arith.constant 0 : index
      %get3A_465 = arith.constant 0 : index
      %get3A_466 = vector.load %arg5[%get3A_464, %get3A_465] : memref<50x5000xf32, #tpu.memory_space<vmem>>, vector<50x5000xf32>
      %get3A_467 = arith.constant 0 : index
      %get3A_468 = arith.constant 0 : index
      %get3A_469 = vector.load %arg6[%get3A_467, %get3A_468] : memref<50x5000xf32, #tpu.memory_space<vmem>>, vector<50x5000xf32>
      %add3A_470 = arith.addf %get3A_460, %get3A_463 : vector<50x5000xf32>
      %mul3A_471 = arith.constant 1.44269502 : f32
      %mul3A_472 = vector.broadcast %mul3A_471 : f32 to vector<50x5000xf32>
      %mul3A_473 = arith.mulf %add3A_470, %mul3A_472 : vector<50x5000xf32>
      %swap3A_474 = arith.constant 0 : index
      %swap3A_475 = arith.constant 0 : index
      %swap3A_476 = vector.load %arg16[%swap3A_474, %swap3A_475] : memref<50x5000xf32, #tpu.memory_space<vmem>>, vector<50x5000xf32>
      tpu.vector_store %arg16[%swap3A_474, %swap3A_475], %mul3A_473 {strides = array<i32>} : memref<50x5000xf32, #tpu.memory_space<vmem>>, vector<50x5000xf32>,
      %add3A_477 = arith.addf %get3A_466, %get3A_469 : vector<50x5000xf32>
      %mul3A_478 = arith.constant 1.44269502 : f32
      %mul3A_479 = vector.broadcast %mul3A_478 : f32 to vector<50x5000xf32>
      %mul3A_480 = arith.mulf %add3A_477, %mul3A_479 : vector<50x5000xf32>
      %swap3A_481 = arith.constant 0 : index
      %swap3A_482 = arith.constant 0 : index
      %swap3A_483 = vector.load %arg17[%swap3A_481, %swap3A_482] : memref<50x5000xf32, #tpu.memory_space<vmem>>, vector<50x5000xf32>
      tpu.vector_store %arg17[%swap3A_481, %swap3A_482], %mul3A_480 {strides = array<i32>} : memref<50x5000xf32, #tpu.memory_space<vmem>>, vector<50x5000xf32>,
      %reduce_sum3A_484 = vector.shape_cast %get3A_460 : vector<50x5000xf32> to vector<1x50x5000xf32>
      %reduce_sum3A_485 = arith.constant dense<0.000000e+00> : vector<1xf32>
      %reduce_sum3A_486 = vector.multi_reduction <add>, %reduce_sum3A_484, %reduce_sum3A_485 [1, 2] : vector<1x50x5000xf32> to vector<1xf32>
      %reduce_sum3A_487 = vector.shape_cast %reduce_sum3A_486 : vector<1xf32> to vector<1x1x1xf32>
      %reduce_sum3A_488 = vector.extract %reduce_sum3A_487[0, 0, 0] : f32 from vector<1x1x1xf32>
      %swap3A_489 = arith.constant 0 : index
      %swap3A_490 = arith.constant 0 : index
      %swap3A_491 = memref.load %arg10[%swap3A_489, %swap3A_490] : memref<1x1xf32, #tpu.memory_space<smem>>
      memref.store %reduce_sum3A_488, %arg10[%swap3A_489, %swap3A_490] : memref<1x1xf32, #tpu.memory_space<smem>>
      %get3A_492 = arith.constant 0 : index
      %get3A_493 = arith.constant 0 : index
      %get3A_494 = vector.load %arg16[%get3A_492, %get3A_493] : memref<50x5000xf32, #tpu.memory_space<vmem>>, vector<50x5000xf32>
      %exp23A_495 = math.exp2 %get3A_494 : vector<50x5000xf32>
      %reduce_sum3A_496 = vector.shape_cast %exp23A_495 : vector<50x5000xf32> to vector<1x50x5000xf32>
      %reduce_sum3A_497 = arith.constant dense<0.000000e+00> : vector<1xf32>
      %reduce_sum3A_498 = vector.multi_reduction <add>, %reduce_sum3A_496, %reduce_sum3A_497 [1, 2] : vector<1x50x5000xf32> to vector<1xf32>
      %reduce_sum3A_499 = vector.shape_cast %reduce_sum3A_498 : vector<1xf32> to vector<1x1x1xf32>
      %reduce_sum3A_500 = vector.extract %reduce_sum3A_499[0, 0, 0] : f32 from vector<1x1x1xf32>
      %swap3A_501 = arith.constant 0 : index
      %swap3A_502 = arith.constant 0 : index
      %swap3A_503 = memref.load %arg11[%swap3A_501, %swap3A_502] : memref<1x1xf32, #tpu.memory_space<smem>>
      memref.store %reduce_sum3A_500, %arg11[%swap3A_501, %swap3A_502] : memref<1x1xf32, #tpu.memory_space<smem>>
      %mul3A_504 = arith.mulf %get3A_466, %get3A_466 : vector<50x5000xf32>
      %reduce_sum3A_505 = vector.shape_cast %mul3A_504 : vector<50x5000xf32> to vector<1x50x5000xf32>
      %reduce_sum3A_506 = arith.constant dense<0.000000e+00> : vector<1xf32>
      %reduce_sum3A_507 = vector.multi_reduction <add>, %reduce_sum3A_505, %reduce_sum3A_506 [1, 2] : vector<1x50x5000xf32> to vector<1xf32>
      %reduce_sum3A_508 = vector.shape_cast %reduce_sum3A_507 : vector<1xf32> to vector<1x1x1xf32>
      %reduce_sum3A_509 = vector.extract %reduce_sum3A_508[0, 0, 0] : f32 from vector<1x1x1xf32>
      %swap3A_510 = arith.constant 0 : index
      %swap3A_511 = arith.constant 0 : index
      %swap3A_512 = memref.load %arg12[%swap3A_510, %swap3A_511] : memref<1x1xf32, #tpu.memory_space<smem>>
      memref.store %reduce_sum3A_509, %arg12[%swap3A_510, %swap3A_511] : memref<1x1xf32, #tpu.memory_space<smem>>
      %mul3A_513 = arith.mulf %get3A_466, %get3A_469 : vector<50x5000xf32>
      %reduce_sum3A_514 = vector.shape_cast %mul3A_513 : vector<50x5000xf32> to vector<1x50x5000xf32>
      %reduce_sum3A_515 = arith.constant dense<0.000000e+00> : vector<1xf32>
      %reduce_sum3A_516 = vector.multi_reduction <add>, %reduce_sum3A_514, %reduce_sum3A_515 [1, 2] : vector<1x50x5000xf32> to vector<1xf32>
      %reduce_sum3A_517 = vector.shape_cast %reduce_sum3A_516 : vector<1xf32> to vector<1x1x1xf32>
      %reduce_sum3A_518 = vector.extract %reduce_sum3A_517[0, 0, 0] : f32 from vector<1x1x1xf32>
      %swap3A_519 = arith.constant 0 : index
      %swap3A_520 = arith.constant 0 : index
      %swap3A_521 = memref.load %arg13[%swap3A_519, %swap3A_520] : memref<1x1xf32, #tpu.memory_space<smem>>
      memref.store %reduce_sum3A_518, %arg13[%swap3A_519, %swap3A_520] : memref<1x1xf32, #tpu.memory_space<smem>>
      %get3A_522 = arith.constant 0 : index
      %get3A_523 = arith.constant 0 : index
      %get3A_524 = vector.load %arg7[%get3A_522, %get3A_523] : memref<500x128xf32, #tpu.memory_space<vmem>>, vector<500x128xf32>
      %get3A_525 = arith.constant 0 : index
      %get3A_526 = arith.constant 0 : index
      %get3A_527 = vector.load %arg8[%get3A_525, %get3A_526] : memref<500x128xf32, #tpu.memory_space<vmem>>, vector<500x128xf32>
      %mul3A_528 = arith.mulf %get3A_524, %get3A_524 : vector<500x128xf32>
      %reduce_sum3A_529 = vector.shape_cast %mul3A_528 : vector<500x128xf32> to vector<1x500x128xf32>
      %reduce_sum3A_530 = arith.constant dense<0.000000e+00> : vector<1xf32>
      %reduce_sum3A_531 = vector.multi_reduction <add>, %reduce_sum3A_529, %reduce_sum3A_530 [1, 2] : vector<1x500x128xf32> to vector<1xf32>
      %reduce_sum3A_532 = vector.shape_cast %reduce_sum3A_531 : vector<1xf32> to vector<1x1x1xf32>
      %reduce_sum3A_533 = vector.extract %reduce_sum3A_532[0, 0, 0] : f32 from vector<1x1x1xf32>
      %swap3A_534 = arith.constant 0 : index
      %swap3A_535 = arith.constant 0 : index
      %swap3A_536 = memref.load %arg14[%swap3A_534, %swap3A_535] : memref<1x1xf32, #tpu.memory_space<smem>>
      memref.store %reduce_sum3A_533, %arg14[%swap3A_534, %swap3A_535] : memref<1x1xf32, #tpu.memory_space<smem>>
      %mul3A_537 = arith.mulf %get3A_524, %get3A_527 : vector<500x128xf32>
      %reduce_sum3A_538 = vector.shape_cast %mul3A_537 : vector<500x128xf32> to vector<1x500x128xf32>
      %reduce_sum3A_539 = arith.constant dense<0.000000e+00> : vector<1xf32>
      %reduce_sum3A_540 = vector.multi_reduction <add>, %reduce_sum3A_538, %reduce_sum3A_539 [1, 2] : vector<1x500x128xf32> to vector<1xf32>
      %reduce_sum3A_541 = vector.shape_cast %reduce_sum3A_540 : vector<1xf32> to vector<1x1x1xf32>
      %reduce_sum3A_542 = vector.extract %reduce_sum3A_541[0, 0, 0] : f32 from vector<1x1x1xf32>
      %swap3A_543 = arith.constant 0 : index
      %swap3A_544 = arith.constant 0 : index
      %swap3A_545 = memref.load %arg15[%swap3A_543, %swap3A_544] : memref<1x1xf32, #tpu.memory_space<smem>>
      memref.store %reduce_sum3A_542, %arg15[%swap3A_543, %swap3A_544] : memref<1x1xf32, #tpu.memory_space<smem>>
    } else {
    }
    %get3A = arith.constant 0 : index
    %get3A_2 = arith.constant 0 : index
    %get3A_3 = vector.load %arg16[%get3A, %get3A_2] : memref<50x5000xf32, #tpu.memory_space<vmem>>, vector<50x5000xf32>
    %get3A_4 = arith.constant 0 : index
    %get3A_5 = arith.constant 0 : index
    %get3A_6 = vector.load %arg17[%get3A_4, %get3A_5] : memref<50x5000xf32, #tpu.memory_space<vmem>>, vector<50x5000xf32>
    %get3A_7 = arith.constant 0 : index
    %get3A_8 = arith.constant 0 : index
    %get3A_9 = arith.constant 0 : index
    %get3A_10 = vector.load %arg1[%get3A_7, %get3A_8, %get3A_9] : memref<1x50x32xf32, #tpu.memory_space<vmem>>, vector<1x50x32xf32>
    %get3A_11 = vector.shape_cast %get3A_10 : vector<1x50x32xf32> to vector<50x32xf32>
    %get3A_12 = arith.constant 0 : index
    %get3A_13 = arith.constant 0 : index
    %get3A_14 = arith.constant 0 : index
    %get3A_15 = vector.load %arg2[%get3A_12, %get3A_13, %get3A_14] : memref<1x50x32xf32, #tpu.memory_space<vmem>>, vector<1x50x32xf32>
    %get3A_16 = vector.shape_cast %get3A_15 : vector<1x50x32xf32> to vector<50x32xf32>
    %slice3A = vector.extract_strided_slice %get3A_11 {offsets = [0, 0], sizes = [50, 1], strides = [1, 1]} : vector<50x32xf32> to vector<50x1xf32>
    %slice3A_17 = vector.extract_strided_slice %get3A_16 {offsets = [0, 0], sizes = [50, 1], strides = [1, 1]} : vector<50x32xf32> to vector<50x1xf32>
    %add3A = vector.broadcast %slice3A : vector<50x1xf32> to vector<50x5000xf32>
    %add3A_18 = arith.addf %add3A, %get3A_3 : vector<50x5000xf32>
    %mul3A = vector.broadcast %slice3A_17 : vector<50x1xf32> to vector<50x5000xf32>
    %mul3A_19 = arith.mulf %mul3A, %get3A_6 : vector<50x5000xf32>
    %add3A_20 = arith.addf %add3A_18, %mul3A_19 : vector<50x5000xf32>
    %exp23A = math.exp2 %add3A_20 : vector<50x5000xf32>
    %reduce_sum3A = arith.constant dense<0.000000e+00> : vector<5000xf32>
    %reduce_sum3A_21 = vector.multi_reduction <add>, %exp23A, %reduce_sum3A [0] : vector<50x5000xf32> to vector<5000xf32>
    %broadcast_in_dim3A = vector.shape_cast %reduce_sum3A_21 : vector<5000xf32> to vector<1x5000xf32>
    %swap3A = arith.constant 0 : index
    %swap3A_22 = arith.constant 0 : index
    %swap3A_23 = vector.load %arg9[%swap3A, %swap3A_22] : memref<32x5000xf32, #tpu.memory_space<vmem>>, vector<1x5000xf32>
    tpu.vector_store %arg9[%swap3A, %swap3A_22], %broadcast_in_dim3A {strides = array<i32>} : memref<32x5000xf32, #tpu.memory_space<vmem>>, vector<1x5000xf32>,
    %slice3A_24 = vector.extract_strided_slice %get3A_11 {offsets = [0, 1], sizes = [50, 1], strides = [1, 1]} : vector<50x32xf32> to vector<50x1xf32>
    %slice3A_25 = vector.extract_strided_slice %get3A_16 {offsets = [0, 1], sizes = [50, 1], strides = [1, 1]} : vector<50x32xf32> to vector<50x1xf32>
    %add3A_26 = vector.broadcast %slice3A_24 : vector<50x1xf32> to vector<50x5000xf32>
    %add3A_27 = arith.addf %add3A_26, %get3A_3 : vector<50x5000xf32>
    %mul3A_28 = vector.broadcast %slice3A_25 : vector<50x1xf32> to vector<50x5000xf32>
    %mul3A_29 = arith.mulf %mul3A_28, %get3A_6 : vector<50x5000xf32>
    %add3A_30 = arith.addf %add3A_27, %mul3A_29 : vector<50x5000xf32>
    %exp23A_31 = math.exp2 %add3A_30 : vector<50x5000xf32>
    %reduce_sum3A_32 = arith.constant dense<0.000000e+00> : vector<5000xf32>
    %reduce_sum3A_33 = vector.multi_reduction <add>, %exp23A_31, %reduce_sum3A_32 [0] : vector<50x5000xf32> to vector<5000xf32>
    %broadcast_in_dim3A_34 = vector.shape_cast %reduce_sum3A_33 : vector<5000xf32> to vector<1x5000xf32>
    %swap3A_35 = arith.constant 1 : index
    %swap3A_36 = arith.constant 0 : index
    %swap3A_37 = vector.load %arg9[%swap3A_35, %swap3A_36] : memref<32x5000xf32, #tpu.memory_space<vmem>>, vector<1x5000xf32>
    tpu.vector_store %arg9[%swap3A_35, %swap3A_36], %broadcast_in_dim3A_34 {strides = array<i32>} : memref<32x5000xf32, #tpu.memory_space<vmem>>, vector<1x5000xf32>,
    %slice3A_38 = vector.extract_strided_slice %get3A_11 {offsets = [0, 2], sizes = [50, 1], strides = [1, 1]} : vector<50x32xf32> to vector<50x1xf32>
    %slice3A_39 = vector.extract_strided_slice %get3A_16 {offsets = [0, 2], sizes = [50, 1], strides = [1, 1]} : vector<50x32xf32> to vector<50x1xf32>
    %add3A_40 = vector.broadcast %slice3A_38 : vector<50x1xf32> to vector<50x5000xf32>
    %add3A_41 = arith.addf %add3A_40, %get3A_3 : vector<50x5000xf32>
    %mul3A_42 = vector.broadcast %slice3A_39 : vector<50x1xf32> to vector<50x5000xf32>
    %mul3A_43 = arith.mulf %mul3A_42, %get3A_6 : vector<50x5000xf32>
    %add3A_44 = arith.addf %add3A_41, %mul3A_43 : vector<50x5000xf32>
    %exp23A_45 = math.exp2 %add3A_44 : vector<50x5000xf32>
    %reduce_sum3A_46 = arith.constant dense<0.000000e+00> : vector<5000xf32>
    %reduce_sum3A_47 = vector.multi_reduction <add>, %exp23A_45, %reduce_sum3A_46 [0] : vector<50x5000xf32> to vector<5000xf32>
    %broadcast_in_dim3A_48 = vector.shape_cast %reduce_sum3A_47 : vector<5000xf32> to vector<1x5000xf32>
    %swap3A_49 = arith.constant 2 : index
    %swap3A_50 = arith.constant 0 : index
    %swap3A_51 = vector.load %arg9[%swap3A_49, %swap3A_50] : memref<32x5000xf32, #tpu.memory_space<vmem>>, vector<1x5000xf32>
    tpu.vector_store %arg9[%swap3A_49, %swap3A_50], %broadcast_in_dim3A_48 {strides = array<i32>} : memref<32x5000xf32, #tpu.memory_space<vmem>>, vector<1x5000xf32>,
    %slice3A_52 = vector.extract_strided_slice %get3A_11 {offsets = [0, 3], sizes = [50, 1], strides = [1, 1]} : vector<50x32xf32> to vector<50x1xf32>
    %slice3A_53 = vector.extract_strided_slice %get3A_16 {offsets = [0, 3], sizes = [50, 1], strides = [1, 1]} : vector<50x32xf32> to vector<50x1xf32>
    %add3A_54 = vector.broadcast %slice3A_52 : vector<50x1xf32> to vector<50x5000xf32>
    %add3A_55 = arith.addf %add3A_54, %get3A_3 : vector<50x5000xf32>
    %mul3A_56 = vector.broadcast %slice3A_53 : vector<50x1xf32> to vector<50x5000xf32>
    %mul3A_57 = arith.mulf %mul3A_56, %get3A_6 : vector<50x5000xf32>
    %add3A_58 = arith.addf %add3A_55, %mul3A_57 : vector<50x5000xf32>
    %exp23A_59 = math.exp2 %add3A_58 : vector<50x5000xf32>
    %reduce_sum3A_60 = arith.constant dense<0.000000e+00> : vector<5000xf32>
    %reduce_sum3A_61 = vector.multi_reduction <add>, %exp23A_59, %reduce_sum3A_60 [0] : vector<50x5000xf32> to vector<5000xf32>
    %broadcast_in_dim3A_62 = vector.shape_cast %reduce_sum3A_61 : vector<5000xf32> to vector<1x5000xf32>
    %swap3A_63 = arith.constant 3 : index
    %swap3A_64 = arith.constant 0 : index
    %swap3A_65 = vector.load %arg9[%swap3A_63, %swap3A_64] : memref<32x5000xf32, #tpu.memory_space<vmem>>, vector<1x5000xf32>
    tpu.vector_store %arg9[%swap3A_63, %swap3A_64], %broadcast_in_dim3A_62 {strides = array<i32>} : memref<32x5000xf32, #tpu.memory_space<vmem>>, vector<1x5000xf32>,
    %slice3A_66 = vector.extract_strided_slice %get3A_11 {offsets = [0, 4], sizes = [50, 1], strides = [1, 1]} : vector<50x32xf32> to vector<50x1xf32>
    %slice3A_67 = vector.extract_strided_slice %get3A_16 {offsets = [0, 4], sizes = [50, 1], strides = [1, 1]} : vector<50x32xf32> to vector<50x1xf32>
    %add3A_68 = vector.broadcast %slice3A_66 : vector<50x1xf32> to vector<50x5000xf32>
    %add3A_69 = arith.addf %add3A_68, %get3A_3 : vector<50x5000xf32>
    %mul3A_70 = vector.broadcast %slice3A_67 : vector<50x1xf32> to vector<50x5000xf32>
    %mul3A_71 = arith.mulf %mul3A_70, %get3A_6 : vector<50x5000xf32>
    %add3A_72 = arith.addf %add3A_69, %mul3A_71 : vector<50x5000xf32>
    %exp23A_73 = math.exp2 %add3A_72 : vector<50x5000xf32>
    %reduce_sum3A_74 = arith.constant dense<0.000000e+00> : vector<5000xf32>
    %reduce_sum3A_75 = vector.multi_reduction <add>, %exp23A_73, %reduce_sum3A_74 [0] : vector<50x5000xf32> to vector<5000xf32>
    %broadcast_in_dim3A_76 = vector.shape_cast %reduce_sum3A_75 : vector<5000xf32> to vector<1x5000xf32>
    %swap3A_77 = arith.constant 4 : index
    %swap3A_78 = arith.constant 0 : index
    %swap3A_79 = vector.load %arg9[%swap3A_77, %swap3A_78] : memref<32x5000xf32, #tpu.memory_space<vmem>>, vector<1x5000xf32>
    tpu.vector_store %arg9[%swap3A_77, %swap3A_78], %broadcast_in_dim3A_76 {strides = array<i32>} : memref<32x5000xf32, #tpu.memory_space<vmem>>, vector<1x5000xf32>,
    %slice3A_80 = vector.extract_strided_slice %get3A_11 {offsets = [0, 5], sizes = [50, 1], strides = [1, 1]} : vector<50x32xf32> to vector<50x1xf32>
    %slice3A_81 = vector.extract_strided_slice %get3A_16 {offsets = [0, 5], sizes = [50, 1], strides = [1, 1]} : vector<50x32xf32> to vector<50x1xf32>
    %add3A_82 = vector.broadcast %slice3A_80 : vector<50x1xf32> to vector<50x5000xf32>
    %add3A_83 = arith.addf %add3A_82, %get3A_3 : vector<50x5000xf32>
    %mul3A_84 = vector.broadcast %slice3A_81 : vector<50x1xf32> to vector<50x5000xf32>
    %mul3A_85 = arith.mulf %mul3A_84, %get3A_6 : vector<50x5000xf32>
    %add3A_86 = arith.addf %add3A_83, %mul3A_85 : vector<50x5000xf32>
    %exp23A_87 = math.exp2 %add3A_86 : vector<50x5000xf32>
    %reduce_sum3A_88 = arith.constant dense<0.000000e+00> : vector<5000xf32>
    %reduce_sum3A_89 = vector.multi_reduction <add>, %exp23A_87, %reduce_sum3A_88 [0] : vector<50x5000xf32> to vector<5000xf32>
    %broadcast_in_dim3A_90 = vector.shape_cast %reduce_sum3A_89 : vector<5000xf32> to vector<1x5000xf32>
    %swap3A_91 = arith.constant 5 : index
    %swap3A_92 = arith.constant 0 : index
    %swap3A_93 = vector.load %arg9[%swap3A_91, %swap3A_92] : memref<32x5000xf32, #tpu.memory_space<vmem>>, vector<1x5000xf32>
    tpu.vector_store %arg9[%swap3A_91, %swap3A_92], %broadcast_in_dim3A_90 {strides = array<i32>} : memref<32x5000xf32, #tpu.memory_space<vmem>>, vector<1x5000xf32>,
    %slice3A_94 = vector.extract_strided_slice %get3A_11 {offsets = [0, 6], sizes = [50, 1], strides = [1, 1]} : vector<50x32xf32> to vector<50x1xf32>
    %slice3A_95 = vector.extract_strided_slice %get3A_16 {offsets = [0, 6], sizes = [50, 1], strides = [1, 1]} : vector<50x32xf32> to vector<50x1xf32>
    %add3A_96 = vector.broadcast %slice3A_94 : vector<50x1xf32> to vector<50x5000xf32>
    %add3A_97 = arith.addf %add3A_96, %get3A_3 : vector<50x5000xf32>
    %mul3A_98 = vector.broadcast %slice3A_95 : vector<50x1xf32> to vector<50x5000xf32>
    %mul3A_99 = arith.mulf %mul3A_98, %get3A_6 : vector<50x5000xf32>
    %add3A_100 = arith.addf %add3A_97, %mul3A_99 : vector<50x5000xf32>
    %exp23A_101 = math.exp2 %add3A_100 : vector<50x5000xf32>
    %reduce_sum3A_102 = arith.constant dense<0.000000e+00> : vector<5000xf32>
    %reduce_sum3A_103 = vector.multi_reduction <add>, %exp23A_101, %reduce_sum3A_102 [0] : vector<50x5000xf32> to vector<5000xf32>
    %broadcast_in_dim3A_104 = vector.shape_cast %reduce_sum3A_103 : vector<5000xf32> to vector<1x5000xf32>
    %swap3A_105 = arith.constant 6 : index
    %swap3A_106 = arith.constant 0 : index
    %swap3A_107 = vector.load %arg9[%swap3A_105, %swap3A_106] : memref<32x5000xf32, #tpu.memory_space<vmem>>, vector<1x5000xf32>
    tpu.vector_store %arg9[%swap3A_105, %swap3A_106], %broadcast_in_dim3A_104 {strides = array<i32>} : memref<32x5000xf32, #tpu.memory_space<vmem>>, vector<1x5000xf32>,
    %slice3A_108 = vector.extract_strided_slice %get3A_11 {offsets = [0, 7], sizes = [50, 1], strides = [1, 1]} : vector<50x32xf32> to vector<50x1xf32>
    %slice3A_109 = vector.extract_strided_slice %get3A_16 {offsets = [0, 7], sizes = [50, 1], strides = [1, 1]} : vector<50x32xf32> to vector<50x1xf32>
    %add3A_110 = vector.broadcast %slice3A_108 : vector<50x1xf32> to vector<50x5000xf32>
    %add3A_111 = arith.addf %add3A_110, %get3A_3 : vector<50x5000xf32>
    %mul3A_112 = vector.broadcast %slice3A_109 : vector<50x1xf32> to vector<50x5000xf32>
    %mul3A_113 = arith.mulf %mul3A_112, %get3A_6 : vector<50x5000xf32>
    %add3A_114 = arith.addf %add3A_111, %mul3A_113 : vector<50x5000xf32>
    %exp23A_115 = math.exp2 %add3A_114 : vector<50x5000xf32>
    %reduce_sum3A_116 = arith.constant dense<0.000000e+00> : vector<5000xf32>
    %reduce_sum3A_117 = vector.multi_reduction <add>, %exp23A_115, %reduce_sum3A_116 [0] : vector<50x5000xf32> to vector<5000xf32>
    %broadcast_in_dim3A_118 = vector.shape_cast %reduce_sum3A_117 : vector<5000xf32> to vector<1x5000xf32>
    %swap3A_119 = arith.constant 7 : index
    %swap3A_120 = arith.constant 0 : index
    %swap3A_121 = vector.load %arg9[%swap3A_119, %swap3A_120] : memref<32x5000xf32, #tpu.memory_space<vmem>>, vector<1x5000xf32>
    tpu.vector_store %arg9[%swap3A_119, %swap3A_120], %broadcast_in_dim3A_118 {strides = array<i32>} : memref<32x5000xf32, #tpu.memory_space<vmem>>, vector<1x5000xf32>,
    %slice3A_122 = vector.extract_strided_slice %get3A_11 {offsets = [0, 8], sizes = [50, 1], strides = [1, 1]} : vector<50x32xf32> to vector<50x1xf32>
    %slice3A_123 = vector.extract_strided_slice %get3A_16 {offsets = [0, 8], sizes = [50, 1], strides = [1, 1]} : vector<50x32xf32> to vector<50x1xf32>
    %add3A_124 = vector.broadcast %slice3A_122 : vector<50x1xf32> to vector<50x5000xf32>
    %add3A_125 = arith.addf %add3A_124, %get3A_3 : vector<50x5000xf32>
    %mul3A_126 = vector.broadcast %slice3A_123 : vector<50x1xf32> to vector<50x5000xf32>
    %mul3A_127 = arith.mulf %mul3A_126, %get3A_6 : vector<50x5000xf32>
    %add3A_128 = arith.addf %add3A_125, %mul3A_127 : vector<50x5000xf32>
    %exp23A_129 = math.exp2 %add3A_128 : vector<50x5000xf32>
    %reduce_sum3A_130 = arith.constant dense<0.000000e+00> : vector<5000xf32>
    %reduce_sum3A_131 = vector.multi_reduction <add>, %exp23A_129, %reduce_sum3A_130 [0] : vector<50x5000xf32> to vector<5000xf32>
    %broadcast_in_dim3A_132 = vector.shape_cast %reduce_sum3A_131 : vector<5000xf32> to vector<1x5000xf32>
    %swap3A_133 = arith.constant 8 : index
    %swap3A_134 = arith.constant 0 : index
    %swap3A_135 = vector.load %arg9[%swap3A_133, %swap3A_134] : memref<32x5000xf32, #tpu.memory_space<vmem>>, vector<1x5000xf32>
    tpu.vector_store %arg9[%swap3A_133, %swap3A_134], %broadcast_in_dim3A_132 {strides = array<i32>} : memref<32x5000xf32, #tpu.memory_space<vmem>>, vector<1x5000xf32>,
    %slice3A_136 = vector.extract_strided_slice %get3A_11 {offsets = [0, 9], sizes = [50, 1], strides = [1, 1]} : vector<50x32xf32> to vector<50x1xf32>
    %slice3A_137 = vector.extract_strided_slice %get3A_16 {offsets = [0, 9], sizes = [50, 1], strides = [1, 1]} : vector<50x32xf32> to vector<50x1xf32>
    %add3A_138 = vector.broadcast %slice3A_136 : vector<50x1xf32> to vector<50x5000xf32>
    %add3A_139 = arith.addf %add3A_138, %get3A_3 : vector<50x5000xf32>
    %mul3A_140 = vector.broadcast %slice3A_137 : vector<50x1xf32> to vector<50x5000xf32>
    %mul3A_141 = arith.mulf %mul3A_140, %get3A_6 : vector<50x5000xf32>
    %add3A_142 = arith.addf %add3A_139, %mul3A_141 : vector<50x5000xf32>
    %exp23A_143 = math.exp2 %add3A_142 : vector<50x5000xf32>
    %reduce_sum3A_144 = arith.constant dense<0.000000e+00> : vector<5000xf32>
    %reduce_sum3A_145 = vector.multi_reduction <add>, %exp23A_143, %reduce_sum3A_144 [0] : vector<50x5000xf32> to vector<5000xf32>
    %broadcast_in_dim3A_146 = vector.shape_cast %reduce_sum3A_145 : vector<5000xf32> to vector<1x5000xf32>
    %swap3A_147 = arith.constant 9 : index
    %swap3A_148 = arith.constant 0 : index
    %swap3A_149 = vector.load %arg9[%swap3A_147, %swap3A_148] : memref<32x5000xf32, #tpu.memory_space<vmem>>, vector<1x5000xf32>
    tpu.vector_store %arg9[%swap3A_147, %swap3A_148], %broadcast_in_dim3A_146 {strides = array<i32>} : memref<32x5000xf32, #tpu.memory_space<vmem>>, vector<1x5000xf32>,
    %slice3A_150 = vector.extract_strided_slice %get3A_11 {offsets = [0, 10], sizes = [50, 1], strides = [1, 1]} : vector<50x32xf32> to vector<50x1xf32>
    %slice3A_151 = vector.extract_strided_slice %get3A_16 {offsets = [0, 10], sizes = [50, 1], strides = [1, 1]} : vector<50x32xf32> to vector<50x1xf32>
    %add3A_152 = vector.broadcast %slice3A_150 : vector<50x1xf32> to vector<50x5000xf32>
    %add3A_153 = arith.addf %add3A_152, %get3A_3 : vector<50x5000xf32>
    %mul3A_154 = vector.broadcast %slice3A_151 : vector<50x1xf32> to vector<50x5000xf32>
    %mul3A_155 = arith.mulf %mul3A_154, %get3A_6 : vector<50x5000xf32>
    %add3A_156 = arith.addf %add3A_153, %mul3A_155 : vector<50x5000xf32>
    %exp23A_157 = math.exp2 %add3A_156 : vector<50x5000xf32>
    %reduce_sum3A_158 = arith.constant dense<0.000000e+00> : vector<5000xf32>
    %reduce_sum3A_159 = vector.multi_reduction <add>, %exp23A_157, %reduce_sum3A_158 [0] : vector<50x5000xf32> to vector<5000xf32>
    %broadcast_in_dim3A_160 = vector.shape_cast %reduce_sum3A_159 : vector<5000xf32> to vector<1x5000xf32>
    %swap3A_161 = arith.constant 10 : index
    %swap3A_162 = arith.constant 0 : index
    %swap3A_163 = vector.load %arg9[%swap3A_161, %swap3A_162] : memref<32x5000xf32, #tpu.memory_space<vmem>>, vector<1x5000xf32>
    tpu.vector_store %arg9[%swap3A_161, %swap3A_162], %broadcast_in_dim3A_160 {strides = array<i32>} : memref<32x5000xf32, #tpu.memory_space<vmem>>, vector<1x5000xf32>,
    %slice3A_164 = vector.extract_strided_slice %get3A_11 {offsets = [0, 11], sizes = [50, 1], strides = [1, 1]} : vector<50x32xf32> to vector<50x1xf32>
    %slice3A_165 = vector.extract_strided_slice %get3A_16 {offsets = [0, 11], sizes = [50, 1], strides = [1, 1]} : vector<50x32xf32> to vector<50x1xf32>
    %add3A_166 = vector.broadcast %slice3A_164 : vector<50x1xf32> to vector<50x5000xf32>
    %add3A_167 = arith.addf %add3A_166, %get3A_3 : vector<50x5000xf32>
    %mul3A_168 = vector.broadcast %slice3A_165 : vector<50x1xf32> to vector<50x5000xf32>
    %mul3A_169 = arith.mulf %mul3A_168, %get3A_6 : vector<50x5000xf32>
    %add3A_170 = arith.addf %add3A_167, %mul3A_169 : vector<50x5000xf32>
    %exp23A_171 = math.exp2 %add3A_170 : vector<50x5000xf32>
    %reduce_sum3A_172 = arith.constant dense<0.000000e+00> : vector<5000xf32>
    %reduce_sum3A_173 = vector.multi_reduction <add>, %exp23A_171, %reduce_sum3A_172 [0] : vector<50x5000xf32> to vector<5000xf32>
    %broadcast_in_dim3A_174 = vector.shape_cast %reduce_sum3A_173 : vector<5000xf32> to vector<1x5000xf32>
    %swap3A_175 = arith.constant 11 : index
    %swap3A_176 = arith.constant 0 : index
    %swap3A_177 = vector.load %arg9[%swap3A_175, %swap3A_176] : memref<32x5000xf32, #tpu.memory_space<vmem>>, vector<1x5000xf32>
    tpu.vector_store %arg9[%swap3A_175, %swap3A_176], %broadcast_in_dim3A_174 {strides = array<i32>} : memref<32x5000xf32, #tpu.memory_space<vmem>>, vector<1x5000xf32>,
    %slice3A_178 = vector.extract_strided_slice %get3A_11 {offsets = [0, 12], sizes = [50, 1], strides = [1, 1]} : vector<50x32xf32> to vector<50x1xf32>
    %slice3A_179 = vector.extract_strided_slice %get3A_16 {offsets = [0, 12], sizes = [50, 1], strides = [1, 1]} : vector<50x32xf32> to vector<50x1xf32>
    %add3A_180 = vector.broadcast %slice3A_178 : vector<50x1xf32> to vector<50x5000xf32>
    %add3A_181 = arith.addf %add3A_180, %get3A_3 : vector<50x5000xf32>
    %mul3A_182 = vector.broadcast %slice3A_179 : vector<50x1xf32> to vector<50x5000xf32>
    %mul3A_183 = arith.mulf %mul3A_182, %get3A_6 : vector<50x5000xf32>
    %add3A_184 = arith.addf %add3A_181, %mul3A_183 : vector<50x5000xf32>
    %exp23A_185 = math.exp2 %add3A_184 : vector<50x5000xf32>
    %reduce_sum3A_186 = arith.constant dense<0.000000e+00> : vector<5000xf32>
    %reduce_sum3A_187 = vector.multi_reduction <add>, %exp23A_185, %reduce_sum3A_186 [0] : vector<50x5000xf32> to vector<5000xf32>
    %broadcast_in_dim3A_188 = vector.shape_cast %reduce_sum3A_187 : vector<5000xf32> to vector<1x5000xf32>
    %swap3A_189 = arith.constant 12 : index
    %swap3A_190 = arith.constant 0 : index
    %swap3A_191 = vector.load %arg9[%swap3A_189, %swap3A_190] : memref<32x5000xf32, #tpu.memory_space<vmem>>, vector<1x5000xf32>
    tpu.vector_store %arg9[%swap3A_189, %swap3A_190], %broadcast_in_dim3A_188 {strides = array<i32>} : memref<32x5000xf32, #tpu.memory_space<vmem>>, vector<1x5000xf32>,
    %slice3A_192 = vector.extract_strided_slice %get3A_11 {offsets = [0, 13], sizes = [50, 1], strides = [1, 1]} : vector<50x32xf32> to vector<50x1xf32>
    %slice3A_193 = vector.extract_strided_slice %get3A_16 {offsets = [0, 13], sizes = [50, 1], strides = [1, 1]} : vector<50x32xf32> to vector<50x1xf32>
    %add3A_194 = vector.broadcast %slice3A_192 : vector<50x1xf32> to vector<50x5000xf32>
    %add3A_195 = arith.addf %add3A_194, %get3A_3 : vector<50x5000xf32>
    %mul3A_196 = vector.broadcast %slice3A_193 : vector<50x1xf32> to vector<50x5000xf32>
    %mul3A_197 = arith.mulf %mul3A_196, %get3A_6 : vector<50x5000xf32>
    %add3A_198 = arith.addf %add3A_195, %mul3A_197 : vector<50x5000xf32>
    %exp23A_199 = math.exp2 %add3A_198 : vector<50x5000xf32>
    %reduce_sum3A_200 = arith.constant dense<0.000000e+00> : vector<5000xf32>
    %reduce_sum3A_201 = vector.multi_reduction <add>, %exp23A_199, %reduce_sum3A_200 [0] : vector<50x5000xf32> to vector<5000xf32>
    %broadcast_in_dim3A_202 = vector.shape_cast %reduce_sum3A_201 : vector<5000xf32> to vector<1x5000xf32>
    %swap3A_203 = arith.constant 13 : index
    %swap3A_204 = arith.constant 0 : index
    %swap3A_205 = vector.load %arg9[%swap3A_203, %swap3A_204] : memref<32x5000xf32, #tpu.memory_space<vmem>>, vector<1x5000xf32>
    tpu.vector_store %arg9[%swap3A_203, %swap3A_204], %broadcast_in_dim3A_202 {strides = array<i32>} : memref<32x5000xf32, #tpu.memory_space<vmem>>, vector<1x5000xf32>,
    %slice3A_206 = vector.extract_strided_slice %get3A_11 {offsets = [0, 14], sizes = [50, 1], strides = [1, 1]} : vector<50x32xf32> to vector<50x1xf32>
    %slice3A_207 = vector.extract_strided_slice %get3A_16 {offsets = [0, 14], sizes = [50, 1], strides = [1, 1]} : vector<50x32xf32> to vector<50x1xf32>
    %add3A_208 = vector.broadcast %slice3A_206 : vector<50x1xf32> to vector<50x5000xf32>
    %add3A_209 = arith.addf %add3A_208, %get3A_3 : vector<50x5000xf32>
    %mul3A_210 = vector.broadcast %slice3A_207 : vector<50x1xf32> to vector<50x5000xf32>
    %mul3A_211 = arith.mulf %mul3A_210, %get3A_6 : vector<50x5000xf32>
    %add3A_212 = arith.addf %add3A_209, %mul3A_211 : vector<50x5000xf32>
    %exp23A_213 = math.exp2 %add3A_212 : vector<50x5000xf32>
    %reduce_sum3A_214 = arith.constant dense<0.000000e+00> : vector<5000xf32>
    %reduce_sum3A_215 = vector.multi_reduction <add>, %exp23A_213, %reduce_sum3A_214 [0] : vector<50x5000xf32> to vector<5000xf32>
    %broadcast_in_dim3A_216 = vector.shape_cast %reduce_sum3A_215 : vector<5000xf32> to vector<1x5000xf32>
    %swap3A_217 = arith.constant 14 : index
    %swap3A_218 = arith.constant 0 : index
    %swap3A_219 = vector.load %arg9[%swap3A_217, %swap3A_218] : memref<32x5000xf32, #tpu.memory_space<vmem>>, vector<1x5000xf32>
    tpu.vector_store %arg9[%swap3A_217, %swap3A_218], %broadcast_in_dim3A_216 {strides = array<i32>} : memref<32x5000xf32, #tpu.memory_space<vmem>>, vector<1x5000xf32>,
    %slice3A_220 = vector.extract_strided_slice %get3A_11 {offsets = [0, 15], sizes = [50, 1], strides = [1, 1]} : vector<50x32xf32> to vector<50x1xf32>
    %slice3A_221 = vector.extract_strided_slice %get3A_16 {offsets = [0, 15], sizes = [50, 1], strides = [1, 1]} : vector<50x32xf32> to vector<50x1xf32>
    %add3A_222 = vector.broadcast %slice3A_220 : vector<50x1xf32> to vector<50x5000xf32>
    %add3A_223 = arith.addf %add3A_222, %get3A_3 : vector<50x5000xf32>
    %mul3A_224 = vector.broadcast %slice3A_221 : vector<50x1xf32> to vector<50x5000xf32>
    %mul3A_225 = arith.mulf %mul3A_224, %get3A_6 : vector<50x5000xf32>
    %add3A_226 = arith.addf %add3A_223, %mul3A_225 : vector<50x5000xf32>
    %exp23A_227 = math.exp2 %add3A_226 : vector<50x5000xf32>
    %reduce_sum3A_228 = arith.constant dense<0.000000e+00> : vector<5000xf32>
    %reduce_sum3A_229 = vector.multi_reduction <add>, %exp23A_227, %reduce_sum3A_228 [0] : vector<50x5000xf32> to vector<5000xf32>
    %broadcast_in_dim3A_230 = vector.shape_cast %reduce_sum3A_229 : vector<5000xf32> to vector<1x5000xf32>
    %swap3A_231 = arith.constant 15 : index
    %swap3A_232 = arith.constant 0 : index
    %swap3A_233 = vector.load %arg9[%swap3A_231, %swap3A_232] : memref<32x5000xf32, #tpu.memory_space<vmem>>, vector<1x5000xf32>
    tpu.vector_store %arg9[%swap3A_231, %swap3A_232], %broadcast_in_dim3A_230 {strides = array<i32>} : memref<32x5000xf32, #tpu.memory_space<vmem>>, vector<1x5000xf32>,
    %slice3A_234 = vector.extract_strided_slice %get3A_11 {offsets = [0, 16], sizes = [50, 1], strides = [1, 1]} : vector<50x32xf32> to vector<50x1xf32>
    %slice3A_235 = vector.extract_strided_slice %get3A_16 {offsets = [0, 16], sizes = [50, 1], strides = [1, 1]} : vector<50x32xf32> to vector<50x1xf32>
    %add3A_236 = vector.broadcast %slice3A_234 : vector<50x1xf32> to vector<50x5000xf32>
    %add3A_237 = arith.addf %add3A_236, %get3A_3 : vector<50x5000xf32>
    %mul3A_238 = vector.broadcast %slice3A_235 : vector<50x1xf32> to vector<50x5000xf32>
    %mul3A_239 = arith.mulf %mul3A_238, %get3A_6 : vector<50x5000xf32>
    %add3A_240 = arith.addf %add3A_237, %mul3A_239 : vector<50x5000xf32>
    %exp23A_241 = math.exp2 %add3A_240 : vector<50x5000xf32>
    %reduce_sum3A_242 = arith.constant dense<0.000000e+00> : vector<5000xf32>
    %reduce_sum3A_243 = vector.multi_reduction <add>, %exp23A_241, %reduce_sum3A_242 [0] : vector<50x5000xf32> to vector<5000xf32>
    %broadcast_in_dim3A_244 = vector.shape_cast %reduce_sum3A_243 : vector<5000xf32> to vector<1x5000xf32>
    %swap3A_245 = arith.constant 16 : index
    %swap3A_246 = arith.constant 0 : index
    %swap3A_247 = vector.load %arg9[%swap3A_245, %swap3A_246] : memref<32x5000xf32, #tpu.memory_space<vmem>>, vector<1x5000xf32>
    tpu.vector_store %arg9[%swap3A_245, %swap3A_246], %broadcast_in_dim3A_244 {strides = array<i32>} : memref<32x5000xf32, #tpu.memory_space<vmem>>, vector<1x5000xf32>,
    %slice3A_248 = vector.extract_strided_slice %get3A_11 {offsets = [0, 17], sizes = [50, 1], strides = [1, 1]} : vector<50x32xf32> to vector<50x1xf32>
    %slice3A_249 = vector.extract_strided_slice %get3A_16 {offsets = [0, 17], sizes = [50, 1], strides = [1, 1]} : vector<50x32xf32> to vector<50x1xf32>
    %add3A_250 = vector.broadcast %slice3A_248 : vector<50x1xf32> to vector<50x5000xf32>
    %add3A_251 = arith.addf %add3A_250, %get3A_3 : vector<50x5000xf32>
    %mul3A_252 = vector.broadcast %slice3A_249 : vector<50x1xf32> to vector<50x5000xf32>
    %mul3A_253 = arith.mulf %mul3A_252, %get3A_6 : vector<50x5000xf32>
    %add3A_254 = arith.addf %add3A_251, %mul3A_253 : vector<50x5000xf32>
    %exp23A_255 = math.exp2 %add3A_254 : vector<50x5000xf32>
    %reduce_sum3A_256 = arith.constant dense<0.000000e+00> : vector<5000xf32>
    %reduce_sum3A_257 = vector.multi_reduction <add>, %exp23A_255, %reduce_sum3A_256 [0] : vector<50x5000xf32> to vector<5000xf32>
    %broadcast_in_dim3A_258 = vector.shape_cast %reduce_sum3A_257 : vector<5000xf32> to vector<1x5000xf32>
    %swap3A_259 = arith.constant 17 : index
    %swap3A_260 = arith.constant 0 : index
    %swap3A_261 = vector.load %arg9[%swap3A_259, %swap3A_260] : memref<32x5000xf32, #tpu.memory_space<vmem>>, vector<1x5000xf32>
    tpu.vector_store %arg9[%swap3A_259, %swap3A_260], %broadcast_in_dim3A_258 {strides = array<i32>} : memref<32x5000xf32, #tpu.memory_space<vmem>>, vector<1x5000xf32>,
    %slice3A_262 = vector.extract_strided_slice %get3A_11 {offsets = [0, 18], sizes = [50, 1], strides = [1, 1]} : vector<50x32xf32> to vector<50x1xf32>
    %slice3A_263 = vector.extract_strided_slice %get3A_16 {offsets = [0, 18], sizes = [50, 1], strides = [1, 1]} : vector<50x32xf32> to vector<50x1xf32>
    %add3A_264 = vector.broadcast %slice3A_262 : vector<50x1xf32> to vector<50x5000xf32>
    %add3A_265 = arith.addf %add3A_264, %get3A_3 : vector<50x5000xf32>
    %mul3A_266 = vector.broadcast %slice3A_263 : vector<50x1xf32> to vector<50x5000xf32>
    %mul3A_267 = arith.mulf %mul3A_266, %get3A_6 : vector<50x5000xf32>
    %add3A_268 = arith.addf %add3A_265, %mul3A_267 : vector<50x5000xf32>
    %exp23A_269 = math.exp2 %add3A_268 : vector<50x5000xf32>
    %reduce_sum3A_270 = arith.constant dense<0.000000e+00> : vector<5000xf32>
    %reduce_sum3A_271 = vector.multi_reduction <add>, %exp23A_269, %reduce_sum3A_270 [0] : vector<50x5000xf32> to vector<5000xf32>
    %broadcast_in_dim3A_272 = vector.shape_cast %reduce_sum3A_271 : vector<5000xf32> to vector<1x5000xf32>
    %swap3A_273 = arith.constant 18 : index
    %swap3A_274 = arith.constant 0 : index
    %swap3A_275 = vector.load %arg9[%swap3A_273, %swap3A_274] : memref<32x5000xf32, #tpu.memory_space<vmem>>, vector<1x5000xf32>
    tpu.vector_store %arg9[%swap3A_273, %swap3A_274], %broadcast_in_dim3A_272 {strides = array<i32>} : memref<32x5000xf32, #tpu.memory_space<vmem>>, vector<1x5000xf32>,
    %slice3A_276 = vector.extract_strided_slice %get3A_11 {offsets = [0, 19], sizes = [50, 1], strides = [1, 1]} : vector<50x32xf32> to vector<50x1xf32>
    %slice3A_277 = vector.extract_strided_slice %get3A_16 {offsets = [0, 19], sizes = [50, 1], strides = [1, 1]} : vector<50x32xf32> to vector<50x1xf32>
    %add3A_278 = vector.broadcast %slice3A_276 : vector<50x1xf32> to vector<50x5000xf32>
    %add3A_279 = arith.addf %add3A_278, %get3A_3 : vector<50x5000xf32>
    %mul3A_280 = vector.broadcast %slice3A_277 : vector<50x1xf32> to vector<50x5000xf32>
    %mul3A_281 = arith.mulf %mul3A_280, %get3A_6 : vector<50x5000xf32>
    %add3A_282 = arith.addf %add3A_279, %mul3A_281 : vector<50x5000xf32>
    %exp23A_283 = math.exp2 %add3A_282 : vector<50x5000xf32>
    %reduce_sum3A_284 = arith.constant dense<0.000000e+00> : vector<5000xf32>
    %reduce_sum3A_285 = vector.multi_reduction <add>, %exp23A_283, %reduce_sum3A_284 [0] : vector<50x5000xf32> to vector<5000xf32>
    %broadcast_in_dim3A_286 = vector.shape_cast %reduce_sum3A_285 : vector<5000xf32> to vector<1x5000xf32>
    %swap3A_287 = arith.constant 19 : index
    %swap3A_288 = arith.constant 0 : index
    %swap3A_289 = vector.load %arg9[%swap3A_287, %swap3A_288] : memref<32x5000xf32, #tpu.memory_space<vmem>>, vector<1x5000xf32>
    tpu.vector_store %arg9[%swap3A_287, %swap3A_288], %broadcast_in_dim3A_286 {strides = array<i32>} : memref<32x5000xf32, #tpu.memory_space<vmem>>, vector<1x5000xf32>,
    %slice3A_290 = vector.extract_strided_slice %get3A_11 {offsets = [0, 20], sizes = [50, 1], strides = [1, 1]} : vector<50x32xf32> to vector<50x1xf32>
    %slice3A_291 = vector.extract_strided_slice %get3A_16 {offsets = [0, 20], sizes = [50, 1], strides = [1, 1]} : vector<50x32xf32> to vector<50x1xf32>
    %add3A_292 = vector.broadcast %slice3A_290 : vector<50x1xf32> to vector<50x5000xf32>
    %add3A_293 = arith.addf %add3A_292, %get3A_3 : vector<50x5000xf32>
    %mul3A_294 = vector.broadcast %slice3A_291 : vector<50x1xf32> to vector<50x5000xf32>
    %mul3A_295 = arith.mulf %mul3A_294, %get3A_6 : vector<50x5000xf32>
    %add3A_296 = arith.addf %add3A_293, %mul3A_295 : vector<50x5000xf32>
    %exp23A_297 = math.exp2 %add3A_296 : vector<50x5000xf32>
    %reduce_sum3A_298 = arith.constant dense<0.000000e+00> : vector<5000xf32>
    %reduce_sum3A_299 = vector.multi_reduction <add>, %exp23A_297, %reduce_sum3A_298 [0] : vector<50x5000xf32> to vector<5000xf32>
    %broadcast_in_dim3A_300 = vector.shape_cast %reduce_sum3A_299 : vector<5000xf32> to vector<1x5000xf32>
    %swap3A_301 = arith.constant 20 : index
    %swap3A_302 = arith.constant 0 : index
    %swap3A_303 = vector.load %arg9[%swap3A_301, %swap3A_302] : memref<32x5000xf32, #tpu.memory_space<vmem>>, vector<1x5000xf32>
    tpu.vector_store %arg9[%swap3A_301, %swap3A_302], %broadcast_in_dim3A_300 {strides = array<i32>} : memref<32x5000xf32, #tpu.memory_space<vmem>>, vector<1x5000xf32>,
    %slice3A_304 = vector.extract_strided_slice %get3A_11 {offsets = [0, 21], sizes = [50, 1], strides = [1, 1]} : vector<50x32xf32> to vector<50x1xf32>
    %slice3A_305 = vector.extract_strided_slice %get3A_16 {offsets = [0, 21], sizes = [50, 1], strides = [1, 1]} : vector<50x32xf32> to vector<50x1xf32>
    %add3A_306 = vector.broadcast %slice3A_304 : vector<50x1xf32> to vector<50x5000xf32>
    %add3A_307 = arith.addf %add3A_306, %get3A_3 : vector<50x5000xf32>
    %mul3A_308 = vector.broadcast %slice3A_305 : vector<50x1xf32> to vector<50x5000xf32>
    %mul3A_309 = arith.mulf %mul3A_308, %get3A_6 : vector<50x5000xf32>
    %add3A_310 = arith.addf %add3A_307, %mul3A_309 : vector<50x5000xf32>
    %exp23A_311 = math.exp2 %add3A_310 : vector<50x5000xf32>
    %reduce_sum3A_312 = arith.constant dense<0.000000e+00> : vector<5000xf32>
    %reduce_sum3A_313 = vector.multi_reduction <add>, %exp23A_311, %reduce_sum3A_312 [0] : vector<50x5000xf32> to vector<5000xf32>
    %broadcast_in_dim3A_314 = vector.shape_cast %reduce_sum3A_313 : vector<5000xf32> to vector<1x5000xf32>
    %swap3A_315 = arith.constant 21 : index
    %swap3A_316 = arith.constant 0 : index
    %swap3A_317 = vector.load %arg9[%swap3A_315, %swap3A_316] : memref<32x5000xf32, #tpu.memory_space<vmem>>, vector<1x5000xf32>
    tpu.vector_store %arg9[%swap3A_315, %swap3A_316], %broadcast_in_dim3A_314 {strides = array<i32>} : memref<32x5000xf32, #tpu.memory_space<vmem>>, vector<1x5000xf32>,
    %slice3A_318 = vector.extract_strided_slice %get3A_11 {offsets = [0, 22], sizes = [50, 1], strides = [1, 1]} : vector<50x32xf32> to vector<50x1xf32>
    %slice3A_319 = vector.extract_strided_slice %get3A_16 {offsets = [0, 22], sizes = [50, 1], strides = [1, 1]} : vector<50x32xf32> to vector<50x1xf32>
    %add3A_320 = vector.broadcast %slice3A_318 : vector<50x1xf32> to vector<50x5000xf32>
    %add3A_321 = arith.addf %add3A_320, %get3A_3 : vector<50x5000xf32>
    %mul3A_322 = vector.broadcast %slice3A_319 : vector<50x1xf32> to vector<50x5000xf32>
    %mul3A_323 = arith.mulf %mul3A_322, %get3A_6 : vector<50x5000xf32>
    %add3A_324 = arith.addf %add3A_321, %mul3A_323 : vector<50x5000xf32>
    %exp23A_325 = math.exp2 %add3A_324 : vector<50x5000xf32>
    %reduce_sum3A_326 = arith.constant dense<0.000000e+00> : vector<5000xf32>
    %reduce_sum3A_327 = vector.multi_reduction <add>, %exp23A_325, %reduce_sum3A_326 [0] : vector<50x5000xf32> to vector<5000xf32>
    %broadcast_in_dim3A_328 = vector.shape_cast %reduce_sum3A_327 : vector<5000xf32> to vector<1x5000xf32>
    %swap3A_329 = arith.constant 22 : index
    %swap3A_330 = arith.constant 0 : index
    %swap3A_331 = vector.load %arg9[%swap3A_329, %swap3A_330] : memref<32x5000xf32, #tpu.memory_space<vmem>>, vector<1x5000xf32>
    tpu.vector_store %arg9[%swap3A_329, %swap3A_330], %broadcast_in_dim3A_328 {strides = array<i32>} : memref<32x5000xf32, #tpu.memory_space<vmem>>, vector<1x5000xf32>,
    %slice3A_332 = vector.extract_strided_slice %get3A_11 {offsets = [0, 23], sizes = [50, 1], strides = [1, 1]} : vector<50x32xf32> to vector<50x1xf32>
    %slice3A_333 = vector.extract_strided_slice %get3A_16 {offsets = [0, 23], sizes = [50, 1], strides = [1, 1]} : vector<50x32xf32> to vector<50x1xf32>
    %add3A_334 = vector.broadcast %slice3A_332 : vector<50x1xf32> to vector<50x5000xf32>
    %add3A_335 = arith.addf %add3A_334, %get3A_3 : vector<50x5000xf32>
    %mul3A_336 = vector.broadcast %slice3A_333 : vector<50x1xf32> to vector<50x5000xf32>
    %mul3A_337 = arith.mulf %mul3A_336, %get3A_6 : vector<50x5000xf32>
    %add3A_338 = arith.addf %add3A_335, %mul3A_337 : vector<50x5000xf32>
    %exp23A_339 = math.exp2 %add3A_338 : vector<50x5000xf32>
    %reduce_sum3A_340 = arith.constant dense<0.000000e+00> : vector<5000xf32>
    %reduce_sum3A_341 = vector.multi_reduction <add>, %exp23A_339, %reduce_sum3A_340 [0] : vector<50x5000xf32> to vector<5000xf32>
    %broadcast_in_dim3A_342 = vector.shape_cast %reduce_sum3A_341 : vector<5000xf32> to vector<1x5000xf32>
    %swap3A_343 = arith.constant 23 : index
    %swap3A_344 = arith.constant 0 : index
    %swap3A_345 = vector.load %arg9[%swap3A_343, %swap3A_344] : memref<32x5000xf32, #tpu.memory_space<vmem>>, vector<1x5000xf32>
    tpu.vector_store %arg9[%swap3A_343, %swap3A_344], %broadcast_in_dim3A_342 {strides = array<i32>} : memref<32x5000xf32, #tpu.memory_space<vmem>>, vector<1x5000xf32>,
    %slice3A_346 = vector.extract_strided_slice %get3A_11 {offsets = [0, 24], sizes = [50, 1], strides = [1, 1]} : vector<50x32xf32> to vector<50x1xf32>
    %slice3A_347 = vector.extract_strided_slice %get3A_16 {offsets = [0, 24], sizes = [50, 1], strides = [1, 1]} : vector<50x32xf32> to vector<50x1xf32>
    %add3A_348 = vector.broadcast %slice3A_346 : vector<50x1xf32> to vector<50x5000xf32>
    %add3A_349 = arith.addf %add3A_348, %get3A_3 : vector<50x5000xf32>
    %mul3A_350 = vector.broadcast %slice3A_347 : vector<50x1xf32> to vector<50x5000xf32>
    %mul3A_351 = arith.mulf %mul3A_350, %get3A_6 : vector<50x5000xf32>
    %add3A_352 = arith.addf %add3A_349, %mul3A_351 : vector<50x5000xf32>
    %exp23A_353 = math.exp2 %add3A_352 : vector<50x5000xf32>
    %reduce_sum3A_354 = arith.constant dense<0.000000e+00> : vector<5000xf32>
    %reduce_sum3A_355 = vector.multi_reduction <add>, %exp23A_353, %reduce_sum3A_354 [0] : vector<50x5000xf32> to vector<5000xf32>
    %broadcast_in_dim3A_356 = vector.shape_cast %reduce_sum3A_355 : vector<5000xf32> to vector<1x5000xf32>
    %swap3A_357 = arith.constant 24 : index
    %swap3A_358 = arith.constant 0 : index
    %swap3A_359 = vector.load %arg9[%swap3A_357, %swap3A_358] : memref<32x5000xf32, #tpu.memory_space<vmem>>, vector<1x5000xf32>
    tpu.vector_store %arg9[%swap3A_357, %swap3A_358], %broadcast_in_dim3A_356 {strides = array<i32>} : memref<32x5000xf32, #tpu.memory_space<vmem>>, vector<1x5000xf32>,
    %slice3A_360 = vector.extract_strided_slice %get3A_11 {offsets = [0, 25], sizes = [50, 1], strides = [1, 1]} : vector<50x32xf32> to vector<50x1xf32>
    %slice3A_361 = vector.extract_strided_slice %get3A_16 {offsets = [0, 25], sizes = [50, 1], strides = [1, 1]} : vector<50x32xf32> to vector<50x1xf32>
    %add3A_362 = vector.broadcast %slice3A_360 : vector<50x1xf32> to vector<50x5000xf32>
    %add3A_363 = arith.addf %add3A_362, %get3A_3 : vector<50x5000xf32>
    %mul3A_364 = vector.broadcast %slice3A_361 : vector<50x1xf32> to vector<50x5000xf32>
    %mul3A_365 = arith.mulf %mul3A_364, %get3A_6 : vector<50x5000xf32>
    %add3A_366 = arith.addf %add3A_363, %mul3A_365 : vector<50x5000xf32>
    %exp23A_367 = math.exp2 %add3A_366 : vector<50x5000xf32>
    %reduce_sum3A_368 = arith.constant dense<0.000000e+00> : vector<5000xf32>
    %reduce_sum3A_369 = vector.multi_reduction <add>, %exp23A_367, %reduce_sum3A_368 [0] : vector<50x5000xf32> to vector<5000xf32>
    %broadcast_in_dim3A_370 = vector.shape_cast %reduce_sum3A_369 : vector<5000xf32> to vector<1x5000xf32>
    %swap3A_371 = arith.constant 25 : index
    %swap3A_372 = arith.constant 0 : index
    %swap3A_373 = vector.load %arg9[%swap3A_371, %swap3A_372] : memref<32x5000xf32, #tpu.memory_space<vmem>>, vector<1x5000xf32>
    tpu.vector_store %arg9[%swap3A_371, %swap3A_372], %broadcast_in_dim3A_370 {strides = array<i32>} : memref<32x5000xf32, #tpu.memory_space<vmem>>, vector<1x5000xf32>,
    %slice3A_374 = vector.extract_strided_slice %get3A_11 {offsets = [0, 26], sizes = [50, 1], strides = [1, 1]} : vector<50x32xf32> to vector<50x1xf32>
    %slice3A_375 = vector.extract_strided_slice %get3A_16 {offsets = [0, 26], sizes = [50, 1], strides = [1, 1]} : vector<50x32xf32> to vector<50x1xf32>
    %add3A_376 = vector.broadcast %slice3A_374 : vector<50x1xf32> to vector<50x5000xf32>
    %add3A_377 = arith.addf %add3A_376, %get3A_3 : vector<50x5000xf32>
    %mul3A_378 = vector.broadcast %slice3A_375 : vector<50x1xf32> to vector<50x5000xf32>
    %mul3A_379 = arith.mulf %mul3A_378, %get3A_6 : vector<50x5000xf32>
    %add3A_380 = arith.addf %add3A_377, %mul3A_379 : vector<50x5000xf32>
    %exp23A_381 = math.exp2 %add3A_380 : vector<50x5000xf32>
    %reduce_sum3A_382 = arith.constant dense<0.000000e+00> : vector<5000xf32>
    %reduce_sum3A_383 = vector.multi_reduction <add>, %exp23A_381, %reduce_sum3A_382 [0] : vector<50x5000xf32> to vector<5000xf32>
    %broadcast_in_dim3A_384 = vector.shape_cast %reduce_sum3A_383 : vector<5000xf32> to vector<1x5000xf32>
    %swap3A_385 = arith.constant 26 : index
    %swap3A_386 = arith.constant 0 : index
    %swap3A_387 = vector.load %arg9[%swap3A_385, %swap3A_386] : memref<32x5000xf32, #tpu.memory_space<vmem>>, vector<1x5000xf32>
    tpu.vector_store %arg9[%swap3A_385, %swap3A_386], %broadcast_in_dim3A_384 {strides = array<i32>} : memref<32x5000xf32, #tpu.memory_space<vmem>>, vector<1x5000xf32>,
    %slice3A_388 = vector.extract_strided_slice %get3A_11 {offsets = [0, 27], sizes = [50, 1], strides = [1, 1]} : vector<50x32xf32> to vector<50x1xf32>
    %slice3A_389 = vector.extract_strided_slice %get3A_16 {offsets = [0, 27], sizes = [50, 1], strides = [1, 1]} : vector<50x32xf32> to vector<50x1xf32>
    %add3A_390 = vector.broadcast %slice3A_388 : vector<50x1xf32> to vector<50x5000xf32>
    %add3A_391 = arith.addf %add3A_390, %get3A_3 : vector<50x5000xf32>
    %mul3A_392 = vector.broadcast %slice3A_389 : vector<50x1xf32> to vector<50x5000xf32>
    %mul3A_393 = arith.mulf %mul3A_392, %get3A_6 : vector<50x5000xf32>
    %add3A_394 = arith.addf %add3A_391, %mul3A_393 : vector<50x5000xf32>
    %exp23A_395 = math.exp2 %add3A_394 : vector<50x5000xf32>
    %reduce_sum3A_396 = arith.constant dense<0.000000e+00> : vector<5000xf32>
    %reduce_sum3A_397 = vector.multi_reduction <add>, %exp23A_395, %reduce_sum3A_396 [0] : vector<50x5000xf32> to vector<5000xf32>
    %broadcast_in_dim3A_398 = vector.shape_cast %reduce_sum3A_397 : vector<5000xf32> to vector<1x5000xf32>
    %swap3A_399 = arith.constant 27 : index
    %swap3A_400 = arith.constant 0 : index
    %swap3A_401 = vector.load %arg9[%swap3A_399, %swap3A_400] : memref<32x5000xf32, #tpu.memory_space<vmem>>, vector<1x5000xf32>
    tpu.vector_store %arg9[%swap3A_399, %swap3A_400], %broadcast_in_dim3A_398 {strides = array<i32>} : memref<32x5000xf32, #tpu.memory_space<vmem>>, vector<1x5000xf32>,
    %slice3A_402 = vector.extract_strided_slice %get3A_11 {offsets = [0, 28], sizes = [50, 1], strides = [1, 1]} : vector<50x32xf32> to vector<50x1xf32>
    %slice3A_403 = vector.extract_strided_slice %get3A_16 {offsets = [0, 28], sizes = [50, 1], strides = [1, 1]} : vector<50x32xf32> to vector<50x1xf32>
    %add3A_404 = vector.broadcast %slice3A_402 : vector<50x1xf32> to vector<50x5000xf32>
    %add3A_405 = arith.addf %add3A_404, %get3A_3 : vector<50x5000xf32>
    %mul3A_406 = vector.broadcast %slice3A_403 : vector<50x1xf32> to vector<50x5000xf32>
    %mul3A_407 = arith.mulf %mul3A_406, %get3A_6 : vector<50x5000xf32>
    %add3A_408 = arith.addf %add3A_405, %mul3A_407 : vector<50x5000xf32>
    %exp23A_409 = math.exp2 %add3A_408 : vector<50x5000xf32>
    %reduce_sum3A_410 = arith.constant dense<0.000000e+00> : vector<5000xf32>
    %reduce_sum3A_411 = vector.multi_reduction <add>, %exp23A_409, %reduce_sum3A_410 [0] : vector<50x5000xf32> to vector<5000xf32>
    %broadcast_in_dim3A_412 = vector.shape_cast %reduce_sum3A_411 : vector<5000xf32> to vector<1x5000xf32>
    %swap3A_413 = arith.constant 28 : index
    %swap3A_414 = arith.constant 0 : index
    %swap3A_415 = vector.load %arg9[%swap3A_413, %swap3A_414] : memref<32x5000xf32, #tpu.memory_space<vmem>>, vector<1x5000xf32>
    tpu.vector_store %arg9[%swap3A_413, %swap3A_414], %broadcast_in_dim3A_412 {strides = array<i32>} : memref<32x5000xf32, #tpu.memory_space<vmem>>, vector<1x5000xf32>,
    %slice3A_416 = vector.extract_strided_slice %get3A_11 {offsets = [0, 29], sizes = [50, 1], strides = [1, 1]} : vector<50x32xf32> to vector<50x1xf32>
    %slice3A_417 = vector.extract_strided_slice %get3A_16 {offsets = [0, 29], sizes = [50, 1], strides = [1, 1]} : vector<50x32xf32> to vector<50x1xf32>
    %add3A_418 = vector.broadcast %slice3A_416 : vector<50x1xf32> to vector<50x5000xf32>
    %add3A_419 = arith.addf %add3A_418, %get3A_3 : vector<50x5000xf32>
    %mul3A_420 = vector.broadcast %slice3A_417 : vector<50x1xf32> to vector<50x5000xf32>
    %mul3A_421 = arith.mulf %mul3A_420, %get3A_6 : vector<50x5000xf32>
    %add3A_422 = arith.addf %add3A_419, %mul3A_421 : vector<50x5000xf32>
    %exp23A_423 = math.exp2 %add3A_422 : vector<50x5000xf32>
    %reduce_sum3A_424 = arith.constant dense<0.000000e+00> : vector<5000xf32>
    %reduce_sum3A_425 = vector.multi_reduction <add>, %exp23A_423, %reduce_sum3A_424 [0] : vector<50x5000xf32> to vector<5000xf32>
    %broadcast_in_dim3A_426 = vector.shape_cast %reduce_sum3A_425 : vector<5000xf32> to vector<1x5000xf32>
    %swap3A_427 = arith.constant 29 : index
    %swap3A_428 = arith.constant 0 : index
    %swap3A_429 = vector.load %arg9[%swap3A_427, %swap3A_428] : memref<32x5000xf32, #tpu.memory_space<vmem>>, vector<1x5000xf32>
    tpu.vector_store %arg9[%swap3A_427, %swap3A_428], %broadcast_in_dim3A_426 {strides = array<i32>} : memref<32x5000xf32, #tpu.memory_space<vmem>>, vector<1x5000xf32>,
    %slice3A_430 = vector.extract_strided_slice %get3A_11 {offsets = [0, 30], sizes = [50, 1], strides = [1, 1]} : vector<50x32xf32> to vector<50x1xf32>
    %slice3A_431 = vector.extract_strided_slice %get3A_16 {offsets = [0, 30], sizes = [50, 1], strides = [1, 1]} : vector<50x32xf32> to vector<50x1xf32>
    %add3A_432 = vector.broadcast %slice3A_430 : vector<50x1xf32> to vector<50x5000xf32>
    %add3A_433 = arith.addf %add3A_432, %get3A_3 : vector<50x5000xf32>
    %mul3A_434 = vector.broadcast %slice3A_431 : vector<50x1xf32> to vector<50x5000xf32>
    %mul3A_435 = arith.mulf %mul3A_434, %get3A_6 : vector<50x5000xf32>
    %add3A_436 = arith.addf %add3A_433, %mul3A_435 : vector<50x5000xf32>
    %exp23A_437 = math.exp2 %add3A_436 : vector<50x5000xf32>
    %reduce_sum3A_438 = arith.constant dense<0.000000e+00> : vector<5000xf32>
    %reduce_sum3A_439 = vector.multi_reduction <add>, %exp23A_437, %reduce_sum3A_438 [0] : vector<50x5000xf32> to vector<5000xf32>
    %broadcast_in_dim3A_440 = vector.shape_cast %reduce_sum3A_439 : vector<5000xf32> to vector<1x5000xf32>
    %swap3A_441 = arith.constant 30 : index
    %swap3A_442 = arith.constant 0 : index
    %swap3A_443 = vector.load %arg9[%swap3A_441, %swap3A_442] : memref<32x5000xf32, #tpu.memory_space<vmem>>, vector<1x5000xf32>
    tpu.vector_store %arg9[%swap3A_441, %swap3A_442], %broadcast_in_dim3A_440 {strides = array<i32>} : memref<32x5000xf32, #tpu.memory_space<vmem>>, vector<1x5000xf32>,
    %slice3A_444 = vector.extract_strided_slice %get3A_11 {offsets = [0, 31], sizes = [50, 1], strides = [1, 1]} : vector<50x32xf32> to vector<50x1xf32>
    %slice3A_445 = vector.extract_strided_slice %get3A_16 {offsets = [0, 31], sizes = [50, 1], strides = [1, 1]} : vector<50x32xf32> to vector<50x1xf32>
    %add3A_446 = vector.broadcast %slice3A_444 : vector<50x1xf32> to vector<50x5000xf32>
    %add3A_447 = arith.addf %add3A_446, %get3A_3 : vector<50x5000xf32>
    %mul3A_448 = vector.broadcast %slice3A_445 : vector<50x1xf32> to vector<50x5000xf32>
    %mul3A_449 = arith.mulf %mul3A_448, %get3A_6 : vector<50x5000xf32>
    %add3A_450 = arith.addf %add3A_447, %mul3A_449 : vector<50x5000xf32>
    %exp23A_451 = math.exp2 %add3A_450 : vector<50x5000xf32>
    %reduce_sum3A_452 = arith.constant dense<0.000000e+00> : vector<5000xf32>
    %reduce_sum3A_453 = vector.multi_reduction <add>, %exp23A_451, %reduce_sum3A_452 [0] : vector<50x5000xf32> to vector<5000xf32>
    %broadcast_in_dim3A_454 = vector.shape_cast %reduce_sum3A_453 : vector<5000xf32> to vector<1x5000xf32>
    %swap3A_455 = arith.constant 31 : index
    %swap3A_456 = arith.constant 0 : index
    %swap3A_457 = vector.load %arg9[%swap3A_455, %swap3A_456] : memref<32x5000xf32, #tpu.memory_space<vmem>>, vector<1x5000xf32>
    tpu.vector_store %arg9[%swap3A_455, %swap3A_456], %broadcast_in_dim3A_454 {strides = array<i32>} : memref<32x5000xf32, #tpu.memory_space<vmem>>, vector<1x5000xf32>,
    return
  }
  func.func @transform_0(%arg0: i32) -> (i32, i32, i32) {
    %c0_i32 = arith.constant 0 : i32
    %c0_i32_0 = arith.constant 0 : i32
    %c0_i32_1 = arith.constant 0 : i32
    return %arg0, %c0_i32, %c0_i32_0 : i32, i32, i32
  }
  func.func @transform_1(%arg0: i32) -> (i32, i32, i32) {
    %c0_i32 = arith.constant 0 : i32
    %c0_i32_0 = arith.constant 0 : i32
    %c0_i32_1 = arith.constant 0 : i32
    return %arg0, %c0_i32, %c0_i32_0 : i32, i32, i32
  }
  func.func @transform_2(%arg0: i32) -> (i32, i32) {
    %c0_i32 = arith.constant 0 : i32
    %c0_i32_0 = arith.constant 0 : i32
    %c0_i32_1 = arith.constant 0 : i32
    return %c0_i32, %c0_i32_0 : i32, i32
  }
  func.func @transform_3(%arg0: i32) -> (i32, i32) {
    %c0_i32 = arith.constant 0 : i32
    %c0_i32_0 = arith.constant 0 : i32
    %c0_i32_1 = arith.constant 0 : i32
    return %c0_i32, %c0_i32_0 : i32, i32
  }
  func.func @transform_4(%arg0: i32) -> (i32, i32) {
    %c0_i32 = arith.constant 0 : i32
    %c0_i32_0 = arith.constant 0 : i32
    %c0_i32_1 = arith.constant 0 : i32
    return %c0_i32, %c0_i32_0 : i32, i32
  }
  func.func @transform_5(%arg0: i32) -> (i32, i32) {
    %c0_i32 = arith.constant 0 : i32
    %c0_i32_0 = arith.constant 0 : i32
    %c0_i32_1 = arith.constant 0 : i32
    return %c0_i32, %c0_i32_0 : i32, i32
  }
  func.func @transform_6(%arg0: i32) -> (i32, i32) {
    %c0_i32 = arith.constant 0 : i32
    %c0_i32_0 = arith.constant 0 : i32
    %c0_i32_1 = arith.constant 0 : i32
    return %c0_i32, %c0_i32_0 : i32, i32
  }
  func.func @transform_7(%arg0: i32) -> (i32, i32) {
    %c0_i32 = arith.constant 0 : i32
    %c0_i32_0 = arith.constant 0 : i32
    %c0_i32_1 = arith.constant 0 : i32
    return %c0_i32, %c0_i32_0 : i32, i32
  }
  func.func @transform_8(%arg0: i32) -> (i32, i32) {
    %c0_i32 = arith.constant 0 : i32
    %c0_i32_0 = arith.constant 0 : i32
    return %arg0, %c0_i32 : i32, i32
  }
  func.func @transform_9(%arg0: i32) -> (i32, i32) {
    %c0_i32 = arith.constant 0 : i32
    %c0_i32_0 = arith.constant 0 : i32
    %c0_i32_1 = arith.constant 0 : i32
    return %c0_i32, %c0_i32_0 : i32, i32
  }
  func.func @transform_10(%arg0: i32) -> (i32, i32) {
    %c0_i32 = arith.constant 0 : i32
    %c0_i32_0 = arith.constant 0 : i32
    %c0_i32_1 = arith.constant 0 : i32
    return %c0_i32, %c0_i32_0 : i32, i32
  }
  func.func @transform_11(%arg0: i32) -> (i32, i32) {
    %c0_i32 = arith.constant 0 : i32
    %c0_i32_0 = arith.constant 0 : i32
    %c0_i32_1 = arith.constant 0 : i32
    return %c0_i32, %c0_i32_0 : i32, i32
  }
  func.func @transform_12(%arg0: i32) -> (i32, i32) {
    %c0_i32 = arith.constant 0 : i32
    %c0_i32_0 = arith.constant 0 : i32
    %c0_i32_1 = arith.constant 0 : i32
    return %c0_i32, %c0_i32_0 : i32, i32
  }
  func.func @transform_13(%arg0: i32) -> (i32, i32) {
    %c0_i32 = arith.constant 0 : i32
    %c0_i32_0 = arith.constant 0 : i32
    %c0_i32_1 = arith.constant 0 : i32
    return %c0_i32, %c0_i32_0 : i32, i32
  }
  func.func @transform_14(%arg0: i32) -> (i32, i32) {
    %c0_i32 = arith.constant 0 : i32
    %c0_i32_0 = arith.constant 0 : i32
    %c0_i32_1 = arith.constant 0 : i32
    return %c0_i32, %c0_i32_0 : i32, i32
  }
}

</mosaic_0001>

<sc_bundles>
// kernel: kernel.5.cloned.1.call-start
scs
__scs_entry_jumppad:
0x0: {  	(pc) =	sbr.rel $0x88, $3  }
0x1: {  	(tag) =	ssettag $0x0;
	lr =	simm.s32 $0x1  }
0x2: {  	[smem:$0x3F9A] =	sst lr;
	_ =	strace $0xD0000000  }
0x3: {  	_ = 	snop  }
0x4: {  	_ = 	snop  }
0x5: {  	_ = 	snop  }
0x6: {  	_ = 	snop  }
0x7: {  	_ = 	snop  }
__scs_overlays_trampoline_lowered:
0x8: {  	[smem:$0x3FA9] =	sst s0  }
0x9: {  	[smem:$0x3FAA] =	sst s1  }
0xa: {  	[smem:$0x3FAB] =	sst s2  }
0xb: {  	[smem:$0x3FAC] =	sst s3  }
0xc: {  	[smem:$0x3FAD] =	sst s4  }
0xd: {  	[smem:$0x3FAE] =	sst s5  }
0xe: {  	[smem:$0x3FAF] =	sst s6  }
0xf: {  	[smem:$0x3FB0] =	sst s7  }
0x10: {  	[smem:$0x3FB1] =	sst s8  }
0x11: {  	[smem:$0x3FB2] =	sst s9;
	s0 =	simm.s32 @!p0 $0x0  }
0x12: {  	s1 =	sld [smem:$0x3F98];
	s0 =	simm.s32 @p0 $0x1  }
0x13: {  	[smem:$0x3FB3] =	sst s0;
	s0 =	simm.s32 @!p1 $0x0  }
0x14: {  	s2 =	sld [smem:$0x3F97];
	s0 =	simm.s32 @p1 $0x1  }
0x15: {  	[smem:$0x3FB4] =	sst s0;
	s0 =	simm.s32 @!p2 $0x0  }
0x16: {  	s3 =	sld [smem:$0x3FDB];
	s0 =	simm.s32 @p2 $0x1  }
0x17: {  	s4 =	simm.s32 $0x1BF5;
	[smem:$0x3FB6] =	sst s0  }
0x18: {  	s0 =	sld [smem:$0x3F99];
	_ =	swait.ge [sflag:s4], $0x0  }
0x19: {  	s7 =	sld [smem:$0x3F9A]  }
0x1a: {  	s8 =	sadd.s32 $0xFFFFE003, lr  }
0x1b: {  	s9 =	sadd.s32 $0xFFFFFEF7, lr;
	s5 =	simm.s32 $0xFFFFFFFF;
	p2 =	slt.u32 s8, $0xFFFFF086  }
0x1c: {  	p1 =	slt.u32 s9, $0xF7A;
	s5 =	simm.s32 @!p2 $0x0  }
0x1d: {  	s5 =	simm.s32 @p1 $0x1;
	p0 =	seq.s32 s7, s2  }
0x1e: {  	s7 =	smul.u32 @!p0 $0xF7A, s2;
	p2 =	seq.s32 @!p0 s5, $0x0  }
0x1f: {  	s9 =	smul.u32 $0xF7A, s1;
	s8 =	simm.s32 @!p0 $0x1BF5;
	p2 =	por !p2, p0  }
0x20: {  	[sflag:s8] =	ssyncset.s32 @!p0 $0xFFFFF086;
	s6 =	sadd.s32 @!p0 s3, s7;
	s7 =	simm.s32 @!p0 $0x108  }
0x21: {  	s3 =	sadd.s32 s3, s9;
	s6 =	sadd.s32 @!p0 $0x88, s6;
	s7 =	simm.s32 @p2 $0x1082  }
0x22: {  	[simem:s7], [sflag:s8] =	dma.local @!p0 [hbm:s6], $0xF7A  }
0x23: {  	s9 =	sor.u32 $0xD0000000, s2;
	s6 =	simm.s32 $0x108;
	_ =	swait.ge @!p0 [sflag:s8], $0x0  }
0x24: {  	s3 =	sadd.s32 $0x88, s3;
	s6 =	simm.s32 @!p1 $0x1082;
	[sflag:s4] =	ssyncset.s32 $0xFFFFF086  }
0x25: {  	[simem:s6], [sflag:s4] =	dma.local [hbm:s3], $0xF7A  }
0x26: {  	[smem:$0x3F9A] =	sst s1;
	(tag) =	ssettag s2;
	_ =	strace s9  }
0x27: {  	s1 =	sld [smem:$0x3FAA]  }
0x28: {  	s2 =	sld [smem:$0x3FAB]  }
0x29: {  	s4 =	sld [smem:$0x3FAD]  }
0x2a: {  	p0 =	seq.s32 s5, $0x0;
	s5 =	sld [smem:$0x3FAE]  }
0x2b: {  	s6 =	sld [smem:$0x3FAF]  }
0x2c: {  	s7 =	sld [smem:$0x3FB0]  }
0x2d: {  	s3 =	simm.s32 $0x108;
	s8 =	sld [smem:$0x3FB1]  }
0x2e: {  	s3 =	simm.s32 @!p0 $0x1082;
	s9 =	sld [smem:$0x3FB2]  }
0x2f: {  	lr =	sadd.s32 s0, s3;
	s0 =	sld [smem:$0x3FA9]  }
0x30: {  	s3 =	sld [smem:$0x3FAC]  }
0x31: {  	[smem:$0x3FB5] =	sst s10  }
0x32: {  	s10 =	sld [smem:$0x3FB3];
	_ =	sdelay $0x3  }
0x33: {  	p0 =	seq.s32 s10, $0x1;
	s10 =	sld [smem:$0x3FB5];
	_ =	sdelay $0x3  }
0x34: {  	[smem:$0x3FB5] =	sst s10  }
0x35: {  	s10 =	sld [smem:$0x3FB4];
	_ =	sdelay $0x3  }
0x36: {  	p1 =	seq.s32 s10, $0x1;
	s10 =	sld [smem:$0x3FB5];
	_ =	sdelay $0x3  }
0x37: {  	[smem:$0x3FB5] =	sst s10  }
0x38: {  	s10 =	sld [smem:$0x3FB6]  }
0x39: {  	_ = 	snop;
	(pc) =	sbr.ind lr, $3  }
0x3a: {  	_ = 	snop  }
0x3b: {  	_ = 	snop  }
0x3c: {  	p2 =	seq.s32 s10, $0x1;
	s10 =	sld [smem:$0x3FB5]  }
0x3d: {  	_ =	shalt  }
0x3e: {  	_ =	shalt  }
0x3f: {  	_ =	shalt  }
0x40: {  	_ =	shalt  }
0x41: {  	_ =	shalt  }
0x42: {  	_ =	shalt  }
0x43: {  	_ =	shalt  }
0x44: {  	_ =	shalt  }
0x45: {  	_ =	shalt  }
0x46: {  	_ =	shalt  }
0x47: {  	_ =	shalt  }
0x48: {  	_ =	shalt  }
0x49: {  	_ =	shalt  }
0x4a: {  	_ =	shalt  }
0x4b: {  	_ =	shalt  }
0x4c: {  	_ =	shalt  }
0x4d: {  	_ =	shalt  }
0x4e: {  	_ =	shalt  }
0x4f: {  	_ =	shalt  }
0x50: {  	_ =	shalt  }
0x51: {  	_ =	shalt  }
0x52: {  	_ =	shalt  }
0x53: {  	_ =	shalt  }
0x54: {  	_ =	shalt  }
0x55: {  	_ =	shalt  }
0x56: {  	_ =	shalt  }
0x57: {  	_ =	shalt  }
0x58: {  	_ =	shalt  }
0x59: {  	_ =	shalt  }
0x5a: {  	_ =	shalt  }
0x5b: {  	_ =	shalt  }
0x5c: {  	_ =	shalt  }
0x5d: {  	_ =	shalt  }
0x5e: {  	_ =	shalt  }
0x5f: {  	_ =	shalt  }
0x60: {  	_ =	shalt  }
0x61: {  	_ =	shalt  }
0x62: {  	_ =	shalt  }
0x63: {  	_ =	shalt  }
0x64: {  	_ =	shalt  }
0x65: {  	_ =	shalt  }
0x66: {  	_ =	shalt  }
0x67: {  	_ =	shalt  }
0x68: {  	_ =	shalt  }
0x69: {  	_ =	shalt  }
0x6a: {  	_ =	shalt  }
0x6b: {  	_ =	shalt  }
0x6c: {  	_ =	shalt  }
0x6d: {  	_ =	shalt  }
0x6e: {  	_ =	shalt  }
0x6f: {  	_ =	shalt  }
0x70: {  	_ =	shalt  }
0x71: {  	_ =	shalt  }
0x72: {  	_ =	shalt  }
0x73: {  	_ =	shalt  }
0x74: {  	_ =	shalt  }
0x75: {  	_ =	shalt  }
0x76: {  	_ =	shalt  }
0x77: {  	_ =	shalt  }
0x78: {  	_ =	shalt  }
0x79: {  	_ =	shalt  }
0x7a: {  	_ =	shalt  }
0x7b: {  	_ =	shalt  }
0x7c: {  	_ =	shalt  }
0x7d: {  	_ =	shalt  }
0x7e: {  	_ =	shalt  }
0x7f: {  	_ =	shalt  }
0x80: {  	_ =	shalt  }
0x81: {  	_ =	shalt  }
0x82: {  	_ =	shalt  }
0x83: {  	_ =	shalt  }
0x84: {  	_ =	shalt  }
0x85: {  	_ =	shalt  }
0x86: {  	_ =	shalt  }
0x87: {  	_ =	shalt  }
.Lfunc_end0:
.L_simem_size_0:
called_computation_lowered:
.L_overlay_start_0:
0x88: {  	s2 =	sld [smem:$0x3FD9]  }
0x89: {  	s3 =	sld [smem:$0x3FFE];
	_ =	sdelay $0x1  }
0x8a: {  	s1 =	srdreg.scid  }
0x8b: {  	s0 =	sand.u32 $0x1, s1  }
0x8c: {  	s14 =	sshll.u32 s0, $0xA;
	s2 =	sadd.s32 s3, s2  }
0x8d: {  	s2 =	sadd.s32 s2, s14  }
0x8e: {  	[smem:$0x3FC1] =	sst s2  }
0x8f: {  	_ = 	snop  }
0x90: {  	s2 =	sld [smem:$0x3FD0];
	_ =	sdelay $0x2  }
0x91: {  	s4 =	simm.s32 $0xA;
	s5 =	simm.s32 $0x10;
	s15 =	sld [smem:$0x3FC8]  }
0x92: {  	[smem:s5], [sflag:s4] =	dma.local [hbm:s2], $0x1  }
0x93: {  	_ =	swait.eq [sflag:s4], $0x1  }
0x94: {  	[sflag:s4] =	ssyncset.done $0x0  }
0x95: {  	[sflag:s4] =	ssyncadd.s32 $0xFFFFFFFF  }
0x96: {  	s16 =	sld [smem:$0x10];
	(tm) =	ssettm $0x1  }
0x97: {  	s17 =	sld [smem:$0x3FFB];
	_ =	sdelay $0x3  }
0x98: {  	_ =	strace s17  }
0x99: {  	s4 =	sld [smem:$0x3FFC];
	_ =	sdelay $0x3  }
0x9a: {  	_ =	strace s4  }
0x9b: {  	s4 =	sld [smem:$0x3FFD];
	_ =	sdelay $0x3  }
0x9c: {  	_ =	strace s4  }
0x9d: {  	_ =	strace $0x8FFFFFFF  }
0x9e: {  	s18 =	sld [smem:$0x3FDB];
	_ =	sdelay $0x1  }
0x9f: {  	s19 =	simm.s32 $_scs_section_size  }
0xa0: {  	s6 =	simm.s32 $_size__tile_overlayer_lowered;
	s7 =	simm.s32 $_tile_overlayer_lowered  }
0xa1: {  	s22 =	simm.s32 $0x1BFF;
	s21 =	sshll.u32 s7, $0x1;
	s4 =	sadd.s32 s19, s18  }
0xa2: {  	s8 =	simm.s32 $0x0;
	s20 =	sshll.u32 s6, $0x1;
	s6 =	sadd.s32 s21, s4  }
0xa3: {  	[timem:s8], [sflag:s22] =	dma.local [hbm:s6], s20  }
0xa4: {  	_ =	swait.ge [sflag:s22], s20  }
0xa5: {  	s5 =	ssub.s32 $0x0, s20;
	[sflag:s22] =	ssyncset.done $0x0  }
0xa6: {  	[sflag:s22] =	ssyncadd.s32 s5;
	_ =	sdelay $0x1  }
0xa7: {  	s23 =	simm.s32 $0x1B8B  }
0xa8: {  	_ =	swait.ge [sflag:s23], $0x1  }
0xa9: {  	[sflag:s23] =	ssyncset.done $0x0  }
0xaa: {  	s25 =	simm.s32 $0x1B8E;
	s24 =	sld [smem:$0x3FFE];
	[sflag:s23] =	ssyncadd.s32 $0xFFFFFFFF  }
0xab: {  	s26 =	simm.s32 $execute0_lowered;
	[smem:$0x3FD2] =	sst s25  }
0xac: {  	s6 =	sshll.u32 s26, $0x1;
	_ =	strace $0x80000046;
	[dreg:$0x1] =	wrdreg $0xFFFFFFFF  }
0xad: {  	s28 =	simm.s32 $_size_execute0_lowered;
	s4 =	sadd.s32 s4, s6;
	[dreg:$0x0] =	wrdreg $0x0  }
0xae: {  	s6 =	sshll.u32 s28, $0x1;
	[dreg:$0x2] =	wrdreg s4  }
0xaf: {  	[dreg:$0x3] =	wrdreg s6  }
0xb0: {  	[dreg:$0x4] =	wrdreg $0xC0  }
0xb1: {  	_ =	task [dreg:s8], $0x5FFFF  }
0xb2: {  	[dreg:$0x1] =	wrdreg $0xFFFFFFFF  }
0xb3: {  	[dreg:$0x0] =	wrdreg $0x60  }
0xb4: {  	[dreg:$0x2] =	wrdreg s16  }
0xb5: {  	[dreg:$0x3] =	wrdreg s24  }
0xb6: {  	[dreg:$0x4] =	wrdreg s15  }
0xb7: {  	[dreg:$0x5] =	wrdreg $0x9  }
0xb8: {  	_ =	task.clear_ibuf [dreg:s8], $0x6FFFF;
	_ =	strace $0x90000046  }
0xb9: {  	s29 =	simm.s32 $0x9;
	_ =	strace $0x80000048  }
0xba: {  	_ =	swait.ge [sflag:s29], $0x1  }
0xbb: {  	[sflag:s29] =	ssyncadd.s32 $0xFFFFFFFF  }
0xbc: {  	_ =	strace $0x90000048  }
0xbd: {  	_ =	sfence  }
0xbe: {  	s30 =	sld [smem:$0x0];
	_ =	sdelay $0x2  }
0xbf: {  	s31 =	sshll.u32 s1, $0xD;
	s1 =	sshrl.u32 s1, $0x2  }
0xc0: {  	s3 =	sand.u32 $0x4000, s31;
	s1 =	sadd.s32 s1, s30  }
0xc1: {  	s0 =	sor.u32 s3, s0;
	s1 =	sshll.u32 s1, $0x11  }
0xc2: {  	s0 =	sor.u32 s1, s0  }
0xc3: {  	s0 =	sadd.s32 $0x8F2B, s0  }
0xc4: {  	[sflag:s0] =	ssyncadd.remote.s32 $0x1  }
0xc5: {  	_ =	sfence.sel $0xFFFF  }
0xc6: {  	[dreg:$0x0] =	wrdreg $0xFFFFFFFF;
	(pc) =	sbr.abs _section_cstart, $3  }
0xc7: {  	[dreg:$0x1] =	wrdreg $0xFFFFFFFF  }
0xc8: {  	_ =	task.clear_ibuf [dreg:s8], $0x2FFFF;
	_ =	strace $0x9FFFFFFF  }
0xc9: {  	(tm) =	ssettm $0x7FFFFFFF  }
tec
execute0_lowered:
.L_overlay_start_1:
0x0: {  	(tag) =	ssettag $0x1  }
0x1: {  	s0 =	srdreg.scid  }
0x2: {  	s11 =	sand.u32 $0x1, s0;
	s0 =	stileid.u32  }
0x3: {  	s4 =	sshll.u32 s0, $0x1;
	s5 =	ssub.s32 $0x0, s11  }
0x4: {  	p0 =	sne.s32 s4, s5  }
.Ltmp0:
0x5: {  	_ = 	snop;
	(pc) =	sbr.rel @p0 .LBB2_4-.Ltmp0, $4  }
0x6: {  	s2 =	rddreg [dreg:$0x0]  }
0x7: {  	s12 =	rddreg [dreg:$0x1]  }
0x8: {  	s3 =	rddreg [dreg:$0x2]  }
0x9: {  	s1 =	rddreg [dreg:$0x3];
	_ =	strace $0x80000047  }
0xa: {  	s5 =	simm.s32 $0x0;
	s4 =	simm.s32 $0x2  }
0xb: {  	[tilespmem:s5], [sflag:$0x2] =	stream.linear.gather [hbm4b:s3+s5], $0x80, $0x38;
	[tilespmem:$0x4080] =	vst v63  }
0xc: {  	_ =	swait.ge [sflag:s4], $0x80  }
0xd: {  	s6 =	simm.s32 $0x40;
	[sflag:s4] =	ssyncset.done $0x0  }
0xe: {  	s7 =	simm.s32 $0x80;
	s8 =	simm.s32 $0x1;
	[sflag:s4] =	ssyncadd.s32 $0xFFFFFF80  }
0xf: {  	[tilespmem:s7], [sflag:$0x1] =	stream.indirect.gather [hbm4b:s2+s6], $0x80, s5, s6, $0xb8;
	[tilespmem:$0x4080] =	vst v63  }
0x10: {  	_ =	swait.ge [sflag:s8], $0x2000  }
0x11: {  	[sflag:s8] =	ssyncset.done $0x0  }
0x12: {  	s9 =	sadd.s32 $0x4200, s12;
	s13 =	ssub.s32 $0x2, s11;
	[sflag:s8] =	ssyncadd.s32 $0xFFFFE000  }
0x13: {  	[hbm4b:s9+s5] =	stream.linear.scatter [tilespmem:s7], [sflag:$0x2], $0x2000, $0x38;
	[tilespmem:$0x4080] =	vst v63  }
0x14: {  	s14 =	sshrl.u32 s13, $0x1;
	_ =	swait.ge [sflag:s4], $0x2000  }
0x15: {  	s10 =	sadd.s32 $0x2200, s12;
	s13 =	ssub.s32 s13, s14;
	[sflag:s4] =	ssyncset.done $0x0  }
0x16: {  	s11 =	simm.s32 $0x2080;
	s13 =	smax.u32 s13, $0x1;
	[sflag:s4] =	ssyncadd.s32 $0xFFFFE000  }
0x17: {  	[tilespmem:s11], [sflag:$0x1] =	stream.indirect.gather [hbm4b:s10+s6], $0x80, s5, s6, $0xb8;
	[tilespmem:$0x4080] =	vst v63  }
0x18: {  	p0 =	sne.s32 s13, $0x1;
	_ =	swait.ge [sflag:s8], $0x2000  }
.Ltmp1:
0x19: {  	[sflag:s8] =	ssyncset.done $0x0;
	(pc) =	sbr.rel @!p0 .LBB2_3-.Ltmp1, $4  }
0x1a: {  	s12 =	sadd.s32 $0x4600, s12;
	[sflag:s8] =	ssyncadd.s32 $0xFFFFE000  }
0x1b: {  	[hbm4b:s12+s5] =	stream.linear.scatter [tilespmem:s11], [sflag:$0x2], $0x2000, $0x38;
	[tilespmem:$0x4080] =	vst v63  }
0x1c: {  	_ =	swait.ge [sflag:s4], $0x2000  }
0x1d: {  	s13 =	sadd.s32 $0xFFFFFFFF, s13;
	[sflag:s4] =	ssyncset.done $0x0  }
.LBB2_2:
0x1e: {  	p0 =	sne.s32 s13, $0x1;
	s13 =	sadd.s32 $0xFFFFFFFF, s13;
	[sflag:s4] =	ssyncadd.s32 $0xFFFFE000  }
0x1f: {  	[tilespmem:s5], [sflag:$0x2] =	stream.linear.gather [hbm4b:s3+s5], $0x80, $0x38;
	[tilespmem:$0x4080] =	vst v63  }
0x20: {  	_ =	swait.ge [sflag:s4], $0x80  }
0x21: {  	[sflag:s4] =	ssyncset.done $0x0  }
0x22: {  	[sflag:s4] =	ssyncadd.s32 $0xFFFFFF80  }
0x23: {  	[tilespmem:s7], [sflag:$0x1] =	stream.indirect.gather [hbm4b:s2+s6], $0x80, s5, s6, $0xb8;
	[tilespmem:$0x4080] =	vst v63  }
0x24: {  	_ =	swait.ge [sflag:s8], $0x2000  }
0x25: {  	[sflag:s8] =	ssyncset.done $0x0  }
0x26: {  	[sflag:s8] =	ssyncadd.s32 $0xFFFFE000  }
0x27: {  	[hbm4b:s9+s5] =	stream.linear.scatter [tilespmem:s7], [sflag:$0x2], $0x2000, $0x38;
	[tilespmem:$0x4080] =	vst v63  }
0x28: {  	_ =	swait.ge [sflag:s4], $0x2000  }
0x29: {  	[sflag:s4] =	ssyncset.done $0x0  }
0x2a: {  	[sflag:s4] =	ssyncadd.s32 $0xFFFFE000  }
0x2b: {  	[tilespmem:s11], [sflag:$0x1] =	stream.indirect.gather [hbm4b:s10+s6], $0x80, s5, s6, $0xb8;
	[tilespmem:$0x4080] =	vst v63  }
0x2c: {  	_ =	swait.ge [sflag:s8], $0x2000  }
.Ltmp2:
0x2d: {  	[sflag:s8] =	ssyncset.done $0x0;
	(pc) =	sbr.rel @p0 .LBB2_2-.Ltmp2, $4  }
0x2e: {  	[sflag:s8] =	ssyncadd.s32 $0xFFFFE000  }
0x2f: {  	[hbm4b:s12+s5] =	stream.linear.scatter [tilespmem:s11], [sflag:$0x2], $0x2000, $0x38;
	[tilespmem:$0x4080] =	vst v63  }
0x30: {  	_ =	swait.ge [sflag:s4], $0x2000  }
0x31: {  	[sflag:s4] =	ssyncset.done $0x0  }
.LBB2_3:
0x32: {  	[sflag:s4] =	ssyncadd.s32 $0xFFFFE000  }
.LBB2_4:
0x33: {  	_ =	sfence.sel $0x180000  }
0x34: {  	[bflag:$0x0] =	sbarrier.arrive $0xFFFF  }
0x35: {  	p0 =	sne.s32 s0, $0x0;
	_ =	strace $0x90000047  }
0x36: {  	s0 =	sadd.s32 @!p0 $0x100000, s1;
	[bflag:$0x2] =	sbarrier.arrive $0xFFFF  }
0x37: {  	[sflag:s0] =	ssyncadd.tile.s32 @!p0 $0x1;
	_ =	shalt  }
.Lfunc_end2:
_tile_overlayer_lowered:
.L_overlay_start_2:
0x38: {  	(tag) =	ssettag $0x2  }
0x39: {  	s0 =	rddreg [dreg:$0x0];
	s2 =	stileid.u32  }
0x3a: {  	s1 =	rddreg [dreg:$0x1];
	p0 =	sne.s32 s2, $0x0  }
0x3b: {  	s3 =	rddreg [dreg:$0x2];
	[bflag:$0x3] =	sbarrier.arrive $0xFFFF;
	s2 =	simm.s32 @!p0 $0x1C02  }
0x3c: {  	[timem:s3], [sflag:s2] =	dma.local @!p0 [hbm:s0], s1  }
0x3d: {  	s0 =	simm.s32 @!p0 $0x2  }
0x3e: {  	_ =	swait.ge @!p0 [sflag:s0], s1  }
0x3f: {  	s1 =	ssub.s32 @!p0 $0x0, s1;
	[sflag:s0] =	ssyncset.done @!p0 $0x0  }
0x40: {  	[sflag:s0] =	ssyncadd.s32 @!p0 s1  }
0x41: {  	[bflag:$0x3] =	sbarrier.arrive $0xFFFF  }
0x42: {  	_ =	shalt  }

</sc_bundles>
